<compile_context>
chip_gen: v7x
topology: tpu7x:2x2x1
jax: 0.10.2.dev20260603
libtpu: 0.0.44.dev20260713+nightly
codegen_flags: <defaults>
</compile_context>

<pallas_src>
import functools

import jax
import jax.numpy as jnp
from jax import lax
from jax.experimental import pallas as pl
from jax.experimental.pallas import tpu as pltpu
from jax.experimental.pallas import tpu_sc as plsc

NC = 2
NS = 16
NW = NC * NS
CW = 128
G = 64

_MESH = plsc.VectorSubcoreMesh(core_axis_name="c", subcore_axis_name="s")



def _deg_body(n0c, n1c, tc, e0, e1f, dso, degr, edges_hbm, dstt_hbm, ones_hbm,
              zeros_hbm, out_hbm, dst_v, ones_v, zbuf_v, deg_s, sem):
    c = lax.axis_index("c")
    s = lax.axis_index("s")
    dpt = degr // NS
    base = pl.multiple_of(
        dso + jnp.where(c == 0, s * e0, NS * e0 + s * e1f), 8)
    n = jnp.where(c == 0, n0c, n1c)

    def fill(j, carry):
        pltpu.async_copy(edges_hbm.at[pl.ds(base + j * CW, CW)], dst_v.at[j],
                         sem)
        return carry

    lax.fori_loop(0, n, fill, 0)
    pltpu.sync_copy(ones_hbm, ones_v)
    pltpu.sync_copy(zeros_hbm, zbuf_v)
    pltpu.sync_copy(zbuf_v, deg_s.at[pl.ds(s * dpt, dpt)])
    plsc.subcore_barrier()

    def drain(j, carry):
        pltpu.make_async_copy(edges_hbm.at[pl.ds(0, CW)], dst_v.at[0],
                              sem).wait()
        return carry

    lax.fori_loop(0, n, drain, 0)

    def body(j, carry):
        pltpu.sync_copy(ones_v, deg_s.at[dst_v.at[j]], add=True)
        return carry

    lax.fori_loop(0, n, body, 0)

    @pl.when(jnp.logical_and(c == 1, s < tc))
    def _():
        pltpu.sync_copy(dstt_hbm.at[s], dst_v.at[0])
        pltpu.sync_copy(ones_v, deg_s.at[dst_v.at[0]], add=True)

    plsc.subcore_barrier()
    pltpu.sync_copy(deg_s.at[pl.ds(s * dpt, dpt)], zbuf_v)
    pltpu.sync_copy(zbuf_v, out_hbm.at[pl.ds(c * degr + s * dpt, dpt)])


def _agg_body(n0c, n1c, tc, e0, e1f, dso, accr, hs_hbm, edges_hbm,
              srct_hbm, dstt_hbm, zeros_hbm, out_hbm,
              srcidx_v, dstidx_v, rows_v, zbuf_v, acc_s,
              sem_ia, sem_ib, sem_ra, sem_rb):
    c = lax.axis_index("c")
    s = lax.axis_index("s")
    rpt = accr // NS
    rcw = rpt // CW
    zr = zbuf_v.shape[0]
    base = pl.multiple_of(jnp.where(c == 0, s * e0, NS * e0 + s * e1f), 8)

    isems = (sem_ia, sem_ib)
    rsems = (sem_ra, sem_rb)

    def idxfire(j, b):
        pltpu.async_copy(edges_hbm.at[pl.ds(base + j * CW, CW)],
                         srcidx_v.at[b], isems[b])
        pltpu.async_copy(edges_hbm.at[pl.ds(dso + base + j * CW, CW)],
                         dstidx_v.at[b], isems[b])

    def idxwait(b):
        pltpu.make_async_copy(edges_hbm.at[pl.ds(0, CW)], srcidx_v.at[b],
                              isems[b]).wait()
        pltpu.make_async_copy(edges_hbm.at[pl.ds(0, CW)], dstidx_v.at[b],
                              isems[b]).wait()

    def rowfire(b):
        pltpu.async_copy(hs_hbm.at[srcidx_v.at[b]], rows_v.at[b], rsems[b])

    def rowwait(b):
        pltpu.make_async_copy(hs_hbm.at[pl.ds(0, CW)], rows_v.at[b],
                              rsems[b]).wait()

    def scatter(b):
        pltpu.sync_copy(rows_v.at[b], acc_s.at[dstidx_v.at[b]], add=True)

    def pipeline(nchunks):
        def step(j, b):
            @pl.when(j + 1 < nchunks)
            def _():
                idxwait(1 - b)
                rowfire(1 - b)

            rowwait(b)
            scatter(b)

            @pl.when(j + 2 < nchunks)
            def _():
                idxfire(j + 2, b)

        def body(p, carry):
            step(2 * p, 0)
            step(2 * p + 1, 1)
            return carry

        lax.fori_loop(0, nchunks // 2, body, 0)

    idxfire(0, 0)
    idxwait(0)
    rowfire(0)
    idxfire(1, 1)
    pltpu.sync_copy(zeros_hbm, zbuf_v)
    for k in range(rpt // zr):
        pltpu.sync_copy(zbuf_v, acc_s.at[pl.ds(s * rpt + k * zr, zr)])
    plsc.subcore_barrier()

    @pl.when(c == 0)
    def _():
        pipeline(n0c)

    @pl.when(c == 1)
    def _():
        pipeline(n1c)

    @pl.when(jnp.logical_and(c == 1, s < tc))
    def _():
        pltpu.sync_copy(srct_hbm.at[s], srcidx_v.at[0])
        pltpu.sync_copy(dstt_hbm.at[s], dstidx_v.at[0])
        pltpu.sync_copy(hs_hbm.at[srcidx_v.at[0]], rows_v.at[0])
        pltpu.sync_copy(rows_v.at[0], acc_s.at[dstidx_v.at[0]], add=True)

    plsc.subcore_barrier()
    for k in range(rcw):
        b = k % 2
        if k >= 2:
            pltpu.make_async_copy(rows_v.at[b], out_hbm.at[c, pl.ds(0, CW)],
                                  isems[b]).wait()
        pltpu.sync_copy(acc_s.at[pl.ds(s * rpt + k * CW, CW)], rows_v.at[b])
        pltpu.async_copy(rows_v.at[b],
                         out_hbm.at[c, pl.ds(s * rpt + k * CW, CW)], isems[b])
    for k in range(max(rcw - 2, 0), rcw):
        b = k % 2
        pltpu.make_async_copy(rows_v.at[b], out_hbm.at[c, pl.ds(0, CW)],
                              isems[b]).wait()



def _mm_tc(x_ref, w_ref, out_ref):
    out_ref[...] = jnp.dot(x_ref[...], w_ref[...],
                           preferred_element_type=jnp.float32)


def _dis_scale_tc(degT_ref, h_ref, dis_ref, hs_ref):
    d = jnp.sum(degT_ref[...], axis=1, keepdims=True) + 1.0
    dis = jnp.broadcast_to(lax.rsqrt(d), dis_ref.shape)
    dis_ref[...] = dis
    hs_ref[...] = h_ref[...] * dis


def _mid_tc(a0_ref, a1_ref, hs_ref, dis_ref, b_ref, w_ref, out_ref):
    dis = dis_ref[...]
    t = (a0_ref[0] + a1_ref[0] + hs_ref[...]) * dis + b_ref[...]
    t = jnp.where(t >= 0, t, 0.2 * t)
    out_ref[...] = jnp.dot(t, w_ref[...],
                           preferred_element_type=jnp.float32) * dis


def _final_tc(a0_ref, a1_ref, hs_ref, dis_ref, b_ref, batch_ref, wc_ref,
              bc_ref, out_ref, sums, cnts):
    i = pl.program_id(0)
    n = pl.num_programs(0)
    dis = dis_ref[...]
    t = (a0_ref[0] + a1_ref[0] + hs_ref[...]) * dis + b_ref[...]
    t = jnp.where(t >= 0, t, 0.2 * t)
    rows = t.shape[0]
    oh = (lax.broadcasted_iota(jnp.int32, (G, rows), 0)
          == batch_ref[0]).astype(jnp.float32)

    @pl.when(i == 0)
    def _():
        sums[...] = jnp.zeros_like(sums)
        cnts[...] = jnp.zeros_like(cnts)

    sums[...] += jnp.dot(oh, t, preferred_element_type=jnp.float32)
    cnts[...] += jnp.broadcast_to(
        jnp.sum(oh, axis=1, keepdims=True), cnts.shape)

    @pl.when(i == n - 1)
    def _():
        pooled = sums[...] / jnp.maximum(cnts[...], 1.0)
        out_ref[...] = jnp.dot(pooled, wc_ref[...],
                               preferred_element_type=jnp.float32) + bc_ref[...]



def _ceil_to(a, m):
    return -(-a // m) * m


def kernel(x, edge_index, batch, W1, b1, W2, b2, Wc, bc):
    N, D = x.shape
    E = edge_index.shape[1]
    H = W1.shape[1]
    C = Wc.shape[1]
    f32 = jnp.float32

    accr = _ceil_to(N + 1, NS * CW)

    e_pt = E // NS
    e0 = (int(round(0.515 * e_pt)) // (2 * CW)) * (2 * CW)
    n0c = e0 // CW
    e1f = ((e_pt - e0) // (2 * CW)) * (2 * CW)
    n1c = e1f // CW
    tail = E - NS * (e0 + e1f)
    tc = tail // CW

    edges1d = edge_index.reshape(2 * E)
    tb = NS * (e0 + e1f)
    src_t = edges1d[tb:tb + tail].reshape(tc, CW)
    dst_t = edges1d[E + tb:E + tb + tail].reshape(tc, CW)

    zeros1 = jnp.zeros((accr // NS,), f32)
    zeros2 = jnp.zeros((64, H), f32)
    ones1 = jnp.ones((CW,), f32)

    deg_kernel = pl.kernel(
        functools.partial(_deg_body, n0c, n1c, tc, e0, e1f, E, accr),
        out_type=jax.ShapeDtypeStruct((NC * accr,), f32),
        mesh=_MESH,
        scratch_types=[
            pltpu.VMEM((n0c, CW), jnp.int32),
            pltpu.VMEM((CW,), f32),
            pltpu.VMEM((accr // NS,), f32),
            pltpu.VMEM_SHARED((accr,), f32),
            pltpu.SemaphoreType.DMA,
        ],
    )
    degp = deg_kernel(edges1d, dst_t, ones1, zeros1)

    agg_call = pl.kernel(
        functools.partial(_agg_body, n0c, n1c, tc, e0, e1f, E, accr),
        out_type=jax.ShapeDtypeStruct((NC, accr, H), f32),
        mesh=_MESH,
        scratch_types=[
            pltpu.VMEM((2, CW), jnp.int32),
            pltpu.VMEM((2, CW), jnp.int32),
            pltpu.VMEM((2, CW, H), f32),
            pltpu.VMEM((64, H), f32),
            pltpu.VMEM_SHARED((accr, H), f32),
            pltpu.SemaphoreType.DMA,
            pltpu.SemaphoreType.DMA,
            pltpu.SemaphoreType.DMA,
            pltpu.SemaphoreType.DMA,
        ],
    )

    BR = 1000
    grid_n = N // BR

    h1 = pl.pallas_call(
        _mm_tc,
        grid=(grid_n,),
        in_specs=[
            pl.BlockSpec((BR, D), lambda i: (i, 0)),
            pl.BlockSpec((D, H), lambda i: (0, 0)),
        ],
        out_specs=pl.BlockSpec((BR, H), lambda i: (i, 0)),
        out_shape=jax.ShapeDtypeStruct((N, H), f32),
    )(x, W1)

    degT = jnp.transpose(degp.reshape(NC, accr))
    dis_b, hs1 = pl.pallas_call(
        _dis_scale_tc,
        grid=(grid_n,),
        in_specs=[
            pl.BlockSpec((BR, NC), lambda i: (i, 0)),
            pl.BlockSpec((BR, H), lambda i: (i, 0)),
        ],
        out_specs=[
            pl.BlockSpec((BR, H), lambda i: (i, 0)),
            pl.BlockSpec((BR, H), lambda i: (i, 0)),
        ],
        out_shape=[
            jax.ShapeDtypeStruct((N, H), f32),
            jax.ShapeDtypeStruct((N, H), f32),
        ],
    )(degT, h1)

    acc1 = agg_call(hs1, edges1d, src_t, dst_t, zeros2)

    hs2 = pl.pallas_call(
        _mid_tc,
        grid=(grid_n,),
        in_specs=[
            pl.BlockSpec((1, BR, H), lambda i: (0, i, 0)),
            pl.BlockSpec((1, BR, H), lambda i: (1, i, 0)),
            pl.BlockSpec((BR, H), lambda i: (i, 0)),
            pl.BlockSpec((BR, H), lambda i: (i, 0)),
            pl.BlockSpec((1, H), lambda i: (0, 0)),
            pl.BlockSpec((H, H), lambda i: (0, 0)),
        ],
        out_specs=pl.BlockSpec((BR, H), lambda i: (i, 0)),
        out_shape=jax.ShapeDtypeStruct((N, H), f32),
    )(acc1, acc1, hs1, dis_b, b1.reshape(1, H), W2)

    acc2 = agg_call(hs2, edges1d, src_t, dst_t, zeros2)

    out = pl.pallas_call(
        _final_tc,
        grid=(grid_n,),
        in_specs=[
            pl.BlockSpec((1, BR, H), lambda i: (0, i, 0)),
            pl.BlockSpec((1, BR, H), lambda i: (1, i, 0)),
            pl.BlockSpec((BR, H), lambda i: (i, 0)),
            pl.BlockSpec((BR, H), lambda i: (i, 0)),
            pl.BlockSpec((1, H), lambda i: (0, 0)),
            pl.BlockSpec((1, 1, BR), lambda i: (i, 0, 0)),
            pl.BlockSpec((H, C), lambda i: (0, 0)),
            pl.BlockSpec((1, C), lambda i: (0, 0)),
        ],
        out_specs=pl.BlockSpec((G, C), lambda i: (0, 0)),
        out_shape=jax.ShapeDtypeStruct((G, C), f32),
        scratch_shapes=[
            pltpu.VMEM((G, H), f32),
            pltpu.VMEM((G, H), f32),
        ],
    )(acc2, acc2, hs2, dis_b, b2.reshape(1, H), batch.reshape(grid_n, 1, BR),
      Wc, bc.reshape(1, C))
    return out

# --- scband reference (transcript-rebuilt; emitter-appended) ---
"""Pipeline reference for scband-gcn-84945863180627 (READ-ONLY COPY).

The authoritative reference and input builder live on the scoring server;
editing this copy changes nothing except your own understanding.
"""

import jax, jax.numpy as jnp
import numpy as np

N = 10000
E = 320000
D = 128
H = 128
C = 10
G = 64


def setup_inputs(seed: int = 0) -> dict:
    key = jax.random.key(seed)
    ks = jax.random.split(key, 8)
    x = jax.random.normal(ks[0], (N, D), dtype=jnp.float32)
    edge_index = jax.random.randint(ks[1], (2, E), 0, N, dtype=jnp.int32)
    batch = jnp.sort(jax.random.randint(ks[2], (N,), 0, G, dtype=jnp.int32))
    W1 = jax.random.normal(ks[3], (D, H), dtype=jnp.float32) * (1.0 / np.sqrt(D))
    b1 = jnp.zeros((H,), dtype=jnp.float32)
    W2 = jax.random.normal(ks[4], (H, H), dtype=jnp.float32) * (1.0 / np.sqrt(H))
    b2 = jnp.zeros((H,), dtype=jnp.float32)
    Wc = jax.random.normal(ks[5], (H, C), dtype=jnp.float32) * (1.0 / np.sqrt(H))
    bc = jnp.zeros((C,), dtype=jnp.float32)
    return {"x": x, "edge_index": edge_index, "batch": batch,
            "W1": W1, "b1": b1, "W2": W2, "b2": b2, "Wc": Wc, "bc": bc}


def _gcn_conv(x, edge_index, W, b):
    # torch_geometric GCNConv: add self-loops, symmetric normalization
    src = edge_index[0]
    dst = edge_index[1]
    self_loops = jnp.arange(N, dtype=src.dtype)
    src = jnp.concatenate([src, self_loops])
    dst = jnp.concatenate([dst, self_loops])
    deg = jnp.zeros((N,), x.dtype).at[dst].add(1.0)
    dis = jnp.where(deg > 0, 1.0 / jnp.sqrt(deg), 0.0)
    norm = dis[src] * dis[dst]
    h = x @ W
    msg = h[src] * norm[:, None]
    out = jnp.zeros((N, W.shape[1]), x.dtype).at[dst].add(msg)
    return out + b


def reference(x, edge_index, batch, W1, b1, W2, b2, Wc, bc):
    h = _gcn_conv(x, edge_index, W1, b1)
    h = jax.nn.leaky_relu(h, negative_slope=0.2)
    h = _gcn_conv(h, edge_index, W2, b2)
    h = jax.nn.leaky_relu(h, negative_slope=0.2)
    sums = jnp.zeros((G, h.shape[1]), h.dtype).at[batch].add(h)
    counts = jnp.zeros((G,), h.dtype).at[batch].add(1.0)
    pooled = sums / jnp.maximum(counts, 1.0)[:, None]
    return pooled @ Wc + bc

if __name__ == "__main__":
    import jax
    _d = setup_inputs()
    print(jax.jit(kernel)(*tuple(_d.values())))

</pallas_src>

<mosaic_0001>
#map = affine_map<(d0, d1) -> (0, 0)>
#map1 = affine_map<(d0, d1) -> (0)>
#map2 = affine_map<(d0, d1) -> (0, 0, 0)>
module attributes {stable_mosaic.version = 14 : i64} {
  func.func @_agg_body(%arg0: i32, %arg1: i32, %arg2: memref<10000x128xf32, #tpu.memory_space<hbm>>, %arg3: memref<640000xi32, #tpu.memory_space<hbm>>, %arg4: memref<4x128xi32, #tpu.memory_space<hbm>>, %arg5: memref<4x128xi32, #tpu.memory_space<hbm>>, %arg6: memref<64x128xf32, #tpu.memory_space<hbm>>, %arg7: memref<2x10240x128xf32, #tpu.memory_space<hbm>>, %arg8: memref<2x128xi32, #tpu.memory_space<vmem>>, %arg9: memref<2x128xi32, #tpu.memory_space<vmem>>, %arg10: memref<2x128x128xf32, #tpu.memory_space<vmem>>, %arg11: memref<64x128xf32, #tpu.memory_space<vmem>>, %arg12: memref<10240x128xf32, #tpu.memory_space<vmem_shared>>, %arg13: memref<!tpu.dma_semaphore, #tpu.memory_space<semaphore_mem>>, %arg14: memref<!tpu.dma_semaphore, #tpu.memory_space<semaphore_mem>>, %arg15: memref<!tpu.dma_semaphore, #tpu.memory_space<semaphore_mem>>, %arg16: memref<!tpu.dma_semaphore, #tpu.memory_space<semaphore_mem>>) attributes {dimension_semantics = [#tpu.dimension_semantics<core_parallel>, #tpu.dimension_semantics<subcore_parallel>], iteration_bounds = array<i64: 2, 16>, scalar_prefetch = 0 : i64, scratch_operands = 9 : i64, tpu.core_type = #tpu.core_type<sc_vector_subcore>, window_params = [{transform_indices = #map}, {transform_indices = #map1}, {transform_indices = #map}, {transform_indices = #map}, {transform_indices = #map}, {transform_indices = #map2}]} {
    %eq3A = arith.constant 0 : i32
    %eq3A_0 = arith.cmpi eq, %arg0, %eq3A : i32
    %mul3A = arith.constant 10240 : i32
    %mul3A_1 = arith.muli %arg1, %mul3A : i32
    %mul3A_2 = arith.constant 9728 : i32
    %mul3A_3 = arith.muli %arg1, %mul3A_2 : i32
    %add3A = arith.constant 163840 : i32
    %add3A_4 = arith.addi %add3A, %mul3A_3 : i32
    %select_n3A = arith.select %eq3A_0, %mul3A_1, %add3A_4 : i32
    %multiple_of3A = tpu.assume_multiple %select_n3A, 8 : i32
    %add3A_5 = arith.constant 0 : i32
    %add3A_6 = arith.addi %multiple_of3A, %add3A_5 : i32
    %dma_start3A = arith.constant 0 : i32
    %dma_start3A_7 = arith.constant 0 : i32
    %dma_start3A_8 = tpu.memref_slice %arg8[%dma_start3A, %dma_start3A_7] : memref<2x128xi32, #tpu.memory_space<vmem>> -> memref<1x128xi32, #tpu.memory_space<vmem>>
    %dma_start3A_9 = tpu.memref_squeeze %dma_start3A_8 : memref<1x128xi32, #tpu.memory_space<vmem>> -> memref<128xi32, #tpu.memory_space<vmem>>
    %dma_start3A_10 = tpu.memref_slice %arg3[%add3A_6] : memref<640000xi32, #tpu.memory_space<hbm>> -> memref<128xi32, #tpu.memory_space<hbm>>
    %dma_start3A_11 = arith.constant 0 : i32
    %dma_start3A_12 = tpu.memref_slice %arg8[%dma_start3A, %dma_start3A_11] : memref<2x128xi32, #tpu.memory_space<vmem>> -> memref<1x128xi32, #tpu.memory_space<vmem>>
    %dma_start3A_13 = tpu.memref_squeeze %dma_start3A_12 : memref<1x128xi32, #tpu.memory_space<vmem>> -> memref<128xi32, #tpu.memory_space<vmem>>
    %dma_start3A_14 = tpu.memref_slice %arg3[%add3A_6] : memref<640000xi32, #tpu.memory_space<hbm>> -> memref<128xi32, #tpu.memory_space<hbm>>
    tpu.enqueue_dma source(%dma_start3A_14 : memref<128xi32, #tpu.memory_space<hbm>>) target(%dma_start3A_13 : memref<128xi32, #tpu.memory_space<vmem>>) target_semaphore(%arg13 : memref<!tpu.dma_semaphore, #tpu.memory_space<semaphore_mem>>)
    %add3A_15 = arith.constant 320000 : i32
    %add3A_16 = arith.addi %add3A_15, %multiple_of3A : i32
    %add3A_17 = arith.constant 0 : i32
    %add3A_18 = arith.addi %add3A_16, %add3A_17 : i32
    %dma_start3A_19 = arith.constant 0 : i32
    %dma_start3A_20 = arith.constant 0 : i32
    %dma_start3A_21 = tpu.memref_slice %arg9[%dma_start3A_19, %dma_start3A_20] : memref<2x128xi32, #tpu.memory_space<vmem>> -> memref<1x128xi32, #tpu.memory_space<vmem>>
    %dma_start3A_22 = tpu.memref_squeeze %dma_start3A_21 : memref<1x128xi32, #tpu.memory_space<vmem>> -> memref<128xi32, #tpu.memory_space<vmem>>
    %dma_start3A_23 = tpu.memref_slice %arg3[%add3A_18] : memref<640000xi32, #tpu.memory_space<hbm>> -> memref<128xi32, #tpu.memory_space<hbm>>
    %dma_start3A_24 = arith.constant 0 : i32
    %dma_start3A_25 = tpu.memref_slice %arg9[%dma_start3A_19, %dma_start3A_24] : memref<2x128xi32, #tpu.memory_space<vmem>> -> memref<1x128xi32, #tpu.memory_space<vmem>>
    %dma_start3A_26 = tpu.memref_squeeze %dma_start3A_25 : memref<1x128xi32, #tpu.memory_space<vmem>> -> memref<128xi32, #tpu.memory_space<vmem>>
    %dma_start3A_27 = tpu.memref_slice %arg3[%add3A_18] : memref<640000xi32, #tpu.memory_space<hbm>> -> memref<128xi32, #tpu.memory_space<hbm>>
    tpu.enqueue_dma source(%dma_start3A_27 : memref<128xi32, #tpu.memory_space<hbm>>) target(%dma_start3A_26 : memref<128xi32, #tpu.memory_space<vmem>>) target_semaphore(%arg13 : memref<!tpu.dma_semaphore, #tpu.memory_space<semaphore_mem>>)
    %dma_wait3A = arith.constant 0 : i32
    %dma_wait3A_28 = arith.constant 0 : i32
    %dma_wait3A_29 = tpu.memref_slice %arg8[%dma_wait3A, %dma_wait3A_28] : memref<2x128xi32, #tpu.memory_space<vmem>> -> memref<1x128xi32, #tpu.memory_space<vmem>>
    %dma_wait3A_30 = tpu.memref_squeeze %dma_wait3A_29 : memref<1x128xi32, #tpu.memory_space<vmem>> -> memref<128xi32, #tpu.memory_space<vmem>>
    %dma_wait3A_31 = arith.constant 0 : i32
    %dma_wait3A_32 = tpu.memref_slice %arg3[%dma_wait3A_31] : memref<640000xi32, #tpu.memory_space<hbm>> -> memref<128xi32, #tpu.memory_space<hbm>>
    %dma_wait3A_33 = arith.constant 0 : i32
    %dma_wait3A_34 = tpu.memref_slice %arg8[%dma_wait3A, %dma_wait3A_33] : memref<2x128xi32, #tpu.memory_space<vmem>> -> memref<1x128xi32, #tpu.memory_space<vmem>>
    %dma_wait3A_35 = tpu.memref_squeeze %dma_wait3A_34 : memref<1x128xi32, #tpu.memory_space<vmem>> -> memref<128xi32, #tpu.memory_space<vmem>>
    %dma_wait3A_36 = arith.constant 0 : i32
    %dma_wait3A_37 = tpu.memref_slice %arg3[%dma_wait3A_36] : memref<640000xi32, #tpu.memory_space<hbm>> -> memref<128xi32, #tpu.memory_space<hbm>>
    tpu.wait_dma2 semaphore(%arg13 : memref<!tpu.dma_semaphore, #tpu.memory_space<semaphore_mem>>) src(%dma_wait3A_37 : memref<128xi32, #tpu.memory_space<hbm>>) dst(%dma_wait3A_35 : memref<128xi32, #tpu.memory_space<vmem>>)
    %dma_wait3A_38 = arith.constant 0 : i32
    %dma_wait3A_39 = arith.constant 0 : i32
    %dma_wait3A_40 = tpu.memref_slice %arg9[%dma_wait3A_38, %dma_wait3A_39] : memref<2x128xi32, #tpu.memory_space<vmem>> -> memref<1x128xi32, #tpu.memory_space<vmem>>
    %dma_wait3A_41 = tpu.memref_squeeze %dma_wait3A_40 : memref<1x128xi32, #tpu.memory_space<vmem>> -> memref<128xi32, #tpu.memory_space<vmem>>
    %dma_wait3A_42 = arith.constant 0 : i32
    %dma_wait3A_43 = tpu.memref_slice %arg3[%dma_wait3A_42] : memref<640000xi32, #tpu.memory_space<hbm>> -> memref<128xi32, #tpu.memory_space<hbm>>
    %dma_wait3A_44 = arith.constant 0 : i32
    %dma_wait3A_45 = tpu.memref_slice %arg9[%dma_wait3A_38, %dma_wait3A_44] : memref<2x128xi32, #tpu.memory_space<vmem>> -> memref<1x128xi32, #tpu.memory_space<vmem>>
    %dma_wait3A_46 = tpu.memref_squeeze %dma_wait3A_45 : memref<1x128xi32, #tpu.memory_space<vmem>> -> memref<128xi32, #tpu.memory_space<vmem>>
    %dma_wait3A_47 = arith.constant 0 : i32
    %dma_wait3A_48 = tpu.memref_slice %arg3[%dma_wait3A_47] : memref<640000xi32, #tpu.memory_space<hbm>> -> memref<128xi32, #tpu.memory_space<hbm>>
    tpu.wait_dma2 semaphore(%arg13 : memref<!tpu.dma_semaphore, #tpu.memory_space<semaphore_mem>>) src(%dma_wait3A_48 : memref<128xi32, #tpu.memory_space<hbm>>) dst(%dma_wait3A_46 : memref<128xi32, #tpu.memory_space<vmem>>)
    %dma_start3A_49 = arith.constant 0 : i32
    %dma_start3A_50 = arith.constant 0 : i32
    %dma_start3A_51 = arith.constant 0 : i32
    %dma_start3A_52 = arith.constant 0 : i32
    %dma_start3A_53 = tpu.memref_slice %arg10[%dma_start3A_50, %dma_start3A_51, %dma_start3A_52] : memref<2x128x128xf32, #tpu.memory_space<vmem>> -> memref<1x128x128xf32, #tpu.memory_space<vmem>>
    %dma_start3A_54 = tpu.memref_squeeze %dma_start3A_53 : memref<1x128x128xf32, #tpu.memory_space<vmem>> -> memref<128x128xf32, #tpu.memory_space<vmem>>
    %dma_start3A_55 = arith.constant 0 : i32
    %dma_start3A_56 = tpu.memref_slice %arg8[%dma_start3A_49, %dma_start3A_55] : memref<2x128xi32, #tpu.memory_space<vmem>> -> memref<1x128xi32, #tpu.memory_space<vmem>>
    %dma_start3A_57 = tpu.memref_squeeze %dma_start3A_56 : memref<1x128xi32, #tpu.memory_space<vmem>> -> memref<128xi32, #tpu.memory_space<vmem>>
    %dma_start3A_58 = arith.constant 0 : i32
    %dma_start3A_59 = arith.constant 0 : i32
    %dma_start3A_60 = tpu.memref_slice %arg2[%dma_start3A_58, %dma_start3A_59] : memref<10000x128xf32, #tpu.memory_space<hbm>> -> memref<10000x128xf32, #tpu.memory_space<hbm>>
    tpu.enqueue_indirect_dma source(%dma_start3A_60 : memref<10000x128xf32, #tpu.memory_space<hbm>>) target(%dma_start3A_54 : memref<128x128xf32, #tpu.memory_space<vmem>>) offsets(%dma_start3A_57 : memref<128xi32, #tpu.memory_space<vmem>>) semaphore(%arg15 : memref<!tpu.dma_semaphore, #tpu.memory_space<semaphore_mem>>)
    %add3A_61 = arith.constant 128 : i32
    %add3A_62 = arith.addi %multiple_of3A, %add3A_61 : i32
    %dma_start3A_63 = arith.constant 1 : i32
    %dma_start3A_64 = arith.constant 0 : i32
    %dma_start3A_65 = tpu.memref_slice %arg8[%dma_start3A_63, %dma_start3A_64] : memref<2x128xi32, #tpu.memory_space<vmem>> -> memref<1x128xi32, #tpu.memory_space<vmem>>
    %dma_start3A_66 = tpu.memref_squeeze %dma_start3A_65 : memref<1x128xi32, #tpu.memory_space<vmem>> -> memref<128xi32, #tpu.memory_space<vmem>>
    %dma_start3A_67 = tpu.memref_slice %arg3[%add3A_62] : memref<640000xi32, #tpu.memory_space<hbm>> -> memref<128xi32, #tpu.memory_space<hbm>>
    %dma_start3A_68 = arith.constant 0 : i32
    %dma_start3A_69 = tpu.memref_slice %arg8[%dma_start3A_63, %dma_start3A_68] : memref<2x128xi32, #tpu.memory_space<vmem>> -> memref<1x128xi32, #tpu.memory_space<vmem>>
    %dma_start3A_70 = tpu.memref_squeeze %dma_start3A_69 : memref<1x128xi32, #tpu.memory_space<vmem>> -> memref<128xi32, #tpu.memory_space<vmem>>
    %dma_start3A_71 = tpu.memref_slice %arg3[%add3A_62] : memref<640000xi32, #tpu.memory_space<hbm>> -> memref<128xi32, #tpu.memory_space<hbm>>
    tpu.enqueue_dma source(%dma_start3A_71 : memref<128xi32, #tpu.memory_space<hbm>>) target(%dma_start3A_70 : memref<128xi32, #tpu.memory_space<vmem>>) target_semaphore(%arg14 : memref<!tpu.dma_semaphore, #tpu.memory_space<semaphore_mem>>)
    %add3A_72 = arith.constant 320000 : i32
    %add3A_73 = arith.addi %add3A_72, %multiple_of3A : i32
    %add3A_74 = arith.constant 128 : i32
    %add3A_75 = arith.addi %add3A_73, %add3A_74 : i32
    %dma_start3A_76 = arith.constant 1 : i32
    %dma_start3A_77 = arith.constant 0 : i32
    %dma_start3A_78 = tpu.memref_slice %arg9[%dma_start3A_76, %dma_start3A_77] : memref<2x128xi32, #tpu.memory_space<vmem>> -> memref<1x128xi32, #tpu.memory_space<vmem>>
    %dma_start3A_79 = tpu.memref_squeeze %dma_start3A_78 : memref<1x128xi32, #tpu.memory_space<vmem>> -> memref<128xi32, #tpu.memory_space<vmem>>
    %dma_start3A_80 = tpu.memref_slice %arg3[%add3A_75] : memref<640000xi32, #tpu.memory_space<hbm>> -> memref<128xi32, #tpu.memory_space<hbm>>
    %dma_start3A_81 = arith.constant 0 : i32
    %dma_start3A_82 = tpu.memref_slice %arg9[%dma_start3A_76, %dma_start3A_81] : memref<2x128xi32, #tpu.memory_space<vmem>> -> memref<1x128xi32, #tpu.memory_space<vmem>>
    %dma_start3A_83 = tpu.memref_squeeze %dma_start3A_82 : memref<1x128xi32, #tpu.memory_space<vmem>> -> memref<128xi32, #tpu.memory_space<vmem>>
    %dma_start3A_84 = tpu.memref_slice %arg3[%add3A_75] : memref<640000xi32, #tpu.memory_space<hbm>> -> memref<128xi32, #tpu.memory_space<hbm>>
    tpu.enqueue_dma source(%dma_start3A_84 : memref<128xi32, #tpu.memory_space<hbm>>) target(%dma_start3A_83 : memref<128xi32, #tpu.memory_space<vmem>>) target_semaphore(%arg14 : memref<!tpu.dma_semaphore, #tpu.memory_space<semaphore_mem>>)
    "tpu.region"() ({
      %run_scoped3A_344 = tpu.sem_alloc : memref<!tpu.dma_semaphore, #tpu.memory_space<semaphore_mem>>
      tpu.enqueue_dma source(%arg6 : memref<64x128xf32, #tpu.memory_space<hbm>>) target(%arg11 : memref<64x128xf32, #tpu.memory_space<vmem>>) target_semaphore(%run_scoped3A_344 : memref<!tpu.dma_semaphore, #tpu.memory_space<semaphore_mem>>)
      tpu.wait_dma2 semaphore(%run_scoped3A_344 : memref<!tpu.dma_semaphore, #tpu.memory_space<semaphore_mem>>) src(%arg6 : memref<64x128xf32, #tpu.memory_space<hbm>>) dst(%arg11 : memref<64x128xf32, #tpu.memory_space<vmem>>)
      tpu.yield
    }) : () -> ()
    %mul3A_85 = arith.constant 640 : i32
    %mul3A_86 = arith.muli %arg1, %mul3A_85 : i32
    %add3A_87 = arith.constant 0 : i32
    %add3A_88 = arith.addi %mul3A_86, %add3A_87 : i32
    "tpu.region"() ({
      %run_scoped3A_344 = tpu.sem_alloc : memref<!tpu.dma_semaphore, #tpu.memory_space<semaphore_mem>>
      %dma_start3A_345 = arith.constant 0 : i32
      %dma_start3A_346 = tpu.memref_slice %arg12[%add3A_88, %dma_start3A_345] : memref<10240x128xf32, #tpu.memory_space<vmem_shared>> -> memref<64x128xf32, #tpu.memory_space<vmem_shared>>
      %dma_start3A_347 = arith.constant 0 : i32
      %dma_start3A_348 = tpu.memref_slice %arg12[%add3A_88, %dma_start3A_347] : memref<10240x128xf32, #tpu.memory_space<vmem_shared>> -> memref<64x128xf32, #tpu.memory_space<vmem_shared>>
      tpu.enqueue_dma source(%arg11 : memref<64x128xf32, #tpu.memory_space<vmem>>) target(%dma_start3A_348 : memref<64x128xf32, #tpu.memory_space<vmem_shared>>) target_semaphore(%run_scoped3A_344 : memref<!tpu.dma_semaphore, #tpu.memory_space<semaphore_mem>>)
      %dma_wait3A_349 = arith.constant 0 : i32
      %dma_wait3A_350 = tpu.memref_slice %arg12[%add3A_88, %dma_wait3A_349] : memref<10240x128xf32, #tpu.memory_space<vmem_shared>> -> memref<64x128xf32, #tpu.memory_space<vmem_shared>>
      %dma_wait3A_351 = arith.constant 0 : i32
      %dma_wait3A_352 = tpu.memref_slice %arg12[%add3A_88, %dma_wait3A_351] : memref<10240x128xf32, #tpu.memory_space<vmem_shared>> -> memref<64x128xf32, #tpu.memory_space<vmem_shared>>
      tpu.wait_dma2 semaphore(%run_scoped3A_344 : memref<!tpu.dma_semaphore, #tpu.memory_space<semaphore_mem>>) src(%arg11 : memref<64x128xf32, #tpu.memory_space<vmem>>) dst(%dma_wait3A_352 : memref<64x128xf32, #tpu.memory_space<vmem_shared>>)
      tpu.yield
    }) : () -> ()
    %mul3A_89 = arith.constant 640 : i32
    %mul3A_90 = arith.muli %arg1, %mul3A_89 : i32
    %add3A_91 = arith.constant 64 : i32
    %add3A_92 = arith.addi %mul3A_90, %add3A_91 : i32
    "tpu.region"() ({
      %run_scoped3A_344 = tpu.sem_alloc : memref<!tpu.dma_semaphore, #tpu.memory_space<semaphore_mem>>
      %dma_start3A_345 = arith.constant 0 : i32
      %dma_start3A_346 = tpu.memref_slice %arg12[%add3A_92, %dma_start3A_345] : memref<10240x128xf32, #tpu.memory_space<vmem_shared>> -> memref<64x128xf32, #tpu.memory_space<vmem_shared>>
      %dma_start3A_347 = arith.constant 0 : i32
      %dma_start3A_348 = tpu.memref_slice %arg12[%add3A_92, %dma_start3A_347] : memref<10240x128xf32, #tpu.memory_space<vmem_shared>> -> memref<64x128xf32, #tpu.memory_space<vmem_shared>>
      tpu.enqueue_dma source(%arg11 : memref<64x128xf32, #tpu.memory_space<vmem>>) target(%dma_start3A_348 : memref<64x128xf32, #tpu.memory_space<vmem_shared>>) target_semaphore(%run_scoped3A_344 : memref<!tpu.dma_semaphore, #tpu.memory_space<semaphore_mem>>)
      %dma_wait3A_349 = arith.constant 0 : i32
      %dma_wait3A_350 = tpu.memref_slice %arg12[%add3A_92, %dma_wait3A_349] : memref<10240x128xf32, #tpu.memory_space<vmem_shared>> -> memref<64x128xf32, #tpu.memory_space<vmem_shared>>
      %dma_wait3A_351 = arith.constant 0 : i32
      %dma_wait3A_352 = tpu.memref_slice %arg12[%add3A_92, %dma_wait3A_351] : memref<10240x128xf32, #tpu.memory_space<vmem_shared>> -> memref<64x128xf32, #tpu.memory_space<vmem_shared>>
      tpu.wait_dma2 semaphore(%run_scoped3A_344 : memref<!tpu.dma_semaphore, #tpu.memory_space<semaphore_mem>>) src(%arg11 : memref<64x128xf32, #tpu.memory_space<vmem>>) dst(%dma_wait3A_352 : memref<64x128xf32, #tpu.memory_space<vmem_shared>>)
      tpu.yield
    }) : () -> ()
    %mul3A_93 = arith.constant 640 : i32
    %mul3A_94 = arith.muli %arg1, %mul3A_93 : i32
    %add3A_95 = arith.constant 128 : i32
    %add3A_96 = arith.addi %mul3A_94, %add3A_95 : i32
    "tpu.region"() ({
      %run_scoped3A_344 = tpu.sem_alloc : memref<!tpu.dma_semaphore, #tpu.memory_space<semaphore_mem>>
      %dma_start3A_345 = arith.constant 0 : i32
      %dma_start3A_346 = tpu.memref_slice %arg12[%add3A_96, %dma_start3A_345] : memref<10240x128xf32, #tpu.memory_space<vmem_shared>> -> memref<64x128xf32, #tpu.memory_space<vmem_shared>>
      %dma_start3A_347 = arith.constant 0 : i32
      %dma_start3A_348 = tpu.memref_slice %arg12[%add3A_96, %dma_start3A_347] : memref<10240x128xf32, #tpu.memory_space<vmem_shared>> -> memref<64x128xf32, #tpu.memory_space<vmem_shared>>
      tpu.enqueue_dma source(%arg11 : memref<64x128xf32, #tpu.memory_space<vmem>>) target(%dma_start3A_348 : memref<64x128xf32, #tpu.memory_space<vmem_shared>>) target_semaphore(%run_scoped3A_344 : memref<!tpu.dma_semaphore, #tpu.memory_space<semaphore_mem>>)
      %dma_wait3A_349 = arith.constant 0 : i32
      %dma_wait3A_350 = tpu.memref_slice %arg12[%add3A_96, %dma_wait3A_349] : memref<10240x128xf32, #tpu.memory_space<vmem_shared>> -> memref<64x128xf32, #tpu.memory_space<vmem_shared>>
      %dma_wait3A_351 = arith.constant 0 : i32
      %dma_wait3A_352 = tpu.memref_slice %arg12[%add3A_96, %dma_wait3A_351] : memref<10240x128xf32, #tpu.memory_space<vmem_shared>> -> memref<64x128xf32, #tpu.memory_space<vmem_shared>>
      tpu.wait_dma2 semaphore(%run_scoped3A_344 : memref<!tpu.dma_semaphore, #tpu.memory_space<semaphore_mem>>) src(%arg11 : memref<64x128xf32, #tpu.memory_space<vmem>>) dst(%dma_wait3A_352 : memref<64x128xf32, #tpu.memory_space<vmem_shared>>)
      tpu.yield
    }) : () -> ()
    %mul3A_97 = arith.constant 640 : i32
    %mul3A_98 = arith.muli %arg1, %mul3A_97 : i32
    %add3A_99 = arith.constant 192 : i32
    %add3A_100 = arith.addi %mul3A_98, %add3A_99 : i32
    "tpu.region"() ({
      %run_scoped3A_344 = tpu.sem_alloc : memref<!tpu.dma_semaphore, #tpu.memory_space<semaphore_mem>>
      %dma_start3A_345 = arith.constant 0 : i32
      %dma_start3A_346 = tpu.memref_slice %arg12[%add3A_100, %dma_start3A_345] : memref<10240x128xf32, #tpu.memory_space<vmem_shared>> -> memref<64x128xf32, #tpu.memory_space<vmem_shared>>
      %dma_start3A_347 = arith.constant 0 : i32
      %dma_start3A_348 = tpu.memref_slice %arg12[%add3A_100, %dma_start3A_347] : memref<10240x128xf32, #tpu.memory_space<vmem_shared>> -> memref<64x128xf32, #tpu.memory_space<vmem_shared>>
      tpu.enqueue_dma source(%arg11 : memref<64x128xf32, #tpu.memory_space<vmem>>) target(%dma_start3A_348 : memref<64x128xf32, #tpu.memory_space<vmem_shared>>) target_semaphore(%run_scoped3A_344 : memref<!tpu.dma_semaphore, #tpu.memory_space<semaphore_mem>>)
      %dma_wait3A_349 = arith.constant 0 : i32
      %dma_wait3A_350 = tpu.memref_slice %arg12[%add3A_100, %dma_wait3A_349] : memref<10240x128xf32, #tpu.memory_space<vmem_shared>> -> memref<64x128xf32, #tpu.memory_space<vmem_shared>>
      %dma_wait3A_351 = arith.constant 0 : i32
      %dma_wait3A_352 = tpu.memref_slice %arg12[%add3A_100, %dma_wait3A_351] : memref<10240x128xf32, #tpu.memory_space<vmem_shared>> -> memref<64x128xf32, #tpu.memory_space<vmem_shared>>
      tpu.wait_dma2 semaphore(%run_scoped3A_344 : memref<!tpu.dma_semaphore, #tpu.memory_space<semaphore_mem>>) src(%arg11 : memref<64x128xf32, #tpu.memory_space<vmem>>) dst(%dma_wait3A_352 : memref<64x128xf32, #tpu.memory_space<vmem_shared>>)
      tpu.yield
    }) : () -> ()
    %mul3A_101 = arith.constant 640 : i32
    %mul3A_102 = arith.muli %arg1, %mul3A_101 : i32
    %add3A_103 = arith.constant 256 : i32
    %add3A_104 = arith.addi %mul3A_102, %add3A_103 : i32
    "tpu.region"() ({
      %run_scoped3A_344 = tpu.sem_alloc : memref<!tpu.dma_semaphore, #tpu.memory_space<semaphore_mem>>
      %dma_start3A_345 = arith.constant 0 : i32
      %dma_start3A_346 = tpu.memref_slice %arg12[%add3A_104, %dma_start3A_345] : memref<10240x128xf32, #tpu.memory_space<vmem_shared>> -> memref<64x128xf32, #tpu.memory_space<vmem_shared>>
      %dma_start3A_347 = arith.constant 0 : i32
      %dma_start3A_348 = tpu.memref_slice %arg12[%add3A_104, %dma_start3A_347] : memref<10240x128xf32, #tpu.memory_space<vmem_shared>> -> memref<64x128xf32, #tpu.memory_space<vmem_shared>>
      tpu.enqueue_dma source(%arg11 : memref<64x128xf32, #tpu.memory_space<vmem>>) target(%dma_start3A_348 : memref<64x128xf32, #tpu.memory_space<vmem_shared>>) target_semaphore(%run_scoped3A_344 : memref<!tpu.dma_semaphore, #tpu.memory_space<semaphore_mem>>)
      %dma_wait3A_349 = arith.constant 0 : i32
      %dma_wait3A_350 = tpu.memref_slice %arg12[%add3A_104, %dma_wait3A_349] : memref<10240x128xf32, #tpu.memory_space<vmem_shared>> -> memref<64x128xf32, #tpu.memory_space<vmem_shared>>
      %dma_wait3A_351 = arith.constant 0 : i32
      %dma_wait3A_352 = tpu.memref_slice %arg12[%add3A_104, %dma_wait3A_351] : memref<10240x128xf32, #tpu.memory_space<vmem_shared>> -> memref<64x128xf32, #tpu.memory_space<vmem_shared>>
      tpu.wait_dma2 semaphore(%run_scoped3A_344 : memref<!tpu.dma_semaphore, #tpu.memory_space<semaphore_mem>>) src(%arg11 : memref<64x128xf32, #tpu.memory_space<vmem>>) dst(%dma_wait3A_352 : memref<64x128xf32, #tpu.memory_space<vmem_shared>>)
      tpu.yield
    }) : () -> ()
    %mul3A_105 = arith.constant 640 : i32
    %mul3A_106 = arith.muli %arg1, %mul3A_105 : i32
    %add3A_107 = arith.constant 320 : i32
    %add3A_108 = arith.addi %mul3A_106, %add3A_107 : i32
    "tpu.region"() ({
      %run_scoped3A_344 = tpu.sem_alloc : memref<!tpu.dma_semaphore, #tpu.memory_space<semaphore_mem>>
      %dma_start3A_345 = arith.constant 0 : i32
      %dma_start3A_346 = tpu.memref_slice %arg12[%add3A_108, %dma_start3A_345] : memref<10240x128xf32, #tpu.memory_space<vmem_shared>> -> memref<64x128xf32, #tpu.memory_space<vmem_shared>>
      %dma_start3A_347 = arith.constant 0 : i32
      %dma_start3A_348 = tpu.memref_slice %arg12[%add3A_108, %dma_start3A_347] : memref<10240x128xf32, #tpu.memory_space<vmem_shared>> -> memref<64x128xf32, #tpu.memory_space<vmem_shared>>
      tpu.enqueue_dma source(%arg11 : memref<64x128xf32, #tpu.memory_space<vmem>>) target(%dma_start3A_348 : memref<64x128xf32, #tpu.memory_space<vmem_shared>>) target_semaphore(%run_scoped3A_344 : memref<!tpu.dma_semaphore, #tpu.memory_space<semaphore_mem>>)
      %dma_wait3A_349 = arith.constant 0 : i32
      %dma_wait3A_350 = tpu.memref_slice %arg12[%add3A_108, %dma_wait3A_349] : memref<10240x128xf32, #tpu.memory_space<vmem_shared>> -> memref<64x128xf32, #tpu.memory_space<vmem_shared>>
      %dma_wait3A_351 = arith.constant 0 : i32
      %dma_wait3A_352 = tpu.memref_slice %arg12[%add3A_108, %dma_wait3A_351] : memref<10240x128xf32, #tpu.memory_space<vmem_shared>> -> memref<64x128xf32, #tpu.memory_space<vmem_shared>>
      tpu.wait_dma2 semaphore(%run_scoped3A_344 : memref<!tpu.dma_semaphore, #tpu.memory_space<semaphore_mem>>) src(%arg11 : memref<64x128xf32, #tpu.memory_space<vmem>>) dst(%dma_wait3A_352 : memref<64x128xf32, #tpu.memory_space<vmem_shared>>)
      tpu.yield
    }) : () -> ()
    %mul3A_109 = arith.constant 640 : i32
    %mul3A_110 = arith.muli %arg1, %mul3A_109 : i32
    %add3A_111 = arith.constant 384 : i32
    %add3A_112 = arith.addi %mul3A_110, %add3A_111 : i32
    "tpu.region"() ({
      %run_scoped3A_344 = tpu.sem_alloc : memref<!tpu.dma_semaphore, #tpu.memory_space<semaphore_mem>>
      %dma_start3A_345 = arith.constant 0 : i32
      %dma_start3A_346 = tpu.memref_slice %arg12[%add3A_112, %dma_start3A_345] : memref<10240x128xf32, #tpu.memory_space<vmem_shared>> -> memref<64x128xf32, #tpu.memory_space<vmem_shared>>
      %dma_start3A_347 = arith.constant 0 : i32
      %dma_start3A_348 = tpu.memref_slice %arg12[%add3A_112, %dma_start3A_347] : memref<10240x128xf32, #tpu.memory_space<vmem_shared>> -> memref<64x128xf32, #tpu.memory_space<vmem_shared>>
      tpu.enqueue_dma source(%arg11 : memref<64x128xf32, #tpu.memory_space<vmem>>) target(%dma_start3A_348 : memref<64x128xf32, #tpu.memory_space<vmem_shared>>) target_semaphore(%run_scoped3A_344 : memref<!tpu.dma_semaphore, #tpu.memory_space<semaphore_mem>>)
      %dma_wait3A_349 = arith.constant 0 : i32
      %dma_wait3A_350 = tpu.memref_slice %arg12[%add3A_112, %dma_wait3A_349] : memref<10240x128xf32, #tpu.memory_space<vmem_shared>> -> memref<64x128xf32, #tpu.memory_space<vmem_shared>>
      %dma_wait3A_351 = arith.constant 0 : i32
      %dma_wait3A_352 = tpu.memref_slice %arg12[%add3A_112, %dma_wait3A_351] : memref<10240x128xf32, #tpu.memory_space<vmem_shared>> -> memref<64x128xf32, #tpu.memory_space<vmem_shared>>
      tpu.wait_dma2 semaphore(%run_scoped3A_344 : memref<!tpu.dma_semaphore, #tpu.memory_space<semaphore_mem>>) src(%arg11 : memref<64x128xf32, #tpu.memory_space<vmem>>) dst(%dma_wait3A_352 : memref<64x128xf32, #tpu.memory_space<vmem_shared>>)
      tpu.yield
    }) : () -> ()
    %mul3A_113 = arith.constant 640 : i32
    %mul3A_114 = arith.muli %arg1, %mul3A_113 : i32
    %add3A_115 = arith.constant 448 : i32
    %add3A_116 = arith.addi %mul3A_114, %add3A_115 : i32
    "tpu.region"() ({
      %run_scoped3A_344 = tpu.sem_alloc : memref<!tpu.dma_semaphore, #tpu.memory_space<semaphore_mem>>
      %dma_start3A_345 = arith.constant 0 : i32
      %dma_start3A_346 = tpu.memref_slice %arg12[%add3A_116, %dma_start3A_345] : memref<10240x128xf32, #tpu.memory_space<vmem_shared>> -> memref<64x128xf32, #tpu.memory_space<vmem_shared>>
      %dma_start3A_347 = arith.constant 0 : i32
      %dma_start3A_348 = tpu.memref_slice %arg12[%add3A_116, %dma_start3A_347] : memref<10240x128xf32, #tpu.memory_space<vmem_shared>> -> memref<64x128xf32, #tpu.memory_space<vmem_shared>>
      tpu.enqueue_dma source(%arg11 : memref<64x128xf32, #tpu.memory_space<vmem>>) target(%dma_start3A_348 : memref<64x128xf32, #tpu.memory_space<vmem_shared>>) target_semaphore(%run_scoped3A_344 : memref<!tpu.dma_semaphore, #tpu.memory_space<semaphore_mem>>)
      %dma_wait3A_349 = arith.constant 0 : i32
      %dma_wait3A_350 = tpu.memref_slice %arg12[%add3A_116, %dma_wait3A_349] : memref<10240x128xf32, #tpu.memory_space<vmem_shared>> -> memref<64x128xf32, #tpu.memory_space<vmem_shared>>
      %dma_wait3A_351 = arith.constant 0 : i32
      %dma_wait3A_352 = tpu.memref_slice %arg12[%add3A_116, %dma_wait3A_351] : memref<10240x128xf32, #tpu.memory_space<vmem_shared>> -> memref<64x128xf32, #tpu.memory_space<vmem_shared>>
      tpu.wait_dma2 semaphore(%run_scoped3A_344 : memref<!tpu.dma_semaphore, #tpu.memory_space<semaphore_mem>>) src(%arg11 : memref<64x128xf32, #tpu.memory_space<vmem>>) dst(%dma_wait3A_352 : memref<64x128xf32, #tpu.memory_space<vmem_shared>>)
      tpu.yield
    }) : () -> ()
    %mul3A_117 = arith.constant 640 : i32
    %mul3A_118 = arith.muli %arg1, %mul3A_117 : i32
    %add3A_119 = arith.constant 512 : i32
    %add3A_120 = arith.addi %mul3A_118, %add3A_119 : i32
    "tpu.region"() ({
      %run_scoped3A_344 = tpu.sem_alloc : memref<!tpu.dma_semaphore, #tpu.memory_space<semaphore_mem>>
      %dma_start3A_345 = arith.constant 0 : i32
      %dma_start3A_346 = tpu.memref_slice %arg12[%add3A_120, %dma_start3A_345] : memref<10240x128xf32, #tpu.memory_space<vmem_shared>> -> memref<64x128xf32, #tpu.memory_space<vmem_shared>>
      %dma_start3A_347 = arith.constant 0 : i32
      %dma_start3A_348 = tpu.memref_slice %arg12[%add3A_120, %dma_start3A_347] : memref<10240x128xf32, #tpu.memory_space<vmem_shared>> -> memref<64x128xf32, #tpu.memory_space<vmem_shared>>
      tpu.enqueue_dma source(%arg11 : memref<64x128xf32, #tpu.memory_space<vmem>>) target(%dma_start3A_348 : memref<64x128xf32, #tpu.memory_space<vmem_shared>>) target_semaphore(%run_scoped3A_344 : memref<!tpu.dma_semaphore, #tpu.memory_space<semaphore_mem>>)
      %dma_wait3A_349 = arith.constant 0 : i32
      %dma_wait3A_350 = tpu.memref_slice %arg12[%add3A_120, %dma_wait3A_349] : memref<10240x128xf32, #tpu.memory_space<vmem_shared>> -> memref<64x128xf32, #tpu.memory_space<vmem_shared>>
      %dma_wait3A_351 = arith.constant 0 : i32
      %dma_wait3A_352 = tpu.memref_slice %arg12[%add3A_120, %dma_wait3A_351] : memref<10240x128xf32, #tpu.memory_space<vmem_shared>> -> memref<64x128xf32, #tpu.memory_space<vmem_shared>>
      tpu.wait_dma2 semaphore(%run_scoped3A_344 : memref<!tpu.dma_semaphore, #tpu.memory_space<semaphore_mem>>) src(%arg11 : memref<64x128xf32, #tpu.memory_space<vmem>>) dst(%dma_wait3A_352 : memref<64x128xf32, #tpu.memory_space<vmem_shared>>)
      tpu.yield
    }) : () -> ()
    %mul3A_121 = arith.constant 640 : i32
    %mul3A_122 = arith.muli %arg1, %mul3A_121 : i32
    %add3A_123 = arith.constant 576 : i32
    %add3A_124 = arith.addi %mul3A_122, %add3A_123 : i32
    "tpu.region"() ({
      %run_scoped3A_344 = tpu.sem_alloc : memref<!tpu.dma_semaphore, #tpu.memory_space<semaphore_mem>>
      %dma_start3A_345 = arith.constant 0 : i32
      %dma_start3A_346 = tpu.memref_slice %arg12[%add3A_124, %dma_start3A_345] : memref<10240x128xf32, #tpu.memory_space<vmem_shared>> -> memref<64x128xf32, #tpu.memory_space<vmem_shared>>
      %dma_start3A_347 = arith.constant 0 : i32
      %dma_start3A_348 = tpu.memref_slice %arg12[%add3A_124, %dma_start3A_347] : memref<10240x128xf32, #tpu.memory_space<vmem_shared>> -> memref<64x128xf32, #tpu.memory_space<vmem_shared>>
      tpu.enqueue_dma source(%arg11 : memref<64x128xf32, #tpu.memory_space<vmem>>) target(%dma_start3A_348 : memref<64x128xf32, #tpu.memory_space<vmem_shared>>) target_semaphore(%run_scoped3A_344 : memref<!tpu.dma_semaphore, #tpu.memory_space<semaphore_mem>>)
      %dma_wait3A_349 = arith.constant 0 : i32
      %dma_wait3A_350 = tpu.memref_slice %arg12[%add3A_124, %dma_wait3A_349] : memref<10240x128xf32, #tpu.memory_space<vmem_shared>> -> memref<64x128xf32, #tpu.memory_space<vmem_shared>>
      %dma_wait3A_351 = arith.constant 0 : i32
      %dma_wait3A_352 = tpu.memref_slice %arg12[%add3A_124, %dma_wait3A_351] : memref<10240x128xf32, #tpu.memory_space<vmem_shared>> -> memref<64x128xf32, #tpu.memory_space<vmem_shared>>
      tpu.wait_dma2 semaphore(%run_scoped3A_344 : memref<!tpu.dma_semaphore, #tpu.memory_space<semaphore_mem>>) src(%arg11 : memref<64x128xf32, #tpu.memory_space<vmem>>) dst(%dma_wait3A_352 : memref<64x128xf32, #tpu.memory_space<vmem_shared>>)
      tpu.yield
    }) : () -> ()
    %barrier3A = arith.constant 0 : index
    tpu.barrier barrier_id(%barrier3A)
    %eq3A_125 = arith.constant 0 : i32
    %eq3A_126 = arith.cmpi eq, %arg0, %eq3A_125 : i32
    %convert_element_type3A = arith.extui %eq3A_126 : i1 to i32
    %cond3A = arith.constant 0 : i32
    %cond3A_127 = arith.cmpi ne, %convert_element_type3A, %cond3A : i32
    scf.if %cond3A_127 {
      %scan3A = arith.constant 0 : i32
      %scan3A_344 = arith.constant 0 : i32
      %scan3A_345 = arith.constant 40 : i32
      %scan3A_346 = arith.addi %scan3A_344, %scan3A_345 : i32
      %scan3A_347 = arith.constant 1 : i32
      scf.for %scan3A_349 = %scan3A_344 to %scan3A_346 step %scan3A_347  : i32 {
        %mul3A_350 = arith.constant 2 : i32
        %mul3A_351 = arith.muli %mul3A_350, %scan3A_349 : i32
        %add3A_352 = arith.constant 1 : i32
        %add3A_353 = arith.addi %mul3A_351, %add3A_352 : i32
        %lt3A_354 = arith.constant 80 : i32
        %lt3A_355 = arith.cmpi slt, %add3A_353, %lt3A_354 : i32
        %convert_element_type3A_356 = arith.extui %lt3A_355 : i1 to i32
        %cond3A_357 = arith.constant 0 : i32
        %cond3A_358 = arith.cmpi ne, %convert_element_type3A_356, %cond3A_357 : i32
        scf.if %cond3A_358 {
          %dma_wait3A_418 = arith.constant 1 : i32
          %dma_wait3A_419 = arith.constant 0 : i32
          %dma_wait3A_420 = tpu.memref_slice %arg8[%dma_wait3A_418, %dma_wait3A_419] : memref<2x128xi32, #tpu.memory_space<vmem>> -> memref<1x128xi32, #tpu.memory_space<vmem>>
          %dma_wait3A_421 = tpu.memref_squeeze %dma_wait3A_420 : memref<1x128xi32, #tpu.memory_space<vmem>> -> memref<128xi32, #tpu.memory_space<vmem>>
          %dma_wait3A_422 = arith.constant 0 : i32
          %dma_wait3A_423 = tpu.memref_slice %arg3[%dma_wait3A_422] : memref<640000xi32, #tpu.memory_space<hbm>> -> memref<128xi32, #tpu.memory_space<hbm>>
          %dma_wait3A_424 = arith.constant 0 : i32
          %dma_wait3A_425 = tpu.memref_slice %arg8[%dma_wait3A_418, %dma_wait3A_424] : memref<2x128xi32, #tpu.memory_space<vmem>> -> memref<1x128xi32, #tpu.memory_space<vmem>>
          %dma_wait3A_426 = tpu.memref_squeeze %dma_wait3A_425 : memref<1x128xi32, #tpu.memory_space<vmem>> -> memref<128xi32, #tpu.memory_space<vmem>>
          %dma_wait3A_427 = arith.constant 0 : i32
          %dma_wait3A_428 = tpu.memref_slice %arg3[%dma_wait3A_427] : memref<640000xi32, #tpu.memory_space<hbm>> -> memref<128xi32, #tpu.memory_space<hbm>>
          tpu.wait_dma2 semaphore(%arg14 : memref<!tpu.dma_semaphore, #tpu.memory_space<semaphore_mem>>) src(%dma_wait3A_428 : memref<128xi32, #tpu.memory_space<hbm>>) dst(%dma_wait3A_426 : memref<128xi32, #tpu.memory_space<vmem>>)
          %dma_wait3A_429 = arith.constant 1 : i32
          %dma_wait3A_430 = arith.constant 0 : i32
          %dma_wait3A_431 = tpu.memref_slice %arg9[%dma_wait3A_429, %dma_wait3A_430] : memref<2x128xi32, #tpu.memory_space<vmem>> -> memref<1x128xi32, #tpu.memory_space<vmem>>
          %dma_wait3A_432 = tpu.memref_squeeze %dma_wait3A_431 : memref<1x128xi32, #tpu.memory_space<vmem>> -> memref<128xi32, #tpu.memory_space<vmem>>
          %dma_wait3A_433 = arith.constant 0 : i32
          %dma_wait3A_434 = tpu.memref_slice %arg3[%dma_wait3A_433] : memref<640000xi32, #tpu.memory_space<hbm>> -> memref<128xi32, #tpu.memory_space<hbm>>
          %dma_wait3A_435 = arith.constant 0 : i32
          %dma_wait3A_436 = tpu.memref_slice %arg9[%dma_wait3A_429, %dma_wait3A_435] : memref<2x128xi32, #tpu.memory_space<vmem>> -> memref<1x128xi32, #tpu.memory_space<vmem>>
          %dma_wait3A_437 = tpu.memref_squeeze %dma_wait3A_436 : memref<1x128xi32, #tpu.memory_space<vmem>> -> memref<128xi32, #tpu.memory_space<vmem>>
          %dma_wait3A_438 = arith.constant 0 : i32
          %dma_wait3A_439 = tpu.memref_slice %arg3[%dma_wait3A_438] : memref<640000xi32, #tpu.memory_space<hbm>> -> memref<128xi32, #tpu.memory_space<hbm>>
          tpu.wait_dma2 semaphore(%arg14 : memref<!tpu.dma_semaphore, #tpu.memory_space<semaphore_mem>>) src(%dma_wait3A_439 : memref<128xi32, #tpu.memory_space<hbm>>) dst(%dma_wait3A_437 : memref<128xi32, #tpu.memory_space<vmem>>)
          %dma_start3A_440 = arith.constant 1 : i32
          %dma_start3A_441 = arith.constant 1 : i32
          %dma_start3A_442 = arith.constant 0 : i32
          %dma_start3A_443 = arith.constant 0 : i32
          %dma_start3A_444 = tpu.memref_slice %arg10[%dma_start3A_441, %dma_start3A_442, %dma_start3A_443] : memref<2x128x128xf32, #tpu.memory_space<vmem>> -> memref<1x128x128xf32, #tpu.memory_space<vmem>>
          %dma_start3A_445 = tpu.memref_squeeze %dma_start3A_444 : memref<1x128x128xf32, #tpu.memory_space<vmem>> -> memref<128x128xf32, #tpu.memory_space<vmem>>
          %dma_start3A_446 = arith.constant 0 : i32
          %dma_start3A_447 = tpu.memref_slice %arg8[%dma_start3A_440, %dma_start3A_446] : memref<2x128xi32, #tpu.memory_space<vmem>> -> memref<1x128xi32, #tpu.memory_space<vmem>>
          %dma_start3A_448 = tpu.memref_squeeze %dma_start3A_447 : memref<1x128xi32, #tpu.memory_space<vmem>> -> memref<128xi32, #tpu.memory_space<vmem>>
          %dma_start3A_449 = arith.constant 0 : i32
          %dma_start3A_450 = arith.constant 0 : i32
          %dma_start3A_451 = tpu.memref_slice %arg2[%dma_start3A_449, %dma_start3A_450] : memref<10000x128xf32, #tpu.memory_space<hbm>> -> memref<10000x128xf32, #tpu.memory_space<hbm>>
          tpu.enqueue_indirect_dma source(%dma_start3A_451 : memref<10000x128xf32, #tpu.memory_space<hbm>>) target(%dma_start3A_445 : memref<128x128xf32, #tpu.memory_space<vmem>>) offsets(%dma_start3A_448 : memref<128xi32, #tpu.memory_space<vmem>>) semaphore(%arg16 : memref<!tpu.dma_semaphore, #tpu.memory_space<semaphore_mem>>)
        } else {
        }
        %dma_wait3A_359 = arith.constant 0 : i32
        %dma_wait3A_360 = arith.constant 0 : i32
        %dma_wait3A_361 = arith.constant 0 : i32
        %dma_wait3A_362 = tpu.memref_slice %arg10[%dma_wait3A_359, %dma_wait3A_360, %dma_wait3A_361] : memref<2x128x128xf32, #tpu.memory_space<vmem>> -> memref<1x128x128xf32, #tpu.memory_space<vmem>>
        %dma_wait3A_363 = tpu.memref_squeeze %dma_wait3A_362 : memref<1x128x128xf32, #tpu.memory_space<vmem>> -> memref<128x128xf32, #tpu.memory_space<vmem>>
        %dma_wait3A_364 = arith.constant 0 : i32
        %dma_wait3A_365 = arith.constant 0 : i32
        %dma_wait3A_366 = tpu.memref_slice %arg2[%dma_wait3A_364, %dma_wait3A_365] : memref<10000x128xf32, #tpu.memory_space<hbm>> -> memref<128x128xf32, #tpu.memory_space<hbm>>
        %dma_wait3A_367 = arith.constant 0 : i32
        %dma_wait3A_368 = arith.constant 0 : i32
        %dma_wait3A_369 = tpu.memref_slice %arg10[%dma_wait3A_359, %dma_wait3A_367, %dma_wait3A_368] : memref<2x128x128xf32, #tpu.memory_space<vmem>> -> memref<1x128x128xf32, #tpu.memory_space<vmem>>
        %dma_wait3A_370 = tpu.memref_squeeze %dma_wait3A_369 : memref<1x128x128xf32, #tpu.memory_space<vmem>> -> memref<128x128xf32, #tpu.memory_space<vmem>>
        %dma_wait3A_371 = arith.constant 0 : i32
        %dma_wait3A_372 = arith.constant 0 : i32
        %dma_wait3A_373 = tpu.memref_slice %arg2[%dma_wait3A_371, %dma_wait3A_372] : memref<10000x128xf32, #tpu.memory_space<hbm>> -> memref<128x128xf32, #tpu.memory_space<hbm>>
        tpu.wait_dma2 semaphore(%arg15 : memref<!tpu.dma_semaphore, #tpu.memory_space<semaphore_mem>>) src(%dma_wait3A_373 : memref<128x128xf32, #tpu.memory_space<hbm>>) dst(%dma_wait3A_370 : memref<128x128xf32, #tpu.memory_space<vmem>>)
        %run_scoped3A_374 = arith.constant 0 : i32
        %run_scoped3A_375 = arith.constant 0 : i32
        "tpu.region"() ({
          %run_scoped3A_418 = tpu.sem_alloc : memref<!tpu.dma_semaphore, #tpu.memory_space<semaphore_mem>>
          %dma_start3A_419 = arith.constant 0 : i32
          %dma_start3A_420 = arith.constant 0 : i32
          %dma_start3A_421 = tpu.memref_slice %arg10[%run_scoped3A_374, %dma_start3A_419, %dma_start3A_420] : memref<2x128x128xf32, #tpu.memory_space<vmem>> -> memref<1x128x128xf32, #tpu.memory_space<vmem>>
          %dma_start3A_422 = tpu.memref_squeeze %dma_start3A_421 : memref<1x128x128xf32, #tpu.memory_space<vmem>> -> memref<128x128xf32, #tpu.memory_space<vmem>>
          %dma_start3A_423 = arith.constant 0 : i32
          %dma_start3A_424 = tpu.memref_slice %arg9[%run_scoped3A_375, %dma_start3A_423] : memref<2x128xi32, #tpu.memory_space<vmem>> -> memref<1x128xi32, #tpu.memory_space<vmem>>
          %dma_start3A_425 = tpu.memref_squeeze %dma_start3A_424 : memref<1x128xi32, #tpu.memory_space<vmem>> -> memref<128xi32, #tpu.memory_space<vmem>>
          %dma_start3A_426 = arith.constant 0 : i32
          %dma_start3A_427 = arith.constant 0 : i32
          %dma_start3A_428 = tpu.memref_slice %arg12[%dma_start3A_426, %dma_start3A_427] : memref<10240x128xf32, #tpu.memory_space<vmem_shared>> -> memref<10240x128xf32, #tpu.memory_space<vmem_shared>>
          tpu.enqueue_indirect_dma source(%dma_start3A_422 : memref<128x128xf32, #tpu.memory_space<vmem>>) target(%dma_start3A_428 : memref<10240x128xf32, #tpu.memory_space<vmem_shared>>) offsets(%dma_start3A_425 : memref<128xi32, #tpu.memory_space<vmem>>) semaphore(%run_scoped3A_418 : memref<!tpu.dma_semaphore, #tpu.memory_space<semaphore_mem>>) {add = true}
          %dma_wait3A_429 = arith.constant 0 : i32
          %dma_wait3A_430 = arith.constant 0 : i32
          %dma_wait3A_431 = tpu.memref_slice %arg10[%run_scoped3A_374, %dma_wait3A_429, %dma_wait3A_430] : memref<2x128x128xf32, #tpu.memory_space<vmem>> -> memref<1x128x128xf32, #tpu.memory_space<vmem>>
          %dma_wait3A_432 = tpu.memref_squeeze %dma_wait3A_431 : memref<1x128x128xf32, #tpu.memory_space<vmem>> -> memref<128x128xf32, #tpu.memory_space<vmem>>
          %dma_wait3A_433 = arith.constant 0 : i32
          %dma_wait3A_434 = tpu.memref_slice %arg9[%run_scoped3A_375, %dma_wait3A_433] : memref<2x128xi32, #tpu.memory_space<vmem>> -> memref<1x128xi32, #tpu.memory_space<vmem>>
          %dma_wait3A_435 = tpu.memref_squeeze %dma_wait3A_434 : memref<1x128xi32, #tpu.memory_space<vmem>> -> memref<128xi32, #tpu.memory_space<vmem>>
          %dma_wait3A_436 = arith.constant 0 : i32
          %dma_wait3A_437 = arith.constant 0 : i32
          %dma_wait3A_438 = tpu.memref_slice %arg12[%dma_wait3A_436, %dma_wait3A_437] : memref<10240x128xf32, #tpu.memory_space<vmem_shared>> -> memref<10240x128xf32, #tpu.memory_space<vmem_shared>>
          tpu.wait_indirect_dma semaphore(%run_scoped3A_418 : memref<!tpu.dma_semaphore, #tpu.memory_space<semaphore_mem>>) src(%dma_wait3A_432 : memref<128x128xf32, #tpu.memory_space<vmem>>) dst(%dma_wait3A_438 : memref<10240x128xf32, #tpu.memory_space<vmem_shared>>)
          tpu.yield
        }) : () -> ()
        %add3A_376 = arith.constant 2 : i32
        %add3A_377 = arith.addi %mul3A_351, %add3A_376 : i32
        %lt3A_378 = arith.constant 80 : i32
        %lt3A_379 = arith.cmpi slt, %add3A_377, %lt3A_378 : i32
        %convert_element_type3A_380 = arith.extui %lt3A_379 : i1 to i32
        %cond3A_381 = arith.constant 0 : i32
        %cond3A_382 = arith.cmpi ne, %convert_element_type3A_380, %cond3A_381 : i32
        scf.if %cond3A_382 {
          %add3A_418 = arith.constant 2 : i32
          %add3A_419 = arith.addi %mul3A_351, %add3A_418 : i32
          %mul3A_420 = arith.constant 128 : i32
          %mul3A_421 = arith.muli %add3A_419, %mul3A_420 : i32
          %add3A_422 = arith.addi %multiple_of3A, %mul3A_421 : i32
          %dma_start3A_423 = arith.constant 0 : i32
          %dma_start3A_424 = arith.constant 0 : i32
          %dma_start3A_425 = tpu.memref_slice %arg8[%dma_start3A_423, %dma_start3A_424] : memref<2x128xi32, #tpu.memory_space<vmem>> -> memref<1x128xi32, #tpu.memory_space<vmem>>
          %dma_start3A_426 = tpu.memref_squeeze %dma_start3A_425 : memref<1x128xi32, #tpu.memory_space<vmem>> -> memref<128xi32, #tpu.memory_space<vmem>>
          %dma_start3A_427 = tpu.memref_slice %arg3[%add3A_422] : memref<640000xi32, #tpu.memory_space<hbm>> -> memref<128xi32, #tpu.memory_space<hbm>>
          %dma_start3A_428 = arith.constant 0 : i32
          %dma_start3A_429 = tpu.memref_slice %arg8[%dma_start3A_423, %dma_start3A_428] : memref<2x128xi32, #tpu.memory_space<vmem>> -> memref<1x128xi32, #tpu.memory_space<vmem>>
          %dma_start3A_430 = tpu.memref_squeeze %dma_start3A_429 : memref<1x128xi32, #tpu.memory_space<vmem>> -> memref<128xi32, #tpu.memory_space<vmem>>
          %dma_start3A_431 = tpu.memref_slice %arg3[%add3A_422] : memref<640000xi32, #tpu.memory_space<hbm>> -> memref<128xi32, #tpu.memory_space<hbm>>
          tpu.enqueue_dma source(%dma_start3A_431 : memref<128xi32, #tpu.memory_space<hbm>>) target(%dma_start3A_430 : memref<128xi32, #tpu.memory_space<vmem>>) target_semaphore(%arg13 : memref<!tpu.dma_semaphore, #tpu.memory_space<semaphore_mem>>)
          %add3A_432 = arith.constant 320000 : i32
          %add3A_433 = arith.addi %add3A_432, %multiple_of3A : i32
          %mul3A_434 = arith.constant 128 : i32
          %mul3A_435 = arith.muli %add3A_419, %mul3A_434 : i32
          %add3A_436 = arith.addi %add3A_433, %mul3A_435 : i32
          %dma_start3A_437 = arith.constant 0 : i32
          %dma_start3A_438 = arith.constant 0 : i32
          %dma_start3A_439 = tpu.memref_slice %arg9[%dma_start3A_437, %dma_start3A_438] : memref<2x128xi32, #tpu.memory_space<vmem>> -> memref<1x128xi32, #tpu.memory_space<vmem>>
          %dma_start3A_440 = tpu.memref_squeeze %dma_start3A_439 : memref<1x128xi32, #tpu.memory_space<vmem>> -> memref<128xi32, #tpu.memory_space<vmem>>
          %dma_start3A_441 = tpu.memref_slice %arg3[%add3A_436] : memref<640000xi32, #tpu.memory_space<hbm>> -> memref<128xi32, #tpu.memory_space<hbm>>
          %dma_start3A_442 = arith.constant 0 : i32
          %dma_start3A_443 = tpu.memref_slice %arg9[%dma_start3A_437, %dma_start3A_442] : memref<2x128xi32, #tpu.memory_space<vmem>> -> memref<1x128xi32, #tpu.memory_space<vmem>>
          %dma_start3A_444 = tpu.memref_squeeze %dma_start3A_443 : memref<1x128xi32, #tpu.memory_space<vmem>> -> memref<128xi32, #tpu.memory_space<vmem>>
          %dma_start3A_445 = tpu.memref_slice %arg3[%add3A_436] : memref<640000xi32, #tpu.memory_space<hbm>> -> memref<128xi32, #tpu.memory_space<hbm>>
          tpu.enqueue_dma source(%dma_start3A_445 : memref<128xi32, #tpu.memory_space<hbm>>) target(%dma_start3A_444 : memref<128xi32, #tpu.memory_space<vmem>>) target_semaphore(%arg13 : memref<!tpu.dma_semaphore, #tpu.memory_space<semaphore_mem>>)
        } else {
        }
        %mul3A_383 = arith.constant 2 : i32
        %mul3A_384 = arith.muli %mul3A_383, %scan3A_349 : i32
        %add3A_385 = arith.constant 1 : i32
        %add3A_386 = arith.addi %mul3A_384, %add3A_385 : i32
        %add3A_387 = arith.constant 1 : i32
        %add3A_388 = arith.addi %add3A_386, %add3A_387 : i32
        %lt3A_389 = arith.constant 80 : i32
        %lt3A_390 = arith.cmpi slt, %add3A_388, %lt3A_389 : i32
        %convert_element_type3A_391 = arith.extui %lt3A_390 : i1 to i32
        %cond3A_392 = arith.constant 0 : i32
        %cond3A_393 = arith.cmpi ne, %convert_element_type3A_391, %cond3A_392 : i32
        scf.if %cond3A_393 {
          %dma_wait3A_418 = arith.constant 0 : i32
          %dma_wait3A_419 = arith.constant 0 : i32
          %dma_wait3A_420 = tpu.memref_slice %arg8[%dma_wait3A_418, %dma_wait3A_419] : memref<2x128xi32, #tpu.memory_space<vmem>> -> memref<1x128xi32, #tpu.memory_space<vmem>>
          %dma_wait3A_421 = tpu.memref_squeeze %dma_wait3A_420 : memref<1x128xi32, #tpu.memory_space<vmem>> -> memref<128xi32, #tpu.memory_space<vmem>>
          %dma_wait3A_422 = arith.constant 0 : i32
          %dma_wait3A_423 = tpu.memref_slice %arg3[%dma_wait3A_422] : memref<640000xi32, #tpu.memory_space<hbm>> -> memref<128xi32, #tpu.memory_space<hbm>>
          %dma_wait3A_424 = arith.constant 0 : i32
          %dma_wait3A_425 = tpu.memref_slice %arg8[%dma_wait3A_418, %dma_wait3A_424] : memref<2x128xi32, #tpu.memory_space<vmem>> -> memref<1x128xi32, #tpu.memory_space<vmem>>
          %dma_wait3A_426 = tpu.memref_squeeze %dma_wait3A_425 : memref<1x128xi32, #tpu.memory_space<vmem>> -> memref<128xi32, #tpu.memory_space<vmem>>
          %dma_wait3A_427 = arith.constant 0 : i32
          %dma_wait3A_428 = tpu.memref_slice %arg3[%dma_wait3A_427] : memref<640000xi32, #tpu.memory_space<hbm>> -> memref<128xi32, #tpu.memory_space<hbm>>
          tpu.wait_dma2 semaphore(%arg13 : memref<!tpu.dma_semaphore, #tpu.memory_space<semaphore_mem>>) src(%dma_wait3A_428 : memref<128xi32, #tpu.memory_space<hbm>>) dst(%dma_wait3A_426 : memref<128xi32, #tpu.memory_space<vmem>>)
          %dma_wait3A_429 = arith.constant 0 : i32
          %dma_wait3A_430 = arith.constant 0 : i32
          %dma_wait3A_431 = tpu.memref_slice %arg9[%dma_wait3A_429, %dma_wait3A_430] : memref<2x128xi32, #tpu.memory_space<vmem>> -> memref<1x128xi32, #tpu.memory_space<vmem>>
          %dma_wait3A_432 = tpu.memref_squeeze %dma_wait3A_431 : memref<1x128xi32, #tpu.memory_space<vmem>> -> memref<128xi32, #tpu.memory_space<vmem>>
          %dma_wait3A_433 = arith.constant 0 : i32
          %dma_wait3A_434 = tpu.memref_slice %arg3[%dma_wait3A_433] : memref<640000xi32, #tpu.memory_space<hbm>> -> memref<128xi32, #tpu.memory_space<hbm>>
          %dma_wait3A_435 = arith.constant 0 : i32
          %dma_wait3A_436 = tpu.memref_slice %arg9[%dma_wait3A_429, %dma_wait3A_435] : memref<2x128xi32, #tpu.memory_space<vmem>> -> memref<1x128xi32, #tpu.memory_space<vmem>>
          %dma_wait3A_437 = tpu.memref_squeeze %dma_wait3A_436 : memref<1x128xi32, #tpu.memory_space<vmem>> -> memref<128xi32, #tpu.memory_space<vmem>>
          %dma_wait3A_438 = arith.constant 0 : i32
          %dma_wait3A_439 = tpu.memref_slice %arg3[%dma_wait3A_438] : memref<640000xi32, #tpu.memory_space<hbm>> -> memref<128xi32, #tpu.memory_space<hbm>>
          tpu.wait_dma2 semaphore(%arg13 : memref<!tpu.dma_semaphore, #tpu.memory_space<semaphore_mem>>) src(%dma_wait3A_439 : memref<128xi32, #tpu.memory_space<hbm>>) dst(%dma_wait3A_437 : memref<128xi32, #tpu.memory_space<vmem>>)
          %dma_start3A_440 = arith.constant 0 : i32
          %dma_start3A_441 = arith.constant 0 : i32
          %dma_start3A_442 = arith.constant 0 : i32
          %dma_start3A_443 = arith.constant 0 : i32
          %dma_start3A_444 = tpu.memref_slice %arg10[%dma_start3A_441, %dma_start3A_442, %dma_start3A_443] : memref<2x128x128xf32, #tpu.memory_space<vmem>> -> memref<1x128x128xf32, #tpu.memory_space<vmem>>
          %dma_start3A_445 = tpu.memref_squeeze %dma_start3A_444 : memref<1x128x128xf32, #tpu.memory_space<vmem>> -> memref<128x128xf32, #tpu.memory_space<vmem>>
          %dma_start3A_446 = arith.constant 0 : i32
          %dma_start3A_447 = tpu.memref_slice %arg8[%dma_start3A_440, %dma_start3A_446] : memref<2x128xi32, #tpu.memory_space<vmem>> -> memref<1x128xi32, #tpu.memory_space<vmem>>
          %dma_start3A_448 = tpu.memref_squeeze %dma_start3A_447 : memref<1x128xi32, #tpu.memory_space<vmem>> -> memref<128xi32, #tpu.memory_space<vmem>>
          %dma_start3A_449 = arith.constant 0 : i32
          %dma_start3A_450 = arith.constant 0 : i32
          %dma_start3A_451 = tpu.memref_slice %arg2[%dma_start3A_449, %dma_start3A_450] : memref<10000x128xf32, #tpu.memory_space<hbm>> -> memref<10000x128xf32, #tpu.memory_space<hbm>>
          tpu.enqueue_indirect_dma source(%dma_start3A_451 : memref<10000x128xf32, #tpu.memory_space<hbm>>) target(%dma_start3A_445 : memref<128x128xf32, #tpu.memory_space<vmem>>) offsets(%dma_start3A_448 : memref<128xi32, #tpu.memory_space<vmem>>) semaphore(%arg15 : memref<!tpu.dma_semaphore, #tpu.memory_space<semaphore_mem>>)
        } else {
        }
        %dma_wait3A_394 = arith.constant 1 : i32
        %dma_wait3A_395 = arith.constant 0 : i32
        %dma_wait3A_396 = arith.constant 0 : i32
        %dma_wait3A_397 = tpu.memref_slice %arg10[%dma_wait3A_394, %dma_wait3A_395, %dma_wait3A_396] : memref<2x128x128xf32, #tpu.memory_space<vmem>> -> memref<1x128x128xf32, #tpu.memory_space<vmem>>
        %dma_wait3A_398 = tpu.memref_squeeze %dma_wait3A_397 : memref<1x128x128xf32, #tpu.memory_space<vmem>> -> memref<128x128xf32, #tpu.memory_space<vmem>>
        %dma_wait3A_399 = arith.constant 0 : i32
        %dma_wait3A_400 = arith.constant 0 : i32
        %dma_wait3A_401 = tpu.memref_slice %arg2[%dma_wait3A_399, %dma_wait3A_400] : memref<10000x128xf32, #tpu.memory_space<hbm>> -> memref<128x128xf32, #tpu.memory_space<hbm>>
        %dma_wait3A_402 = arith.constant 0 : i32
        %dma_wait3A_403 = arith.constant 0 : i32
        %dma_wait3A_404 = tpu.memref_slice %arg10[%dma_wait3A_394, %dma_wait3A_402, %dma_wait3A_403] : memref<2x128x128xf32, #tpu.memory_space<vmem>> -> memref<1x128x128xf32, #tpu.memory_space<vmem>>
        %dma_wait3A_405 = tpu.memref_squeeze %dma_wait3A_404 : memref<1x128x128xf32, #tpu.memory_space<vmem>> -> memref<128x128xf32, #tpu.memory_space<vmem>>
        %dma_wait3A_406 = arith.constant 0 : i32
        %dma_wait3A_407 = arith.constant 0 : i32
        %dma_wait3A_408 = tpu.memref_slice %arg2[%dma_wait3A_406, %dma_wait3A_407] : memref<10000x128xf32, #tpu.memory_space<hbm>> -> memref<128x128xf32, #tpu.memory_space<hbm>>
        tpu.wait_dma2 semaphore(%arg16 : memref<!tpu.dma_semaphore, #tpu.memory_space<semaphore_mem>>) src(%dma_wait3A_408 : memref<128x128xf32, #tpu.memory_space<hbm>>) dst(%dma_wait3A_405 : memref<128x128xf32, #tpu.memory_space<vmem>>)
        %run_scoped3A_409 = arith.constant 1 : i32
        %run_scoped3A_410 = arith.constant 1 : i32
        "tpu.region"() ({
          %run_scoped3A_418 = tpu.sem_alloc : memref<!tpu.dma_semaphore, #tpu.memory_space<semaphore_mem>>
          %dma_start3A_419 = arith.constant 0 : i32
          %dma_start3A_420 = arith.constant 0 : i32
          %dma_start3A_421 = tpu.memref_slice %arg10[%run_scoped3A_409, %dma_start3A_419, %dma_start3A_420] : memref<2x128x128xf32, #tpu.memory_space<vmem>> -> memref<1x128x128xf32, #tpu.memory_space<vmem>>
          %dma_start3A_422 = tpu.memref_squeeze %dma_start3A_421 : memref<1x128x128xf32, #tpu.memory_space<vmem>> -> memref<128x128xf32, #tpu.memory_space<vmem>>
          %dma_start3A_423 = arith.constant 0 : i32
          %dma_start3A_424 = tpu.memref_slice %arg9[%run_scoped3A_410, %dma_start3A_423] : memref<2x128xi32, #tpu.memory_space<vmem>> -> memref<1x128xi32, #tpu.memory_space<vmem>>
          %dma_start3A_425 = tpu.memref_squeeze %dma_start3A_424 : memref<1x128xi32, #tpu.memory_space<vmem>> -> memref<128xi32, #tpu.memory_space<vmem>>
          %dma_start3A_426 = arith.constant 0 : i32
          %dma_start3A_427 = arith.constant 0 : i32
          %dma_start3A_428 = tpu.memref_slice %arg12[%dma_start3A_426, %dma_start3A_427] : memref<10240x128xf32, #tpu.memory_space<vmem_shared>> -> memref<10240x128xf32, #tpu.memory_space<vmem_shared>>
          tpu.enqueue_indirect_dma source(%dma_start3A_422 : memref<128x128xf32, #tpu.memory_space<vmem>>) target(%dma_start3A_428 : memref<10240x128xf32, #tpu.memory_space<vmem_shared>>) offsets(%dma_start3A_425 : memref<128xi32, #tpu.memory_space<vmem>>) semaphore(%run_scoped3A_418 : memref<!tpu.dma_semaphore, #tpu.memory_space<semaphore_mem>>) {add = true}
          %dma_wait3A_429 = arith.constant 0 : i32
          %dma_wait3A_430 = arith.constant 0 : i32
          %dma_wait3A_431 = tpu.memref_slice %arg10[%run_scoped3A_409, %dma_wait3A_429, %dma_wait3A_430] : memref<2x128x128xf32, #tpu.memory_space<vmem>> -> memref<1x128x128xf32, #tpu.memory_space<vmem>>
          %dma_wait3A_432 = tpu.memref_squeeze %dma_wait3A_431 : memref<1x128x128xf32, #tpu.memory_space<vmem>> -> memref<128x128xf32, #tpu.memory_space<vmem>>
          %dma_wait3A_433 = arith.constant 0 : i32
          %dma_wait3A_434 = tpu.memref_slice %arg9[%run_scoped3A_410, %dma_wait3A_433] : memref<2x128xi32, #tpu.memory_space<vmem>> -> memref<1x128xi32, #tpu.memory_space<vmem>>
          %dma_wait3A_435 = tpu.memref_squeeze %dma_wait3A_434 : memref<1x128xi32, #tpu.memory_space<vmem>> -> memref<128xi32, #tpu.memory_space<vmem>>
          %dma_wait3A_436 = arith.constant 0 : i32
          %dma_wait3A_437 = arith.constant 0 : i32
          %dma_wait3A_438 = tpu.memref_slice %arg12[%dma_wait3A_436, %dma_wait3A_437] : memref<10240x128xf32, #tpu.memory_space<vmem_shared>> -> memref<10240x128xf32, #tpu.memory_space<vmem_shared>>
          tpu.wait_indirect_dma semaphore(%run_scoped3A_418 : memref<!tpu.dma_semaphore, #tpu.memory_space<semaphore_mem>>) src(%dma_wait3A_432 : memref<128x128xf32, #tpu.memory_space<vmem>>) dst(%dma_wait3A_438 : memref<10240x128xf32, #tpu.memory_space<vmem_shared>>)
          tpu.yield
        }) : () -> ()
        %add3A_411 = arith.constant 2 : i32
        %add3A_412 = arith.addi %add3A_386, %add3A_411 : i32
        %lt3A_413 = arith.constant 80 : i32
        %lt3A_414 = arith.cmpi slt, %add3A_412, %lt3A_413 : i32
        %convert_element_type3A_415 = arith.extui %lt3A_414 : i1 to i32
        %cond3A_416 = arith.constant 0 : i32
        %cond3A_417 = arith.cmpi ne, %convert_element_type3A_415, %cond3A_416 : i32
        scf.if %cond3A_417 {
          %add3A_418 = arith.constant 2 : i32
          %add3A_419 = arith.addi %add3A_386, %add3A_418 : i32
          %mul3A_420 = arith.constant 128 : i32
          %mul3A_421 = arith.muli %add3A_419, %mul3A_420 : i32
          %add3A_422 = arith.addi %multiple_of3A, %mul3A_421 : i32
          %dma_start3A_423 = arith.constant 1 : i32
          %dma_start3A_424 = arith.constant 0 : i32
          %dma_start3A_425 = tpu.memref_slice %arg8[%dma_start3A_423, %dma_start3A_424] : memref<2x128xi32, #tpu.memory_space<vmem>> -> memref<1x128xi32, #tpu.memory_space<vmem>>
          %dma_start3A_426 = tpu.memref_squeeze %dma_start3A_425 : memref<1x128xi32, #tpu.memory_space<vmem>> -> memref<128xi32, #tpu.memory_space<vmem>>
          %dma_start3A_427 = tpu.memref_slice %arg3[%add3A_422] : memref<640000xi32, #tpu.memory_space<hbm>> -> memref<128xi32, #tpu.memory_space<hbm>>
          %dma_start3A_428 = arith.constant 0 : i32
          %dma_start3A_429 = tpu.memref_slice %arg8[%dma_start3A_423, %dma_start3A_428] : memref<2x128xi32, #tpu.memory_space<vmem>> -> memref<1x128xi32, #tpu.memory_space<vmem>>
          %dma_start3A_430 = tpu.memref_squeeze %dma_start3A_429 : memref<1x128xi32, #tpu.memory_space<vmem>> -> memref<128xi32, #tpu.memory_space<vmem>>
          %dma_start3A_431 = tpu.memref_slice %arg3[%add3A_422] : memref<640000xi32, #tpu.memory_space<hbm>> -> memref<128xi32, #tpu.memory_space<hbm>>
          tpu.enqueue_dma source(%dma_start3A_431 : memref<128xi32, #tpu.memory_space<hbm>>) target(%dma_start3A_430 : memref<128xi32, #tpu.memory_space<vmem>>) target_semaphore(%arg14 : memref<!tpu.dma_semaphore, #tpu.memory_space<semaphore_mem>>)
          %add3A_432 = arith.constant 320000 : i32
          %add3A_433 = arith.addi %add3A_432, %multiple_of3A : i32
          %mul3A_434 = arith.constant 128 : i32
          %mul3A_435 = arith.muli %add3A_419, %mul3A_434 : i32
          %add3A_436 = arith.addi %add3A_433, %mul3A_435 : i32
          %dma_start3A_437 = arith.constant 1 : i32
          %dma_start3A_438 = arith.constant 0 : i32
          %dma_start3A_439 = tpu.memref_slice %arg9[%dma_start3A_437, %dma_start3A_438] : memref<2x128xi32, #tpu.memory_space<vmem>> -> memref<1x128xi32, #tpu.memory_space<vmem>>
          %dma_start3A_440 = tpu.memref_squeeze %dma_start3A_439 : memref<1x128xi32, #tpu.memory_space<vmem>> -> memref<128xi32, #tpu.memory_space<vmem>>
          %dma_start3A_441 = tpu.memref_slice %arg3[%add3A_436] : memref<640000xi32, #tpu.memory_space<hbm>> -> memref<128xi32, #tpu.memory_space<hbm>>
          %dma_start3A_442 = arith.constant 0 : i32
          %dma_start3A_443 = tpu.memref_slice %arg9[%dma_start3A_437, %dma_start3A_442] : memref<2x128xi32, #tpu.memory_space<vmem>> -> memref<1x128xi32, #tpu.memory_space<vmem>>
          %dma_start3A_444 = tpu.memref_squeeze %dma_start3A_443 : memref<1x128xi32, #tpu.memory_space<vmem>> -> memref<128xi32, #tpu.memory_space<vmem>>
          %dma_start3A_445 = tpu.memref_slice %arg3[%add3A_436] : memref<640000xi32, #tpu.memory_space<hbm>> -> memref<128xi32, #tpu.memory_space<hbm>>
          tpu.enqueue_dma source(%dma_start3A_445 : memref<128xi32, #tpu.memory_space<hbm>>) target(%dma_start3A_444 : memref<128xi32, #tpu.memory_space<vmem>>) target_semaphore(%arg14 : memref<!tpu.dma_semaphore, #tpu.memory_space<semaphore_mem>>)
        } else {
        }
      }
      %scan3A_348 = arith.constant 40 : i32
    } else {
    }
    %eq3A_128 = arith.constant 1 : i32
    %eq3A_129 = arith.cmpi eq, %arg0, %eq3A_128 : i32
    %convert_element_type3A_130 = arith.extui %eq3A_129 : i1 to i32
    %cond3A_131 = arith.constant 0 : i32
    %cond3A_132 = arith.cmpi ne, %convert_element_type3A_130, %cond3A_131 : i32
    scf.if %cond3A_132 {
      %scan3A = arith.constant 0 : i32
      %scan3A_344 = arith.constant 0 : i32
      %scan3A_345 = arith.constant 38 : i32
      %scan3A_346 = arith.addi %scan3A_344, %scan3A_345 : i32
      %scan3A_347 = arith.constant 1 : i32
      scf.for %scan3A_349 = %scan3A_344 to %scan3A_346 step %scan3A_347  : i32 {
        %mul3A_350 = arith.constant 2 : i32
        %mul3A_351 = arith.muli %mul3A_350, %scan3A_349 : i32
        %add3A_352 = arith.constant 1 : i32
        %add3A_353 = arith.addi %mul3A_351, %add3A_352 : i32
        %lt3A_354 = arith.constant 76 : i32
        %lt3A_355 = arith.cmpi slt, %add3A_353, %lt3A_354 : i32
        %convert_element_type3A_356 = arith.extui %lt3A_355 : i1 to i32
        %cond3A_357 = arith.constant 0 : i32
        %cond3A_358 = arith.cmpi ne, %convert_element_type3A_356, %cond3A_357 : i32
        scf.if %cond3A_358 {
          %dma_wait3A_418 = arith.constant 1 : i32
          %dma_wait3A_419 = arith.constant 0 : i32
          %dma_wait3A_420 = tpu.memref_slice %arg8[%dma_wait3A_418, %dma_wait3A_419] : memref<2x128xi32, #tpu.memory_space<vmem>> -> memref<1x128xi32, #tpu.memory_space<vmem>>
          %dma_wait3A_421 = tpu.memref_squeeze %dma_wait3A_420 : memref<1x128xi32, #tpu.memory_space<vmem>> -> memref<128xi32, #tpu.memory_space<vmem>>
          %dma_wait3A_422 = arith.constant 0 : i32
          %dma_wait3A_423 = tpu.memref_slice %arg3[%dma_wait3A_422] : memref<640000xi32, #tpu.memory_space<hbm>> -> memref<128xi32, #tpu.memory_space<hbm>>
          %dma_wait3A_424 = arith.constant 0 : i32
          %dma_wait3A_425 = tpu.memref_slice %arg8[%dma_wait3A_418, %dma_wait3A_424] : memref<2x128xi32, #tpu.memory_space<vmem>> -> memref<1x128xi32, #tpu.memory_space<vmem>>
          %dma_wait3A_426 = tpu.memref_squeeze %dma_wait3A_425 : memref<1x128xi32, #tpu.memory_space<vmem>> -> memref<128xi32, #tpu.memory_space<vmem>>
          %dma_wait3A_427 = arith.constant 0 : i32
          %dma_wait3A_428 = tpu.memref_slice %arg3[%dma_wait3A_427] : memref<640000xi32, #tpu.memory_space<hbm>> -> memref<128xi32, #tpu.memory_space<hbm>>
          tpu.wait_dma2 semaphore(%arg14 : memref<!tpu.dma_semaphore, #tpu.memory_space<semaphore_mem>>) src(%dma_wait3A_428 : memref<128xi32, #tpu.memory_space<hbm>>) dst(%dma_wait3A_426 : memref<128xi32, #tpu.memory_space<vmem>>)
          %dma_wait3A_429 = arith.constant 1 : i32
          %dma_wait3A_430 = arith.constant 0 : i32
          %dma_wait3A_431 = tpu.memref_slice %arg9[%dma_wait3A_429, %dma_wait3A_430] : memref<2x128xi32, #tpu.memory_space<vmem>> -> memref<1x128xi32, #tpu.memory_space<vmem>>
          %dma_wait3A_432 = tpu.memref_squeeze %dma_wait3A_431 : memref<1x128xi32, #tpu.memory_space<vmem>> -> memref<128xi32, #tpu.memory_space<vmem>>
          %dma_wait3A_433 = arith.constant 0 : i32
          %dma_wait3A_434 = tpu.memref_slice %arg3[%dma_wait3A_433] : memref<640000xi32, #tpu.memory_space<hbm>> -> memref<128xi32, #tpu.memory_space<hbm>>
          %dma_wait3A_435 = arith.constant 0 : i32
          %dma_wait3A_436 = tpu.memref_slice %arg9[%dma_wait3A_429, %dma_wait3A_435] : memref<2x128xi32, #tpu.memory_space<vmem>> -> memref<1x128xi32, #tpu.memory_space<vmem>>
          %dma_wait3A_437 = tpu.memref_squeeze %dma_wait3A_436 : memref<1x128xi32, #tpu.memory_space<vmem>> -> memref<128xi32, #tpu.memory_space<vmem>>
          %dma_wait3A_438 = arith.constant 0 : i32
          %dma_wait3A_439 = tpu.memref_slice %arg3[%dma_wait3A_438] : memref<640000xi32, #tpu.memory_space<hbm>> -> memref<128xi32, #tpu.memory_space<hbm>>
          tpu.wait_dma2 semaphore(%arg14 : memref<!tpu.dma_semaphore, #tpu.memory_space<semaphore_mem>>) src(%dma_wait3A_439 : memref<128xi32, #tpu.memory_space<hbm>>) dst(%dma_wait3A_437 : memref<128xi32, #tpu.memory_space<vmem>>)
          %dma_start3A_440 = arith.constant 1 : i32
          %dma_start3A_441 = arith.constant 1 : i32
          %dma_start3A_442 = arith.constant 0 : i32
          %dma_start3A_443 = arith.constant 0 : i32
          %dma_start3A_444 = tpu.memref_slice %arg10[%dma_start3A_441, %dma_start3A_442, %dma_start3A_443] : memref<2x128x128xf32, #tpu.memory_space<vmem>> -> memref<1x128x128xf32, #tpu.memory_space<vmem>>
          %dma_start3A_445 = tpu.memref_squeeze %dma_start3A_444 : memref<1x128x128xf32, #tpu.memory_space<vmem>> -> memref<128x128xf32, #tpu.memory_space<vmem>>
          %dma_start3A_446 = arith.constant 0 : i32
          %dma_start3A_447 = tpu.memref_slice %arg8[%dma_start3A_440, %dma_start3A_446] : memref<2x128xi32, #tpu.memory_space<vmem>> -> memref<1x128xi32, #tpu.memory_space<vmem>>
          %dma_start3A_448 = tpu.memref_squeeze %dma_start3A_447 : memref<1x128xi32, #tpu.memory_space<vmem>> -> memref<128xi32, #tpu.memory_space<vmem>>
          %dma_start3A_449 = arith.constant 0 : i32
          %dma_start3A_450 = arith.constant 0 : i32
          %dma_start3A_451 = tpu.memref_slice %arg2[%dma_start3A_449, %dma_start3A_450] : memref<10000x128xf32, #tpu.memory_space<hbm>> -> memref<10000x128xf32, #tpu.memory_space<hbm>>
          tpu.enqueue_indirect_dma source(%dma_start3A_451 : memref<10000x128xf32, #tpu.memory_space<hbm>>) target(%dma_start3A_445 : memref<128x128xf32, #tpu.memory_space<vmem>>) offsets(%dma_start3A_448 : memref<128xi32, #tpu.memory_space<vmem>>) semaphore(%arg16 : memref<!tpu.dma_semaphore, #tpu.memory_space<semaphore_mem>>)
        } else {
        }
        %dma_wait3A_359 = arith.constant 0 : i32
        %dma_wait3A_360 = arith.constant 0 : i32
        %dma_wait3A_361 = arith.constant 0 : i32
        %dma_wait3A_362 = tpu.memref_slice %arg10[%dma_wait3A_359, %dma_wait3A_360, %dma_wait3A_361] : memref<2x128x128xf32, #tpu.memory_space<vmem>> -> memref<1x128x128xf32, #tpu.memory_space<vmem>>
        %dma_wait3A_363 = tpu.memref_squeeze %dma_wait3A_362 : memref<1x128x128xf32, #tpu.memory_space<vmem>> -> memref<128x128xf32, #tpu.memory_space<vmem>>
        %dma_wait3A_364 = arith.constant 0 : i32
        %dma_wait3A_365 = arith.constant 0 : i32
        %dma_wait3A_366 = tpu.memref_slice %arg2[%dma_wait3A_364, %dma_wait3A_365] : memref<10000x128xf32, #tpu.memory_space<hbm>> -> memref<128x128xf32, #tpu.memory_space<hbm>>
        %dma_wait3A_367 = arith.constant 0 : i32
        %dma_wait3A_368 = arith.constant 0 : i32
        %dma_wait3A_369 = tpu.memref_slice %arg10[%dma_wait3A_359, %dma_wait3A_367, %dma_wait3A_368] : memref<2x128x128xf32, #tpu.memory_space<vmem>> -> memref<1x128x128xf32, #tpu.memory_space<vmem>>
        %dma_wait3A_370 = tpu.memref_squeeze %dma_wait3A_369 : memref<1x128x128xf32, #tpu.memory_space<vmem>> -> memref<128x128xf32, #tpu.memory_space<vmem>>
        %dma_wait3A_371 = arith.constant 0 : i32
        %dma_wait3A_372 = arith.constant 0 : i32
        %dma_wait3A_373 = tpu.memref_slice %arg2[%dma_wait3A_371, %dma_wait3A_372] : memref<10000x128xf32, #tpu.memory_space<hbm>> -> memref<128x128xf32, #tpu.memory_space<hbm>>
        tpu.wait_dma2 semaphore(%arg15 : memref<!tpu.dma_semaphore, #tpu.memory_space<semaphore_mem>>) src(%dma_wait3A_373 : memref<128x128xf32, #tpu.memory_space<hbm>>) dst(%dma_wait3A_370 : memref<128x128xf32, #tpu.memory_space<vmem>>)
        %run_scoped3A_374 = arith.constant 0 : i32
        %run_scoped3A_375 = arith.constant 0 : i32
        "tpu.region"() ({
          %run_scoped3A_418 = tpu.sem_alloc : memref<!tpu.dma_semaphore, #tpu.memory_space<semaphore_mem>>
          %dma_start3A_419 = arith.constant 0 : i32
          %dma_start3A_420 = arith.constant 0 : i32
          %dma_start3A_421 = tpu.memref_slice %arg10[%run_scoped3A_374, %dma_start3A_419, %dma_start3A_420] : memref<2x128x128xf32, #tpu.memory_space<vmem>> -> memref<1x128x128xf32, #tpu.memory_space<vmem>>
          %dma_start3A_422 = tpu.memref_squeeze %dma_start3A_421 : memref<1x128x128xf32, #tpu.memory_space<vmem>> -> memref<128x128xf32, #tpu.memory_space<vmem>>
          %dma_start3A_423 = arith.constant 0 : i32
          %dma_start3A_424 = tpu.memref_slice %arg9[%run_scoped3A_375, %dma_start3A_423] : memref<2x128xi32, #tpu.memory_space<vmem>> -> memref<1x128xi32, #tpu.memory_space<vmem>>
          %dma_start3A_425 = tpu.memref_squeeze %dma_start3A_424 : memref<1x128xi32, #tpu.memory_space<vmem>> -> memref<128xi32, #tpu.memory_space<vmem>>
          %dma_start3A_426 = arith.constant 0 : i32
          %dma_start3A_427 = arith.constant 0 : i32
          %dma_start3A_428 = tpu.memref_slice %arg12[%dma_start3A_426, %dma_start3A_427] : memref<10240x128xf32, #tpu.memory_space<vmem_shared>> -> memref<10240x128xf32, #tpu.memory_space<vmem_shared>>
          tpu.enqueue_indirect_dma source(%dma_start3A_422 : memref<128x128xf32, #tpu.memory_space<vmem>>) target(%dma_start3A_428 : memref<10240x128xf32, #tpu.memory_space<vmem_shared>>) offsets(%dma_start3A_425 : memref<128xi32, #tpu.memory_space<vmem>>) semaphore(%run_scoped3A_418 : memref<!tpu.dma_semaphore, #tpu.memory_space<semaphore_mem>>) {add = true}
          %dma_wait3A_429 = arith.constant 0 : i32
          %dma_wait3A_430 = arith.constant 0 : i32
          %dma_wait3A_431 = tpu.memref_slice %arg10[%run_scoped3A_374, %dma_wait3A_429, %dma_wait3A_430] : memref<2x128x128xf32, #tpu.memory_space<vmem>> -> memref<1x128x128xf32, #tpu.memory_space<vmem>>
          %dma_wait3A_432 = tpu.memref_squeeze %dma_wait3A_431 : memref<1x128x128xf32, #tpu.memory_space<vmem>> -> memref<128x128xf32, #tpu.memory_space<vmem>>
          %dma_wait3A_433 = arith.constant 0 : i32
          %dma_wait3A_434 = tpu.memref_slice %arg9[%run_scoped3A_375, %dma_wait3A_433] : memref<2x128xi32, #tpu.memory_space<vmem>> -> memref<1x128xi32, #tpu.memory_space<vmem>>
          %dma_wait3A_435 = tpu.memref_squeeze %dma_wait3A_434 : memref<1x128xi32, #tpu.memory_space<vmem>> -> memref<128xi32, #tpu.memory_space<vmem>>
          %dma_wait3A_436 = arith.constant 0 : i32
          %dma_wait3A_437 = arith.constant 0 : i32
          %dma_wait3A_438 = tpu.memref_slice %arg12[%dma_wait3A_436, %dma_wait3A_437] : memref<10240x128xf32, #tpu.memory_space<vmem_shared>> -> memref<10240x128xf32, #tpu.memory_space<vmem_shared>>
          tpu.wait_indirect_dma semaphore(%run_scoped3A_418 : memref<!tpu.dma_semaphore, #tpu.memory_space<semaphore_mem>>) src(%dma_wait3A_432 : memref<128x128xf32, #tpu.memory_space<vmem>>) dst(%dma_wait3A_438 : memref<10240x128xf32, #tpu.memory_space<vmem_shared>>)
          tpu.yield
        }) : () -> ()
        %add3A_376 = arith.constant 2 : i32
        %add3A_377 = arith.addi %mul3A_351, %add3A_376 : i32
        %lt3A_378 = arith.constant 76 : i32
        %lt3A_379 = arith.cmpi slt, %add3A_377, %lt3A_378 : i32
        %convert_element_type3A_380 = arith.extui %lt3A_379 : i1 to i32
        %cond3A_381 = arith.constant 0 : i32
        %cond3A_382 = arith.cmpi ne, %convert_element_type3A_380, %cond3A_381 : i32
        scf.if %cond3A_382 {
          %add3A_418 = arith.constant 2 : i32
          %add3A_419 = arith.addi %mul3A_351, %add3A_418 : i32
          %mul3A_420 = arith.constant 128 : i32
          %mul3A_421 = arith.muli %add3A_419, %mul3A_420 : i32
          %add3A_422 = arith.addi %multiple_of3A, %mul3A_421 : i32
          %dma_start3A_423 = arith.constant 0 : i32
          %dma_start3A_424 = arith.constant 0 : i32
          %dma_start3A_425 = tpu.memref_slice %arg8[%dma_start3A_423, %dma_start3A_424] : memref<2x128xi32, #tpu.memory_space<vmem>> -> memref<1x128xi32, #tpu.memory_space<vmem>>
          %dma_start3A_426 = tpu.memref_squeeze %dma_start3A_425 : memref<1x128xi32, #tpu.memory_space<vmem>> -> memref<128xi32, #tpu.memory_space<vmem>>
          %dma_start3A_427 = tpu.memref_slice %arg3[%add3A_422] : memref<640000xi32, #tpu.memory_space<hbm>> -> memref<128xi32, #tpu.memory_space<hbm>>
          %dma_start3A_428 = arith.constant 0 : i32
          %dma_start3A_429 = tpu.memref_slice %arg8[%dma_start3A_423, %dma_start3A_428] : memref<2x128xi32, #tpu.memory_space<vmem>> -> memref<1x128xi32, #tpu.memory_space<vmem>>
          %dma_start3A_430 = tpu.memref_squeeze %dma_start3A_429 : memref<1x128xi32, #tpu.memory_space<vmem>> -> memref<128xi32, #tpu.memory_space<vmem>>
          %dma_start3A_431 = tpu.memref_slice %arg3[%add3A_422] : memref<640000xi32, #tpu.memory_space<hbm>> -> memref<128xi32, #tpu.memory_space<hbm>>
          tpu.enqueue_dma source(%dma_start3A_431 : memref<128xi32, #tpu.memory_space<hbm>>) target(%dma_start3A_430 : memref<128xi32, #tpu.memory_space<vmem>>) target_semaphore(%arg13 : memref<!tpu.dma_semaphore, #tpu.memory_space<semaphore_mem>>)
          %add3A_432 = arith.constant 320000 : i32
          %add3A_433 = arith.addi %add3A_432, %multiple_of3A : i32
          %mul3A_434 = arith.constant 128 : i32
          %mul3A_435 = arith.muli %add3A_419, %mul3A_434 : i32
          %add3A_436 = arith.addi %add3A_433, %mul3A_435 : i32
          %dma_start3A_437 = arith.constant 0 : i32
          %dma_start3A_438 = arith.constant 0 : i32
          %dma_start3A_439 = tpu.memref_slice %arg9[%dma_start3A_437, %dma_start3A_438] : memref<2x128xi32, #tpu.memory_space<vmem>> -> memref<1x128xi32, #tpu.memory_space<vmem>>
          %dma_start3A_440 = tpu.memref_squeeze %dma_start3A_439 : memref<1x128xi32, #tpu.memory_space<vmem>> -> memref<128xi32, #tpu.memory_space<vmem>>
          %dma_start3A_441 = tpu.memref_slice %arg3[%add3A_436] : memref<640000xi32, #tpu.memory_space<hbm>> -> memref<128xi32, #tpu.memory_space<hbm>>
          %dma_start3A_442 = arith.constant 0 : i32
          %dma_start3A_443 = tpu.memref_slice %arg9[%dma_start3A_437, %dma_start3A_442] : memref<2x128xi32, #tpu.memory_space<vmem>> -> memref<1x128xi32, #tpu.memory_space<vmem>>
          %dma_start3A_444 = tpu.memref_squeeze %dma_start3A_443 : memref<1x128xi32, #tpu.memory_space<vmem>> -> memref<128xi32, #tpu.memory_space<vmem>>
          %dma_start3A_445 = tpu.memref_slice %arg3[%add3A_436] : memref<640000xi32, #tpu.memory_space<hbm>> -> memref<128xi32, #tpu.memory_space<hbm>>
          tpu.enqueue_dma source(%dma_start3A_445 : memref<128xi32, #tpu.memory_space<hbm>>) target(%dma_start3A_444 : memref<128xi32, #tpu.memory_space<vmem>>) target_semaphore(%arg13 : memref<!tpu.dma_semaphore, #tpu.memory_space<semaphore_mem>>)
        } else {
        }
        %mul3A_383 = arith.constant 2 : i32
        %mul3A_384 = arith.muli %mul3A_383, %scan3A_349 : i32
        %add3A_385 = arith.constant 1 : i32
        %add3A_386 = arith.addi %mul3A_384, %add3A_385 : i32
        %add3A_387 = arith.constant 1 : i32
        %add3A_388 = arith.addi %add3A_386, %add3A_387 : i32
        %lt3A_389 = arith.constant 76 : i32
        %lt3A_390 = arith.cmpi slt, %add3A_388, %lt3A_389 : i32
        %convert_element_type3A_391 = arith.extui %lt3A_390 : i1 to i32
        %cond3A_392 = arith.constant 0 : i32
        %cond3A_393 = arith.cmpi ne, %convert_element_type3A_391, %cond3A_392 : i32
        scf.if %cond3A_393 {
          %dma_wait3A_418 = arith.constant 0 : i32
          %dma_wait3A_419 = arith.constant 0 : i32
          %dma_wait3A_420 = tpu.memref_slice %arg8[%dma_wait3A_418, %dma_wait3A_419] : memref<2x128xi32, #tpu.memory_space<vmem>> -> memref<1x128xi32, #tpu.memory_space<vmem>>
          %dma_wait3A_421 = tpu.memref_squeeze %dma_wait3A_420 : memref<1x128xi32, #tpu.memory_space<vmem>> -> memref<128xi32, #tpu.memory_space<vmem>>
          %dma_wait3A_422 = arith.constant 0 : i32
          %dma_wait3A_423 = tpu.memref_slice %arg3[%dma_wait3A_422] : memref<640000xi32, #tpu.memory_space<hbm>> -> memref<128xi32, #tpu.memory_space<hbm>>
          %dma_wait3A_424 = arith.constant 0 : i32
          %dma_wait3A_425 = tpu.memref_slice %arg8[%dma_wait3A_418, %dma_wait3A_424] : memref<2x128xi32, #tpu.memory_space<vmem>> -> memref<1x128xi32, #tpu.memory_space<vmem>>
          %dma_wait3A_426 = tpu.memref_squeeze %dma_wait3A_425 : memref<1x128xi32, #tpu.memory_space<vmem>> -> memref<128xi32, #tpu.memory_space<vmem>>
          %dma_wait3A_427 = arith.constant 0 : i32
          %dma_wait3A_428 = tpu.memref_slice %arg3[%dma_wait3A_427] : memref<640000xi32, #tpu.memory_space<hbm>> -> memref<128xi32, #tpu.memory_space<hbm>>
          tpu.wait_dma2 semaphore(%arg13 : memref<!tpu.dma_semaphore, #tpu.memory_space<semaphore_mem>>) src(%dma_wait3A_428 : memref<128xi32, #tpu.memory_space<hbm>>) dst(%dma_wait3A_426 : memref<128xi32, #tpu.memory_space<vmem>>)
          %dma_wait3A_429 = arith.constant 0 : i32
          %dma_wait3A_430 = arith.constant 0 : i32
          %dma_wait3A_431 = tpu.memref_slice %arg9[%dma_wait3A_429, %dma_wait3A_430] : memref<2x128xi32, #tpu.memory_space<vmem>> -> memref<1x128xi32, #tpu.memory_space<vmem>>
          %dma_wait3A_432 = tpu.memref_squeeze %dma_wait3A_431 : memref<1x128xi32, #tpu.memory_space<vmem>> -> memref<128xi32, #tpu.memory_space<vmem>>
          %dma_wait3A_433 = arith.constant 0 : i32
          %dma_wait3A_434 = tpu.memref_slice %arg3[%dma_wait3A_433] : memref<640000xi32, #tpu.memory_space<hbm>> -> memref<128xi32, #tpu.memory_space<hbm>>
          %dma_wait3A_435 = arith.constant 0 : i32
          %dma_wait3A_436 = tpu.memref_slice %arg9[%dma_wait3A_429, %dma_wait3A_435] : memref<2x128xi32, #tpu.memory_space<vmem>> -> memref<1x128xi32, #tpu.memory_space<vmem>>
          %dma_wait3A_437 = tpu.memref_squeeze %dma_wait3A_436 : memref<1x128xi32, #tpu.memory_space<vmem>> -> memref<128xi32, #tpu.memory_space<vmem>>
          %dma_wait3A_438 = arith.constant 0 : i32
          %dma_wait3A_439 = tpu.memref_slice %arg3[%dma_wait3A_438] : memref<640000xi32, #tpu.memory_space<hbm>> -> memref<128xi32, #tpu.memory_space<hbm>>
          tpu.wait_dma2 semaphore(%arg13 : memref<!tpu.dma_semaphore, #tpu.memory_space<semaphore_mem>>) src(%dma_wait3A_439 : memref<128xi32, #tpu.memory_space<hbm>>) dst(%dma_wait3A_437 : memref<128xi32, #tpu.memory_space<vmem>>)
          %dma_start3A_440 = arith.constant 0 : i32
          %dma_start3A_441 = arith.constant 0 : i32
          %dma_start3A_442 = arith.constant 0 : i32
          %dma_start3A_443 = arith.constant 0 : i32
          %dma_start3A_444 = tpu.memref_slice %arg10[%dma_start3A_441, %dma_start3A_442, %dma_start3A_443] : memref<2x128x128xf32, #tpu.memory_space<vmem>> -> memref<1x128x128xf32, #tpu.memory_space<vmem>>
          %dma_start3A_445 = tpu.memref_squeeze %dma_start3A_444 : memref<1x128x128xf32, #tpu.memory_space<vmem>> -> memref<128x128xf32, #tpu.memory_space<vmem>>
          %dma_start3A_446 = arith.constant 0 : i32
          %dma_start3A_447 = tpu.memref_slice %arg8[%dma_start3A_440, %dma_start3A_446] : memref<2x128xi32, #tpu.memory_space<vmem>> -> memref<1x128xi32, #tpu.memory_space<vmem>>
          %dma_start3A_448 = tpu.memref_squeeze %dma_start3A_447 : memref<1x128xi32, #tpu.memory_space<vmem>> -> memref<128xi32, #tpu.memory_space<vmem>>
          %dma_start3A_449 = arith.constant 0 : i32
          %dma_start3A_450 = arith.constant 0 : i32
          %dma_start3A_451 = tpu.memref_slice %arg2[%dma_start3A_449, %dma_start3A_450] : memref<10000x128xf32, #tpu.memory_space<hbm>> -> memref<10000x128xf32, #tpu.memory_space<hbm>>
          tpu.enqueue_indirect_dma source(%dma_start3A_451 : memref<10000x128xf32, #tpu.memory_space<hbm>>) target(%dma_start3A_445 : memref<128x128xf32, #tpu.memory_space<vmem>>) offsets(%dma_start3A_448 : memref<128xi32, #tpu.memory_space<vmem>>) semaphore(%arg15 : memref<!tpu.dma_semaphore, #tpu.memory_space<semaphore_mem>>)
        } else {
        }
        %dma_wait3A_394 = arith.constant 1 : i32
        %dma_wait3A_395 = arith.constant 0 : i32
        %dma_wait3A_396 = arith.constant 0 : i32
        %dma_wait3A_397 = tpu.memref_slice %arg10[%dma_wait3A_394, %dma_wait3A_395, %dma_wait3A_396] : memref<2x128x128xf32, #tpu.memory_space<vmem>> -> memref<1x128x128xf32, #tpu.memory_space<vmem>>
        %dma_wait3A_398 = tpu.memref_squeeze %dma_wait3A_397 : memref<1x128x128xf32, #tpu.memory_space<vmem>> -> memref<128x128xf32, #tpu.memory_space<vmem>>
        %dma_wait3A_399 = arith.constant 0 : i32
        %dma_wait3A_400 = arith.constant 0 : i32
        %dma_wait3A_401 = tpu.memref_slice %arg2[%dma_wait3A_399, %dma_wait3A_400] : memref<10000x128xf32, #tpu.memory_space<hbm>> -> memref<128x128xf32, #tpu.memory_space<hbm>>
        %dma_wait3A_402 = arith.constant 0 : i32
        %dma_wait3A_403 = arith.constant 0 : i32
        %dma_wait3A_404 = tpu.memref_slice %arg10[%dma_wait3A_394, %dma_wait3A_402, %dma_wait3A_403] : memref<2x128x128xf32, #tpu.memory_space<vmem>> -> memref<1x128x128xf32, #tpu.memory_space<vmem>>
        %dma_wait3A_405 = tpu.memref_squeeze %dma_wait3A_404 : memref<1x128x128xf32, #tpu.memory_space<vmem>> -> memref<128x128xf32, #tpu.memory_space<vmem>>
        %dma_wait3A_406 = arith.constant 0 : i32
        %dma_wait3A_407 = arith.constant 0 : i32
        %dma_wait3A_408 = tpu.memref_slice %arg2[%dma_wait3A_406, %dma_wait3A_407] : memref<10000x128xf32, #tpu.memory_space<hbm>> -> memref<128x128xf32, #tpu.memory_space<hbm>>
        tpu.wait_dma2 semaphore(%arg16 : memref<!tpu.dma_semaphore, #tpu.memory_space<semaphore_mem>>) src(%dma_wait3A_408 : memref<128x128xf32, #tpu.memory_space<hbm>>) dst(%dma_wait3A_405 : memref<128x128xf32, #tpu.memory_space<vmem>>)
        %run_scoped3A_409 = arith.constant 1 : i32
        %run_scoped3A_410 = arith.constant 1 : i32
        "tpu.region"() ({
          %run_scoped3A_418 = tpu.sem_alloc : memref<!tpu.dma_semaphore, #tpu.memory_space<semaphore_mem>>
          %dma_start3A_419 = arith.constant 0 : i32
          %dma_start3A_420 = arith.constant 0 : i32
          %dma_start3A_421 = tpu.memref_slice %arg10[%run_scoped3A_409, %dma_start3A_419, %dma_start3A_420] : memref<2x128x128xf32, #tpu.memory_space<vmem>> -> memref<1x128x128xf32, #tpu.memory_space<vmem>>
          %dma_start3A_422 = tpu.memref_squeeze %dma_start3A_421 : memref<1x128x128xf32, #tpu.memory_space<vmem>> -> memref<128x128xf32, #tpu.memory_space<vmem>>
          %dma_start3A_423 = arith.constant 0 : i32
          %dma_start3A_424 = tpu.memref_slice %arg9[%run_scoped3A_410, %dma_start3A_423] : memref<2x128xi32, #tpu.memory_space<vmem>> -> memref<1x128xi32, #tpu.memory_space<vmem>>
          %dma_start3A_425 = tpu.memref_squeeze %dma_start3A_424 : memref<1x128xi32, #tpu.memory_space<vmem>> -> memref<128xi32, #tpu.memory_space<vmem>>
          %dma_start3A_426 = arith.constant 0 : i32
          %dma_start3A_427 = arith.constant 0 : i32
          %dma_start3A_428 = tpu.memref_slice %arg12[%dma_start3A_426, %dma_start3A_427] : memref<10240x128xf32, #tpu.memory_space<vmem_shared>> -> memref<10240x128xf32, #tpu.memory_space<vmem_shared>>
          tpu.enqueue_indirect_dma source(%dma_start3A_422 : memref<128x128xf32, #tpu.memory_space<vmem>>) target(%dma_start3A_428 : memref<10240x128xf32, #tpu.memory_space<vmem_shared>>) offsets(%dma_start3A_425 : memref<128xi32, #tpu.memory_space<vmem>>) semaphore(%run_scoped3A_418 : memref<!tpu.dma_semaphore, #tpu.memory_space<semaphore_mem>>) {add = true}
          %dma_wait3A_429 = arith.constant 0 : i32
          %dma_wait3A_430 = arith.constant 0 : i32
          %dma_wait3A_431 = tpu.memref_slice %arg10[%run_scoped3A_409, %dma_wait3A_429, %dma_wait3A_430] : memref<2x128x128xf32, #tpu.memory_space<vmem>> -> memref<1x128x128xf32, #tpu.memory_space<vmem>>
          %dma_wait3A_432 = tpu.memref_squeeze %dma_wait3A_431 : memref<1x128x128xf32, #tpu.memory_space<vmem>> -> memref<128x128xf32, #tpu.memory_space<vmem>>
          %dma_wait3A_433 = arith.constant 0 : i32
          %dma_wait3A_434 = tpu.memref_slice %arg9[%run_scoped3A_410, %dma_wait3A_433] : memref<2x128xi32, #tpu.memory_space<vmem>> -> memref<1x128xi32, #tpu.memory_space<vmem>>
          %dma_wait3A_435 = tpu.memref_squeeze %dma_wait3A_434 : memref<1x128xi32, #tpu.memory_space<vmem>> -> memref<128xi32, #tpu.memory_space<vmem>>
          %dma_wait3A_436 = arith.constant 0 : i32
          %dma_wait3A_437 = arith.constant 0 : i32
          %dma_wait3A_438 = tpu.memref_slice %arg12[%dma_wait3A_436, %dma_wait3A_437] : memref<10240x128xf32, #tpu.memory_space<vmem_shared>> -> memref<10240x128xf32, #tpu.memory_space<vmem_shared>>
          tpu.wait_indirect_dma semaphore(%run_scoped3A_418 : memref<!tpu.dma_semaphore, #tpu.memory_space<semaphore_mem>>) src(%dma_wait3A_432 : memref<128x128xf32, #tpu.memory_space<vmem>>) dst(%dma_wait3A_438 : memref<10240x128xf32, #tpu.memory_space<vmem_shared>>)
          tpu.yield
        }) : () -> ()
        %add3A_411 = arith.constant 2 : i32
        %add3A_412 = arith.addi %add3A_386, %add3A_411 : i32
        %lt3A_413 = arith.constant 76 : i32
        %lt3A_414 = arith.cmpi slt, %add3A_412, %lt3A_413 : i32
        %convert_element_type3A_415 = arith.extui %lt3A_414 : i1 to i32
        %cond3A_416 = arith.constant 0 : i32
        %cond3A_417 = arith.cmpi ne, %convert_element_type3A_415, %cond3A_416 : i32
        scf.if %cond3A_417 {
          %add3A_418 = arith.constant 2 : i32
          %add3A_419 = arith.addi %add3A_386, %add3A_418 : i32
          %mul3A_420 = arith.constant 128 : i32
          %mul3A_421 = arith.muli %add3A_419, %mul3A_420 : i32
          %add3A_422 = arith.addi %multiple_of3A, %mul3A_421 : i32
          %dma_start3A_423 = arith.constant 1 : i32
          %dma_start3A_424 = arith.constant 0 : i32
          %dma_start3A_425 = tpu.memref_slice %arg8[%dma_start3A_423, %dma_start3A_424] : memref<2x128xi32, #tpu.memory_space<vmem>> -> memref<1x128xi32, #tpu.memory_space<vmem>>
          %dma_start3A_426 = tpu.memref_squeeze %dma_start3A_425 : memref<1x128xi32, #tpu.memory_space<vmem>> -> memref<128xi32, #tpu.memory_space<vmem>>
          %dma_start3A_427 = tpu.memref_slice %arg3[%add3A_422] : memref<640000xi32, #tpu.memory_space<hbm>> -> memref<128xi32, #tpu.memory_space<hbm>>
          %dma_start3A_428 = arith.constant 0 : i32
          %dma_start3A_429 = tpu.memref_slice %arg8[%dma_start3A_423, %dma_start3A_428] : memref<2x128xi32, #tpu.memory_space<vmem>> -> memref<1x128xi32, #tpu.memory_space<vmem>>
          %dma_start3A_430 = tpu.memref_squeeze %dma_start3A_429 : memref<1x128xi32, #tpu.memory_space<vmem>> -> memref<128xi32, #tpu.memory_space<vmem>>
          %dma_start3A_431 = tpu.memref_slice %arg3[%add3A_422] : memref<640000xi32, #tpu.memory_space<hbm>> -> memref<128xi32, #tpu.memory_space<hbm>>
          tpu.enqueue_dma source(%dma_start3A_431 : memref<128xi32, #tpu.memory_space<hbm>>) target(%dma_start3A_430 : memref<128xi32, #tpu.memory_space<vmem>>) target_semaphore(%arg14 : memref<!tpu.dma_semaphore, #tpu.memory_space<semaphore_mem>>)
          %add3A_432 = arith.constant 320000 : i32
          %add3A_433 = arith.addi %add3A_432, %multiple_of3A : i32
          %mul3A_434 = arith.constant 128 : i32
          %mul3A_435 = arith.muli %add3A_419, %mul3A_434 : i32
          %add3A_436 = arith.addi %add3A_433, %mul3A_435 : i32
          %dma_start3A_437 = arith.constant 1 : i32
          %dma_start3A_438 = arith.constant 0 : i32
          %dma_start3A_439 = tpu.memref_slice %arg9[%dma_start3A_437, %dma_start3A_438] : memref<2x128xi32, #tpu.memory_space<vmem>> -> memref<1x128xi32, #tpu.memory_space<vmem>>
          %dma_start3A_440 = tpu.memref_squeeze %dma_start3A_439 : memref<1x128xi32, #tpu.memory_space<vmem>> -> memref<128xi32, #tpu.memory_space<vmem>>
          %dma_start3A_441 = tpu.memref_slice %arg3[%add3A_436] : memref<640000xi32, #tpu.memory_space<hbm>> -> memref<128xi32, #tpu.memory_space<hbm>>
          %dma_start3A_442 = arith.constant 0 : i32
          %dma_start3A_443 = tpu.memref_slice %arg9[%dma_start3A_437, %dma_start3A_442] : memref<2x128xi32, #tpu.memory_space<vmem>> -> memref<1x128xi32, #tpu.memory_space<vmem>>
          %dma_start3A_444 = tpu.memref_squeeze %dma_start3A_443 : memref<1x128xi32, #tpu.memory_space<vmem>> -> memref<128xi32, #tpu.memory_space<vmem>>
          %dma_start3A_445 = tpu.memref_slice %arg3[%add3A_436] : memref<640000xi32, #tpu.memory_space<hbm>> -> memref<128xi32, #tpu.memory_space<hbm>>
          tpu.enqueue_dma source(%dma_start3A_445 : memref<128xi32, #tpu.memory_space<hbm>>) target(%dma_start3A_444 : memref<128xi32, #tpu.memory_space<vmem>>) target_semaphore(%arg14 : memref<!tpu.dma_semaphore, #tpu.memory_space<semaphore_mem>>)
        } else {
        }
      }
      %scan3A_348 = arith.constant 38 : i32
    } else {
    }
    %eq3A_133 = arith.constant 1 : i32
    %eq3A_134 = arith.cmpi eq, %arg0, %eq3A_133 : i32
    %lt3A = arith.constant 4 : i32
    %lt3A_135 = arith.cmpi slt, %arg1, %lt3A : i32
    %and3A = arith.andi %eq3A_134, %lt3A_135 : i1
    %convert_element_type3A_136 = arith.extui %and3A : i1 to i32
    %cond3A_137 = arith.constant 0 : i32
    %cond3A_138 = arith.cmpi ne, %convert_element_type3A_136, %cond3A_137 : i32
    scf.if %cond3A_138 {
      %run_scoped3A_344 = arith.constant 0 : i32
      "tpu.region"() ({
        %run_scoped3A_350 = tpu.sem_alloc : memref<!tpu.dma_semaphore, #tpu.memory_space<semaphore_mem>>
        %dma_start3A_351 = arith.constant 0 : i32
        %dma_start3A_352 = tpu.memref_slice %arg8[%run_scoped3A_344, %dma_start3A_351] : memref<2x128xi32, #tpu.memory_space<vmem>> -> memref<1x128xi32, #tpu.memory_space<vmem>>
        %dma_start3A_353 = tpu.memref_squeeze %dma_start3A_352 : memref<1x128xi32, #tpu.memory_space<vmem>> -> memref<128xi32, #tpu.memory_space<vmem>>
        %dma_start3A_354 = arith.constant 0 : i32
        %dma_start3A_355 = tpu.memref_slice %arg4[%arg1, %dma_start3A_354] : memref<4x128xi32, #tpu.memory_space<hbm>> -> memref<1x128xi32, #tpu.memory_space<hbm>>
        %dma_start3A_356 = tpu.memref_squeeze %dma_start3A_355 : memref<1x128xi32, #tpu.memory_space<hbm>> -> memref<128xi32, #tpu.memory_space<hbm>>
        %dma_start3A_357 = arith.constant 0 : i32
        %dma_start3A_358 = tpu.memref_slice %arg8[%run_scoped3A_344, %dma_start3A_357] : memref<2x128xi32, #tpu.memory_space<vmem>> -> memref<1x128xi32, #tpu.memory_space<vmem>>
        %dma_start3A_359 = tpu.memref_squeeze %dma_start3A_358 : memref<1x128xi32, #tpu.memory_space<vmem>> -> memref<128xi32, #tpu.memory_space<vmem>>
        %dma_start3A_360 = arith.constant 0 : i32
        %dma_start3A_361 = tpu.memref_slice %arg4[%arg1, %dma_start3A_360] : memref<4x128xi32, #tpu.memory_space<hbm>> -> memref<1x128xi32, #tpu.memory_space<hbm>>
        %dma_start3A_362 = tpu.memref_squeeze %dma_start3A_361 : memref<1x128xi32, #tpu.memory_space<hbm>> -> memref<128xi32, #tpu.memory_space<hbm>>
        tpu.enqueue_dma source(%dma_start3A_362 : memref<128xi32, #tpu.memory_space<hbm>>) target(%dma_start3A_359 : memref<128xi32, #tpu.memory_space<vmem>>) target_semaphore(%run_scoped3A_350 : memref<!tpu.dma_semaphore, #tpu.memory_space<semaphore_mem>>)
        %dma_wait3A_363 = arith.constant 0 : i32
        %dma_wait3A_364 = tpu.memref_slice %arg8[%run_scoped3A_344, %dma_wait3A_363] : memref<2x128xi32, #tpu.memory_space<vmem>> -> memref<1x128xi32, #tpu.memory_space<vmem>>
        %dma_wait3A_365 = tpu.memref_squeeze %dma_wait3A_364 : memref<1x128xi32, #tpu.memory_space<vmem>> -> memref<128xi32, #tpu.memory_space<vmem>>
        %dma_wait3A_366 = arith.constant 0 : i32
        %dma_wait3A_367 = tpu.memref_slice %arg4[%arg1, %dma_wait3A_366] : memref<4x128xi32, #tpu.memory_space<hbm>> -> memref<1x128xi32, #tpu.memory_space<hbm>>
        %dma_wait3A_368 = tpu.memref_squeeze %dma_wait3A_367 : memref<1x128xi32, #tpu.memory_space<hbm>> -> memref<128xi32, #tpu.memory_space<hbm>>
        %dma_wait3A_369 = arith.constant 0 : i32
        %dma_wait3A_370 = tpu.memref_slice %arg8[%run_scoped3A_344, %dma_wait3A_369] : memref<2x128xi32, #tpu.memory_space<vmem>> -> memref<1x128xi32, #tpu.memory_space<vmem>>
        %dma_wait3A_371 = tpu.memref_squeeze %dma_wait3A_370 : memref<1x128xi32, #tpu.memory_space<vmem>> -> memref<128xi32, #tpu.memory_space<vmem>>
        %dma_wait3A_372 = arith.constant 0 : i32
        %dma_wait3A_373 = tpu.memref_slice %arg4[%arg1, %dma_wait3A_372] : memref<4x128xi32, #tpu.memory_space<hbm>> -> memref<1x128xi32, #tpu.memory_space<hbm>>
        %dma_wait3A_374 = tpu.memref_squeeze %dma_wait3A_373 : memref<1x128xi32, #tpu.memory_space<hbm>> -> memref<128xi32, #tpu.memory_space<hbm>>
        tpu.wait_dma2 semaphore(%run_scoped3A_350 : memref<!tpu.dma_semaphore, #tpu.memory_space<semaphore_mem>>) src(%dma_wait3A_374 : memref<128xi32, #tpu.memory_space<hbm>>) dst(%dma_wait3A_371 : memref<128xi32, #tpu.memory_space<vmem>>)
        tpu.yield
      }) : () -> ()
      %run_scoped3A_345 = arith.constant 0 : i32
      "tpu.region"() ({
        %run_scoped3A_350 = tpu.sem_alloc : memref<!tpu.dma_semaphore, #tpu.memory_space<semaphore_mem>>
        %dma_start3A_351 = arith.constant 0 : i32
        %dma_start3A_352 = tpu.memref_slice %arg9[%run_scoped3A_345, %dma_start3A_351] : memref<2x128xi32, #tpu.memory_space<vmem>> -> memref<1x128xi32, #tpu.memory_space<vmem>>
        %dma_start3A_353 = tpu.memref_squeeze %dma_start3A_352 : memref<1x128xi32, #tpu.memory_space<vmem>> -> memref<128xi32, #tpu.memory_space<vmem>>
        %dma_start3A_354 = arith.constant 0 : i32
        %dma_start3A_355 = tpu.memref_slice %arg5[%arg1, %dma_start3A_354] : memref<4x128xi32, #tpu.memory_space<hbm>> -> memref<1x128xi32, #tpu.memory_space<hbm>>
        %dma_start3A_356 = tpu.memref_squeeze %dma_start3A_355 : memref<1x128xi32, #tpu.memory_space<hbm>> -> memref<128xi32, #tpu.memory_space<hbm>>
        %dma_start3A_357 = arith.constant 0 : i32
        %dma_start3A_358 = tpu.memref_slice %arg9[%run_scoped3A_345, %dma_start3A_357] : memref<2x128xi32, #tpu.memory_space<vmem>> -> memref<1x128xi32, #tpu.memory_space<vmem>>
        %dma_start3A_359 = tpu.memref_squeeze %dma_start3A_358 : memref<1x128xi32, #tpu.memory_space<vmem>> -> memref<128xi32, #tpu.memory_space<vmem>>
        %dma_start3A_360 = arith.constant 0 : i32
        %dma_start3A_361 = tpu.memref_slice %arg5[%arg1, %dma_start3A_360] : memref<4x128xi32, #tpu.memory_space<hbm>> -> memref<1x128xi32, #tpu.memory_space<hbm>>
        %dma_start3A_362 = tpu.memref_squeeze %dma_start3A_361 : memref<1x128xi32, #tpu.memory_space<hbm>> -> memref<128xi32, #tpu.memory_space<hbm>>
        tpu.enqueue_dma source(%dma_start3A_362 : memref<128xi32, #tpu.memory_space<hbm>>) target(%dma_start3A_359 : memref<128xi32, #tpu.memory_space<vmem>>) target_semaphore(%run_scoped3A_350 : memref<!tpu.dma_semaphore, #tpu.memory_space<semaphore_mem>>)
        %dma_wait3A_363 = arith.constant 0 : i32
        %dma_wait3A_364 = tpu.memref_slice %arg9[%run_scoped3A_345, %dma_wait3A_363] : memref<2x128xi32, #tpu.memory_space<vmem>> -> memref<1x128xi32, #tpu.memory_space<vmem>>
        %dma_wait3A_365 = tpu.memref_squeeze %dma_wait3A_364 : memref<1x128xi32, #tpu.memory_space<vmem>> -> memref<128xi32, #tpu.memory_space<vmem>>
        %dma_wait3A_366 = arith.constant 0 : i32
        %dma_wait3A_367 = tpu.memref_slice %arg5[%arg1, %dma_wait3A_366] : memref<4x128xi32, #tpu.memory_space<hbm>> -> memref<1x128xi32, #tpu.memory_space<hbm>>
        %dma_wait3A_368 = tpu.memref_squeeze %dma_wait3A_367 : memref<1x128xi32, #tpu.memory_space<hbm>> -> memref<128xi32, #tpu.memory_space<hbm>>
        %dma_wait3A_369 = arith.constant 0 : i32
        %dma_wait3A_370 = tpu.memref_slice %arg9[%run_scoped3A_345, %dma_wait3A_369] : memref<2x128xi32, #tpu.memory_space<vmem>> -> memref<1x128xi32, #tpu.memory_space<vmem>>
        %dma_wait3A_371 = tpu.memref_squeeze %dma_wait3A_370 : memref<1x128xi32, #tpu.memory_space<vmem>> -> memref<128xi32, #tpu.memory_space<vmem>>
        %dma_wait3A_372 = arith.constant 0 : i32
        %dma_wait3A_373 = tpu.memref_slice %arg5[%arg1, %dma_wait3A_372] : memref<4x128xi32, #tpu.memory_space<hbm>> -> memref<1x128xi32, #tpu.memory_space<hbm>>
        %dma_wait3A_374 = tpu.memref_squeeze %dma_wait3A_373 : memref<1x128xi32, #tpu.memory_space<hbm>> -> memref<128xi32, #tpu.memory_space<hbm>>
        tpu.wait_dma2 semaphore(%run_scoped3A_350 : memref<!tpu.dma_semaphore, #tpu.memory_space<semaphore_mem>>) src(%dma_wait3A_374 : memref<128xi32, #tpu.memory_space<hbm>>) dst(%dma_wait3A_371 : memref<128xi32, #tpu.memory_space<vmem>>)
        tpu.yield
      }) : () -> ()
      %run_scoped3A_346 = arith.constant 0 : i32
      %run_scoped3A_347 = arith.constant 0 : i32
      "tpu.region"() ({
        %run_scoped3A_350 = tpu.sem_alloc : memref<!tpu.dma_semaphore, #tpu.memory_space<semaphore_mem>>
        %dma_start3A_351 = arith.constant 0 : i32
        %dma_start3A_352 = arith.constant 0 : i32
        %dma_start3A_353 = tpu.memref_slice %arg10[%run_scoped3A_347, %dma_start3A_351, %dma_start3A_352] : memref<2x128x128xf32, #tpu.memory_space<vmem>> -> memref<1x128x128xf32, #tpu.memory_space<vmem>>
        %dma_start3A_354 = tpu.memref_squeeze %dma_start3A_353 : memref<1x128x128xf32, #tpu.memory_space<vmem>> -> memref<128x128xf32, #tpu.memory_space<vmem>>
        %dma_start3A_355 = arith.constant 0 : i32
        %dma_start3A_356 = tpu.memref_slice %arg8[%run_scoped3A_346, %dma_start3A_355] : memref<2x128xi32, #tpu.memory_space<vmem>> -> memref<1x128xi32, #tpu.memory_space<vmem>>
        %dma_start3A_357 = tpu.memref_squeeze %dma_start3A_356 : memref<1x128xi32, #tpu.memory_space<vmem>> -> memref<128xi32, #tpu.memory_space<vmem>>
        %dma_start3A_358 = arith.constant 0 : i32
        %dma_start3A_359 = arith.constant 0 : i32
        %dma_start3A_360 = tpu.memref_slice %arg2[%dma_start3A_358, %dma_start3A_359] : memref<10000x128xf32, #tpu.memory_space<hbm>> -> memref<10000x128xf32, #tpu.memory_space<hbm>>
        tpu.enqueue_indirect_dma source(%dma_start3A_360 : memref<10000x128xf32, #tpu.memory_space<hbm>>) target(%dma_start3A_354 : memref<128x128xf32, #tpu.memory_space<vmem>>) offsets(%dma_start3A_357 : memref<128xi32, #tpu.memory_space<vmem>>) semaphore(%run_scoped3A_350 : memref<!tpu.dma_semaphore, #tpu.memory_space<semaphore_mem>>)
        %dma_wait3A_361 = arith.constant 0 : i32
        %dma_wait3A_362 = arith.constant 0 : i32
        %dma_wait3A_363 = tpu.memref_slice %arg10[%run_scoped3A_347, %dma_wait3A_361, %dma_wait3A_362] : memref<2x128x128xf32, #tpu.memory_space<vmem>> -> memref<1x128x128xf32, #tpu.memory_space<vmem>>
        %dma_wait3A_364 = tpu.memref_squeeze %dma_wait3A_363 : memref<1x128x128xf32, #tpu.memory_space<vmem>> -> memref<128x128xf32, #tpu.memory_space<vmem>>
        %dma_wait3A_365 = arith.constant 0 : i32
        %dma_wait3A_366 = tpu.memref_slice %arg8[%run_scoped3A_346, %dma_wait3A_365] : memref<2x128xi32, #tpu.memory_space<vmem>> -> memref<1x128xi32, #tpu.memory_space<vmem>>
        %dma_wait3A_367 = tpu.memref_squeeze %dma_wait3A_366 : memref<1x128xi32, #tpu.memory_space<vmem>> -> memref<128xi32, #tpu.memory_space<vmem>>
        %dma_wait3A_368 = arith.constant 0 : i32
        %dma_wait3A_369 = arith.constant 0 : i32
        %dma_wait3A_370 = tpu.memref_slice %arg2[%dma_wait3A_368, %dma_wait3A_369] : memref<10000x128xf32, #tpu.memory_space<hbm>> -> memref<10000x128xf32, #tpu.memory_space<hbm>>
        tpu.wait_indirect_dma semaphore(%run_scoped3A_350 : memref<!tpu.dma_semaphore, #tpu.memory_space<semaphore_mem>>) src(%dma_wait3A_370 : memref<10000x128xf32, #tpu.memory_space<hbm>>) dst(%dma_wait3A_364 : memref<128x128xf32, #tpu.memory_space<vmem>>)
        tpu.yield
      }) : () -> ()
      %run_scoped3A_348 = arith.constant 0 : i32
      %run_scoped3A_349 = arith.constant 0 : i32
      "tpu.region"() ({
        %run_scoped3A_350 = tpu.sem_alloc : memref<!tpu.dma_semaphore, #tpu.memory_space<semaphore_mem>>
        %dma_start3A_351 = arith.constant 0 : i32
        %dma_start3A_352 = arith.constant 0 : i32
        %dma_start3A_353 = tpu.memref_slice %arg10[%run_scoped3A_348, %dma_start3A_351, %dma_start3A_352] : memref<2x128x128xf32, #tpu.memory_space<vmem>> -> memref<1x128x128xf32, #tpu.memory_space<vmem>>
        %dma_start3A_354 = tpu.memref_squeeze %dma_start3A_353 : memref<1x128x128xf32, #tpu.memory_space<vmem>> -> memref<128x128xf32, #tpu.memory_space<vmem>>
        %dma_start3A_355 = arith.constant 0 : i32
        %dma_start3A_356 = tpu.memref_slice %arg9[%run_scoped3A_349, %dma_start3A_355] : memref<2x128xi32, #tpu.memory_space<vmem>> -> memref<1x128xi32, #tpu.memory_space<vmem>>
        %dma_start3A_357 = tpu.memref_squeeze %dma_start3A_356 : memref<1x128xi32, #tpu.memory_space<vmem>> -> memref<128xi32, #tpu.memory_space<vmem>>
        %dma_start3A_358 = arith.constant 0 : i32
        %dma_start3A_359 = arith.constant 0 : i32
        %dma_start3A_360 = tpu.memref_slice %arg12[%dma_start3A_358, %dma_start3A_359] : memref<10240x128xf32, #tpu.memory_space<vmem_shared>> -> memref<10240x128xf32, #tpu.memory_space<vmem_shared>>
        tpu.enqueue_indirect_dma source(%dma_start3A_354 : memref<128x128xf32, #tpu.memory_space<vmem>>) target(%dma_start3A_360 : memref<10240x128xf32, #tpu.memory_space<vmem_shared>>) offsets(%dma_start3A_357 : memref<128xi32, #tpu.memory_space<vmem>>) semaphore(%run_scoped3A_350 : memref<!tpu.dma_semaphore, #tpu.memory_space<semaphore_mem>>) {add = true}
        %dma_wait3A_361 = arith.constant 0 : i32
        %dma_wait3A_362 = arith.constant 0 : i32
        %dma_wait3A_363 = tpu.memref_slice %arg10[%run_scoped3A_348, %dma_wait3A_361, %dma_wait3A_362] : memref<2x128x128xf32, #tpu.memory_space<vmem>> -> memref<1x128x128xf32, #tpu.memory_space<vmem>>
        %dma_wait3A_364 = tpu.memref_squeeze %dma_wait3A_363 : memref<1x128x128xf32, #tpu.memory_space<vmem>> -> memref<128x128xf32, #tpu.memory_space<vmem>>
        %dma_wait3A_365 = arith.constant 0 : i32
        %dma_wait3A_366 = tpu.memref_slice %arg9[%run_scoped3A_349, %dma_wait3A_365] : memref<2x128xi32, #tpu.memory_space<vmem>> -> memref<1x128xi32, #tpu.memory_space<vmem>>
        %dma_wait3A_367 = tpu.memref_squeeze %dma_wait3A_366 : memref<1x128xi32, #tpu.memory_space<vmem>> -> memref<128xi32, #tpu.memory_space<vmem>>
        %dma_wait3A_368 = arith.constant 0 : i32
        %dma_wait3A_369 = arith.constant 0 : i32
        %dma_wait3A_370 = tpu.memref_slice %arg12[%dma_wait3A_368, %dma_wait3A_369] : memref<10240x128xf32, #tpu.memory_space<vmem_shared>> -> memref<10240x128xf32, #tpu.memory_space<vmem_shared>>
        tpu.wait_indirect_dma semaphore(%run_scoped3A_350 : memref<!tpu.dma_semaphore, #tpu.memory_space<semaphore_mem>>) src(%dma_wait3A_364 : memref<128x128xf32, #tpu.memory_space<vmem>>) dst(%dma_wait3A_370 : memref<10240x128xf32, #tpu.memory_space<vmem_shared>>)
        tpu.yield
      }) : () -> ()
    } else {
    }
    %barrier3A_139 = arith.constant 0 : index
    tpu.barrier barrier_id(%barrier3A_139)
    %mul3A_140 = arith.constant 640 : i32
    %mul3A_141 = arith.muli %arg1, %mul3A_140 : i32
    %add3A_142 = arith.constant 0 : i32
    %add3A_143 = arith.addi %mul3A_141, %add3A_142 : i32
    %run_scoped3A = arith.constant 0 : i32
    "tpu.region"() ({
      %run_scoped3A_344 = tpu.sem_alloc : memref<!tpu.dma_semaphore, #tpu.memory_space<semaphore_mem>>
      %dma_start3A_345 = arith.constant 0 : i32
      %dma_start3A_346 = arith.constant 0 : i32
      %dma_start3A_347 = tpu.memref_slice %arg10[%run_scoped3A, %dma_start3A_345, %dma_start3A_346] : memref<2x128x128xf32, #tpu.memory_space<vmem>> -> memref<1x128x128xf32, #tpu.memory_space<vmem>>
      %dma_start3A_348 = tpu.memref_squeeze %dma_start3A_347 : memref<1x128x128xf32, #tpu.memory_space<vmem>> -> memref<128x128xf32, #tpu.memory_space<vmem>>
      %dma_start3A_349 = arith.constant 0 : i32
      %dma_start3A_350 = tpu.memref_slice %arg12[%add3A_143, %dma_start3A_349] : memref<10240x128xf32, #tpu.memory_space<vmem_shared>> -> memref<128x128xf32, #tpu.memory_space<vmem_shared>>
      %dma_start3A_351 = arith.constant 0 : i32
      %dma_start3A_352 = arith.constant 0 : i32
      %dma_start3A_353 = tpu.memref_slice %arg10[%run_scoped3A, %dma_start3A_351, %dma_start3A_352] : memref<2x128x128xf32, #tpu.memory_space<vmem>> -> memref<1x128x128xf32, #tpu.memory_space<vmem>>
      %dma_start3A_354 = tpu.memref_squeeze %dma_start3A_353 : memref<1x128x128xf32, #tpu.memory_space<vmem>> -> memref<128x128xf32, #tpu.memory_space<vmem>>
      %dma_start3A_355 = arith.constant 0 : i32
      %dma_start3A_356 = tpu.memref_slice %arg12[%add3A_143, %dma_start3A_355] : memref<10240x128xf32, #tpu.memory_space<vmem_shared>> -> memref<128x128xf32, #tpu.memory_space<vmem_shared>>
      tpu.enqueue_dma source(%dma_start3A_356 : memref<128x128xf32, #tpu.memory_space<vmem_shared>>) target(%dma_start3A_354 : memref<128x128xf32, #tpu.memory_space<vmem>>) target_semaphore(%run_scoped3A_344 : memref<!tpu.dma_semaphore, #tpu.memory_space<semaphore_mem>>)
      %dma_wait3A_357 = arith.constant 0 : i32
      %dma_wait3A_358 = arith.constant 0 : i32
      %dma_wait3A_359 = tpu.memref_slice %arg10[%run_scoped3A, %dma_wait3A_357, %dma_wait3A_358] : memref<2x128x128xf32, #tpu.memory_space<vmem>> -> memref<1x128x128xf32, #tpu.memory_space<vmem>>
      %dma_wait3A_360 = tpu.memref_squeeze %dma_wait3A_359 : memref<1x128x128xf32, #tpu.memory_space<vmem>> -> memref<128x128xf32, #tpu.memory_space<vmem>>
      %dma_wait3A_361 = arith.constant 0 : i32
      %dma_wait3A_362 = tpu.memref_slice %arg12[%add3A_143, %dma_wait3A_361] : memref<10240x128xf32, #tpu.memory_space<vmem_shared>> -> memref<128x128xf32, #tpu.memory_space<vmem_shared>>
      %dma_wait3A_363 = arith.constant 0 : i32
      %dma_wait3A_364 = arith.constant 0 : i32
      %dma_wait3A_365 = tpu.memref_slice %arg10[%run_scoped3A, %dma_wait3A_363, %dma_wait3A_364] : memref<2x128x128xf32, #tpu.memory_space<vmem>> -> memref<1x128x128xf32, #tpu.memory_space<vmem>>
      %dma_wait3A_366 = tpu.memref_squeeze %dma_wait3A_365 : memref<1x128x128xf32, #tpu.memory_space<vmem>> -> memref<128x128xf32, #tpu.memory_space<vmem>>
      %dma_wait3A_367 = arith.constant 0 : i32
      %dma_wait3A_368 = tpu.memref_slice %arg12[%add3A_143, %dma_wait3A_367] : memref<10240x128xf32, #tpu.memory_space<vmem_shared>> -> memref<128x128xf32, #tpu.memory_space<vmem_shared>>
      tpu.wait_dma2 semaphore(%run_scoped3A_344 : memref<!tpu.dma_semaphore, #tpu.memory_space<semaphore_mem>>) src(%dma_wait3A_368 : memref<128x128xf32, #tpu.memory_space<vmem_shared>>) dst(%dma_wait3A_366 : memref<128x128xf32, #tpu.memory_space<vmem>>)
      tpu.yield
    }) : () -> ()
    %mul3A_144 = arith.constant 640 : i32
    %mul3A_145 = arith.muli %arg1, %mul3A_144 : i32
    %add3A_146 = arith.constant 0 : i32
    %add3A_147 = arith.addi %mul3A_145, %add3A_146 : i32
    %dma_start3A_148 = arith.constant 0 : i32
    %dma_start3A_149 = arith.constant 0 : i32
    %dma_start3A_150 = arith.constant 0 : i32
    %dma_start3A_151 = tpu.memref_slice %arg10[%dma_start3A_148, %dma_start3A_149, %dma_start3A_150] : memref<2x128x128xf32, #tpu.memory_space<vmem>> -> memref<1x128x128xf32, #tpu.memory_space<vmem>>
    %dma_start3A_152 = tpu.memref_squeeze %dma_start3A_151 : memref<1x128x128xf32, #tpu.memory_space<vmem>> -> memref<128x128xf32, #tpu.memory_space<vmem>>
    %dma_start3A_153 = arith.constant 0 : i32
    %dma_start3A_154 = tpu.memref_slice %arg7[%arg0, %add3A_147, %dma_start3A_153] : memref<2x10240x128xf32, #tpu.memory_space<hbm>> -> memref<1x128x128xf32, #tpu.memory_space<hbm>>
    %dma_start3A_155 = tpu.memref_squeeze %dma_start3A_154 : memref<1x128x128xf32, #tpu.memory_space<hbm>> -> memref<128x128xf32, #tpu.memory_space<hbm>>
    %dma_start3A_156 = arith.constant 0 : i32
    %dma_start3A_157 = tpu.memref_slice %arg7[%arg0, %add3A_147, %dma_start3A_156] : memref<2x10240x128xf32, #tpu.memory_space<hbm>> -> memref<1x128x128xf32, #tpu.memory_space<hbm>>
    %dma_start3A_158 = tpu.memref_squeeze %dma_start3A_157 : memref<1x128x128xf32, #tpu.memory_space<hbm>> -> memref<128x128xf32, #tpu.memory_space<hbm>>
    %dma_start3A_159 = arith.constant 0 : i32
    %dma_start3A_160 = arith.constant 0 : i32
    %dma_start3A_161 = tpu.memref_slice %arg10[%dma_start3A_148, %dma_start3A_159, %dma_start3A_160] : memref<2x128x128xf32, #tpu.memory_space<vmem>> -> memref<1x128x128xf32, #tpu.memory_space<vmem>>
    %dma_start3A_162 = tpu.memref_squeeze %dma_start3A_161 : memref<1x128x128xf32, #tpu.memory_space<vmem>> -> memref<128x128xf32, #tpu.memory_space<vmem>>
    tpu.enqueue_dma source(%dma_start3A_162 : memref<128x128xf32, #tpu.memory_space<vmem>>) target(%dma_start3A_158 : memref<128x128xf32, #tpu.memory_space<hbm>>) target_semaphore(%arg13 : memref<!tpu.dma_semaphore, #tpu.memory_space<semaphore_mem>>)
    %mul3A_163 = arith.constant 640 : i32
    %mul3A_164 = arith.muli %arg1, %mul3A_163 : i32
    %add3A_165 = arith.constant 128 : i32
    %add3A_166 = arith.addi %mul3A_164, %add3A_165 : i32
    %run_scoped3A_167 = arith.constant 1 : i32
    "tpu.region"() ({
      %run_scoped3A_344 = tpu.sem_alloc : memref<!tpu.dma_semaphore, #tpu.memory_space<semaphore_mem>>
      %dma_start3A_345 = arith.constant 0 : i32
      %dma_start3A_346 = arith.constant 0 : i32
      %dma_start3A_347 = tpu.memref_slice %arg10[%run_scoped3A_167, %dma_start3A_345, %dma_start3A_346] : memref<2x128x128xf32, #tpu.memory_space<vmem>> -> memref<1x128x128xf32, #tpu.memory_space<vmem>>
      %dma_start3A_348 = tpu.memref_squeeze %dma_start3A_347 : memref<1x128x128xf32, #tpu.memory_space<vmem>> -> memref<128x128xf32, #tpu.memory_space<vmem>>
      %dma_start3A_349 = arith.constant 0 : i32
      %dma_start3A_350 = tpu.memref_slice %arg12[%add3A_166, %dma_start3A_349] : memref<10240x128xf32, #tpu.memory_space<vmem_shared>> -> memref<128x128xf32, #tpu.memory_space<vmem_shared>>
      %dma_start3A_351 = arith.constant 0 : i32
      %dma_start3A_352 = arith.constant 0 : i32
      %dma_start3A_353 = tpu.memref_slice %arg10[%run_scoped3A_167, %dma_start3A_351, %dma_start3A_352] : memref<2x128x128xf32, #tpu.memory_space<vmem>> -> memref<1x128x128xf32, #tpu.memory_space<vmem>>
      %dma_start3A_354 = tpu.memref_squeeze %dma_start3A_353 : memref<1x128x128xf32, #tpu.memory_space<vmem>> -> memref<128x128xf32, #tpu.memory_space<vmem>>
      %dma_start3A_355 = arith.constant 0 : i32
      %dma_start3A_356 = tpu.memref_slice %arg12[%add3A_166, %dma_start3A_355] : memref<10240x128xf32, #tpu.memory_space<vmem_shared>> -> memref<128x128xf32, #tpu.memory_space<vmem_shared>>
      tpu.enqueue_dma source(%dma_start3A_356 : memref<128x128xf32, #tpu.memory_space<vmem_shared>>) target(%dma_start3A_354 : memref<128x128xf32, #tpu.memory_space<vmem>>) target_semaphore(%run_scoped3A_344 : memref<!tpu.dma_semaphore, #tpu.memory_space<semaphore_mem>>)
      %dma_wait3A_357 = arith.constant 0 : i32
      %dma_wait3A_358 = arith.constant 0 : i32
      %dma_wait3A_359 = tpu.memref_slice %arg10[%run_scoped3A_167, %dma_wait3A_357, %dma_wait3A_358] : memref<2x128x128xf32, #tpu.memory_space<vmem>> -> memref<1x128x128xf32, #tpu.memory_space<vmem>>
      %dma_wait3A_360 = tpu.memref_squeeze %dma_wait3A_359 : memref<1x128x128xf32, #tpu.memory_space<vmem>> -> memref<128x128xf32, #tpu.memory_space<vmem>>
      %dma_wait3A_361 = arith.constant 0 : i32
      %dma_wait3A_362 = tpu.memref_slice %arg12[%add3A_166, %dma_wait3A_361] : memref<10240x128xf32, #tpu.memory_space<vmem_shared>> -> memref<128x128xf32, #tpu.memory_space<vmem_shared>>
      %dma_wait3A_363 = arith.constant 0 : i32
      %dma_wait3A_364 = arith.constant 0 : i32
      %dma_wait3A_365 = tpu.memref_slice %arg10[%run_scoped3A_167, %dma_wait3A_363, %dma_wait3A_364] : memref<2x128x128xf32, #tpu.memory_space<vmem>> -> memref<1x128x128xf32, #tpu.memory_space<vmem>>
      %dma_wait3A_366 = tpu.memref_squeeze %dma_wait3A_365 : memref<1x128x128xf32, #tpu.memory_space<vmem>> -> memref<128x128xf32, #tpu.memory_space<vmem>>
      %dma_wait3A_367 = arith.constant 0 : i32
      %dma_wait3A_368 = tpu.memref_slice %arg12[%add3A_166, %dma_wait3A_367] : memref<10240x128xf32, #tpu.memory_space<vmem_shared>> -> memref<128x128xf32, #tpu.memory_space<vmem_shared>>
      tpu.wait_dma2 semaphore(%run_scoped3A_344 : memref<!tpu.dma_semaphore, #tpu.memory_space<semaphore_mem>>) src(%dma_wait3A_368 : memref<128x128xf32, #tpu.memory_space<vmem_shared>>) dst(%dma_wait3A_366 : memref<128x128xf32, #tpu.memory_space<vmem>>)
      tpu.yield
    }) : () -> ()
    %mul3A_168 = arith.constant 640 : i32
    %mul3A_169 = arith.muli %arg1, %mul3A_168 : i32
    %add3A_170 = arith.constant 128 : i32
    %add3A_171 = arith.addi %mul3A_169, %add3A_170 : i32
    %dma_start3A_172 = arith.constant 1 : i32
    %dma_start3A_173 = arith.constant 0 : i32
    %dma_start3A_174 = arith.constant 0 : i32
    %dma_start3A_175 = tpu.memref_slice %arg10[%dma_start3A_172, %dma_start3A_173, %dma_start3A_174] : memref<2x128x128xf32, #tpu.memory_space<vmem>> -> memref<1x128x128xf32, #tpu.memory_space<vmem>>
    %dma_start3A_176 = tpu.memref_squeeze %dma_start3A_175 : memref<1x128x128xf32, #tpu.memory_space<vmem>> -> memref<128x128xf32, #tpu.memory_space<vmem>>
    %dma_start3A_177 = arith.constant 0 : i32
    %dma_start3A_178 = tpu.memref_slice %arg7[%arg0, %add3A_171, %dma_start3A_177] : memref<2x10240x128xf32, #tpu.memory_space<hbm>> -> memref<1x128x128xf32, #tpu.memory_space<hbm>>
    %dma_start3A_179 = tpu.memref_squeeze %dma_start3A_178 : memref<1x128x128xf32, #tpu.memory_space<hbm>> -> memref<128x128xf32, #tpu.memory_space<hbm>>
    %dma_start3A_180 = arith.constant 0 : i32
    %dma_start3A_181 = tpu.memref_slice %arg7[%arg0, %add3A_171, %dma_start3A_180] : memref<2x10240x128xf32, #tpu.memory_space<hbm>> -> memref<1x128x128xf32, #tpu.memory_space<hbm>>
    %dma_start3A_182 = tpu.memref_squeeze %dma_start3A_181 : memref<1x128x128xf32, #tpu.memory_space<hbm>> -> memref<128x128xf32, #tpu.memory_space<hbm>>
    %dma_start3A_183 = arith.constant 0 : i32
    %dma_start3A_184 = arith.constant 0 : i32
    %dma_start3A_185 = tpu.memref_slice %arg10[%dma_start3A_172, %dma_start3A_183, %dma_start3A_184] : memref<2x128x128xf32, #tpu.memory_space<vmem>> -> memref<1x128x128xf32, #tpu.memory_space<vmem>>
    %dma_start3A_186 = tpu.memref_squeeze %dma_start3A_185 : memref<1x128x128xf32, #tpu.memory_space<vmem>> -> memref<128x128xf32, #tpu.memory_space<vmem>>
    tpu.enqueue_dma source(%dma_start3A_186 : memref<128x128xf32, #tpu.memory_space<vmem>>) target(%dma_start3A_182 : memref<128x128xf32, #tpu.memory_space<hbm>>) target_semaphore(%arg14 : memref<!tpu.dma_semaphore, #tpu.memory_space<semaphore_mem>>)
    %dma_wait3A_187 = arith.constant 0 : i32
    %dma_wait3A_188 = arith.constant 0 : i32
    %dma_wait3A_189 = arith.constant 0 : i32
    %dma_wait3A_190 = tpu.memref_slice %arg10[%dma_wait3A_187, %dma_wait3A_188, %dma_wait3A_189] : memref<2x128x128xf32, #tpu.memory_space<vmem>> -> memref<1x128x128xf32, #tpu.memory_space<vmem>>
    %dma_wait3A_191 = tpu.memref_squeeze %dma_wait3A_190 : memref<1x128x128xf32, #tpu.memory_space<vmem>> -> memref<128x128xf32, #tpu.memory_space<vmem>>
    %dma_wait3A_192 = arith.constant 0 : i32
    %dma_wait3A_193 = arith.constant 0 : i32
    %dma_wait3A_194 = tpu.memref_slice %arg7[%arg0, %dma_wait3A_192, %dma_wait3A_193] : memref<2x10240x128xf32, #tpu.memory_space<hbm>> -> memref<1x128x128xf32, #tpu.memory_space<hbm>>
    %dma_wait3A_195 = tpu.memref_squeeze %dma_wait3A_194 : memref<1x128x128xf32, #tpu.memory_space<hbm>> -> memref<128x128xf32, #tpu.memory_space<hbm>>
    %dma_wait3A_196 = arith.constant 0 : i32
    %dma_wait3A_197 = arith.constant 0 : i32
    %dma_wait3A_198 = tpu.memref_slice %arg7[%arg0, %dma_wait3A_196, %dma_wait3A_197] : memref<2x10240x128xf32, #tpu.memory_space<hbm>> -> memref<1x128x128xf32, #tpu.memory_space<hbm>>
    %dma_wait3A_199 = tpu.memref_squeeze %dma_wait3A_198 : memref<1x128x128xf32, #tpu.memory_space<hbm>> -> memref<128x128xf32, #tpu.memory_space<hbm>>
    %dma_wait3A_200 = arith.constant 0 : i32
    %dma_wait3A_201 = arith.constant 0 : i32
    %dma_wait3A_202 = tpu.memref_slice %arg10[%dma_wait3A_187, %dma_wait3A_200, %dma_wait3A_201] : memref<2x128x128xf32, #tpu.memory_space<vmem>> -> memref<1x128x128xf32, #tpu.memory_space<vmem>>
    %dma_wait3A_203 = tpu.memref_squeeze %dma_wait3A_202 : memref<1x128x128xf32, #tpu.memory_space<vmem>> -> memref<128x128xf32, #tpu.memory_space<vmem>>
    tpu.wait_dma2 semaphore(%arg13 : memref<!tpu.dma_semaphore, #tpu.memory_space<semaphore_mem>>) src(%dma_wait3A_203 : memref<128x128xf32, #tpu.memory_space<vmem>>) dst(%dma_wait3A_199 : memref<128x128xf32, #tpu.memory_space<hbm>>)
    %mul3A_204 = arith.constant 640 : i32
    %mul3A_205 = arith.muli %arg1, %mul3A_204 : i32
    %add3A_206 = arith.constant 256 : i32
    %add3A_207 = arith.addi %mul3A_205, %add3A_206 : i32
    %run_scoped3A_208 = arith.constant 0 : i32
    "tpu.region"() ({
      %run_scoped3A_344 = tpu.sem_alloc : memref<!tpu.dma_semaphore, #tpu.memory_space<semaphore_mem>>
      %dma_start3A_345 = arith.constant 0 : i32
      %dma_start3A_346 = arith.constant 0 : i32
      %dma_start3A_347 = tpu.memref_slice %arg10[%run_scoped3A_208, %dma_start3A_345, %dma_start3A_346] : memref<2x128x128xf32, #tpu.memory_space<vmem>> -> memref<1x128x128xf32, #tpu.memory_space<vmem>>
      %dma_start3A_348 = tpu.memref_squeeze %dma_start3A_347 : memref<1x128x128xf32, #tpu.memory_space<vmem>> -> memref<128x128xf32, #tpu.memory_space<vmem>>
      %dma_start3A_349 = arith.constant 0 : i32
      %dma_start3A_350 = tpu.memref_slice %arg12[%add3A_207, %dma_start3A_349] : memref<10240x128xf32, #tpu.memory_space<vmem_shared>> -> memref<128x128xf32, #tpu.memory_space<vmem_shared>>
      %dma_start3A_351 = arith.constant 0 : i32
      %dma_start3A_352 = arith.constant 0 : i32
      %dma_start3A_353 = tpu.memref_slice %arg10[%run_scoped3A_208, %dma_start3A_351, %dma_start3A_352] : memref<2x128x128xf32, #tpu.memory_space<vmem>> -> memref<1x128x128xf32, #tpu.memory_space<vmem>>
      %dma_start3A_354 = tpu.memref_squeeze %dma_start3A_353 : memref<1x128x128xf32, #tpu.memory_space<vmem>> -> memref<128x128xf32, #tpu.memory_space<vmem>>
      %dma_start3A_355 = arith.constant 0 : i32
      %dma_start3A_356 = tpu.memref_slice %arg12[%add3A_207, %dma_start3A_355] : memref<10240x128xf32, #tpu.memory_space<vmem_shared>> -> memref<128x128xf32, #tpu.memory_space<vmem_shared>>
      tpu.enqueue_dma source(%dma_start3A_356 : memref<128x128xf32, #tpu.memory_space<vmem_shared>>) target(%dma_start3A_354 : memref<128x128xf32, #tpu.memory_space<vmem>>) target_semaphore(%run_scoped3A_344 : memref<!tpu.dma_semaphore, #tpu.memory_space<semaphore_mem>>)
      %dma_wait3A_357 = arith.constant 0 : i32
      %dma_wait3A_358 = arith.constant 0 : i32
      %dma_wait3A_359 = tpu.memref_slice %arg10[%run_scoped3A_208, %dma_wait3A_357, %dma_wait3A_358] : memref<2x128x128xf32, #tpu.memory_space<vmem>> -> memref<1x128x128xf32, #tpu.memory_space<vmem>>
      %dma_wait3A_360 = tpu.memref_squeeze %dma_wait3A_359 : memref<1x128x128xf32, #tpu.memory_space<vmem>> -> memref<128x128xf32, #tpu.memory_space<vmem>>
      %dma_wait3A_361 = arith.constant 0 : i32
      %dma_wait3A_362 = tpu.memref_slice %arg12[%add3A_207, %dma_wait3A_361] : memref<10240x128xf32, #tpu.memory_space<vmem_shared>> -> memref<128x128xf32, #tpu.memory_space<vmem_shared>>
      %dma_wait3A_363 = arith.constant 0 : i32
      %dma_wait3A_364 = arith.constant 0 : i32
      %dma_wait3A_365 = tpu.memref_slice %arg10[%run_scoped3A_208, %dma_wait3A_363, %dma_wait3A_364] : memref<2x128x128xf32, #tpu.memory_space<vmem>> -> memref<1x128x128xf32, #tpu.memory_space<vmem>>
      %dma_wait3A_366 = tpu.memref_squeeze %dma_wait3A_365 : memref<1x128x128xf32, #tpu.memory_space<vmem>> -> memref<128x128xf32, #tpu.memory_space<vmem>>
      %dma_wait3A_367 = arith.constant 0 : i32
      %dma_wait3A_368 = tpu.memref_slice %arg12[%add3A_207, %dma_wait3A_367] : memref<10240x128xf32, #tpu.memory_space<vmem_shared>> -> memref<128x128xf32, #tpu.memory_space<vmem_shared>>
      tpu.wait_dma2 semaphore(%run_scoped3A_344 : memref<!tpu.dma_semaphore, #tpu.memory_space<semaphore_mem>>) src(%dma_wait3A_368 : memref<128x128xf32, #tpu.memory_space<vmem_shared>>) dst(%dma_wait3A_366 : memref<128x128xf32, #tpu.memory_space<vmem>>)
      tpu.yield
    }) : () -> ()
    %mul3A_209 = arith.constant 640 : i32
    %mul3A_210 = arith.muli %arg1, %mul3A_209 : i32
    %add3A_211 = arith.constant 256 : i32
    %add3A_212 = arith.addi %mul3A_210, %add3A_211 : i32
    %dma_start3A_213 = arith.constant 0 : i32
    %dma_start3A_214 = arith.constant 0 : i32
    %dma_start3A_215 = arith.constant 0 : i32
    %dma_start3A_216 = tpu.memref_slice %arg10[%dma_start3A_213, %dma_start3A_214, %dma_start3A_215] : memref<2x128x128xf32, #tpu.memory_space<vmem>> -> memref<1x128x128xf32, #tpu.memory_space<vmem>>
    %dma_start3A_217 = tpu.memref_squeeze %dma_start3A_216 : memref<1x128x128xf32, #tpu.memory_space<vmem>> -> memref<128x128xf32, #tpu.memory_space<vmem>>
    %dma_start3A_218 = arith.constant 0 : i32
    %dma_start3A_219 = tpu.memref_slice %arg7[%arg0, %add3A_212, %dma_start3A_218] : memref<2x10240x128xf32, #tpu.memory_space<hbm>> -> memref<1x128x128xf32, #tpu.memory_space<hbm>>
    %dma_start3A_220 = tpu.memref_squeeze %dma_start3A_219 : memref<1x128x128xf32, #tpu.memory_space<hbm>> -> memref<128x128xf32, #tpu.memory_space<hbm>>
    %dma_start3A_221 = arith.constant 0 : i32
    %dma_start3A_222 = tpu.memref_slice %arg7[%arg0, %add3A_212, %dma_start3A_221] : memref<2x10240x128xf32, #tpu.memory_space<hbm>> -> memref<1x128x128xf32, #tpu.memory_space<hbm>>
    %dma_start3A_223 = tpu.memref_squeeze %dma_start3A_222 : memref<1x128x128xf32, #tpu.memory_space<hbm>> -> memref<128x128xf32, #tpu.memory_space<hbm>>
    %dma_start3A_224 = arith.constant 0 : i32
    %dma_start3A_225 = arith.constant 0 : i32
    %dma_start3A_226 = tpu.memref_slice %arg10[%dma_start3A_213, %dma_start3A_224, %dma_start3A_225] : memref<2x128x128xf32, #tpu.memory_space<vmem>> -> memref<1x128x128xf32, #tpu.memory_space<vmem>>
    %dma_start3A_227 = tpu.memref_squeeze %dma_start3A_226 : memref<1x128x128xf32, #tpu.memory_space<vmem>> -> memref<128x128xf32, #tpu.memory_space<vmem>>
    tpu.enqueue_dma source(%dma_start3A_227 : memref<128x128xf32, #tpu.memory_space<vmem>>) target(%dma_start3A_223 : memref<128x128xf32, #tpu.memory_space<hbm>>) target_semaphore(%arg13 : memref<!tpu.dma_semaphore, #tpu.memory_space<semaphore_mem>>)
    %dma_wait3A_228 = arith.constant 1 : i32
    %dma_wait3A_229 = arith.constant 0 : i32
    %dma_wait3A_230 = arith.constant 0 : i32
    %dma_wait3A_231 = tpu.memref_slice %arg10[%dma_wait3A_228, %dma_wait3A_229, %dma_wait3A_230] : memref<2x128x128xf32, #tpu.memory_space<vmem>> -> memref<1x128x128xf32, #tpu.memory_space<vmem>>
    %dma_wait3A_232 = tpu.memref_squeeze %dma_wait3A_231 : memref<1x128x128xf32, #tpu.memory_space<vmem>> -> memref<128x128xf32, #tpu.memory_space<vmem>>
    %dma_wait3A_233 = arith.constant 0 : i32
    %dma_wait3A_234 = arith.constant 0 : i32
    %dma_wait3A_235 = tpu.memref_slice %arg7[%arg0, %dma_wait3A_233, %dma_wait3A_234] : memref<2x10240x128xf32, #tpu.memory_space<hbm>> -> memref<1x128x128xf32, #tpu.memory_space<hbm>>
    %dma_wait3A_236 = tpu.memref_squeeze %dma_wait3A_235 : memref<1x128x128xf32, #tpu.memory_space<hbm>> -> memref<128x128xf32, #tpu.memory_space<hbm>>
    %dma_wait3A_237 = arith.constant 0 : i32
    %dma_wait3A_238 = arith.constant 0 : i32
    %dma_wait3A_239 = tpu.memref_slice %arg7[%arg0, %dma_wait3A_237, %dma_wait3A_238] : memref<2x10240x128xf32, #tpu.memory_space<hbm>> -> memref<1x128x128xf32, #tpu.memory_space<hbm>>
    %dma_wait3A_240 = tpu.memref_squeeze %dma_wait3A_239 : memref<1x128x128xf32, #tpu.memory_space<hbm>> -> memref<128x128xf32, #tpu.memory_space<hbm>>
    %dma_wait3A_241 = arith.constant 0 : i32
    %dma_wait3A_242 = arith.constant 0 : i32
    %dma_wait3A_243 = tpu.memref_slice %arg10[%dma_wait3A_228, %dma_wait3A_241, %dma_wait3A_242] : memref<2x128x128xf32, #tpu.memory_space<vmem>> -> memref<1x128x128xf32, #tpu.memory_space<vmem>>
    %dma_wait3A_244 = tpu.memref_squeeze %dma_wait3A_243 : memref<1x128x128xf32, #tpu.memory_space<vmem>> -> memref<128x128xf32, #tpu.memory_space<vmem>>
    tpu.wait_dma2 semaphore(%arg14 : memref<!tpu.dma_semaphore, #tpu.memory_space<semaphore_mem>>) src(%dma_wait3A_244 : memref<128x128xf32, #tpu.memory_space<vmem>>) dst(%dma_wait3A_240 : memref<128x128xf32, #tpu.memory_space<hbm>>)
    %mul3A_245 = arith.constant 640 : i32
    %mul3A_246 = arith.muli %arg1, %mul3A_245 : i32
    %add3A_247 = arith.constant 384 : i32
    %add3A_248 = arith.addi %mul3A_246, %add3A_247 : i32
    %run_scoped3A_249 = arith.constant 1 : i32
    "tpu.region"() ({
      %run_scoped3A_344 = tpu.sem_alloc : memref<!tpu.dma_semaphore, #tpu.memory_space<semaphore_mem>>
      %dma_start3A_345 = arith.constant 0 : i32
      %dma_start3A_346 = arith.constant 0 : i32
      %dma_start3A_347 = tpu.memref_slice %arg10[%run_scoped3A_249, %dma_start3A_345, %dma_start3A_346] : memref<2x128x128xf32, #tpu.memory_space<vmem>> -> memref<1x128x128xf32, #tpu.memory_space<vmem>>
      %dma_start3A_348 = tpu.memref_squeeze %dma_start3A_347 : memref<1x128x128xf32, #tpu.memory_space<vmem>> -> memref<128x128xf32, #tpu.memory_space<vmem>>
      %dma_start3A_349 = arith.constant 0 : i32
      %dma_start3A_350 = tpu.memref_slice %arg12[%add3A_248, %dma_start3A_349] : memref<10240x128xf32, #tpu.memory_space<vmem_shared>> -> memref<128x128xf32, #tpu.memory_space<vmem_shared>>
      %dma_start3A_351 = arith.constant 0 : i32
      %dma_start3A_352 = arith.constant 0 : i32
      %dma_start3A_353 = tpu.memref_slice %arg10[%run_scoped3A_249, %dma_start3A_351, %dma_start3A_352] : memref<2x128x128xf32, #tpu.memory_space<vmem>> -> memref<1x128x128xf32, #tpu.memory_space<vmem>>
      %dma_start3A_354 = tpu.memref_squeeze %dma_start3A_353 : memref<1x128x128xf32, #tpu.memory_space<vmem>> -> memref<128x128xf32, #tpu.memory_space<vmem>>
      %dma_start3A_355 = arith.constant 0 : i32
      %dma_start3A_356 = tpu.memref_slice %arg12[%add3A_248, %dma_start3A_355] : memref<10240x128xf32, #tpu.memory_space<vmem_shared>> -> memref<128x128xf32, #tpu.memory_space<vmem_shared>>
      tpu.enqueue_dma source(%dma_start3A_356 : memref<128x128xf32, #tpu.memory_space<vmem_shared>>) target(%dma_start3A_354 : memref<128x128xf32, #tpu.memory_space<vmem>>) target_semaphore(%run_scoped3A_344 : memref<!tpu.dma_semaphore, #tpu.memory_space<semaphore_mem>>)
      %dma_wait3A_357 = arith.constant 0 : i32
      %dma_wait3A_358 = arith.constant 0 : i32
      %dma_wait3A_359 = tpu.memref_slice %arg10[%run_scoped3A_249, %dma_wait3A_357, %dma_wait3A_358] : memref<2x128x128xf32, #tpu.memory_space<vmem>> -> memref<1x128x128xf32, #tpu.memory_space<vmem>>
      %dma_wait3A_360 = tpu.memref_squeeze %dma_wait3A_359 : memref<1x128x128xf32, #tpu.memory_space<vmem>> -> memref<128x128xf32, #tpu.memory_space<vmem>>
      %dma_wait3A_361 = arith.constant 0 : i32
      %dma_wait3A_362 = tpu.memref_slice %arg12[%add3A_248, %dma_wait3A_361] : memref<10240x128xf32, #tpu.memory_space<vmem_shared>> -> memref<128x128xf32, #tpu.memory_space<vmem_shared>>
      %dma_wait3A_363 = arith.constant 0 : i32
      %dma_wait3A_364 = arith.constant 0 : i32
      %dma_wait3A_365 = tpu.memref_slice %arg10[%run_scoped3A_249, %dma_wait3A_363, %dma_wait3A_364] : memref<2x128x128xf32, #tpu.memory_space<vmem>> -> memref<1x128x128xf32, #tpu.memory_space<vmem>>
      %dma_wait3A_366 = tpu.memref_squeeze %dma_wait3A_365 : memref<1x128x128xf32, #tpu.memory_space<vmem>> -> memref<128x128xf32, #tpu.memory_space<vmem>>
      %dma_wait3A_367 = arith.constant 0 : i32
      %dma_wait3A_368 = tpu.memref_slice %arg12[%add3A_248, %dma_wait3A_367] : memref<10240x128xf32, #tpu.memory_space<vmem_shared>> -> memref<128x128xf32, #tpu.memory_space<vmem_shared>>
      tpu.wait_dma2 semaphore(%run_scoped3A_344 : memref<!tpu.dma_semaphore, #tpu.memory_space<semaphore_mem>>) src(%dma_wait3A_368 : memref<128x128xf32, #tpu.memory_space<vmem_shared>>) dst(%dma_wait3A_366 : memref<128x128xf32, #tpu.memory_space<vmem>>)
      tpu.yield
    }) : () -> ()
    %mul3A_250 = arith.constant 640 : i32
    %mul3A_251 = arith.muli %arg1, %mul3A_250 : i32
    %add3A_252 = arith.constant 384 : i32
    %add3A_253 = arith.addi %mul3A_251, %add3A_252 : i32
    %dma_start3A_254 = arith.constant 1 : i32
    %dma_start3A_255 = arith.constant 0 : i32
    %dma_start3A_256 = arith.constant 0 : i32
    %dma_start3A_257 = tpu.memref_slice %arg10[%dma_start3A_254, %dma_start3A_255, %dma_start3A_256] : memref<2x128x128xf32, #tpu.memory_space<vmem>> -> memref<1x128x128xf32, #tpu.memory_space<vmem>>
    %dma_start3A_258 = tpu.memref_squeeze %dma_start3A_257 : memref<1x128x128xf32, #tpu.memory_space<vmem>> -> memref<128x128xf32, #tpu.memory_space<vmem>>
    %dma_start3A_259 = arith.constant 0 : i32
    %dma_start3A_260 = tpu.memref_slice %arg7[%arg0, %add3A_253, %dma_start3A_259] : memref<2x10240x128xf32, #tpu.memory_space<hbm>> -> memref<1x128x128xf32, #tpu.memory_space<hbm>>
    %dma_start3A_261 = tpu.memref_squeeze %dma_start3A_260 : memref<1x128x128xf32, #tpu.memory_space<hbm>> -> memref<128x128xf32, #tpu.memory_space<hbm>>
    %dma_start3A_262 = arith.constant 0 : i32
    %dma_start3A_263 = tpu.memref_slice %arg7[%arg0, %add3A_253, %dma_start3A_262] : memref<2x10240x128xf32, #tpu.memory_space<hbm>> -> memref<1x128x128xf32, #tpu.memory_space<hbm>>
    %dma_start3A_264 = tpu.memref_squeeze %dma_start3A_263 : memref<1x128x128xf32, #tpu.memory_space<hbm>> -> memref<128x128xf32, #tpu.memory_space<hbm>>
    %dma_start3A_265 = arith.constant 0 : i32
    %dma_start3A_266 = arith.constant 0 : i32
    %dma_start3A_267 = tpu.memref_slice %arg10[%dma_start3A_254, %dma_start3A_265, %dma_start3A_266] : memref<2x128x128xf32, #tpu.memory_space<vmem>> -> memref<1x128x128xf32, #tpu.memory_space<vmem>>
    %dma_start3A_268 = tpu.memref_squeeze %dma_start3A_267 : memref<1x128x128xf32, #tpu.memory_space<vmem>> -> memref<128x128xf32, #tpu.memory_space<vmem>>
    tpu.enqueue_dma source(%dma_start3A_268 : memref<128x128xf32, #tpu.memory_space<vmem>>) target(%dma_start3A_264 : memref<128x128xf32, #tpu.memory_space<hbm>>) target_semaphore(%arg14 : memref<!tpu.dma_semaphore, #tpu.memory_space<semaphore_mem>>)
    %dma_wait3A_269 = arith.constant 0 : i32
    %dma_wait3A_270 = arith.constant 0 : i32
    %dma_wait3A_271 = arith.constant 0 : i32
    %dma_wait3A_272 = tpu.memref_slice %arg10[%dma_wait3A_269, %dma_wait3A_270, %dma_wait3A_271] : memref<2x128x128xf32, #tpu.memory_space<vmem>> -> memref<1x128x128xf32, #tpu.memory_space<vmem>>
    %dma_wait3A_273 = tpu.memref_squeeze %dma_wait3A_272 : memref<1x128x128xf32, #tpu.memory_space<vmem>> -> memref<128x128xf32, #tpu.memory_space<vmem>>
    %dma_wait3A_274 = arith.constant 0 : i32
    %dma_wait3A_275 = arith.constant 0 : i32
    %dma_wait3A_276 = tpu.memref_slice %arg7[%arg0, %dma_wait3A_274, %dma_wait3A_275] : memref<2x10240x128xf32, #tpu.memory_space<hbm>> -> memref<1x128x128xf32, #tpu.memory_space<hbm>>
    %dma_wait3A_277 = tpu.memref_squeeze %dma_wait3A_276 : memref<1x128x128xf32, #tpu.memory_space<hbm>> -> memref<128x128xf32, #tpu.memory_space<hbm>>
    %dma_wait3A_278 = arith.constant 0 : i32
    %dma_wait3A_279 = arith.constant 0 : i32
    %dma_wait3A_280 = tpu.memref_slice %arg7[%arg0, %dma_wait3A_278, %dma_wait3A_279] : memref<2x10240x128xf32, #tpu.memory_space<hbm>> -> memref<1x128x128xf32, #tpu.memory_space<hbm>>
    %dma_wait3A_281 = tpu.memref_squeeze %dma_wait3A_280 : memref<1x128x128xf32, #tpu.memory_space<hbm>> -> memref<128x128xf32, #tpu.memory_space<hbm>>
    %dma_wait3A_282 = arith.constant 0 : i32
    %dma_wait3A_283 = arith.constant 0 : i32
    %dma_wait3A_284 = tpu.memref_slice %arg10[%dma_wait3A_269, %dma_wait3A_282, %dma_wait3A_283] : memref<2x128x128xf32, #tpu.memory_space<vmem>> -> memref<1x128x128xf32, #tpu.memory_space<vmem>>
    %dma_wait3A_285 = tpu.memref_squeeze %dma_wait3A_284 : memref<1x128x128xf32, #tpu.memory_space<vmem>> -> memref<128x128xf32, #tpu.memory_space<vmem>>
    tpu.wait_dma2 semaphore(%arg13 : memref<!tpu.dma_semaphore, #tpu.memory_space<semaphore_mem>>) src(%dma_wait3A_285 : memref<128x128xf32, #tpu.memory_space<vmem>>) dst(%dma_wait3A_281 : memref<128x128xf32, #tpu.memory_space<hbm>>)
    %mul3A_286 = arith.constant 640 : i32
    %mul3A_287 = arith.muli %arg1, %mul3A_286 : i32
    %add3A_288 = arith.constant 512 : i32
    %add3A_289 = arith.addi %mul3A_287, %add3A_288 : i32
    %run_scoped3A_290 = arith.constant 0 : i32
    "tpu.region"() ({
      %run_scoped3A_344 = tpu.sem_alloc : memref<!tpu.dma_semaphore, #tpu.memory_space<semaphore_mem>>
      %dma_start3A_345 = arith.constant 0 : i32
      %dma_start3A_346 = arith.constant 0 : i32
      %dma_start3A_347 = tpu.memref_slice %arg10[%run_scoped3A_290, %dma_start3A_345, %dma_start3A_346] : memref<2x128x128xf32, #tpu.memory_space<vmem>> -> memref<1x128x128xf32, #tpu.memory_space<vmem>>
      %dma_start3A_348 = tpu.memref_squeeze %dma_start3A_347 : memref<1x128x128xf32, #tpu.memory_space<vmem>> -> memref<128x128xf32, #tpu.memory_space<vmem>>
      %dma_start3A_349 = arith.constant 0 : i32
      %dma_start3A_350 = tpu.memref_slice %arg12[%add3A_289, %dma_start3A_349] : memref<10240x128xf32, #tpu.memory_space<vmem_shared>> -> memref<128x128xf32, #tpu.memory_space<vmem_shared>>
      %dma_start3A_351 = arith.constant 0 : i32
      %dma_start3A_352 = arith.constant 0 : i32
      %dma_start3A_353 = tpu.memref_slice %arg10[%run_scoped3A_290, %dma_start3A_351, %dma_start3A_352] : memref<2x128x128xf32, #tpu.memory_space<vmem>> -> memref<1x128x128xf32, #tpu.memory_space<vmem>>
      %dma_start3A_354 = tpu.memref_squeeze %dma_start3A_353 : memref<1x128x128xf32, #tpu.memory_space<vmem>> -> memref<128x128xf32, #tpu.memory_space<vmem>>
      %dma_start3A_355 = arith.constant 0 : i32
      %dma_start3A_356 = tpu.memref_slice %arg12[%add3A_289, %dma_start3A_355] : memref<10240x128xf32, #tpu.memory_space<vmem_shared>> -> memref<128x128xf32, #tpu.memory_space<vmem_shared>>
      tpu.enqueue_dma source(%dma_start3A_356 : memref<128x128xf32, #tpu.memory_space<vmem_shared>>) target(%dma_start3A_354 : memref<128x128xf32, #tpu.memory_space<vmem>>) target_semaphore(%run_scoped3A_344 : memref<!tpu.dma_semaphore, #tpu.memory_space<semaphore_mem>>)
      %dma_wait3A_357 = arith.constant 0 : i32
      %dma_wait3A_358 = arith.constant 0 : i32
      %dma_wait3A_359 = tpu.memref_slice %arg10[%run_scoped3A_290, %dma_wait3A_357, %dma_wait3A_358] : memref<2x128x128xf32, #tpu.memory_space<vmem>> -> memref<1x128x128xf32, #tpu.memory_space<vmem>>
      %dma_wait3A_360 = tpu.memref_squeeze %dma_wait3A_359 : memref<1x128x128xf32, #tpu.memory_space<vmem>> -> memref<128x128xf32, #tpu.memory_space<vmem>>
      %dma_wait3A_361 = arith.constant 0 : i32
      %dma_wait3A_362 = tpu.memref_slice %arg12[%add3A_289, %dma_wait3A_361] : memref<10240x128xf32, #tpu.memory_space<vmem_shared>> -> memref<128x128xf32, #tpu.memory_space<vmem_shared>>
      %dma_wait3A_363 = arith.constant 0 : i32
      %dma_wait3A_364 = arith.constant 0 : i32
      %dma_wait3A_365 = tpu.memref_slice %arg10[%run_scoped3A_290, %dma_wait3A_363, %dma_wait3A_364] : memref<2x128x128xf32, #tpu.memory_space<vmem>> -> memref<1x128x128xf32, #tpu.memory_space<vmem>>
      %dma_wait3A_366 = tpu.memref_squeeze %dma_wait3A_365 : memref<1x128x128xf32, #tpu.memory_space<vmem>> -> memref<128x128xf32, #tpu.memory_space<vmem>>
      %dma_wait3A_367 = arith.constant 0 : i32
      %dma_wait3A_368 = tpu.memref_slice %arg12[%add3A_289, %dma_wait3A_367] : memref<10240x128xf32, #tpu.memory_space<vmem_shared>> -> memref<128x128xf32, #tpu.memory_space<vmem_shared>>
      tpu.wait_dma2 semaphore(%run_scoped3A_344 : memref<!tpu.dma_semaphore, #tpu.memory_space<semaphore_mem>>) src(%dma_wait3A_368 : memref<128x128xf32, #tpu.memory_space<vmem_shared>>) dst(%dma_wait3A_366 : memref<128x128xf32, #tpu.memory_space<vmem>>)
      tpu.yield
    }) : () -> ()
    %mul3A_291 = arith.constant 640 : i32
    %mul3A_292 = arith.muli %arg1, %mul3A_291 : i32
    %add3A_293 = arith.constant 512 : i32
    %add3A_294 = arith.addi %mul3A_292, %add3A_293 : i32
    %dma_start3A_295 = arith.constant 0 : i32
    %dma_start3A_296 = arith.constant 0 : i32
    %dma_start3A_297 = arith.constant 0 : i32
    %dma_start3A_298 = tpu.memref_slice %arg10[%dma_start3A_295, %dma_start3A_296, %dma_start3A_297] : memref<2x128x128xf32, #tpu.memory_space<vmem>> -> memref<1x128x128xf32, #tpu.memory_space<vmem>>
    %dma_start3A_299 = tpu.memref_squeeze %dma_start3A_298 : memref<1x128x128xf32, #tpu.memory_space<vmem>> -> memref<128x128xf32, #tpu.memory_space<vmem>>
    %dma_start3A_300 = arith.constant 0 : i32
    %dma_start3A_301 = tpu.memref_slice %arg7[%arg0, %add3A_294, %dma_start3A_300] : memref<2x10240x128xf32, #tpu.memory_space<hbm>> -> memref<1x128x128xf32, #tpu.memory_space<hbm>>
    %dma_start3A_302 = tpu.memref_squeeze %dma_start3A_301 : memref<1x128x128xf32, #tpu.memory_space<hbm>> -> memref<128x128xf32, #tpu.memory_space<hbm>>
    %dma_start3A_303 = arith.constant 0 : i32
    %dma_start3A_304 = tpu.memref_slice %arg7[%arg0, %add3A_294, %dma_start3A_303] : memref<2x10240x128xf32, #tpu.memory_space<hbm>> -> memref<1x128x128xf32, #tpu.memory_space<hbm>>
    %dma_start3A_305 = tpu.memref_squeeze %dma_start3A_304 : memref<1x128x128xf32, #tpu.memory_space<hbm>> -> memref<128x128xf32, #tpu.memory_space<hbm>>
    %dma_start3A_306 = arith.constant 0 : i32
    %dma_start3A_307 = arith.constant 0 : i32
    %dma_start3A_308 = tpu.memref_slice %arg10[%dma_start3A_295, %dma_start3A_306, %dma_start3A_307] : memref<2x128x128xf32, #tpu.memory_space<vmem>> -> memref<1x128x128xf32, #tpu.memory_space<vmem>>
    %dma_start3A_309 = tpu.memref_squeeze %dma_start3A_308 : memref<1x128x128xf32, #tpu.memory_space<vmem>> -> memref<128x128xf32, #tpu.memory_space<vmem>>
    tpu.enqueue_dma source(%dma_start3A_309 : memref<128x128xf32, #tpu.memory_space<vmem>>) target(%dma_start3A_305 : memref<128x128xf32, #tpu.memory_space<hbm>>) target_semaphore(%arg13 : memref<!tpu.dma_semaphore, #tpu.memory_space<semaphore_mem>>)
    %dma_wait3A_310 = arith.constant 1 : i32
    %dma_wait3A_311 = arith.constant 0 : i32
    %dma_wait3A_312 = arith.constant 0 : i32
    %dma_wait3A_313 = tpu.memref_slice %arg10[%dma_wait3A_310, %dma_wait3A_311, %dma_wait3A_312] : memref<2x128x128xf32, #tpu.memory_space<vmem>> -> memref<1x128x128xf32, #tpu.memory_space<vmem>>
    %dma_wait3A_314 = tpu.memref_squeeze %dma_wait3A_313 : memref<1x128x128xf32, #tpu.memory_space<vmem>> -> memref<128x128xf32, #tpu.memory_space<vmem>>
    %dma_wait3A_315 = arith.constant 0 : i32
    %dma_wait3A_316 = arith.constant 0 : i32
    %dma_wait3A_317 = tpu.memref_slice %arg7[%arg0, %dma_wait3A_315, %dma_wait3A_316] : memref<2x10240x128xf32, #tpu.memory_space<hbm>> -> memref<1x128x128xf32, #tpu.memory_space<hbm>>
    %dma_wait3A_318 = tpu.memref_squeeze %dma_wait3A_317 : memref<1x128x128xf32, #tpu.memory_space<hbm>> -> memref<128x128xf32, #tpu.memory_space<hbm>>
    %dma_wait3A_319 = arith.constant 0 : i32
    %dma_wait3A_320 = arith.constant 0 : i32
    %dma_wait3A_321 = tpu.memref_slice %arg7[%arg0, %dma_wait3A_319, %dma_wait3A_320] : memref<2x10240x128xf32, #tpu.memory_space<hbm>> -> memref<1x128x128xf32, #tpu.memory_space<hbm>>
    %dma_wait3A_322 = tpu.memref_squeeze %dma_wait3A_321 : memref<1x128x128xf32, #tpu.memory_space<hbm>> -> memref<128x128xf32, #tpu.memory_space<hbm>>
    %dma_wait3A_323 = arith.constant 0 : i32
    %dma_wait3A_324 = arith.constant 0 : i32
    %dma_wait3A_325 = tpu.memref_slice %arg10[%dma_wait3A_310, %dma_wait3A_323, %dma_wait3A_324] : memref<2x128x128xf32, #tpu.memory_space<vmem>> -> memref<1x128x128xf32, #tpu.memory_space<vmem>>
    %dma_wait3A_326 = tpu.memref_squeeze %dma_wait3A_325 : memref<1x128x128xf32, #tpu.memory_space<vmem>> -> memref<128x128xf32, #tpu.memory_space<vmem>>
    tpu.wait_dma2 semaphore(%arg14 : memref<!tpu.dma_semaphore, #tpu.memory_space<semaphore_mem>>) src(%dma_wait3A_326 : memref<128x128xf32, #tpu.memory_space<vmem>>) dst(%dma_wait3A_322 : memref<128x128xf32, #tpu.memory_space<hbm>>)
    %dma_wait3A_327 = arith.constant 0 : i32
    %dma_wait3A_328 = arith.constant 0 : i32
    %dma_wait3A_329 = arith.constant 0 : i32
    %dma_wait3A_330 = tpu.memref_slice %arg10[%dma_wait3A_327, %dma_wait3A_328, %dma_wait3A_329] : memref<2x128x128xf32, #tpu.memory_space<vmem>> -> memref<1x128x128xf32, #tpu.memory_space<vmem>>
    %dma_wait3A_331 = tpu.memref_squeeze %dma_wait3A_330 : memref<1x128x128xf32, #tpu.memory_space<vmem>> -> memref<128x128xf32, #tpu.memory_space<vmem>>
    %dma_wait3A_332 = arith.constant 0 : i32
    %dma_wait3A_333 = arith.constant 0 : i32
    %dma_wait3A_334 = tpu.memref_slice %arg7[%arg0, %dma_wait3A_332, %dma_wait3A_333] : memref<2x10240x128xf32, #tpu.memory_space<hbm>> -> memref<1x128x128xf32, #tpu.memory_space<hbm>>
    %dma_wait3A_335 = tpu.memref_squeeze %dma_wait3A_334 : memref<1x128x128xf32, #tpu.memory_space<hbm>> -> memref<128x128xf32, #tpu.memory_space<hbm>>
    %dma_wait3A_336 = arith.constant 0 : i32
    %dma_wait3A_337 = arith.constant 0 : i32
    %dma_wait3A_338 = tpu.memref_slice %arg7[%arg0, %dma_wait3A_336, %dma_wait3A_337] : memref<2x10240x128xf32, #tpu.memory_space<hbm>> -> memref<1x128x128xf32, #tpu.memory_space<hbm>>
    %dma_wait3A_339 = tpu.memref_squeeze %dma_wait3A_338 : memref<1x128x128xf32, #tpu.memory_space<hbm>> -> memref<128x128xf32, #tpu.memory_space<hbm>>
    %dma_wait3A_340 = arith.constant 0 : i32
    %dma_wait3A_341 = arith.constant 0 : i32
    %dma_wait3A_342 = tpu.memref_slice %arg10[%dma_wait3A_327, %dma_wait3A_340, %dma_wait3A_341] : memref<2x128x128xf32, #tpu.memory_space<vmem>> -> memref<1x128x128xf32, #tpu.memory_space<vmem>>
    %dma_wait3A_343 = tpu.memref_squeeze %dma_wait3A_342 : memref<1x128x128xf32, #tpu.memory_space<vmem>> -> memref<128x128xf32, #tpu.memory_space<vmem>>
    tpu.wait_dma2 semaphore(%arg13 : memref<!tpu.dma_semaphore, #tpu.memory_space<semaphore_mem>>) src(%dma_wait3A_343 : memref<128x128xf32, #tpu.memory_space<vmem>>) dst(%dma_wait3A_339 : memref<128x128xf32, #tpu.memory_space<hbm>>)
    return
  }
}

#map = affine_map<(d0, d1) -> (0)>
#map1 = affine_map<(d0, d1) -> (0, 0)>
module attributes {stable_mosaic.version = 14 : i64} {
  func.func @_deg_body(%arg0: i32, %arg1: i32, %arg2: memref<640000xi32, #tpu.memory_space<hbm>>, %arg3: memref<4x128xi32, #tpu.memory_space<hbm>>, %arg4: memref<128xf32, #tpu.memory_space<hbm>>, %arg5: memref<640xf32, #tpu.memory_space<hbm>>, %arg6: memref<20480xf32, #tpu.memory_space<hbm>>, %arg7: memref<80x128xi32, #tpu.memory_space<vmem>>, %arg8: memref<128xf32, #tpu.memory_space<vmem>>, %arg9: memref<640xf32, #tpu.memory_space<vmem>>, %arg10: memref<10240xf32, #tpu.memory_space<vmem_shared>>, %arg11: memref<!tpu.dma_semaphore, #tpu.memory_space<semaphore_mem>>) attributes {dimension_semantics = [#tpu.dimension_semantics<core_parallel>, #tpu.dimension_semantics<subcore_parallel>], iteration_bounds = array<i64: 2, 16>, scalar_prefetch = 0 : i64, scratch_operands = 5 : i64, tpu.core_type = #tpu.core_type<sc_vector_subcore>, window_params = [{transform_indices = #map}, {transform_indices = #map1}, {transform_indices = #map}, {transform_indices = #map}, {transform_indices = #map}]} {
    %eq3A = arith.constant 0 : i32
    %eq3A_0 = arith.cmpi eq, %arg0, %eq3A : i32
    %mul3A = arith.constant 10240 : i32
    %mul3A_1 = arith.muli %arg1, %mul3A : i32
    %mul3A_2 = arith.constant 9728 : i32
    %mul3A_3 = arith.muli %arg1, %mul3A_2 : i32
    %add3A = arith.constant 163840 : i32
    %add3A_4 = arith.addi %add3A, %mul3A_3 : i32
    %select_n3A = arith.select %eq3A_0, %mul3A_1, %add3A_4 : i32
    %add3A_5 = arith.constant 320000 : i32
    %add3A_6 = arith.addi %add3A_5, %select_n3A : i32
    %multiple_of3A = tpu.assume_multiple %add3A_6, 8 : i32
    %eq3A_7 = arith.constant 0 : i32
    %eq3A_8 = arith.cmpi eq, %arg0, %eq3A_7 : i32
    %jit3A = arith.constant 80 : i32
    %jit3A_9 = arith.constant 76 : i32
    %select_n3A_10 = arith.select %eq3A_8, %jit3A, %jit3A_9 : i32
    %while3A = arith.constant 0 : i32
    %while3A_11 = arith.constant 0 : i32
    %while3A_12 = arith.subi %select_n3A_10, %while3A_11 : i32
    %while3A_13 = arith.addi %while3A_11, %while3A_12 : i32
    %while3A_14 = arith.constant 1 : i32
    %while3A_15 = arith.divsi %while3A_12, %while3A_14 : i32
    %while3A_16 = arith.muli %while3A_15, %while3A_14 : i32
    %while3A_17 = arith.addi %while3A_11, %while3A_16 : i32
    %while3A_18 = arith.constant 1 : i32
    scf.for %while3A_54 = %while3A_11 to %while3A_17 step %while3A_18  : i32 {
      %mul3A_55 = arith.constant 128 : i32
      %mul3A_56 = arith.muli %while3A_54, %mul3A_55 : i32
      %add3A_57 = arith.addi %multiple_of3A, %mul3A_56 : i32
      %dma_start3A = arith.constant 0 : i32
      %dma_start3A_58 = tpu.memref_slice %arg7[%while3A_54, %dma_start3A] : memref<80x128xi32, #tpu.memory_space<vmem>> -> memref<1x128xi32, #tpu.memory_space<vmem>>
      %dma_start3A_59 = tpu.memref_squeeze %dma_start3A_58 : memref<1x128xi32, #tpu.memory_space<vmem>> -> memref<128xi32, #tpu.memory_space<vmem>>
      %dma_start3A_60 = tpu.memref_slice %arg2[%add3A_57] : memref<640000xi32, #tpu.memory_space<hbm>> -> memref<128xi32, #tpu.memory_space<hbm>>
      %dma_start3A_61 = arith.constant 0 : i32
      %dma_start3A_62 = tpu.memref_slice %arg7[%while3A_54, %dma_start3A_61] : memref<80x128xi32, #tpu.memory_space<vmem>> -> memref<1x128xi32, #tpu.memory_space<vmem>>
      %dma_start3A_63 = tpu.memref_squeeze %dma_start3A_62 : memref<1x128xi32, #tpu.memory_space<vmem>> -> memref<128xi32, #tpu.memory_space<vmem>>
      %dma_start3A_64 = tpu.memref_slice %arg2[%add3A_57] : memref<640000xi32, #tpu.memory_space<hbm>> -> memref<128xi32, #tpu.memory_space<hbm>>
      tpu.enqueue_dma source(%dma_start3A_64 : memref<128xi32, #tpu.memory_space<hbm>>) target(%dma_start3A_63 : memref<128xi32, #tpu.memory_space<vmem>>) target_semaphore(%arg11 : memref<!tpu.dma_semaphore, #tpu.memory_space<semaphore_mem>>)
    }
    %while3A_19 = arith.constant 1 : i32
    scf.for %while3A_54 = %while3A_17 to %while3A_13 step %while3A_19  : i32 {
      %mul3A_55 = arith.constant 128 : i32
      %mul3A_56 = arith.muli %while3A_54, %mul3A_55 : i32
      %add3A_57 = arith.addi %multiple_of3A, %mul3A_56 : i32
      %dma_start3A = arith.constant 0 : i32
      %dma_start3A_58 = tpu.memref_slice %arg7[%while3A_54, %dma_start3A] : memref<80x128xi32, #tpu.memory_space<vmem>> -> memref<1x128xi32, #tpu.memory_space<vmem>>
      %dma_start3A_59 = tpu.memref_squeeze %dma_start3A_58 : memref<1x128xi32, #tpu.memory_space<vmem>> -> memref<128xi32, #tpu.memory_space<vmem>>
      %dma_start3A_60 = tpu.memref_slice %arg2[%add3A_57] : memref<640000xi32, #tpu.memory_space<hbm>> -> memref<128xi32, #tpu.memory_space<hbm>>
      %dma_start3A_61 = arith.constant 0 : i32
      %dma_start3A_62 = tpu.memref_slice %arg7[%while3A_54, %dma_start3A_61] : memref<80x128xi32, #tpu.memory_space<vmem>> -> memref<1x128xi32, #tpu.memory_space<vmem>>
      %dma_start3A_63 = tpu.memref_squeeze %dma_start3A_62 : memref<1x128xi32, #tpu.memory_space<vmem>> -> memref<128xi32, #tpu.memory_space<vmem>>
      %dma_start3A_64 = tpu.memref_slice %arg2[%add3A_57] : memref<640000xi32, #tpu.memory_space<hbm>> -> memref<128xi32, #tpu.memory_space<hbm>>
      tpu.enqueue_dma source(%dma_start3A_64 : memref<128xi32, #tpu.memory_space<hbm>>) target(%dma_start3A_63 : memref<128xi32, #tpu.memory_space<vmem>>) target_semaphore(%arg11 : memref<!tpu.dma_semaphore, #tpu.memory_space<semaphore_mem>>)
    }
    "tpu.region"() ({
      %run_scoped3A = tpu.sem_alloc : memref<!tpu.dma_semaphore, #tpu.memory_space<semaphore_mem>>
      tpu.enqueue_dma source(%arg4 : memref<128xf32, #tpu.memory_space<hbm>>) target(%arg8 : memref<128xf32, #tpu.memory_space<vmem>>) target_semaphore(%run_scoped3A : memref<!tpu.dma_semaphore, #tpu.memory_space<semaphore_mem>>)
      tpu.wait_dma2 semaphore(%run_scoped3A : memref<!tpu.dma_semaphore, #tpu.memory_space<semaphore_mem>>) src(%arg4 : memref<128xf32, #tpu.memory_space<hbm>>) dst(%arg8 : memref<128xf32, #tpu.memory_space<vmem>>)
      tpu.yield
    }) : () -> ()
    "tpu.region"() ({
      %run_scoped3A = tpu.sem_alloc : memref<!tpu.dma_semaphore, #tpu.memory_space<semaphore_mem>>
      tpu.enqueue_dma source(%arg5 : memref<640xf32, #tpu.memory_space<hbm>>) target(%arg9 : memref<640xf32, #tpu.memory_space<vmem>>) target_semaphore(%run_scoped3A : memref<!tpu.dma_semaphore, #tpu.memory_space<semaphore_mem>>)
      tpu.wait_dma2 semaphore(%run_scoped3A : memref<!tpu.dma_semaphore, #tpu.memory_space<semaphore_mem>>) src(%arg5 : memref<640xf32, #tpu.memory_space<hbm>>) dst(%arg9 : memref<640xf32, #tpu.memory_space<vmem>>)
      tpu.yield
    }) : () -> ()
    %mul3A_20 = arith.constant 640 : i32
    %mul3A_21 = arith.muli %arg1, %mul3A_20 : i32
    "tpu.region"() ({
      %run_scoped3A = tpu.sem_alloc : memref<!tpu.dma_semaphore, #tpu.memory_space<semaphore_mem>>
      %dma_start3A = tpu.memref_slice %arg10[%mul3A_21] : memref<10240xf32, #tpu.memory_space<vmem_shared>> -> memref<640xf32, #tpu.memory_space<vmem_shared>>
      %dma_start3A_54 = tpu.memref_slice %arg10[%mul3A_21] : memref<10240xf32, #tpu.memory_space<vmem_shared>> -> memref<640xf32, #tpu.memory_space<vmem_shared>>
      tpu.enqueue_dma source(%arg9 : memref<640xf32, #tpu.memory_space<vmem>>) target(%dma_start3A_54 : memref<640xf32, #tpu.memory_space<vmem_shared>>) target_semaphore(%run_scoped3A : memref<!tpu.dma_semaphore, #tpu.memory_space<semaphore_mem>>)
      %dma_wait3A = tpu.memref_slice %arg10[%mul3A_21] : memref<10240xf32, #tpu.memory_space<vmem_shared>> -> memref<640xf32, #tpu.memory_space<vmem_shared>>
      %dma_wait3A_55 = tpu.memref_slice %arg10[%mul3A_21] : memref<10240xf32, #tpu.memory_space<vmem_shared>> -> memref<640xf32, #tpu.memory_space<vmem_shared>>
      tpu.wait_dma2 semaphore(%run_scoped3A : memref<!tpu.dma_semaphore, #tpu.memory_space<semaphore_mem>>) src(%arg9 : memref<640xf32, #tpu.memory_space<vmem>>) dst(%dma_wait3A_55 : memref<640xf32, #tpu.memory_space<vmem_shared>>)
      tpu.yield
    }) : () -> ()
    %barrier3A = arith.constant 0 : index
    tpu.barrier barrier_id(%barrier3A)
    %while3A_22 = arith.constant 0 : i32
    %while3A_23 = arith.constant 0 : i32
    %while3A_24 = arith.subi %select_n3A_10, %while3A_23 : i32
    %while3A_25 = arith.addi %while3A_23, %while3A_24 : i32
    %while3A_26 = arith.constant 1 : i32
    %while3A_27 = arith.divsi %while3A_24, %while3A_26 : i32
    %while3A_28 = arith.muli %while3A_27, %while3A_26 : i32
    %while3A_29 = arith.addi %while3A_23, %while3A_28 : i32
    %while3A_30 = arith.constant 1 : i32
    scf.for %while3A_54 = %while3A_23 to %while3A_29 step %while3A_30  : i32 {
      %dma_wait3A = arith.constant 0 : i32
      %dma_wait3A_55 = arith.constant 0 : i32
      %dma_wait3A_56 = tpu.memref_slice %arg7[%dma_wait3A, %dma_wait3A_55] : memref<80x128xi32, #tpu.memory_space<vmem>> -> memref<1x128xi32, #tpu.memory_space<vmem>>
      %dma_wait3A_57 = tpu.memref_squeeze %dma_wait3A_56 : memref<1x128xi32, #tpu.memory_space<vmem>> -> memref<128xi32, #tpu.memory_space<vmem>>
      %dma_wait3A_58 = arith.constant 0 : i32
      %dma_wait3A_59 = tpu.memref_slice %arg2[%dma_wait3A_58] : memref<640000xi32, #tpu.memory_space<hbm>> -> memref<128xi32, #tpu.memory_space<hbm>>
      %dma_wait3A_60 = arith.constant 0 : i32
      %dma_wait3A_61 = tpu.memref_slice %arg7[%dma_wait3A, %dma_wait3A_60] : memref<80x128xi32, #tpu.memory_space<vmem>> -> memref<1x128xi32, #tpu.memory_space<vmem>>
      %dma_wait3A_62 = tpu.memref_squeeze %dma_wait3A_61 : memref<1x128xi32, #tpu.memory_space<vmem>> -> memref<128xi32, #tpu.memory_space<vmem>>
      %dma_wait3A_63 = arith.constant 0 : i32
      %dma_wait3A_64 = tpu.memref_slice %arg2[%dma_wait3A_63] : memref<640000xi32, #tpu.memory_space<hbm>> -> memref<128xi32, #tpu.memory_space<hbm>>
      tpu.wait_dma2 semaphore(%arg11 : memref<!tpu.dma_semaphore, #tpu.memory_space<semaphore_mem>>) src(%dma_wait3A_64 : memref<128xi32, #tpu.memory_space<hbm>>) dst(%dma_wait3A_62 : memref<128xi32, #tpu.memory_space<vmem>>)
    }
    %while3A_31 = arith.constant 1 : i32
    scf.for %while3A_54 = %while3A_29 to %while3A_25 step %while3A_31  : i32 {
      %dma_wait3A = arith.constant 0 : i32
      %dma_wait3A_55 = arith.constant 0 : i32
      %dma_wait3A_56 = tpu.memref_slice %arg7[%dma_wait3A, %dma_wait3A_55] : memref<80x128xi32, #tpu.memory_space<vmem>> -> memref<1x128xi32, #tpu.memory_space<vmem>>
      %dma_wait3A_57 = tpu.memref_squeeze %dma_wait3A_56 : memref<1x128xi32, #tpu.memory_space<vmem>> -> memref<128xi32, #tpu.memory_space<vmem>>
      %dma_wait3A_58 = arith.constant 0 : i32
      %dma_wait3A_59 = tpu.memref_slice %arg2[%dma_wait3A_58] : memref<640000xi32, #tpu.memory_space<hbm>> -> memref<128xi32, #tpu.memory_space<hbm>>
      %dma_wait3A_60 = arith.constant 0 : i32
      %dma_wait3A_61 = tpu.memref_slice %arg7[%dma_wait3A, %dma_wait3A_60] : memref<80x128xi32, #tpu.memory_space<vmem>> -> memref<1x128xi32, #tpu.memory_space<vmem>>
      %dma_wait3A_62 = tpu.memref_squeeze %dma_wait3A_61 : memref<1x128xi32, #tpu.memory_space<vmem>> -> memref<128xi32, #tpu.memory_space<vmem>>
      %dma_wait3A_63 = arith.constant 0 : i32
      %dma_wait3A_64 = tpu.memref_slice %arg2[%dma_wait3A_63] : memref<640000xi32, #tpu.memory_space<hbm>> -> memref<128xi32, #tpu.memory_space<hbm>>
      tpu.wait_dma2 semaphore(%arg11 : memref<!tpu.dma_semaphore, #tpu.memory_space<semaphore_mem>>) src(%dma_wait3A_64 : memref<128xi32, #tpu.memory_space<hbm>>) dst(%dma_wait3A_62 : memref<128xi32, #tpu.memory_space<vmem>>)
    }
    %while3A_32 = arith.constant 0 : i32
    %while3A_33 = arith.constant 0 : i32
    %while3A_34 = arith.subi %select_n3A_10, %while3A_33 : i32
    %while3A_35 = arith.addi %while3A_33, %while3A_34 : i32
    %while3A_36 = arith.constant 1 : i32
    %while3A_37 = arith.divsi %while3A_34, %while3A_36 : i32
    %while3A_38 = arith.muli %while3A_37, %while3A_36 : i32
    %while3A_39 = arith.addi %while3A_33, %while3A_38 : i32
    %while3A_40 = arith.constant 1 : i32
    scf.for %while3A_54 = %while3A_33 to %while3A_39 step %while3A_40  : i32 {
      "tpu.region"() ({
        %run_scoped3A = tpu.sem_alloc : memref<!tpu.dma_semaphore, #tpu.memory_space<semaphore_mem>>
        %dma_start3A = arith.constant 0 : i32
        %dma_start3A_55 = tpu.memref_slice %arg7[%while3A_54, %dma_start3A] : memref<80x128xi32, #tpu.memory_space<vmem>> -> memref<1x128xi32, #tpu.memory_space<vmem>>
        %dma_start3A_56 = tpu.memref_squeeze %dma_start3A_55 : memref<1x128xi32, #tpu.memory_space<vmem>> -> memref<128xi32, #tpu.memory_space<vmem>>
        %dma_start3A_57 = arith.constant 0 : i32
        %dma_start3A_58 = tpu.memref_slice %arg10[%dma_start3A_57] : memref<10240xf32, #tpu.memory_space<vmem_shared>> -> memref<10240xf32, #tpu.memory_space<vmem_shared>>
        tpu.enqueue_indirect_dma source(%arg8 : memref<128xf32, #tpu.memory_space<vmem>>) target(%dma_start3A_58 : memref<10240xf32, #tpu.memory_space<vmem_shared>>) offsets(%dma_start3A_56 : memref<128xi32, #tpu.memory_space<vmem>>) semaphore(%run_scoped3A : memref<!tpu.dma_semaphore, #tpu.memory_space<semaphore_mem>>) {add = true}
        %dma_wait3A = arith.constant 0 : i32
        %dma_wait3A_59 = tpu.memref_slice %arg7[%while3A_54, %dma_wait3A] : memref<80x128xi32, #tpu.memory_space<vmem>> -> memref<1x128xi32, #tpu.memory_space<vmem>>
        %dma_wait3A_60 = tpu.memref_squeeze %dma_wait3A_59 : memref<1x128xi32, #tpu.memory_space<vmem>> -> memref<128xi32, #tpu.memory_space<vmem>>
        %dma_wait3A_61 = arith.constant 0 : i32
        %dma_wait3A_62 = tpu.memref_slice %arg10[%dma_wait3A_61] : memref<10240xf32, #tpu.memory_space<vmem_shared>> -> memref<10240xf32, #tpu.memory_space<vmem_shared>>
        tpu.wait_indirect_dma semaphore(%run_scoped3A : memref<!tpu.dma_semaphore, #tpu.memory_space<semaphore_mem>>) src(%arg8 : memref<128xf32, #tpu.memory_space<vmem>>) dst(%dma_wait3A_62 : memref<10240xf32, #tpu.memory_space<vmem_shared>>)
        tpu.yield
      }) : () -> ()
    }
    %while3A_41 = arith.constant 1 : i32
    scf.for %while3A_54 = %while3A_39 to %while3A_35 step %while3A_41  : i32 {
      "tpu.region"() ({
        %run_scoped3A = tpu.sem_alloc : memref<!tpu.dma_semaphore, #tpu.memory_space<semaphore_mem>>
        %dma_start3A = arith.constant 0 : i32
        %dma_start3A_55 = tpu.memref_slice %arg7[%while3A_54, %dma_start3A] : memref<80x128xi32, #tpu.memory_space<vmem>> -> memref<1x128xi32, #tpu.memory_space<vmem>>
        %dma_start3A_56 = tpu.memref_squeeze %dma_start3A_55 : memref<1x128xi32, #tpu.memory_space<vmem>> -> memref<128xi32, #tpu.memory_space<vmem>>
        %dma_start3A_57 = arith.constant 0 : i32
        %dma_start3A_58 = tpu.memref_slice %arg10[%dma_start3A_57] : memref<10240xf32, #tpu.memory_space<vmem_shared>> -> memref<10240xf32, #tpu.memory_space<vmem_shared>>
        tpu.enqueue_indirect_dma source(%arg8 : memref<128xf32, #tpu.memory_space<vmem>>) target(%dma_start3A_58 : memref<10240xf32, #tpu.memory_space<vmem_shared>>) offsets(%dma_start3A_56 : memref<128xi32, #tpu.memory_space<vmem>>) semaphore(%run_scoped3A : memref<!tpu.dma_semaphore, #tpu.memory_space<semaphore_mem>>) {add = true}
        %dma_wait3A = arith.constant 0 : i32
        %dma_wait3A_59 = tpu.memref_slice %arg7[%while3A_54, %dma_wait3A] : memref<80x128xi32, #tpu.memory_space<vmem>> -> memref<1x128xi32, #tpu.memory_space<vmem>>
        %dma_wait3A_60 = tpu.memref_squeeze %dma_wait3A_59 : memref<1x128xi32, #tpu.memory_space<vmem>> -> memref<128xi32, #tpu.memory_space<vmem>>
        %dma_wait3A_61 = arith.constant 0 : i32
        %dma_wait3A_62 = tpu.memref_slice %arg10[%dma_wait3A_61] : memref<10240xf32, #tpu.memory_space<vmem_shared>> -> memref<10240xf32, #tpu.memory_space<vmem_shared>>
        tpu.wait_indirect_dma semaphore(%run_scoped3A : memref<!tpu.dma_semaphore, #tpu.memory_space<semaphore_mem>>) src(%arg8 : memref<128xf32, #tpu.memory_space<vmem>>) dst(%dma_wait3A_62 : memref<10240xf32, #tpu.memory_space<vmem_shared>>)
        tpu.yield
      }) : () -> ()
    }
    %eq3A_42 = arith.constant 1 : i32
    %eq3A_43 = arith.cmpi eq, %arg0, %eq3A_42 : i32
    %lt3A = arith.constant 4 : i32
    %lt3A_44 = arith.cmpi slt, %arg1, %lt3A : i32
    %and3A = arith.andi %eq3A_43, %lt3A_44 : i1
    %convert_element_type3A = arith.extui %and3A : i1 to i32
    %cond3A = arith.constant 0 : i32
    %cond3A_45 = arith.cmpi ne, %convert_element_type3A, %cond3A : i32
    scf.if %cond3A_45 {
      %run_scoped3A = arith.constant 0 : i32
      "tpu.region"() ({
        %run_scoped3A_55 = tpu.sem_alloc : memref<!tpu.dma_semaphore, #tpu.memory_space<semaphore_mem>>
        %dma_start3A = arith.constant 0 : i32
        %dma_start3A_56 = tpu.memref_slice %arg7[%run_scoped3A, %dma_start3A] : memref<80x128xi32, #tpu.memory_space<vmem>> -> memref<1x128xi32, #tpu.memory_space<vmem>>
        %dma_start3A_57 = tpu.memref_squeeze %dma_start3A_56 : memref<1x128xi32, #tpu.memory_space<vmem>> -> memref<128xi32, #tpu.memory_space<vmem>>
        %dma_start3A_58 = arith.constant 0 : i32
        %dma_start3A_59 = tpu.memref_slice %arg3[%arg1, %dma_start3A_58] : memref<4x128xi32, #tpu.memory_space<hbm>> -> memref<1x128xi32, #tpu.memory_space<hbm>>
        %dma_start3A_60 = tpu.memref_squeeze %dma_start3A_59 : memref<1x128xi32, #tpu.memory_space<hbm>> -> memref<128xi32, #tpu.memory_space<hbm>>
        %dma_start3A_61 = arith.constant 0 : i32
        %dma_start3A_62 = tpu.memref_slice %arg7[%run_scoped3A, %dma_start3A_61] : memref<80x128xi32, #tpu.memory_space<vmem>> -> memref<1x128xi32, #tpu.memory_space<vmem>>
        %dma_start3A_63 = tpu.memref_squeeze %dma_start3A_62 : memref<1x128xi32, #tpu.memory_space<vmem>> -> memref<128xi32, #tpu.memory_space<vmem>>
        %dma_start3A_64 = arith.constant 0 : i32
        %dma_start3A_65 = tpu.memref_slice %arg3[%arg1, %dma_start3A_64] : memref<4x128xi32, #tpu.memory_space<hbm>> -> memref<1x128xi32, #tpu.memory_space<hbm>>
        %dma_start3A_66 = tpu.memref_squeeze %dma_start3A_65 : memref<1x128xi32, #tpu.memory_space<hbm>> -> memref<128xi32, #tpu.memory_space<hbm>>
        tpu.enqueue_dma source(%dma_start3A_66 : memref<128xi32, #tpu.memory_space<hbm>>) target(%dma_start3A_63 : memref<128xi32, #tpu.memory_space<vmem>>) target_semaphore(%run_scoped3A_55 : memref<!tpu.dma_semaphore, #tpu.memory_space<semaphore_mem>>)
        %dma_wait3A = arith.constant 0 : i32
        %dma_wait3A_67 = tpu.memref_slice %arg7[%run_scoped3A, %dma_wait3A] : memref<80x128xi32, #tpu.memory_space<vmem>> -> memref<1x128xi32, #tpu.memory_space<vmem>>
        %dma_wait3A_68 = tpu.memref_squeeze %dma_wait3A_67 : memref<1x128xi32, #tpu.memory_space<vmem>> -> memref<128xi32, #tpu.memory_space<vmem>>
        %dma_wait3A_69 = arith.constant 0 : i32
        %dma_wait3A_70 = tpu.memref_slice %arg3[%arg1, %dma_wait3A_69] : memref<4x128xi32, #tpu.memory_space<hbm>> -> memref<1x128xi32, #tpu.memory_space<hbm>>
        %dma_wait3A_71 = tpu.memref_squeeze %dma_wait3A_70 : memref<1x128xi32, #tpu.memory_space<hbm>> -> memref<128xi32, #tpu.memory_space<hbm>>
        %dma_wait3A_72 = arith.constant 0 : i32
        %dma_wait3A_73 = tpu.memref_slice %arg7[%run_scoped3A, %dma_wait3A_72] : memref<80x128xi32, #tpu.memory_space<vmem>> -> memref<1x128xi32, #tpu.memory_space<vmem>>
        %dma_wait3A_74 = tpu.memref_squeeze %dma_wait3A_73 : memref<1x128xi32, #tpu.memory_space<vmem>> -> memref<128xi32, #tpu.memory_space<vmem>>
        %dma_wait3A_75 = arith.constant 0 : i32
        %dma_wait3A_76 = tpu.memref_slice %arg3[%arg1, %dma_wait3A_75] : memref<4x128xi32, #tpu.memory_space<hbm>> -> memref<1x128xi32, #tpu.memory_space<hbm>>
        %dma_wait3A_77 = tpu.memref_squeeze %dma_wait3A_76 : memref<1x128xi32, #tpu.memory_space<hbm>> -> memref<128xi32, #tpu.memory_space<hbm>>
        tpu.wait_dma2 semaphore(%run_scoped3A_55 : memref<!tpu.dma_semaphore, #tpu.memory_space<semaphore_mem>>) src(%dma_wait3A_77 : memref<128xi32, #tpu.memory_space<hbm>>) dst(%dma_wait3A_74 : memref<128xi32, #tpu.memory_space<vmem>>)
        tpu.yield
      }) : () -> ()
      %run_scoped3A_54 = arith.constant 0 : i32
      "tpu.region"() ({
        %run_scoped3A_55 = tpu.sem_alloc : memref<!tpu.dma_semaphore, #tpu.memory_space<semaphore_mem>>
        %dma_start3A = arith.constant 0 : i32
        %dma_start3A_56 = tpu.memref_slice %arg7[%run_scoped3A_54, %dma_start3A] : memref<80x128xi32, #tpu.memory_space<vmem>> -> memref<1x128xi32, #tpu.memory_space<vmem>>
        %dma_start3A_57 = tpu.memref_squeeze %dma_start3A_56 : memref<1x128xi32, #tpu.memory_space<vmem>> -> memref<128xi32, #tpu.memory_space<vmem>>
        %dma_start3A_58 = arith.constant 0 : i32
        %dma_start3A_59 = tpu.memref_slice %arg10[%dma_start3A_58] : memref<10240xf32, #tpu.memory_space<vmem_shared>> -> memref<10240xf32, #tpu.memory_space<vmem_shared>>
        tpu.enqueue_indirect_dma source(%arg8 : memref<128xf32, #tpu.memory_space<vmem>>) target(%dma_start3A_59 : memref<10240xf32, #tpu.memory_space<vmem_shared>>) offsets(%dma_start3A_57 : memref<128xi32, #tpu.memory_space<vmem>>) semaphore(%run_scoped3A_55 : memref<!tpu.dma_semaphore, #tpu.memory_space<semaphore_mem>>) {add = true}
        %dma_wait3A = arith.constant 0 : i32
        %dma_wait3A_60 = tpu.memref_slice %arg7[%run_scoped3A_54, %dma_wait3A] : memref<80x128xi32, #tpu.memory_space<vmem>> -> memref<1x128xi32, #tpu.memory_space<vmem>>
        %dma_wait3A_61 = tpu.memref_squeeze %dma_wait3A_60 : memref<1x128xi32, #tpu.memory_space<vmem>> -> memref<128xi32, #tpu.memory_space<vmem>>
        %dma_wait3A_62 = arith.constant 0 : i32
        %dma_wait3A_63 = tpu.memref_slice %arg10[%dma_wait3A_62] : memref<10240xf32, #tpu.memory_space<vmem_shared>> -> memref<10240xf32, #tpu.memory_space<vmem_shared>>
        tpu.wait_indirect_dma semaphore(%run_scoped3A_55 : memref<!tpu.dma_semaphore, #tpu.memory_space<semaphore_mem>>) src(%arg8 : memref<128xf32, #tpu.memory_space<vmem>>) dst(%dma_wait3A_63 : memref<10240xf32, #tpu.memory_space<vmem_shared>>)
        tpu.yield
      }) : () -> ()
    } else {
    }
    %barrier3A_46 = arith.constant 0 : index
    tpu.barrier barrier_id(%barrier3A_46)
    %mul3A_47 = arith.constant 640 : i32
    %mul3A_48 = arith.muli %arg1, %mul3A_47 : i32
    "tpu.region"() ({
      %run_scoped3A = tpu.sem_alloc : memref<!tpu.dma_semaphore, #tpu.memory_space<semaphore_mem>>
      %dma_start3A = tpu.memref_slice %arg10[%mul3A_48] : memref<10240xf32, #tpu.memory_space<vmem_shared>> -> memref<640xf32, #tpu.memory_space<vmem_shared>>
      %dma_start3A_54 = tpu.memref_slice %arg10[%mul3A_48] : memref<10240xf32, #tpu.memory_space<vmem_shared>> -> memref<640xf32, #tpu.memory_space<vmem_shared>>
      tpu.enqueue_dma source(%dma_start3A_54 : memref<640xf32, #tpu.memory_space<vmem_shared>>) target(%arg9 : memref<640xf32, #tpu.memory_space<vmem>>) target_semaphore(%run_scoped3A : memref<!tpu.dma_semaphore, #tpu.memory_space<semaphore_mem>>)
      %dma_wait3A = tpu.memref_slice %arg10[%mul3A_48] : memref<10240xf32, #tpu.memory_space<vmem_shared>> -> memref<640xf32, #tpu.memory_space<vmem_shared>>
      %dma_wait3A_55 = tpu.memref_slice %arg10[%mul3A_48] : memref<10240xf32, #tpu.memory_space<vmem_shared>> -> memref<640xf32, #tpu.memory_space<vmem_shared>>
      tpu.wait_dma2 semaphore(%run_scoped3A : memref<!tpu.dma_semaphore, #tpu.memory_space<semaphore_mem>>) src(%dma_wait3A_55 : memref<640xf32, #tpu.memory_space<vmem_shared>>) dst(%arg9 : memref<640xf32, #tpu.memory_space<vmem>>)
      tpu.yield
    }) : () -> ()
    %mul3A_49 = arith.constant 10240 : i32
    %mul3A_50 = arith.muli %arg0, %mul3A_49 : i32
    %mul3A_51 = arith.constant 640 : i32
    %mul3A_52 = arith.muli %arg1, %mul3A_51 : i32
    %add3A_53 = arith.addi %mul3A_50, %mul3A_52 : i32
    "tpu.region"() ({
      %run_scoped3A = tpu.sem_alloc : memref<!tpu.dma_semaphore, #tpu.memory_space<semaphore_mem>>
      %dma_start3A = tpu.memref_slice %arg6[%add3A_53] : memref<20480xf32, #tpu.memory_space<hbm>> -> memref<640xf32, #tpu.memory_space<hbm>>
      %dma_start3A_54 = tpu.memref_slice %arg6[%add3A_53] : memref<20480xf32, #tpu.memory_space<hbm>> -> memref<640xf32, #tpu.memory_space<hbm>>
      tpu.enqueue_dma source(%arg9 : memref<640xf32, #tpu.memory_space<vmem>>) target(%dma_start3A_54 : memref<640xf32, #tpu.memory_space<hbm>>) target_semaphore(%run_scoped3A : memref<!tpu.dma_semaphore, #tpu.memory_space<semaphore_mem>>)
      %dma_wait3A = tpu.memref_slice %arg6[%add3A_53] : memref<20480xf32, #tpu.memory_space<hbm>> -> memref<640xf32, #tpu.memory_space<hbm>>
      %dma_wait3A_55 = tpu.memref_slice %arg6[%add3A_53] : memref<20480xf32, #tpu.memory_space<hbm>> -> memref<640xf32, #tpu.memory_space<hbm>>
      tpu.wait_dma2 semaphore(%run_scoped3A : memref<!tpu.dma_semaphore, #tpu.memory_space<semaphore_mem>>) src(%arg9 : memref<640xf32, #tpu.memory_space<vmem>>) dst(%dma_wait3A_55 : memref<640xf32, #tpu.memory_space<hbm>>)
      tpu.yield
    }) : () -> ()
    return
  }
}

#map = affine_map<(d0, d1) -> (0, 0)>
#map1 = affine_map<(d0, d1) -> (0)>
#map2 = affine_map<(d0, d1) -> (0, 0, 0)>
module attributes {stable_mosaic.version = 14 : i64} {
  func.func @_agg_body(%arg0: i32, %arg1: i32, %arg2: memref<10000x128xf32, #tpu.memory_space<hbm>>, %arg3: memref<640000xi32, #tpu.memory_space<hbm>>, %arg4: memref<4x128xi32, #tpu.memory_space<hbm>>, %arg5: memref<4x128xi32, #tpu.memory_space<hbm>>, %arg6: memref<64x128xf32, #tpu.memory_space<hbm>>, %arg7: memref<2x10240x128xf32, #tpu.memory_space<hbm>>, %arg8: memref<2x128xi32, #tpu.memory_space<vmem>>, %arg9: memref<2x128xi32, #tpu.memory_space<vmem>>, %arg10: memref<2x128x128xf32, #tpu.memory_space<vmem>>, %arg11: memref<64x128xf32, #tpu.memory_space<vmem>>, %arg12: memref<10240x128xf32, #tpu.memory_space<vmem_shared>>, %arg13: memref<!tpu.dma_semaphore, #tpu.memory_space<semaphore_mem>>, %arg14: memref<!tpu.dma_semaphore, #tpu.memory_space<semaphore_mem>>, %arg15: memref<!tpu.dma_semaphore, #tpu.memory_space<semaphore_mem>>, %arg16: memref<!tpu.dma_semaphore, #tpu.memory_space<semaphore_mem>>) attributes {dimension_semantics = [#tpu.dimension_semantics<core_parallel>, #tpu.dimension_semantics<subcore_parallel>], iteration_bounds = array<i64: 2, 16>, scalar_prefetch = 0 : i64, scratch_operands = 9 : i64, tpu.core_type = #tpu.core_type<sc_vector_subcore>, window_params = [{transform_indices = #map}, {transform_indices = #map1}, {transform_indices = #map}, {transform_indices = #map}, {transform_indices = #map}, {transform_indices = #map2}]} {
    %eq3A = arith.constant 0 : i32
    %eq3A_0 = arith.cmpi eq, %arg0, %eq3A : i32
    %mul3A = arith.constant 10240 : i32
    %mul3A_1 = arith.muli %arg1, %mul3A : i32
    %mul3A_2 = arith.constant 9728 : i32
    %mul3A_3 = arith.muli %arg1, %mul3A_2 : i32
    %add3A = arith.constant 163840 : i32
    %add3A_4 = arith.addi %add3A, %mul3A_3 : i32
    %select_n3A = arith.select %eq3A_0, %mul3A_1, %add3A_4 : i32
    %multiple_of3A = tpu.assume_multiple %select_n3A, 8 : i32
    %add3A_5 = arith.constant 0 : i32
    %add3A_6 = arith.addi %multiple_of3A, %add3A_5 : i32
    %dma_start3A = arith.constant 0 : i32
    %dma_start3A_7 = arith.constant 0 : i32
    %dma_start3A_8 = tpu.memref_slice %arg8[%dma_start3A, %dma_start3A_7] : memref<2x128xi32, #tpu.memory_space<vmem>> -> memref<1x128xi32, #tpu.memory_space<vmem>>
    %dma_start3A_9 = tpu.memref_squeeze %dma_start3A_8 : memref<1x128xi32, #tpu.memory_space<vmem>> -> memref<128xi32, #tpu.memory_space<vmem>>
    %dma_start3A_10 = tpu.memref_slice %arg3[%add3A_6] : memref<640000xi32, #tpu.memory_space<hbm>> -> memref<128xi32, #tpu.memory_space<hbm>>
    %dma_start3A_11 = arith.constant 0 : i32
    %dma_start3A_12 = tpu.memref_slice %arg8[%dma_start3A, %dma_start3A_11] : memref<2x128xi32, #tpu.memory_space<vmem>> -> memref<1x128xi32, #tpu.memory_space<vmem>>
    %dma_start3A_13 = tpu.memref_squeeze %dma_start3A_12 : memref<1x128xi32, #tpu.memory_space<vmem>> -> memref<128xi32, #tpu.memory_space<vmem>>
    %dma_start3A_14 = tpu.memref_slice %arg3[%add3A_6] : memref<640000xi32, #tpu.memory_space<hbm>> -> memref<128xi32, #tpu.memory_space<hbm>>
    tpu.enqueue_dma source(%dma_start3A_14 : memref<128xi32, #tpu.memory_space<hbm>>) target(%dma_start3A_13 : memref<128xi32, #tpu.memory_space<vmem>>) target_semaphore(%arg13 : memref<!tpu.dma_semaphore, #tpu.memory_space<semaphore_mem>>)
    %add3A_15 = arith.constant 320000 : i32
    %add3A_16 = arith.addi %add3A_15, %multiple_of3A : i32
    %add3A_17 = arith.constant 0 : i32
    %add3A_18 = arith.addi %add3A_16, %add3A_17 : i32
    %dma_start3A_19 = arith.constant 0 : i32
    %dma_start3A_20 = arith.constant 0 : i32
    %dma_start3A_21 = tpu.memref_slice %arg9[%dma_start3A_19, %dma_start3A_20] : memref<2x128xi32, #tpu.memory_space<vmem>> -> memref<1x128xi32, #tpu.memory_space<vmem>>
    %dma_start3A_22 = tpu.memref_squeeze %dma_start3A_21 : memref<1x128xi32, #tpu.memory_space<vmem>> -> memref<128xi32, #tpu.memory_space<vmem>>
    %dma_start3A_23 = tpu.memref_slice %arg3[%add3A_18] : memref<640000xi32, #tpu.memory_space<hbm>> -> memref<128xi32, #tpu.memory_space<hbm>>
    %dma_start3A_24 = arith.constant 0 : i32
    %dma_start3A_25 = tpu.memref_slice %arg9[%dma_start3A_19, %dma_start3A_24] : memref<2x128xi32, #tpu.memory_space<vmem>> -> memref<1x128xi32, #tpu.memory_space<vmem>>
    %dma_start3A_26 = tpu.memref_squeeze %dma_start3A_25 : memref<1x128xi32, #tpu.memory_space<vmem>> -> memref<128xi32, #tpu.memory_space<vmem>>
    %dma_start3A_27 = tpu.memref_slice %arg3[%add3A_18] : memref<640000xi32, #tpu.memory_space<hbm>> -> memref<128xi32, #tpu.memory_space<hbm>>
    tpu.enqueue_dma source(%dma_start3A_27 : memref<128xi32, #tpu.memory_space<hbm>>) target(%dma_start3A_26 : memref<128xi32, #tpu.memory_space<vmem>>) target_semaphore(%arg13 : memref<!tpu.dma_semaphore, #tpu.memory_space<semaphore_mem>>)
    %dma_wait3A = arith.constant 0 : i32
    %dma_wait3A_28 = arith.constant 0 : i32
    %dma_wait3A_29 = tpu.memref_slice %arg8[%dma_wait3A, %dma_wait3A_28] : memref<2x128xi32, #tpu.memory_space<vmem>> -> memref<1x128xi32, #tpu.memory_space<vmem>>
    %dma_wait3A_30 = tpu.memref_squeeze %dma_wait3A_29 : memref<1x128xi32, #tpu.memory_space<vmem>> -> memref<128xi32, #tpu.memory_space<vmem>>
    %dma_wait3A_31 = arith.constant 0 : i32
    %dma_wait3A_32 = tpu.memref_slice %arg3[%dma_wait3A_31] : memref<640000xi32, #tpu.memory_space<hbm>> -> memref<128xi32, #tpu.memory_space<hbm>>
    %dma_wait3A_33 = arith.constant 0 : i32
    %dma_wait3A_34 = tpu.memref_slice %arg8[%dma_wait3A, %dma_wait3A_33] : memref<2x128xi32, #tpu.memory_space<vmem>> -> memref<1x128xi32, #tpu.memory_space<vmem>>
    %dma_wait3A_35 = tpu.memref_squeeze %dma_wait3A_34 : memref<1x128xi32, #tpu.memory_space<vmem>> -> memref<128xi32, #tpu.memory_space<vmem>>
    %dma_wait3A_36 = arith.constant 0 : i32
    %dma_wait3A_37 = tpu.memref_slice %arg3[%dma_wait3A_36] : memref<640000xi32, #tpu.memory_space<hbm>> -> memref<128xi32, #tpu.memory_space<hbm>>
    tpu.wait_dma2 semaphore(%arg13 : memref<!tpu.dma_semaphore, #tpu.memory_space<semaphore_mem>>) src(%dma_wait3A_37 : memref<128xi32, #tpu.memory_space<hbm>>) dst(%dma_wait3A_35 : memref<128xi32, #tpu.memory_space<vmem>>)
    %dma_wait3A_38 = arith.constant 0 : i32
    %dma_wait3A_39 = arith.constant 0 : i32
    %dma_wait3A_40 = tpu.memref_slice %arg9[%dma_wait3A_38, %dma_wait3A_39] : memref<2x128xi32, #tpu.memory_space<vmem>> -> memref<1x128xi32, #tpu.memory_space<vmem>>
    %dma_wait3A_41 = tpu.memref_squeeze %dma_wait3A_40 : memref<1x128xi32, #tpu.memory_space<vmem>> -> memref<128xi32, #tpu.memory_space<vmem>>
    %dma_wait3A_42 = arith.constant 0 : i32
    %dma_wait3A_43 = tpu.memref_slice %arg3[%dma_wait3A_42] : memref<640000xi32, #tpu.memory_space<hbm>> -> memref<128xi32, #tpu.memory_space<hbm>>
    %dma_wait3A_44 = arith.constant 0 : i32
    %dma_wait3A_45 = tpu.memref_slice %arg9[%dma_wait3A_38, %dma_wait3A_44] : memref<2x128xi32, #tpu.memory_space<vmem>> -> memref<1x128xi32, #tpu.memory_space<vmem>>
    %dma_wait3A_46 = tpu.memref_squeeze %dma_wait3A_45 : memref<1x128xi32, #tpu.memory_space<vmem>> -> memref<128xi32, #tpu.memory_space<vmem>>
    %dma_wait3A_47 = arith.constant 0 : i32
    %dma_wait3A_48 = tpu.memref_slice %arg3[%dma_wait3A_47] : memref<640000xi32, #tpu.memory_space<hbm>> -> memref<128xi32, #tpu.memory_space<hbm>>
    tpu.wait_dma2 semaphore(%arg13 : memref<!tpu.dma_semaphore, #tpu.memory_space<semaphore_mem>>) src(%dma_wait3A_48 : memref<128xi32, #tpu.memory_space<hbm>>) dst(%dma_wait3A_46 : memref<128xi32, #tpu.memory_space<vmem>>)
    %dma_start3A_49 = arith.constant 0 : i32
    %dma_start3A_50 = arith.constant 0 : i32
    %dma_start3A_51 = arith.constant 0 : i32
    %dma_start3A_52 = arith.constant 0 : i32
    %dma_start3A_53 = tpu.memref_slice %arg10[%dma_start3A_50, %dma_start3A_51, %dma_start3A_52] : memref<2x128x128xf32, #tpu.memory_space<vmem>> -> memref<1x128x128xf32, #tpu.memory_space<vmem>>
    %dma_start3A_54 = tpu.memref_squeeze %dma_start3A_53 : memref<1x128x128xf32, #tpu.memory_space<vmem>> -> memref<128x128xf32, #tpu.memory_space<vmem>>
    %dma_start3A_55 = arith.constant 0 : i32
    %dma_start3A_56 = tpu.memref_slice %arg8[%dma_start3A_49, %dma_start3A_55] : memref<2x128xi32, #tpu.memory_space<vmem>> -> memref<1x128xi32, #tpu.memory_space<vmem>>
    %dma_start3A_57 = tpu.memref_squeeze %dma_start3A_56 : memref<1x128xi32, #tpu.memory_space<vmem>> -> memref<128xi32, #tpu.memory_space<vmem>>
    %dma_start3A_58 = arith.constant 0 : i32
    %dma_start3A_59 = arith.constant 0 : i32
    %dma_start3A_60 = tpu.memref_slice %arg2[%dma_start3A_58, %dma_start3A_59] : memref<10000x128xf32, #tpu.memory_space<hbm>> -> memref<10000x128xf32, #tpu.memory_space<hbm>>
    tpu.enqueue_indirect_dma source(%dma_start3A_60 : memref<10000x128xf32, #tpu.memory_space<hbm>>) target(%dma_start3A_54 : memref<128x128xf32, #tpu.memory_space<vmem>>) offsets(%dma_start3A_57 : memref<128xi32, #tpu.memory_space<vmem>>) semaphore(%arg15 : memref<!tpu.dma_semaphore, #tpu.memory_space<semaphore_mem>>)
    %add3A_61 = arith.constant 128 : i32
    %add3A_62 = arith.addi %multiple_of3A, %add3A_61 : i32
    %dma_start3A_63 = arith.constant 1 : i32
    %dma_start3A_64 = arith.constant 0 : i32
    %dma_start3A_65 = tpu.memref_slice %arg8[%dma_start3A_63, %dma_start3A_64] : memref<2x128xi32, #tpu.memory_space<vmem>> -> memref<1x128xi32, #tpu.memory_space<vmem>>
    %dma_start3A_66 = tpu.memref_squeeze %dma_start3A_65 : memref<1x128xi32, #tpu.memory_space<vmem>> -> memref<128xi32, #tpu.memory_space<vmem>>
    %dma_start3A_67 = tpu.memref_slice %arg3[%add3A_62] : memref<640000xi32, #tpu.memory_space<hbm>> -> memref<128xi32, #tpu.memory_space<hbm>>
    %dma_start3A_68 = arith.constant 0 : i32
    %dma_start3A_69 = tpu.memref_slice %arg8[%dma_start3A_63, %dma_start3A_68] : memref<2x128xi32, #tpu.memory_space<vmem>> -> memref<1x128xi32, #tpu.memory_space<vmem>>
    %dma_start3A_70 = tpu.memref_squeeze %dma_start3A_69 : memref<1x128xi32, #tpu.memory_space<vmem>> -> memref<128xi32, #tpu.memory_space<vmem>>
    %dma_start3A_71 = tpu.memref_slice %arg3[%add3A_62] : memref<640000xi32, #tpu.memory_space<hbm>> -> memref<128xi32, #tpu.memory_space<hbm>>
    tpu.enqueue_dma source(%dma_start3A_71 : memref<128xi32, #tpu.memory_space<hbm>>) target(%dma_start3A_70 : memref<128xi32, #tpu.memory_space<vmem>>) target_semaphore(%arg14 : memref<!tpu.dma_semaphore, #tpu.memory_space<semaphore_mem>>)
    %add3A_72 = arith.constant 320000 : i32
    %add3A_73 = arith.addi %add3A_72, %multiple_of3A : i32
    %add3A_74 = arith.constant 128 : i32
    %add3A_75 = arith.addi %add3A_73, %add3A_74 : i32
    %dma_start3A_76 = arith.constant 1 : i32
    %dma_start3A_77 = arith.constant 0 : i32
    %dma_start3A_78 = tpu.memref_slice %arg9[%dma_start3A_76, %dma_start3A_77] : memref<2x128xi32, #tpu.memory_space<vmem>> -> memref<1x128xi32, #tpu.memory_space<vmem>>
    %dma_start3A_79 = tpu.memref_squeeze %dma_start3A_78 : memref<1x128xi32, #tpu.memory_space<vmem>> -> memref<128xi32, #tpu.memory_space<vmem>>
    %dma_start3A_80 = tpu.memref_slice %arg3[%add3A_75] : memref<640000xi32, #tpu.memory_space<hbm>> -> memref<128xi32, #tpu.memory_space<hbm>>
    %dma_start3A_81 = arith.constant 0 : i32
    %dma_start3A_82 = tpu.memref_slice %arg9[%dma_start3A_76, %dma_start3A_81] : memref<2x128xi32, #tpu.memory_space<vmem>> -> memref<1x128xi32, #tpu.memory_space<vmem>>
    %dma_start3A_83 = tpu.memref_squeeze %dma_start3A_82 : memref<1x128xi32, #tpu.memory_space<vmem>> -> memref<128xi32, #tpu.memory_space<vmem>>
    %dma_start3A_84 = tpu.memref_slice %arg3[%add3A_75] : memref<640000xi32, #tpu.memory_space<hbm>> -> memref<128xi32, #tpu.memory_space<hbm>>
    tpu.enqueue_dma source(%dma_start3A_84 : memref<128xi32, #tpu.memory_space<hbm>>) target(%dma_start3A_83 : memref<128xi32, #tpu.memory_space<vmem>>) target_semaphore(%arg14 : memref<!tpu.dma_semaphore, #tpu.memory_space<semaphore_mem>>)
    "tpu.region"() ({
      %run_scoped3A_344 = tpu.sem_alloc : memref<!tpu.dma_semaphore, #tpu.memory_space<semaphore_mem>>
      tpu.enqueue_dma source(%arg6 : memref<64x128xf32, #tpu.memory_space<hbm>>) target(%arg11 : memref<64x128xf32, #tpu.memory_space<vmem>>) target_semaphore(%run_scoped3A_344 : memref<!tpu.dma_semaphore, #tpu.memory_space<semaphore_mem>>)
      tpu.wait_dma2 semaphore(%run_scoped3A_344 : memref<!tpu.dma_semaphore, #tpu.memory_space<semaphore_mem>>) src(%arg6 : memref<64x128xf32, #tpu.memory_space<hbm>>) dst(%arg11 : memref<64x128xf32, #tpu.memory_space<vmem>>)
      tpu.yield
    }) : () -> ()
    %mul3A_85 = arith.constant 640 : i32
    %mul3A_86 = arith.muli %arg1, %mul3A_85 : i32
    %add3A_87 = arith.constant 0 : i32
    %add3A_88 = arith.addi %mul3A_86, %add3A_87 : i32
    "tpu.region"() ({
      %run_scoped3A_344 = tpu.sem_alloc : memref<!tpu.dma_semaphore, #tpu.memory_space<semaphore_mem>>
      %dma_start3A_345 = arith.constant 0 : i32
      %dma_start3A_346 = tpu.memref_slice %arg12[%add3A_88, %dma_start3A_345] : memref<10240x128xf32, #tpu.memory_space<vmem_shared>> -> memref<64x128xf32, #tpu.memory_space<vmem_shared>>
      %dma_start3A_347 = arith.constant 0 : i32
      %dma_start3A_348 = tpu.memref_slice %arg12[%add3A_88, %dma_start3A_347] : memref<10240x128xf32, #tpu.memory_space<vmem_shared>> -> memref<64x128xf32, #tpu.memory_space<vmem_shared>>
      tpu.enqueue_dma source(%arg11 : memref<64x128xf32, #tpu.memory_space<vmem>>) target(%dma_start3A_348 : memref<64x128xf32, #tpu.memory_space<vmem_shared>>) target_semaphore(%run_scoped3A_344 : memref<!tpu.dma_semaphore, #tpu.memory_space<semaphore_mem>>)
      %dma_wait3A_349 = arith.constant 0 : i32
      %dma_wait3A_350 = tpu.memref_slice %arg12[%add3A_88, %dma_wait3A_349] : memref<10240x128xf32, #tpu.memory_space<vmem_shared>> -> memref<64x128xf32, #tpu.memory_space<vmem_shared>>
      %dma_wait3A_351 = arith.constant 0 : i32
      %dma_wait3A_352 = tpu.memref_slice %arg12[%add3A_88, %dma_wait3A_351] : memref<10240x128xf32, #tpu.memory_space<vmem_shared>> -> memref<64x128xf32, #tpu.memory_space<vmem_shared>>
      tpu.wait_dma2 semaphore(%run_scoped3A_344 : memref<!tpu.dma_semaphore, #tpu.memory_space<semaphore_mem>>) src(%arg11 : memref<64x128xf32, #tpu.memory_space<vmem>>) dst(%dma_wait3A_352 : memref<64x128xf32, #tpu.memory_space<vmem_shared>>)
      tpu.yield
    }) : () -> ()
    %mul3A_89 = arith.constant 640 : i32
    %mul3A_90 = arith.muli %arg1, %mul3A_89 : i32
    %add3A_91 = arith.constant 64 : i32
    %add3A_92 = arith.addi %mul3A_90, %add3A_91 : i32
    "tpu.region"() ({
      %run_scoped3A_344 = tpu.sem_alloc : memref<!tpu.dma_semaphore, #tpu.memory_space<semaphore_mem>>
      %dma_start3A_345 = arith.constant 0 : i32
      %dma_start3A_346 = tpu.memref_slice %arg12[%add3A_92, %dma_start3A_345] : memref<10240x128xf32, #tpu.memory_space<vmem_shared>> -> memref<64x128xf32, #tpu.memory_space<vmem_shared>>
      %dma_start3A_347 = arith.constant 0 : i32
      %dma_start3A_348 = tpu.memref_slice %arg12[%add3A_92, %dma_start3A_347] : memref<10240x128xf32, #tpu.memory_space<vmem_shared>> -> memref<64x128xf32, #tpu.memory_space<vmem_shared>>
      tpu.enqueue_dma source(%arg11 : memref<64x128xf32, #tpu.memory_space<vmem>>) target(%dma_start3A_348 : memref<64x128xf32, #tpu.memory_space<vmem_shared>>) target_semaphore(%run_scoped3A_344 : memref<!tpu.dma_semaphore, #tpu.memory_space<semaphore_mem>>)
      %dma_wait3A_349 = arith.constant 0 : i32
      %dma_wait3A_350 = tpu.memref_slice %arg12[%add3A_92, %dma_wait3A_349] : memref<10240x128xf32, #tpu.memory_space<vmem_shared>> -> memref<64x128xf32, #tpu.memory_space<vmem_shared>>
      %dma_wait3A_351 = arith.constant 0 : i32
      %dma_wait3A_352 = tpu.memref_slice %arg12[%add3A_92, %dma_wait3A_351] : memref<10240x128xf32, #tpu.memory_space<vmem_shared>> -> memref<64x128xf32, #tpu.memory_space<vmem_shared>>
      tpu.wait_dma2 semaphore(%run_scoped3A_344 : memref<!tpu.dma_semaphore, #tpu.memory_space<semaphore_mem>>) src(%arg11 : memref<64x128xf32, #tpu.memory_space<vmem>>) dst(%dma_wait3A_352 : memref<64x128xf32, #tpu.memory_space<vmem_shared>>)
      tpu.yield
    }) : () -> ()
    %mul3A_93 = arith.constant 640 : i32
    %mul3A_94 = arith.muli %arg1, %mul3A_93 : i32
    %add3A_95 = arith.constant 128 : i32
    %add3A_96 = arith.addi %mul3A_94, %add3A_95 : i32
    "tpu.region"() ({
      %run_scoped3A_344 = tpu.sem_alloc : memref<!tpu.dma_semaphore, #tpu.memory_space<semaphore_mem>>
      %dma_start3A_345 = arith.constant 0 : i32
      %dma_start3A_346 = tpu.memref_slice %arg12[%add3A_96, %dma_start3A_345] : memref<10240x128xf32, #tpu.memory_space<vmem_shared>> -> memref<64x128xf32, #tpu.memory_space<vmem_shared>>
      %dma_start3A_347 = arith.constant 0 : i32
      %dma_start3A_348 = tpu.memref_slice %arg12[%add3A_96, %dma_start3A_347] : memref<10240x128xf32, #tpu.memory_space<vmem_shared>> -> memref<64x128xf32, #tpu.memory_space<vmem_shared>>
      tpu.enqueue_dma source(%arg11 : memref<64x128xf32, #tpu.memory_space<vmem>>) target(%dma_start3A_348 : memref<64x128xf32, #tpu.memory_space<vmem_shared>>) target_semaphore(%run_scoped3A_344 : memref<!tpu.dma_semaphore, #tpu.memory_space<semaphore_mem>>)
      %dma_wait3A_349 = arith.constant 0 : i32
      %dma_wait3A_350 = tpu.memref_slice %arg12[%add3A_96, %dma_wait3A_349] : memref<10240x128xf32, #tpu.memory_space<vmem_shared>> -> memref<64x128xf32, #tpu.memory_space<vmem_shared>>
      %dma_wait3A_351 = arith.constant 0 : i32
      %dma_wait3A_352 = tpu.memref_slice %arg12[%add3A_96, %dma_wait3A_351] : memref<10240x128xf32, #tpu.memory_space<vmem_shared>> -> memref<64x128xf32, #tpu.memory_space<vmem_shared>>
      tpu.wait_dma2 semaphore(%run_scoped3A_344 : memref<!tpu.dma_semaphore, #tpu.memory_space<semaphore_mem>>) src(%arg11 : memref<64x128xf32, #tpu.memory_space<vmem>>) dst(%dma_wait3A_352 : memref<64x128xf32, #tpu.memory_space<vmem_shared>>)
      tpu.yield
    }) : () -> ()
    %mul3A_97 = arith.constant 640 : i32
    %mul3A_98 = arith.muli %arg1, %mul3A_97 : i32
    %add3A_99 = arith.constant 192 : i32
    %add3A_100 = arith.addi %mul3A_98, %add3A_99 : i32
    "tpu.region"() ({
      %run_scoped3A_344 = tpu.sem_alloc : memref<!tpu.dma_semaphore, #tpu.memory_space<semaphore_mem>>
      %dma_start3A_345 = arith.constant 0 : i32
      %dma_start3A_346 = tpu.memref_slice %arg12[%add3A_100, %dma_start3A_345] : memref<10240x128xf32, #tpu.memory_space<vmem_shared>> -> memref<64x128xf32, #tpu.memory_space<vmem_shared>>
      %dma_start3A_347 = arith.constant 0 : i32
      %dma_start3A_348 = tpu.memref_slice %arg12[%add3A_100, %dma_start3A_347] : memref<10240x128xf32, #tpu.memory_space<vmem_shared>> -> memref<64x128xf32, #tpu.memory_space<vmem_shared>>
      tpu.enqueue_dma source(%arg11 : memref<64x128xf32, #tpu.memory_space<vmem>>) target(%dma_start3A_348 : memref<64x128xf32, #tpu.memory_space<vmem_shared>>) target_semaphore(%run_scoped3A_344 : memref<!tpu.dma_semaphore, #tpu.memory_space<semaphore_mem>>)
      %dma_wait3A_349 = arith.constant 0 : i32
      %dma_wait3A_350 = tpu.memref_slice %arg12[%add3A_100, %dma_wait3A_349] : memref<10240x128xf32, #tpu.memory_space<vmem_shared>> -> memref<64x128xf32, #tpu.memory_space<vmem_shared>>
      %dma_wait3A_351 = arith.constant 0 : i32
      %dma_wait3A_352 = tpu.memref_slice %arg12[%add3A_100, %dma_wait3A_351] : memref<10240x128xf32, #tpu.memory_space<vmem_shared>> -> memref<64x128xf32, #tpu.memory_space<vmem_shared>>
      tpu.wait_dma2 semaphore(%run_scoped3A_344 : memref<!tpu.dma_semaphore, #tpu.memory_space<semaphore_mem>>) src(%arg11 : memref<64x128xf32, #tpu.memory_space<vmem>>) dst(%dma_wait3A_352 : memref<64x128xf32, #tpu.memory_space<vmem_shared>>)
      tpu.yield
    }) : () -> ()
    %mul3A_101 = arith.constant 640 : i32
    %mul3A_102 = arith.muli %arg1, %mul3A_101 : i32
    %add3A_103 = arith.constant 256 : i32
    %add3A_104 = arith.addi %mul3A_102, %add3A_103 : i32
    "tpu.region"() ({
      %run_scoped3A_344 = tpu.sem_alloc : memref<!tpu.dma_semaphore, #tpu.memory_space<semaphore_mem>>
      %dma_start3A_345 = arith.constant 0 : i32
      %dma_start3A_346 = tpu.memref_slice %arg12[%add3A_104, %dma_start3A_345] : memref<10240x128xf32, #tpu.memory_space<vmem_shared>> -> memref<64x128xf32, #tpu.memory_space<vmem_shared>>
      %dma_start3A_347 = arith.constant 0 : i32
      %dma_start3A_348 = tpu.memref_slice %arg12[%add3A_104, %dma_start3A_347] : memref<10240x128xf32, #tpu.memory_space<vmem_shared>> -> memref<64x128xf32, #tpu.memory_space<vmem_shared>>
      tpu.enqueue_dma source(%arg11 : memref<64x128xf32, #tpu.memory_space<vmem>>) target(%dma_start3A_348 : memref<64x128xf32, #tpu.memory_space<vmem_shared>>) target_semaphore(%run_scoped3A_344 : memref<!tpu.dma_semaphore, #tpu.memory_space<semaphore_mem>>)
      %dma_wait3A_349 = arith.constant 0 : i32
      %dma_wait3A_350 = tpu.memref_slice %arg12[%add3A_104, %dma_wait3A_349] : memref<10240x128xf32, #tpu.memory_space<vmem_shared>> -> memref<64x128xf32, #tpu.memory_space<vmem_shared>>
      %dma_wait3A_351 = arith.constant 0 : i32
      %dma_wait3A_352 = tpu.memref_slice %arg12[%add3A_104, %dma_wait3A_351] : memref<10240x128xf32, #tpu.memory_space<vmem_shared>> -> memref<64x128xf32, #tpu.memory_space<vmem_shared>>
      tpu.wait_dma2 semaphore(%run_scoped3A_344 : memref<!tpu.dma_semaphore, #tpu.memory_space<semaphore_mem>>) src(%arg11 : memref<64x128xf32, #tpu.memory_space<vmem>>) dst(%dma_wait3A_352 : memref<64x128xf32, #tpu.memory_space<vmem_shared>>)
      tpu.yield
    }) : () -> ()
    %mul3A_105 = arith.constant 640 : i32
    %mul3A_106 = arith.muli %arg1, %mul3A_105 : i32
    %add3A_107 = arith.constant 320 : i32
    %add3A_108 = arith.addi %mul3A_106, %add3A_107 : i32
    "tpu.region"() ({
      %run_scoped3A_344 = tpu.sem_alloc : memref<!tpu.dma_semaphore, #tpu.memory_space<semaphore_mem>>
      %dma_start3A_345 = arith.constant 0 : i32
      %dma_start3A_346 = tpu.memref_slice %arg12[%add3A_108, %dma_start3A_345] : memref<10240x128xf32, #tpu.memory_space<vmem_shared>> -> memref<64x128xf32, #tpu.memory_space<vmem_shared>>
      %dma_start3A_347 = arith.constant 0 : i32
      %dma_start3A_348 = tpu.memref_slice %arg12[%add3A_108, %dma_start3A_347] : memref<10240x128xf32, #tpu.memory_space<vmem_shared>> -> memref<64x128xf32, #tpu.memory_space<vmem_shared>>
      tpu.enqueue_dma source(%arg11 : memref<64x128xf32, #tpu.memory_space<vmem>>) target(%dma_start3A_348 : memref<64x128xf32, #tpu.memory_space<vmem_shared>>) target_semaphore(%run_scoped3A_344 : memref<!tpu.dma_semaphore, #tpu.memory_space<semaphore_mem>>)
      %dma_wait3A_349 = arith.constant 0 : i32
      %dma_wait3A_350 = tpu.memref_slice %arg12[%add3A_108, %dma_wait3A_349] : memref<10240x128xf32, #tpu.memory_space<vmem_shared>> -> memref<64x128xf32, #tpu.memory_space<vmem_shared>>
      %dma_wait3A_351 = arith.constant 0 : i32
      %dma_wait3A_352 = tpu.memref_slice %arg12[%add3A_108, %dma_wait3A_351] : memref<10240x128xf32, #tpu.memory_space<vmem_shared>> -> memref<64x128xf32, #tpu.memory_space<vmem_shared>>
      tpu.wait_dma2 semaphore(%run_scoped3A_344 : memref<!tpu.dma_semaphore, #tpu.memory_space<semaphore_mem>>) src(%arg11 : memref<64x128xf32, #tpu.memory_space<vmem>>) dst(%dma_wait3A_352 : memref<64x128xf32, #tpu.memory_space<vmem_shared>>)
      tpu.yield
    }) : () -> ()
    %mul3A_109 = arith.constant 640 : i32
    %mul3A_110 = arith.muli %arg1, %mul3A_109 : i32
    %add3A_111 = arith.constant 384 : i32
    %add3A_112 = arith.addi %mul3A_110, %add3A_111 : i32
    "tpu.region"() ({
      %run_scoped3A_344 = tpu.sem_alloc : memref<!tpu.dma_semaphore, #tpu.memory_space<semaphore_mem>>
      %dma_start3A_345 = arith.constant 0 : i32
      %dma_start3A_346 = tpu.memref_slice %arg12[%add3A_112, %dma_start3A_345] : memref<10240x128xf32, #tpu.memory_space<vmem_shared>> -> memref<64x128xf32, #tpu.memory_space<vmem_shared>>
      %dma_start3A_347 = arith.constant 0 : i32
      %dma_start3A_348 = tpu.memref_slice %arg12[%add3A_112, %dma_start3A_347] : memref<10240x128xf32, #tpu.memory_space<vmem_shared>> -> memref<64x128xf32, #tpu.memory_space<vmem_shared>>
      tpu.enqueue_dma source(%arg11 : memref<64x128xf32, #tpu.memory_space<vmem>>) target(%dma_start3A_348 : memref<64x128xf32, #tpu.memory_space<vmem_shared>>) target_semaphore(%run_scoped3A_344 : memref<!tpu.dma_semaphore, #tpu.memory_space<semaphore_mem>>)
      %dma_wait3A_349 = arith.constant 0 : i32
      %dma_wait3A_350 = tpu.memref_slice %arg12[%add3A_112, %dma_wait3A_349] : memref<10240x128xf32, #tpu.memory_space<vmem_shared>> -> memref<64x128xf32, #tpu.memory_space<vmem_shared>>
      %dma_wait3A_351 = arith.constant 0 : i32
      %dma_wait3A_352 = tpu.memref_slice %arg12[%add3A_112, %dma_wait3A_351] : memref<10240x128xf32, #tpu.memory_space<vmem_shared>> -> memref<64x128xf32, #tpu.memory_space<vmem_shared>>
      tpu.wait_dma2 semaphore(%run_scoped3A_344 : memref<!tpu.dma_semaphore, #tpu.memory_space<semaphore_mem>>) src(%arg11 : memref<64x128xf32, #tpu.memory_space<vmem>>) dst(%dma_wait3A_352 : memref<64x128xf32, #tpu.memory_space<vmem_shared>>)
      tpu.yield
    }) : () -> ()
    %mul3A_113 = arith.constant 640 : i32
    %mul3A_114 = arith.muli %arg1, %mul3A_113 : i32
    %add3A_115 = arith.constant 448 : i32
    %add3A_116 = arith.addi %mul3A_114, %add3A_115 : i32
    "tpu.region"() ({
      %run_scoped3A_344 = tpu.sem_alloc : memref<!tpu.dma_semaphore, #tpu.memory_space<semaphore_mem>>
      %dma_start3A_345 = arith.constant 0 : i32
      %dma_start3A_346 = tpu.memref_slice %arg12[%add3A_116, %dma_start3A_345] : memref<10240x128xf32, #tpu.memory_space<vmem_shared>> -> memref<64x128xf32, #tpu.memory_space<vmem_shared>>
      %dma_start3A_347 = arith.constant 0 : i32
      %dma_start3A_348 = tpu.memref_slice %arg12[%add3A_116, %dma_start3A_347] : memref<10240x128xf32, #tpu.memory_space<vmem_shared>> -> memref<64x128xf32, #tpu.memory_space<vmem_shared>>
      tpu.enqueue_dma source(%arg11 : memref<64x128xf32, #tpu.memory_space<vmem>>) target(%dma_start3A_348 : memref<64x128xf32, #tpu.memory_space<vmem_shared>>) target_semaphore(%run_scoped3A_344 : memref<!tpu.dma_semaphore, #tpu.memory_space<semaphore_mem>>)
      %dma_wait3A_349 = arith.constant 0 : i32
      %dma_wait3A_350 = tpu.memref_slice %arg12[%add3A_116, %dma_wait3A_349] : memref<10240x128xf32, #tpu.memory_space<vmem_shared>> -> memref<64x128xf32, #tpu.memory_space<vmem_shared>>
      %dma_wait3A_351 = arith.constant 0 : i32
      %dma_wait3A_352 = tpu.memref_slice %arg12[%add3A_116, %dma_wait3A_351] : memref<10240x128xf32, #tpu.memory_space<vmem_shared>> -> memref<64x128xf32, #tpu.memory_space<vmem_shared>>
      tpu.wait_dma2 semaphore(%run_scoped3A_344 : memref<!tpu.dma_semaphore, #tpu.memory_space<semaphore_mem>>) src(%arg11 : memref<64x128xf32, #tpu.memory_space<vmem>>) dst(%dma_wait3A_352 : memref<64x128xf32, #tpu.memory_space<vmem_shared>>)
      tpu.yield
    }) : () -> ()
    %mul3A_117 = arith.constant 640 : i32
    %mul3A_118 = arith.muli %arg1, %mul3A_117 : i32
    %add3A_119 = arith.constant 512 : i32
    %add3A_120 = arith.addi %mul3A_118, %add3A_119 : i32
    "tpu.region"() ({
      %run_scoped3A_344 = tpu.sem_alloc : memref<!tpu.dma_semaphore, #tpu.memory_space<semaphore_mem>>
      %dma_start3A_345 = arith.constant 0 : i32
      %dma_start3A_346 = tpu.memref_slice %arg12[%add3A_120, %dma_start3A_345] : memref<10240x128xf32, #tpu.memory_space<vmem_shared>> -> memref<64x128xf32, #tpu.memory_space<vmem_shared>>
      %dma_start3A_347 = arith.constant 0 : i32
      %dma_start3A_348 = tpu.memref_slice %arg12[%add3A_120, %dma_start3A_347] : memref<10240x128xf32, #tpu.memory_space<vmem_shared>> -> memref<64x128xf32, #tpu.memory_space<vmem_shared>>
      tpu.enqueue_dma source(%arg11 : memref<64x128xf32, #tpu.memory_space<vmem>>) target(%dma_start3A_348 : memref<64x128xf32, #tpu.memory_space<vmem_shared>>) target_semaphore(%run_scoped3A_344 : memref<!tpu.dma_semaphore, #tpu.memory_space<semaphore_mem>>)
      %dma_wait3A_349 = arith.constant 0 : i32
      %dma_wait3A_350 = tpu.memref_slice %arg12[%add3A_120, %dma_wait3A_349] : memref<10240x128xf32, #tpu.memory_space<vmem_shared>> -> memref<64x128xf32, #tpu.memory_space<vmem_shared>>
      %dma_wait3A_351 = arith.constant 0 : i32
      %dma_wait3A_352 = tpu.memref_slice %arg12[%add3A_120, %dma_wait3A_351] : memref<10240x128xf32, #tpu.memory_space<vmem_shared>> -> memref<64x128xf32, #tpu.memory_space<vmem_shared>>
      tpu.wait_dma2 semaphore(%run_scoped3A_344 : memref<!tpu.dma_semaphore, #tpu.memory_space<semaphore_mem>>) src(%arg11 : memref<64x128xf32, #tpu.memory_space<vmem>>) dst(%dma_wait3A_352 : memref<64x128xf32, #tpu.memory_space<vmem_shared>>)
      tpu.yield
    }) : () -> ()
    %mul3A_121 = arith.constant 640 : i32
    %mul3A_122 = arith.muli %arg1, %mul3A_121 : i32
    %add3A_123 = arith.constant 576 : i32
    %add3A_124 = arith.addi %mul3A_122, %add3A_123 : i32
    "tpu.region"() ({
      %run_scoped3A_344 = tpu.sem_alloc : memref<!tpu.dma_semaphore, #tpu.memory_space<semaphore_mem>>
      %dma_start3A_345 = arith.constant 0 : i32
      %dma_start3A_346 = tpu.memref_slice %arg12[%add3A_124, %dma_start3A_345] : memref<10240x128xf32, #tpu.memory_space<vmem_shared>> -> memref<64x128xf32, #tpu.memory_space<vmem_shared>>
      %dma_start3A_347 = arith.constant 0 : i32
      %dma_start3A_348 = tpu.memref_slice %arg12[%add3A_124, %dma_start3A_347] : memref<10240x128xf32, #tpu.memory_space<vmem_shared>> -> memref<64x128xf32, #tpu.memory_space<vmem_shared>>
      tpu.enqueue_dma source(%arg11 : memref<64x128xf32, #tpu.memory_space<vmem>>) target(%dma_start3A_348 : memref<64x128xf32, #tpu.memory_space<vmem_shared>>) target_semaphore(%run_scoped3A_344 : memref<!tpu.dma_semaphore, #tpu.memory_space<semaphore_mem>>)
      %dma_wait3A_349 = arith.constant 0 : i32
      %dma_wait3A_350 = tpu.memref_slice %arg12[%add3A_124, %dma_wait3A_349] : memref<10240x128xf32, #tpu.memory_space<vmem_shared>> -> memref<64x128xf32, #tpu.memory_space<vmem_shared>>
      %dma_wait3A_351 = arith.constant 0 : i32
      %dma_wait3A_352 = tpu.memref_slice %arg12[%add3A_124, %dma_wait3A_351] : memref<10240x128xf32, #tpu.memory_space<vmem_shared>> -> memref<64x128xf32, #tpu.memory_space<vmem_shared>>
      tpu.wait_dma2 semaphore(%run_scoped3A_344 : memref<!tpu.dma_semaphore, #tpu.memory_space<semaphore_mem>>) src(%arg11 : memref<64x128xf32, #tpu.memory_space<vmem>>) dst(%dma_wait3A_352 : memref<64x128xf32, #tpu.memory_space<vmem_shared>>)
      tpu.yield
    }) : () -> ()
    %barrier3A = arith.constant 0 : index
    tpu.barrier barrier_id(%barrier3A)
    %eq3A_125 = arith.constant 0 : i32
    %eq3A_126 = arith.cmpi eq, %arg0, %eq3A_125 : i32
    %convert_element_type3A = arith.extui %eq3A_126 : i1 to i32
    %cond3A = arith.constant 0 : i32
    %cond3A_127 = arith.cmpi ne, %convert_element_type3A, %cond3A : i32
    scf.if %cond3A_127 {
      %scan3A = arith.constant 0 : i32
      %scan3A_344 = arith.constant 0 : i32
      %scan3A_345 = arith.constant 40 : i32
      %scan3A_346 = arith.addi %scan3A_344, %scan3A_345 : i32
      %scan3A_347 = arith.constant 1 : i32
      scf.for %scan3A_349 = %scan3A_344 to %scan3A_346 step %scan3A_347  : i32 {
        %mul3A_350 = arith.constant 2 : i32
        %mul3A_351 = arith.muli %mul3A_350, %scan3A_349 : i32
        %add3A_352 = arith.constant 1 : i32
        %add3A_353 = arith.addi %mul3A_351, %add3A_352 : i32
        %lt3A_354 = arith.constant 80 : i32
        %lt3A_355 = arith.cmpi slt, %add3A_353, %lt3A_354 : i32
        %convert_element_type3A_356 = arith.extui %lt3A_355 : i1 to i32
        %cond3A_357 = arith.constant 0 : i32
        %cond3A_358 = arith.cmpi ne, %convert_element_type3A_356, %cond3A_357 : i32
        scf.if %cond3A_358 {
          %dma_wait3A_418 = arith.constant 1 : i32
          %dma_wait3A_419 = arith.constant 0 : i32
          %dma_wait3A_420 = tpu.memref_slice %arg8[%dma_wait3A_418, %dma_wait3A_419] : memref<2x128xi32, #tpu.memory_space<vmem>> -> memref<1x128xi32, #tpu.memory_space<vmem>>
          %dma_wait3A_421 = tpu.memref_squeeze %dma_wait3A_420 : memref<1x128xi32, #tpu.memory_space<vmem>> -> memref<128xi32, #tpu.memory_space<vmem>>
          %dma_wait3A_422 = arith.constant 0 : i32
          %dma_wait3A_423 = tpu.memref_slice %arg3[%dma_wait3A_422] : memref<640000xi32, #tpu.memory_space<hbm>> -> memref<128xi32, #tpu.memory_space<hbm>>
          %dma_wait3A_424 = arith.constant 0 : i32
          %dma_wait3A_425 = tpu.memref_slice %arg8[%dma_wait3A_418, %dma_wait3A_424] : memref<2x128xi32, #tpu.memory_space<vmem>> -> memref<1x128xi32, #tpu.memory_space<vmem>>
          %dma_wait3A_426 = tpu.memref_squeeze %dma_wait3A_425 : memref<1x128xi32, #tpu.memory_space<vmem>> -> memref<128xi32, #tpu.memory_space<vmem>>
          %dma_wait3A_427 = arith.constant 0 : i32
          %dma_wait3A_428 = tpu.memref_slice %arg3[%dma_wait3A_427] : memref<640000xi32, #tpu.memory_space<hbm>> -> memref<128xi32, #tpu.memory_space<hbm>>
          tpu.wait_dma2 semaphore(%arg14 : memref<!tpu.dma_semaphore, #tpu.memory_space<semaphore_mem>>) src(%dma_wait3A_428 : memref<128xi32, #tpu.memory_space<hbm>>) dst(%dma_wait3A_426 : memref<128xi32, #tpu.memory_space<vmem>>)
          %dma_wait3A_429 = arith.constant 1 : i32
          %dma_wait3A_430 = arith.constant 0 : i32
          %dma_wait3A_431 = tpu.memref_slice %arg9[%dma_wait3A_429, %dma_wait3A_430] : memref<2x128xi32, #tpu.memory_space<vmem>> -> memref<1x128xi32, #tpu.memory_space<vmem>>
          %dma_wait3A_432 = tpu.memref_squeeze %dma_wait3A_431 : memref<1x128xi32, #tpu.memory_space<vmem>> -> memref<128xi32, #tpu.memory_space<vmem>>
          %dma_wait3A_433 = arith.constant 0 : i32
          %dma_wait3A_434 = tpu.memref_slice %arg3[%dma_wait3A_433] : memref<640000xi32, #tpu.memory_space<hbm>> -> memref<128xi32, #tpu.memory_space<hbm>>
          %dma_wait3A_435 = arith.constant 0 : i32
          %dma_wait3A_436 = tpu.memref_slice %arg9[%dma_wait3A_429, %dma_wait3A_435] : memref<2x128xi32, #tpu.memory_space<vmem>> -> memref<1x128xi32, #tpu.memory_space<vmem>>
          %dma_wait3A_437 = tpu.memref_squeeze %dma_wait3A_436 : memref<1x128xi32, #tpu.memory_space<vmem>> -> memref<128xi32, #tpu.memory_space<vmem>>
          %dma_wait3A_438 = arith.constant 0 : i32
          %dma_wait3A_439 = tpu.memref_slice %arg3[%dma_wait3A_438] : memref<640000xi32, #tpu.memory_space<hbm>> -> memref<128xi32, #tpu.memory_space<hbm>>
          tpu.wait_dma2 semaphore(%arg14 : memref<!tpu.dma_semaphore, #tpu.memory_space<semaphore_mem>>) src(%dma_wait3A_439 : memref<128xi32, #tpu.memory_space<hbm>>) dst(%dma_wait3A_437 : memref<128xi32, #tpu.memory_space<vmem>>)
          %dma_start3A_440 = arith.constant 1 : i32
          %dma_start3A_441 = arith.constant 1 : i32
          %dma_start3A_442 = arith.constant 0 : i32
          %dma_start3A_443 = arith.constant 0 : i32
          %dma_start3A_444 = tpu.memref_slice %arg10[%dma_start3A_441, %dma_start3A_442, %dma_start3A_443] : memref<2x128x128xf32, #tpu.memory_space<vmem>> -> memref<1x128x128xf32, #tpu.memory_space<vmem>>
          %dma_start3A_445 = tpu.memref_squeeze %dma_start3A_444 : memref<1x128x128xf32, #tpu.memory_space<vmem>> -> memref<128x128xf32, #tpu.memory_space<vmem>>
          %dma_start3A_446 = arith.constant 0 : i32
          %dma_start3A_447 = tpu.memref_slice %arg8[%dma_start3A_440, %dma_start3A_446] : memref<2x128xi32, #tpu.memory_space<vmem>> -> memref<1x128xi32, #tpu.memory_space<vmem>>
          %dma_start3A_448 = tpu.memref_squeeze %dma_start3A_447 : memref<1x128xi32, #tpu.memory_space<vmem>> -> memref<128xi32, #tpu.memory_space<vmem>>
          %dma_start3A_449 = arith.constant 0 : i32
          %dma_start3A_450 = arith.constant 0 : i32
          %dma_start3A_451 = tpu.memref_slice %arg2[%dma_start3A_449, %dma_start3A_450] : memref<10000x128xf32, #tpu.memory_space<hbm>> -> memref<10000x128xf32, #tpu.memory_space<hbm>>
          tpu.enqueue_indirect_dma source(%dma_start3A_451 : memref<10000x128xf32, #tpu.memory_space<hbm>>) target(%dma_start3A_445 : memref<128x128xf32, #tpu.memory_space<vmem>>) offsets(%dma_start3A_448 : memref<128xi32, #tpu.memory_space<vmem>>) semaphore(%arg16 : memref<!tpu.dma_semaphore, #tpu.memory_space<semaphore_mem>>)
        } else {
        }
        %dma_wait3A_359 = arith.constant 0 : i32
        %dma_wait3A_360 = arith.constant 0 : i32
        %dma_wait3A_361 = arith.constant 0 : i32
        %dma_wait3A_362 = tpu.memref_slice %arg10[%dma_wait3A_359, %dma_wait3A_360, %dma_wait3A_361] : memref<2x128x128xf32, #tpu.memory_space<vmem>> -> memref<1x128x128xf32, #tpu.memory_space<vmem>>
        %dma_wait3A_363 = tpu.memref_squeeze %dma_wait3A_362 : memref<1x128x128xf32, #tpu.memory_space<vmem>> -> memref<128x128xf32, #tpu.memory_space<vmem>>
        %dma_wait3A_364 = arith.constant 0 : i32
        %dma_wait3A_365 = arith.constant 0 : i32
        %dma_wait3A_366 = tpu.memref_slice %arg2[%dma_wait3A_364, %dma_wait3A_365] : memref<10000x128xf32, #tpu.memory_space<hbm>> -> memref<128x128xf32, #tpu.memory_space<hbm>>
        %dma_wait3A_367 = arith.constant 0 : i32
        %dma_wait3A_368 = arith.constant 0 : i32
        %dma_wait3A_369 = tpu.memref_slice %arg10[%dma_wait3A_359, %dma_wait3A_367, %dma_wait3A_368] : memref<2x128x128xf32, #tpu.memory_space<vmem>> -> memref<1x128x128xf32, #tpu.memory_space<vmem>>
        %dma_wait3A_370 = tpu.memref_squeeze %dma_wait3A_369 : memref<1x128x128xf32, #tpu.memory_space<vmem>> -> memref<128x128xf32, #tpu.memory_space<vmem>>
        %dma_wait3A_371 = arith.constant 0 : i32
        %dma_wait3A_372 = arith.constant 0 : i32
        %dma_wait3A_373 = tpu.memref_slice %arg2[%dma_wait3A_371, %dma_wait3A_372] : memref<10000x128xf32, #tpu.memory_space<hbm>> -> memref<128x128xf32, #tpu.memory_space<hbm>>
        tpu.wait_dma2 semaphore(%arg15 : memref<!tpu.dma_semaphore, #tpu.memory_space<semaphore_mem>>) src(%dma_wait3A_373 : memref<128x128xf32, #tpu.memory_space<hbm>>) dst(%dma_wait3A_370 : memref<128x128xf32, #tpu.memory_space<vmem>>)
        %run_scoped3A_374 = arith.constant 0 : i32
        %run_scoped3A_375 = arith.constant 0 : i32
        "tpu.region"() ({
          %run_scoped3A_418 = tpu.sem_alloc : memref<!tpu.dma_semaphore, #tpu.memory_space<semaphore_mem>>
          %dma_start3A_419 = arith.constant 0 : i32
          %dma_start3A_420 = arith.constant 0 : i32
          %dma_start3A_421 = tpu.memref_slice %arg10[%run_scoped3A_374, %dma_start3A_419, %dma_start3A_420] : memref<2x128x128xf32, #tpu.memory_space<vmem>> -> memref<1x128x128xf32, #tpu.memory_space<vmem>>
          %dma_start3A_422 = tpu.memref_squeeze %dma_start3A_421 : memref<1x128x128xf32, #tpu.memory_space<vmem>> -> memref<128x128xf32, #tpu.memory_space<vmem>>
          %dma_start3A_423 = arith.constant 0 : i32
          %dma_start3A_424 = tpu.memref_slice %arg9[%run_scoped3A_375, %dma_start3A_423] : memref<2x128xi32, #tpu.memory_space<vmem>> -> memref<1x128xi32, #tpu.memory_space<vmem>>
          %dma_start3A_425 = tpu.memref_squeeze %dma_start3A_424 : memref<1x128xi32, #tpu.memory_space<vmem>> -> memref<128xi32, #tpu.memory_space<vmem>>
          %dma_start3A_426 = arith.constant 0 : i32
          %dma_start3A_427 = arith.constant 0 : i32
          %dma_start3A_428 = tpu.memref_slice %arg12[%dma_start3A_426, %dma_start3A_427] : memref<10240x128xf32, #tpu.memory_space<vmem_shared>> -> memref<10240x128xf32, #tpu.memory_space<vmem_shared>>
          tpu.enqueue_indirect_dma source(%dma_start3A_422 : memref<128x128xf32, #tpu.memory_space<vmem>>) target(%dma_start3A_428 : memref<10240x128xf32, #tpu.memory_space<vmem_shared>>) offsets(%dma_start3A_425 : memref<128xi32, #tpu.memory_space<vmem>>) semaphore(%run_scoped3A_418 : memref<!tpu.dma_semaphore, #tpu.memory_space<semaphore_mem>>) {add = true}
          %dma_wait3A_429 = arith.constant 0 : i32
          %dma_wait3A_430 = arith.constant 0 : i32
          %dma_wait3A_431 = tpu.memref_slice %arg10[%run_scoped3A_374, %dma_wait3A_429, %dma_wait3A_430] : memref<2x128x128xf32, #tpu.memory_space<vmem>> -> memref<1x128x128xf32, #tpu.memory_space<vmem>>
          %dma_wait3A_432 = tpu.memref_squeeze %dma_wait3A_431 : memref<1x128x128xf32, #tpu.memory_space<vmem>> -> memref<128x128xf32, #tpu.memory_space<vmem>>
          %dma_wait3A_433 = arith.constant 0 : i32
          %dma_wait3A_434 = tpu.memref_slice %arg9[%run_scoped3A_375, %dma_wait3A_433] : memref<2x128xi32, #tpu.memory_space<vmem>> -> memref<1x128xi32, #tpu.memory_space<vmem>>
          %dma_wait3A_435 = tpu.memref_squeeze %dma_wait3A_434 : memref<1x128xi32, #tpu.memory_space<vmem>> -> memref<128xi32, #tpu.memory_space<vmem>>
          %dma_wait3A_436 = arith.constant 0 : i32
          %dma_wait3A_437 = arith.constant 0 : i32
          %dma_wait3A_438 = tpu.memref_slice %arg12[%dma_wait3A_436, %dma_wait3A_437] : memref<10240x128xf32, #tpu.memory_space<vmem_shared>> -> memref<10240x128xf32, #tpu.memory_space<vmem_shared>>
          tpu.wait_indirect_dma semaphore(%run_scoped3A_418 : memref<!tpu.dma_semaphore, #tpu.memory_space<semaphore_mem>>) src(%dma_wait3A_432 : memref<128x128xf32, #tpu.memory_space<vmem>>) dst(%dma_wait3A_438 : memref<10240x128xf32, #tpu.memory_space<vmem_shared>>)
          tpu.yield
        }) : () -> ()
        %add3A_376 = arith.constant 2 : i32
        %add3A_377 = arith.addi %mul3A_351, %add3A_376 : i32
        %lt3A_378 = arith.constant 80 : i32
        %lt3A_379 = arith.cmpi slt, %add3A_377, %lt3A_378 : i32
        %convert_element_type3A_380 = arith.extui %lt3A_379 : i1 to i32
        %cond3A_381 = arith.constant 0 : i32
        %cond3A_382 = arith.cmpi ne, %convert_element_type3A_380, %cond3A_381 : i32
        scf.if %cond3A_382 {
          %add3A_418 = arith.constant 2 : i32
          %add3A_419 = arith.addi %mul3A_351, %add3A_418 : i32
          %mul3A_420 = arith.constant 128 : i32
          %mul3A_421 = arith.muli %add3A_419, %mul3A_420 : i32
          %add3A_422 = arith.addi %multiple_of3A, %mul3A_421 : i32
          %dma_start3A_423 = arith.constant 0 : i32
          %dma_start3A_424 = arith.constant 0 : i32
          %dma_start3A_425 = tpu.memref_slice %arg8[%dma_start3A_423, %dma_start3A_424] : memref<2x128xi32, #tpu.memory_space<vmem>> -> memref<1x128xi32, #tpu.memory_space<vmem>>
          %dma_start3A_426 = tpu.memref_squeeze %dma_start3A_425 : memref<1x128xi32, #tpu.memory_space<vmem>> -> memref<128xi32, #tpu.memory_space<vmem>>
          %dma_start3A_427 = tpu.memref_slice %arg3[%add3A_422] : memref<640000xi32, #tpu.memory_space<hbm>> -> memref<128xi32, #tpu.memory_space<hbm>>
          %dma_start3A_428 = arith.constant 0 : i32
          %dma_start3A_429 = tpu.memref_slice %arg8[%dma_start3A_423, %dma_start3A_428] : memref<2x128xi32, #tpu.memory_space<vmem>> -> memref<1x128xi32, #tpu.memory_space<vmem>>
          %dma_start3A_430 = tpu.memref_squeeze %dma_start3A_429 : memref<1x128xi32, #tpu.memory_space<vmem>> -> memref<128xi32, #tpu.memory_space<vmem>>
          %dma_start3A_431 = tpu.memref_slice %arg3[%add3A_422] : memref<640000xi32, #tpu.memory_space<hbm>> -> memref<128xi32, #tpu.memory_space<hbm>>
          tpu.enqueue_dma source(%dma_start3A_431 : memref<128xi32, #tpu.memory_space<hbm>>) target(%dma_start3A_430 : memref<128xi32, #tpu.memory_space<vmem>>) target_semaphore(%arg13 : memref<!tpu.dma_semaphore, #tpu.memory_space<semaphore_mem>>)
          %add3A_432 = arith.constant 320000 : i32
          %add3A_433 = arith.addi %add3A_432, %multiple_of3A : i32
          %mul3A_434 = arith.constant 128 : i32
          %mul3A_435 = arith.muli %add3A_419, %mul3A_434 : i32
          %add3A_436 = arith.addi %add3A_433, %mul3A_435 : i32
          %dma_start3A_437 = arith.constant 0 : i32
          %dma_start3A_438 = arith.constant 0 : i32
          %dma_start3A_439 = tpu.memref_slice %arg9[%dma_start3A_437, %dma_start3A_438] : memref<2x128xi32, #tpu.memory_space<vmem>> -> memref<1x128xi32, #tpu.memory_space<vmem>>
          %dma_start3A_440 = tpu.memref_squeeze %dma_start3A_439 : memref<1x128xi32, #tpu.memory_space<vmem>> -> memref<128xi32, #tpu.memory_space<vmem>>
          %dma_start3A_441 = tpu.memref_slice %arg3[%add3A_436] : memref<640000xi32, #tpu.memory_space<hbm>> -> memref<128xi32, #tpu.memory_space<hbm>>
          %dma_start3A_442 = arith.constant 0 : i32
          %dma_start3A_443 = tpu.memref_slice %arg9[%dma_start3A_437, %dma_start3A_442] : memref<2x128xi32, #tpu.memory_space<vmem>> -> memref<1x128xi32, #tpu.memory_space<vmem>>
          %dma_start3A_444 = tpu.memref_squeeze %dma_start3A_443 : memref<1x128xi32, #tpu.memory_space<vmem>> -> memref<128xi32, #tpu.memory_space<vmem>>
          %dma_start3A_445 = tpu.memref_slice %arg3[%add3A_436] : memref<640000xi32, #tpu.memory_space<hbm>> -> memref<128xi32, #tpu.memory_space<hbm>>
          tpu.enqueue_dma source(%dma_start3A_445 : memref<128xi32, #tpu.memory_space<hbm>>) target(%dma_start3A_444 : memref<128xi32, #tpu.memory_space<vmem>>) target_semaphore(%arg13 : memref<!tpu.dma_semaphore, #tpu.memory_space<semaphore_mem>>)
        } else {
        }
        %mul3A_383 = arith.constant 2 : i32
        %mul3A_384 = arith.muli %mul3A_383, %scan3A_349 : i32
        %add3A_385 = arith.constant 1 : i32
        %add3A_386 = arith.addi %mul3A_384, %add3A_385 : i32
        %add3A_387 = arith.constant 1 : i32
        %add3A_388 = arith.addi %add3A_386, %add3A_387 : i32
        %lt3A_389 = arith.constant 80 : i32
        %lt3A_390 = arith.cmpi slt, %add3A_388, %lt3A_389 : i32
        %convert_element_type3A_391 = arith.extui %lt3A_390 : i1 to i32
        %cond3A_392 = arith.constant 0 : i32
        %cond3A_393 = arith.cmpi ne, %convert_element_type3A_391, %cond3A_392 : i32
        scf.if %cond3A_393 {
          %dma_wait3A_418 = arith.constant 0 : i32
          %dma_wait3A_419 = arith.constant 0 : i32
          %dma_wait3A_420 = tpu.memref_slice %arg8[%dma_wait3A_418, %dma_wait3A_419] : memref<2x128xi32, #tpu.memory_space<vmem>> -> memref<1x128xi32, #tpu.memory_space<vmem>>
          %dma_wait3A_421 = tpu.memref_squeeze %dma_wait3A_420 : memref<1x128xi32, #tpu.memory_space<vmem>> -> memref<128xi32, #tpu.memory_space<vmem>>
          %dma_wait3A_422 = arith.constant 0 : i32
          %dma_wait3A_423 = tpu.memref_slice %arg3[%dma_wait3A_422] : memref<640000xi32, #tpu.memory_space<hbm>> -> memref<128xi32, #tpu.memory_space<hbm>>
          %dma_wait3A_424 = arith.constant 0 : i32
          %dma_wait3A_425 = tpu.memref_slice %arg8[%dma_wait3A_418, %dma_wait3A_424] : memref<2x128xi32, #tpu.memory_space<vmem>> -> memref<1x128xi32, #tpu.memory_space<vmem>>
          %dma_wait3A_426 = tpu.memref_squeeze %dma_wait3A_425 : memref<1x128xi32, #tpu.memory_space<vmem>> -> memref<128xi32, #tpu.memory_space<vmem>>
          %dma_wait3A_427 = arith.constant 0 : i32
          %dma_wait3A_428 = tpu.memref_slice %arg3[%dma_wait3A_427] : memref<640000xi32, #tpu.memory_space<hbm>> -> memref<128xi32, #tpu.memory_space<hbm>>
          tpu.wait_dma2 semaphore(%arg13 : memref<!tpu.dma_semaphore, #tpu.memory_space<semaphore_mem>>) src(%dma_wait3A_428 : memref<128xi32, #tpu.memory_space<hbm>>) dst(%dma_wait3A_426 : memref<128xi32, #tpu.memory_space<vmem>>)
          %dma_wait3A_429 = arith.constant 0 : i32
          %dma_wait3A_430 = arith.constant 0 : i32
          %dma_wait3A_431 = tpu.memref_slice %arg9[%dma_wait3A_429, %dma_wait3A_430] : memref<2x128xi32, #tpu.memory_space<vmem>> -> memref<1x128xi32, #tpu.memory_space<vmem>>
          %dma_wait3A_432 = tpu.memref_squeeze %dma_wait3A_431 : memref<1x128xi32, #tpu.memory_space<vmem>> -> memref<128xi32, #tpu.memory_space<vmem>>
          %dma_wait3A_433 = arith.constant 0 : i32
          %dma_wait3A_434 = tpu.memref_slice %arg3[%dma_wait3A_433] : memref<640000xi32, #tpu.memory_space<hbm>> -> memref<128xi32, #tpu.memory_space<hbm>>
          %dma_wait3A_435 = arith.constant 0 : i32
          %dma_wait3A_436 = tpu.memref_slice %arg9[%dma_wait3A_429, %dma_wait3A_435] : memref<2x128xi32, #tpu.memory_space<vmem>> -> memref<1x128xi32, #tpu.memory_space<vmem>>
          %dma_wait3A_437 = tpu.memref_squeeze %dma_wait3A_436 : memref<1x128xi32, #tpu.memory_space<vmem>> -> memref<128xi32, #tpu.memory_space<vmem>>
          %dma_wait3A_438 = arith.constant 0 : i32
          %dma_wait3A_439 = tpu.memref_slice %arg3[%dma_wait3A_438] : memref<640000xi32, #tpu.memory_space<hbm>> -> memref<128xi32, #tpu.memory_space<hbm>>
          tpu.wait_dma2 semaphore(%arg13 : memref<!tpu.dma_semaphore, #tpu.memory_space<semaphore_mem>>) src(%dma_wait3A_439 : memref<128xi32, #tpu.memory_space<hbm>>) dst(%dma_wait3A_437 : memref<128xi32, #tpu.memory_space<vmem>>)
          %dma_start3A_440 = arith.constant 0 : i32
          %dma_start3A_441 = arith.constant 0 : i32
          %dma_start3A_442 = arith.constant 0 : i32
          %dma_start3A_443 = arith.constant 0 : i32
          %dma_start3A_444 = tpu.memref_slice %arg10[%dma_start3A_441, %dma_start3A_442, %dma_start3A_443] : memref<2x128x128xf32, #tpu.memory_space<vmem>> -> memref<1x128x128xf32, #tpu.memory_space<vmem>>
          %dma_start3A_445 = tpu.memref_squeeze %dma_start3A_444 : memref<1x128x128xf32, #tpu.memory_space<vmem>> -> memref<128x128xf32, #tpu.memory_space<vmem>>
          %dma_start3A_446 = arith.constant 0 : i32
          %dma_start3A_447 = tpu.memref_slice %arg8[%dma_start3A_440, %dma_start3A_446] : memref<2x128xi32, #tpu.memory_space<vmem>> -> memref<1x128xi32, #tpu.memory_space<vmem>>
          %dma_start3A_448 = tpu.memref_squeeze %dma_start3A_447 : memref<1x128xi32, #tpu.memory_space<vmem>> -> memref<128xi32, #tpu.memory_space<vmem>>
          %dma_start3A_449 = arith.constant 0 : i32
          %dma_start3A_450 = arith.constant 0 : i32
          %dma_start3A_451 = tpu.memref_slice %arg2[%dma_start3A_449, %dma_start3A_450] : memref<10000x128xf32, #tpu.memory_space<hbm>> -> memref<10000x128xf32, #tpu.memory_space<hbm>>
          tpu.enqueue_indirect_dma source(%dma_start3A_451 : memref<10000x128xf32, #tpu.memory_space<hbm>>) target(%dma_start3A_445 : memref<128x128xf32, #tpu.memory_space<vmem>>) offsets(%dma_start3A_448 : memref<128xi32, #tpu.memory_space<vmem>>) semaphore(%arg15 : memref<!tpu.dma_semaphore, #tpu.memory_space<semaphore_mem>>)
        } else {
        }
        %dma_wait3A_394 = arith.constant 1 : i32
        %dma_wait3A_395 = arith.constant 0 : i32
        %dma_wait3A_396 = arith.constant 0 : i32
        %dma_wait3A_397 = tpu.memref_slice %arg10[%dma_wait3A_394, %dma_wait3A_395, %dma_wait3A_396] : memref<2x128x128xf32, #tpu.memory_space<vmem>> -> memref<1x128x128xf32, #tpu.memory_space<vmem>>
        %dma_wait3A_398 = tpu.memref_squeeze %dma_wait3A_397 : memref<1x128x128xf32, #tpu.memory_space<vmem>> -> memref<128x128xf32, #tpu.memory_space<vmem>>
        %dma_wait3A_399 = arith.constant 0 : i32
        %dma_wait3A_400 = arith.constant 0 : i32
        %dma_wait3A_401 = tpu.memref_slice %arg2[%dma_wait3A_399, %dma_wait3A_400] : memref<10000x128xf32, #tpu.memory_space<hbm>> -> memref<128x128xf32, #tpu.memory_space<hbm>>
        %dma_wait3A_402 = arith.constant 0 : i32
        %dma_wait3A_403 = arith.constant 0 : i32
        %dma_wait3A_404 = tpu.memref_slice %arg10[%dma_wait3A_394, %dma_wait3A_402, %dma_wait3A_403] : memref<2x128x128xf32, #tpu.memory_space<vmem>> -> memref<1x128x128xf32, #tpu.memory_space<vmem>>
        %dma_wait3A_405 = tpu.memref_squeeze %dma_wait3A_404 : memref<1x128x128xf32, #tpu.memory_space<vmem>> -> memref<128x128xf32, #tpu.memory_space<vmem>>
        %dma_wait3A_406 = arith.constant 0 : i32
        %dma_wait3A_407 = arith.constant 0 : i32
        %dma_wait3A_408 = tpu.memref_slice %arg2[%dma_wait3A_406, %dma_wait3A_407] : memref<10000x128xf32, #tpu.memory_space<hbm>> -> memref<128x128xf32, #tpu.memory_space<hbm>>
        tpu.wait_dma2 semaphore(%arg16 : memref<!tpu.dma_semaphore, #tpu.memory_space<semaphore_mem>>) src(%dma_wait3A_408 : memref<128x128xf32, #tpu.memory_space<hbm>>) dst(%dma_wait3A_405 : memref<128x128xf32, #tpu.memory_space<vmem>>)
        %run_scoped3A_409 = arith.constant 1 : i32
        %run_scoped3A_410 = arith.constant 1 : i32
        "tpu.region"() ({
          %run_scoped3A_418 = tpu.sem_alloc : memref<!tpu.dma_semaphore, #tpu.memory_space<semaphore_mem>>
          %dma_start3A_419 = arith.constant 0 : i32
          %dma_start3A_420 = arith.constant 0 : i32
          %dma_start3A_421 = tpu.memref_slice %arg10[%run_scoped3A_409, %dma_start3A_419, %dma_start3A_420] : memref<2x128x128xf32, #tpu.memory_space<vmem>> -> memref<1x128x128xf32, #tpu.memory_space<vmem>>
          %dma_start3A_422 = tpu.memref_squeeze %dma_start3A_421 : memref<1x128x128xf32, #tpu.memory_space<vmem>> -> memref<128x128xf32, #tpu.memory_space<vmem>>
          %dma_start3A_423 = arith.constant 0 : i32
          %dma_start3A_424 = tpu.memref_slice %arg9[%run_scoped3A_410, %dma_start3A_423] : memref<2x128xi32, #tpu.memory_space<vmem>> -> memref<1x128xi32, #tpu.memory_space<vmem>>
          %dma_start3A_425 = tpu.memref_squeeze %dma_start3A_424 : memref<1x128xi32, #tpu.memory_space<vmem>> -> memref<128xi32, #tpu.memory_space<vmem>>
          %dma_start3A_426 = arith.constant 0 : i32
          %dma_start3A_427 = arith.constant 0 : i32
          %dma_start3A_428 = tpu.memref_slice %arg12[%dma_start3A_426, %dma_start3A_427] : memref<10240x128xf32, #tpu.memory_space<vmem_shared>> -> memref<10240x128xf32, #tpu.memory_space<vmem_shared>>
          tpu.enqueue_indirect_dma source(%dma_start3A_422 : memref<128x128xf32, #tpu.memory_space<vmem>>) target(%dma_start3A_428 : memref<10240x128xf32, #tpu.memory_space<vmem_shared>>) offsets(%dma_start3A_425 : memref<128xi32, #tpu.memory_space<vmem>>) semaphore(%run_scoped3A_418 : memref<!tpu.dma_semaphore, #tpu.memory_space<semaphore_mem>>) {add = true}
          %dma_wait3A_429 = arith.constant 0 : i32
          %dma_wait3A_430 = arith.constant 0 : i32
          %dma_wait3A_431 = tpu.memref_slice %arg10[%run_scoped3A_409, %dma_wait3A_429, %dma_wait3A_430] : memref<2x128x128xf32, #tpu.memory_space<vmem>> -> memref<1x128x128xf32, #tpu.memory_space<vmem>>
          %dma_wait3A_432 = tpu.memref_squeeze %dma_wait3A_431 : memref<1x128x128xf32, #tpu.memory_space<vmem>> -> memref<128x128xf32, #tpu.memory_space<vmem>>
          %dma_wait3A_433 = arith.constant 0 : i32
          %dma_wait3A_434 = tpu.memref_slice %arg9[%run_scoped3A_410, %dma_wait3A_433] : memref<2x128xi32, #tpu.memory_space<vmem>> -> memref<1x128xi32, #tpu.memory_space<vmem>>
          %dma_wait3A_435 = tpu.memref_squeeze %dma_wait3A_434 : memref<1x128xi32, #tpu.memory_space<vmem>> -> memref<128xi32, #tpu.memory_space<vmem>>
          %dma_wait3A_436 = arith.constant 0 : i32
          %dma_wait3A_437 = arith.constant 0 : i32
          %dma_wait3A_438 = tpu.memref_slice %arg12[%dma_wait3A_436, %dma_wait3A_437] : memref<10240x128xf32, #tpu.memory_space<vmem_shared>> -> memref<10240x128xf32, #tpu.memory_space<vmem_shared>>
          tpu.wait_indirect_dma semaphore(%run_scoped3A_418 : memref<!tpu.dma_semaphore, #tpu.memory_space<semaphore_mem>>) src(%dma_wait3A_432 : memref<128x128xf32, #tpu.memory_space<vmem>>) dst(%dma_wait3A_438 : memref<10240x128xf32, #tpu.memory_space<vmem_shared>>)
          tpu.yield
        }) : () -> ()
        %add3A_411 = arith.constant 2 : i32
        %add3A_412 = arith.addi %add3A_386, %add3A_411 : i32
        %lt3A_413 = arith.constant 80 : i32
        %lt3A_414 = arith.cmpi slt, %add3A_412, %lt3A_413 : i32
        %convert_element_type3A_415 = arith.extui %lt3A_414 : i1 to i32
        %cond3A_416 = arith.constant 0 : i32
        %cond3A_417 = arith.cmpi ne, %convert_element_type3A_415, %cond3A_416 : i32
        scf.if %cond3A_417 {
          %add3A_418 = arith.constant 2 : i32
          %add3A_419 = arith.addi %add3A_386, %add3A_418 : i32
          %mul3A_420 = arith.constant 128 : i32
          %mul3A_421 = arith.muli %add3A_419, %mul3A_420 : i32
          %add3A_422 = arith.addi %multiple_of3A, %mul3A_421 : i32
          %dma_start3A_423 = arith.constant 1 : i32
          %dma_start3A_424 = arith.constant 0 : i32
          %dma_start3A_425 = tpu.memref_slice %arg8[%dma_start3A_423, %dma_start3A_424] : memref<2x128xi32, #tpu.memory_space<vmem>> -> memref<1x128xi32, #tpu.memory_space<vmem>>
          %dma_start3A_426 = tpu.memref_squeeze %dma_start3A_425 : memref<1x128xi32, #tpu.memory_space<vmem>> -> memref<128xi32, #tpu.memory_space<vmem>>
          %dma_start3A_427 = tpu.memref_slice %arg3[%add3A_422] : memref<640000xi32, #tpu.memory_space<hbm>> -> memref<128xi32, #tpu.memory_space<hbm>>
          %dma_start3A_428 = arith.constant 0 : i32
          %dma_start3A_429 = tpu.memref_slice %arg8[%dma_start3A_423, %dma_start3A_428] : memref<2x128xi32, #tpu.memory_space<vmem>> -> memref<1x128xi32, #tpu.memory_space<vmem>>
          %dma_start3A_430 = tpu.memref_squeeze %dma_start3A_429 : memref<1x128xi32, #tpu.memory_space<vmem>> -> memref<128xi32, #tpu.memory_space<vmem>>
          %dma_start3A_431 = tpu.memref_slice %arg3[%add3A_422] : memref<640000xi32, #tpu.memory_space<hbm>> -> memref<128xi32, #tpu.memory_space<hbm>>
          tpu.enqueue_dma source(%dma_start3A_431 : memref<128xi32, #tpu.memory_space<hbm>>) target(%dma_start3A_430 : memref<128xi32, #tpu.memory_space<vmem>>) target_semaphore(%arg14 : memref<!tpu.dma_semaphore, #tpu.memory_space<semaphore_mem>>)
          %add3A_432 = arith.constant 320000 : i32
          %add3A_433 = arith.addi %add3A_432, %multiple_of3A : i32
          %mul3A_434 = arith.constant 128 : i32
          %mul3A_435 = arith.muli %add3A_419, %mul3A_434 : i32
          %add3A_436 = arith.addi %add3A_433, %mul3A_435 : i32
          %dma_start3A_437 = arith.constant 1 : i32
          %dma_start3A_438 = arith.constant 0 : i32
          %dma_start3A_439 = tpu.memref_slice %arg9[%dma_start3A_437, %dma_start3A_438] : memref<2x128xi32, #tpu.memory_space<vmem>> -> memref<1x128xi32, #tpu.memory_space<vmem>>
          %dma_start3A_440 = tpu.memref_squeeze %dma_start3A_439 : memref<1x128xi32, #tpu.memory_space<vmem>> -> memref<128xi32, #tpu.memory_space<vmem>>
          %dma_start3A_441 = tpu.memref_slice %arg3[%add3A_436] : memref<640000xi32, #tpu.memory_space<hbm>> -> memref<128xi32, #tpu.memory_space<hbm>>
          %dma_start3A_442 = arith.constant 0 : i32
          %dma_start3A_443 = tpu.memref_slice %arg9[%dma_start3A_437, %dma_start3A_442] : memref<2x128xi32, #tpu.memory_space<vmem>> -> memref<1x128xi32, #tpu.memory_space<vmem>>
          %dma_start3A_444 = tpu.memref_squeeze %dma_start3A_443 : memref<1x128xi32, #tpu.memory_space<vmem>> -> memref<128xi32, #tpu.memory_space<vmem>>
          %dma_start3A_445 = tpu.memref_slice %arg3[%add3A_436] : memref<640000xi32, #tpu.memory_space<hbm>> -> memref<128xi32, #tpu.memory_space<hbm>>
          tpu.enqueue_dma source(%dma_start3A_445 : memref<128xi32, #tpu.memory_space<hbm>>) target(%dma_start3A_444 : memref<128xi32, #tpu.memory_space<vmem>>) target_semaphore(%arg14 : memref<!tpu.dma_semaphore, #tpu.memory_space<semaphore_mem>>)
        } else {
        }
      }
      %scan3A_348 = arith.constant 40 : i32
    } else {
    }
    %eq3A_128 = arith.constant 1 : i32
    %eq3A_129 = arith.cmpi eq, %arg0, %eq3A_128 : i32
    %convert_element_type3A_130 = arith.extui %eq3A_129 : i1 to i32
    %cond3A_131 = arith.constant 0 : i32
    %cond3A_132 = arith.cmpi ne, %convert_element_type3A_130, %cond3A_131 : i32
    scf.if %cond3A_132 {
      %scan3A = arith.constant 0 : i32
      %scan3A_344 = arith.constant 0 : i32
      %scan3A_345 = arith.constant 38 : i32
      %scan3A_346 = arith.addi %scan3A_344, %scan3A_345 : i32
      %scan3A_347 = arith.constant 1 : i32
      scf.for %scan3A_349 = %scan3A_344 to %scan3A_346 step %scan3A_347  : i32 {
        %mul3A_350 = arith.constant 2 : i32
        %mul3A_351 = arith.muli %mul3A_350, %scan3A_349 : i32
        %add3A_352 = arith.constant 1 : i32
        %add3A_353 = arith.addi %mul3A_351, %add3A_352 : i32
        %lt3A_354 = arith.constant 76 : i32
        %lt3A_355 = arith.cmpi slt, %add3A_353, %lt3A_354 : i32
        %convert_element_type3A_356 = arith.extui %lt3A_355 : i1 to i32
        %cond3A_357 = arith.constant 0 : i32
        %cond3A_358 = arith.cmpi ne, %convert_element_type3A_356, %cond3A_357 : i32
        scf.if %cond3A_358 {
          %dma_wait3A_418 = arith.constant 1 : i32
          %dma_wait3A_419 = arith.constant 0 : i32
          %dma_wait3A_420 = tpu.memref_slice %arg8[%dma_wait3A_418, %dma_wait3A_419] : memref<2x128xi32, #tpu.memory_space<vmem>> -> memref<1x128xi32, #tpu.memory_space<vmem>>
          %dma_wait3A_421 = tpu.memref_squeeze %dma_wait3A_420 : memref<1x128xi32, #tpu.memory_space<vmem>> -> memref<128xi32, #tpu.memory_space<vmem>>
          %dma_wait3A_422 = arith.constant 0 : i32
          %dma_wait3A_423 = tpu.memref_slice %arg3[%dma_wait3A_422] : memref<640000xi32, #tpu.memory_space<hbm>> -> memref<128xi32, #tpu.memory_space<hbm>>
          %dma_wait3A_424 = arith.constant 0 : i32
          %dma_wait3A_425 = tpu.memref_slice %arg8[%dma_wait3A_418, %dma_wait3A_424] : memref<2x128xi32, #tpu.memory_space<vmem>> -> memref<1x128xi32, #tpu.memory_space<vmem>>
          %dma_wait3A_426 = tpu.memref_squeeze %dma_wait3A_425 : memref<1x128xi32, #tpu.memory_space<vmem>> -> memref<128xi32, #tpu.memory_space<vmem>>
          %dma_wait3A_427 = arith.constant 0 : i32
          %dma_wait3A_428 = tpu.memref_slice %arg3[%dma_wait3A_427] : memref<640000xi32, #tpu.memory_space<hbm>> -> memref<128xi32, #tpu.memory_space<hbm>>
          tpu.wait_dma2 semaphore(%arg14 : memref<!tpu.dma_semaphore, #tpu.memory_space<semaphore_mem>>) src(%dma_wait3A_428 : memref<128xi32, #tpu.memory_space<hbm>>) dst(%dma_wait3A_426 : memref<128xi32, #tpu.memory_space<vmem>>)
          %dma_wait3A_429 = arith.constant 1 : i32
          %dma_wait3A_430 = arith.constant 0 : i32
          %dma_wait3A_431 = tpu.memref_slice %arg9[%dma_wait3A_429, %dma_wait3A_430] : memref<2x128xi32, #tpu.memory_space<vmem>> -> memref<1x128xi32, #tpu.memory_space<vmem>>
          %dma_wait3A_432 = tpu.memref_squeeze %dma_wait3A_431 : memref<1x128xi32, #tpu.memory_space<vmem>> -> memref<128xi32, #tpu.memory_space<vmem>>
          %dma_wait3A_433 = arith.constant 0 : i32
          %dma_wait3A_434 = tpu.memref_slice %arg3[%dma_wait3A_433] : memref<640000xi32, #tpu.memory_space<hbm>> -> memref<128xi32, #tpu.memory_space<hbm>>
          %dma_wait3A_435 = arith.constant 0 : i32
          %dma_wait3A_436 = tpu.memref_slice %arg9[%dma_wait3A_429, %dma_wait3A_435] : memref<2x128xi32, #tpu.memory_space<vmem>> -> memref<1x128xi32, #tpu.memory_space<vmem>>
          %dma_wait3A_437 = tpu.memref_squeeze %dma_wait3A_436 : memref<1x128xi32, #tpu.memory_space<vmem>> -> memref<128xi32, #tpu.memory_space<vmem>>
          %dma_wait3A_438 = arith.constant 0 : i32
          %dma_wait3A_439 = tpu.memref_slice %arg3[%dma_wait3A_438] : memref<640000xi32, #tpu.memory_space<hbm>> -> memref<128xi32, #tpu.memory_space<hbm>>
          tpu.wait_dma2 semaphore(%arg14 : memref<!tpu.dma_semaphore, #tpu.memory_space<semaphore_mem>>) src(%dma_wait3A_439 : memref<128xi32, #tpu.memory_space<hbm>>) dst(%dma_wait3A_437 : memref<128xi32, #tpu.memory_space<vmem>>)
          %dma_start3A_440 = arith.constant 1 : i32
          %dma_start3A_441 = arith.constant 1 : i32
          %dma_start3A_442 = arith.constant 0 : i32
          %dma_start3A_443 = arith.constant 0 : i32
          %dma_start3A_444 = tpu.memref_slice %arg10[%dma_start3A_441, %dma_start3A_442, %dma_start3A_443] : memref<2x128x128xf32, #tpu.memory_space<vmem>> -> memref<1x128x128xf32, #tpu.memory_space<vmem>>
          %dma_start3A_445 = tpu.memref_squeeze %dma_start3A_444 : memref<1x128x128xf32, #tpu.memory_space<vmem>> -> memref<128x128xf32, #tpu.memory_space<vmem>>
          %dma_start3A_446 = arith.constant 0 : i32
          %dma_start3A_447 = tpu.memref_slice %arg8[%dma_start3A_440, %dma_start3A_446] : memref<2x128xi32, #tpu.memory_space<vmem>> -> memref<1x128xi32, #tpu.memory_space<vmem>>
          %dma_start3A_448 = tpu.memref_squeeze %dma_start3A_447 : memref<1x128xi32, #tpu.memory_space<vmem>> -> memref<128xi32, #tpu.memory_space<vmem>>
          %dma_start3A_449 = arith.constant 0 : i32
          %dma_start3A_450 = arith.constant 0 : i32
          %dma_start3A_451 = tpu.memref_slice %arg2[%dma_start3A_449, %dma_start3A_450] : memref<10000x128xf32, #tpu.memory_space<hbm>> -> memref<10000x128xf32, #tpu.memory_space<hbm>>
          tpu.enqueue_indirect_dma source(%dma_start3A_451 : memref<10000x128xf32, #tpu.memory_space<hbm>>) target(%dma_start3A_445 : memref<128x128xf32, #tpu.memory_space<vmem>>) offsets(%dma_start3A_448 : memref<128xi32, #tpu.memory_space<vmem>>) semaphore(%arg16 : memref<!tpu.dma_semaphore, #tpu.memory_space<semaphore_mem>>)
        } else {
        }
        %dma_wait3A_359 = arith.constant 0 : i32
        %dma_wait3A_360 = arith.constant 0 : i32
        %dma_wait3A_361 = arith.constant 0 : i32
        %dma_wait3A_362 = tpu.memref_slice %arg10[%dma_wait3A_359, %dma_wait3A_360, %dma_wait3A_361] : memref<2x128x128xf32, #tpu.memory_space<vmem>> -> memref<1x128x128xf32, #tpu.memory_space<vmem>>
        %dma_wait3A_363 = tpu.memref_squeeze %dma_wait3A_362 : memref<1x128x128xf32, #tpu.memory_space<vmem>> -> memref<128x128xf32, #tpu.memory_space<vmem>>
        %dma_wait3A_364 = arith.constant 0 : i32
        %dma_wait3A_365 = arith.constant 0 : i32
        %dma_wait3A_366 = tpu.memref_slice %arg2[%dma_wait3A_364, %dma_wait3A_365] : memref<10000x128xf32, #tpu.memory_space<hbm>> -> memref<128x128xf32, #tpu.memory_space<hbm>>
        %dma_wait3A_367 = arith.constant 0 : i32
        %dma_wait3A_368 = arith.constant 0 : i32
        %dma_wait3A_369 = tpu.memref_slice %arg10[%dma_wait3A_359, %dma_wait3A_367, %dma_wait3A_368] : memref<2x128x128xf32, #tpu.memory_space<vmem>> -> memref<1x128x128xf32, #tpu.memory_space<vmem>>
        %dma_wait3A_370 = tpu.memref_squeeze %dma_wait3A_369 : memref<1x128x128xf32, #tpu.memory_space<vmem>> -> memref<128x128xf32, #tpu.memory_space<vmem>>
        %dma_wait3A_371 = arith.constant 0 : i32
        %dma_wait3A_372 = arith.constant 0 : i32
        %dma_wait3A_373 = tpu.memref_slice %arg2[%dma_wait3A_371, %dma_wait3A_372] : memref<10000x128xf32, #tpu.memory_space<hbm>> -> memref<128x128xf32, #tpu.memory_space<hbm>>
        tpu.wait_dma2 semaphore(%arg15 : memref<!tpu.dma_semaphore, #tpu.memory_space<semaphore_mem>>) src(%dma_wait3A_373 : memref<128x128xf32, #tpu.memory_space<hbm>>) dst(%dma_wait3A_370 : memref<128x128xf32, #tpu.memory_space<vmem>>)
        %run_scoped3A_374 = arith.constant 0 : i32
        %run_scoped3A_375 = arith.constant 0 : i32
        "tpu.region"() ({
          %run_scoped3A_418 = tpu.sem_alloc : memref<!tpu.dma_semaphore, #tpu.memory_space<semaphore_mem>>
          %dma_start3A_419 = arith.constant 0 : i32
          %dma_start3A_420 = arith.constant 0 : i32
          %dma_start3A_421 = tpu.memref_slice %arg10[%run_scoped3A_374, %dma_start3A_419, %dma_start3A_420] : memref<2x128x128xf32, #tpu.memory_space<vmem>> -> memref<1x128x128xf32, #tpu.memory_space<vmem>>
          %dma_start3A_422 = tpu.memref_squeeze %dma_start3A_421 : memref<1x128x128xf32, #tpu.memory_space<vmem>> -> memref<128x128xf32, #tpu.memory_space<vmem>>
          %dma_start3A_423 = arith.constant 0 : i32
          %dma_start3A_424 = tpu.memref_slice %arg9[%run_scoped3A_375, %dma_start3A_423] : memref<2x128xi32, #tpu.memory_space<vmem>> -> memref<1x128xi32, #tpu.memory_space<vmem>>
          %dma_start3A_425 = tpu.memref_squeeze %dma_start3A_424 : memref<1x128xi32, #tpu.memory_space<vmem>> -> memref<128xi32, #tpu.memory_space<vmem>>
          %dma_start3A_426 = arith.constant 0 : i32
          %dma_start3A_427 = arith.constant 0 : i32
          %dma_start3A_428 = tpu.memref_slice %arg12[%dma_start3A_426, %dma_start3A_427] : memref<10240x128xf32, #tpu.memory_space<vmem_shared>> -> memref<10240x128xf32, #tpu.memory_space<vmem_shared>>
          tpu.enqueue_indirect_dma source(%dma_start3A_422 : memref<128x128xf32, #tpu.memory_space<vmem>>) target(%dma_start3A_428 : memref<10240x128xf32, #tpu.memory_space<vmem_shared>>) offsets(%dma_start3A_425 : memref<128xi32, #tpu.memory_space<vmem>>) semaphore(%run_scoped3A_418 : memref<!tpu.dma_semaphore, #tpu.memory_space<semaphore_mem>>) {add = true}
          %dma_wait3A_429 = arith.constant 0 : i32
          %dma_wait3A_430 = arith.constant 0 : i32
          %dma_wait3A_431 = tpu.memref_slice %arg10[%run_scoped3A_374, %dma_wait3A_429, %dma_wait3A_430] : memref<2x128x128xf32, #tpu.memory_space<vmem>> -> memref<1x128x128xf32, #tpu.memory_space<vmem>>
          %dma_wait3A_432 = tpu.memref_squeeze %dma_wait3A_431 : memref<1x128x128xf32, #tpu.memory_space<vmem>> -> memref<128x128xf32, #tpu.memory_space<vmem>>
          %dma_wait3A_433 = arith.constant 0 : i32
          %dma_wait3A_434 = tpu.memref_slice %arg9[%run_scoped3A_375, %dma_wait3A_433] : memref<2x128xi32, #tpu.memory_space<vmem>> -> memref<1x128xi32, #tpu.memory_space<vmem>>
          %dma_wait3A_435 = tpu.memref_squeeze %dma_wait3A_434 : memref<1x128xi32, #tpu.memory_space<vmem>> -> memref<128xi32, #tpu.memory_space<vmem>>
          %dma_wait3A_436 = arith.constant 0 : i32
          %dma_wait3A_437 = arith.constant 0 : i32
          %dma_wait3A_438 = tpu.memref_slice %arg12[%dma_wait3A_436, %dma_wait3A_437] : memref<10240x128xf32, #tpu.memory_space<vmem_shared>> -> memref<10240x128xf32, #tpu.memory_space<vmem_shared>>
          tpu.wait_indirect_dma semaphore(%run_scoped3A_418 : memref<!tpu.dma_semaphore, #tpu.memory_space<semaphore_mem>>) src(%dma_wait3A_432 : memref<128x128xf32, #tpu.memory_space<vmem>>) dst(%dma_wait3A_438 : memref<10240x128xf32, #tpu.memory_space<vmem_shared>>)
          tpu.yield
        }) : () -> ()
        %add3A_376 = arith.constant 2 : i32
        %add3A_377 = arith.addi %mul3A_351, %add3A_376 : i32
        %lt3A_378 = arith.constant 76 : i32
        %lt3A_379 = arith.cmpi slt, %add3A_377, %lt3A_378 : i32
        %convert_element_type3A_380 = arith.extui %lt3A_379 : i1 to i32
        %cond3A_381 = arith.constant 0 : i32
        %cond3A_382 = arith.cmpi ne, %convert_element_type3A_380, %cond3A_381 : i32
        scf.if %cond3A_382 {
          %add3A_418 = arith.constant 2 : i32
          %add3A_419 = arith.addi %mul3A_351, %add3A_418 : i32
          %mul3A_420 = arith.constant 128 : i32
          %mul3A_421 = arith.muli %add3A_419, %mul3A_420 : i32
          %add3A_422 = arith.addi %multiple_of3A, %mul3A_421 : i32
          %dma_start3A_423 = arith.constant 0 : i32
          %dma_start3A_424 = arith.constant 0 : i32
          %dma_start3A_425 = tpu.memref_slice %arg8[%dma_start3A_423, %dma_start3A_424] : memref<2x128xi32, #tpu.memory_space<vmem>> -> memref<1x128xi32, #tpu.memory_space<vmem>>
          %dma_start3A_426 = tpu.memref_squeeze %dma_start3A_425 : memref<1x128xi32, #tpu.memory_space<vmem>> -> memref<128xi32, #tpu.memory_space<vmem>>
          %dma_start3A_427 = tpu.memref_slice %arg3[%add3A_422] : memref<640000xi32, #tpu.memory_space<hbm>> -> memref<128xi32, #tpu.memory_space<hbm>>
          %dma_start3A_428 = arith.constant 0 : i32
          %dma_start3A_429 = tpu.memref_slice %arg8[%dma_start3A_423, %dma_start3A_428] : memref<2x128xi32, #tpu.memory_space<vmem>> -> memref<1x128xi32, #tpu.memory_space<vmem>>
          %dma_start3A_430 = tpu.memref_squeeze %dma_start3A_429 : memref<1x128xi32, #tpu.memory_space<vmem>> -> memref<128xi32, #tpu.memory_space<vmem>>
          %dma_start3A_431 = tpu.memref_slice %arg3[%add3A_422] : memref<640000xi32, #tpu.memory_space<hbm>> -> memref<128xi32, #tpu.memory_space<hbm>>
          tpu.enqueue_dma source(%dma_start3A_431 : memref<128xi32, #tpu.memory_space<hbm>>) target(%dma_start3A_430 : memref<128xi32, #tpu.memory_space<vmem>>) target_semaphore(%arg13 : memref<!tpu.dma_semaphore, #tpu.memory_space<semaphore_mem>>)
          %add3A_432 = arith.constant 320000 : i32
          %add3A_433 = arith.addi %add3A_432, %multiple_of3A : i32
          %mul3A_434 = arith.constant 128 : i32
          %mul3A_435 = arith.muli %add3A_419, %mul3A_434 : i32
          %add3A_436 = arith.addi %add3A_433, %mul3A_435 : i32
          %dma_start3A_437 = arith.constant 0 : i32
          %dma_start3A_438 = arith.constant 0 : i32
          %dma_start3A_439 = tpu.memref_slice %arg9[%dma_start3A_437, %dma_start3A_438] : memref<2x128xi32, #tpu.memory_space<vmem>> -> memref<1x128xi32, #tpu.memory_space<vmem>>
          %dma_start3A_440 = tpu.memref_squeeze %dma_start3A_439 : memref<1x128xi32, #tpu.memory_space<vmem>> -> memref<128xi32, #tpu.memory_space<vmem>>
          %dma_start3A_441 = tpu.memref_slice %arg3[%add3A_436] : memref<640000xi32, #tpu.memory_space<hbm>> -> memref<128xi32, #tpu.memory_space<hbm>>
          %dma_start3A_442 = arith.constant 0 : i32
          %dma_start3A_443 = tpu.memref_slice %arg9[%dma_start3A_437, %dma_start3A_442] : memref<2x128xi32, #tpu.memory_space<vmem>> -> memref<1x128xi32, #tpu.memory_space<vmem>>
          %dma_start3A_444 = tpu.memref_squeeze %dma_start3A_443 : memref<1x128xi32, #tpu.memory_space<vmem>> -> memref<128xi32, #tpu.memory_space<vmem>>
          %dma_start3A_445 = tpu.memref_slice %arg3[%add3A_436] : memref<640000xi32, #tpu.memory_space<hbm>> -> memref<128xi32, #tpu.memory_space<hbm>>
          tpu.enqueue_dma source(%dma_start3A_445 : memref<128xi32, #tpu.memory_space<hbm>>) target(%dma_start3A_444 : memref<128xi32, #tpu.memory_space<vmem>>) target_semaphore(%arg13 : memref<!tpu.dma_semaphore, #tpu.memory_space<semaphore_mem>>)
        } else {
        }
        %mul3A_383 = arith.constant 2 : i32
        %mul3A_384 = arith.muli %mul3A_383, %scan3A_349 : i32
        %add3A_385 = arith.constant 1 : i32
        %add3A_386 = arith.addi %mul3A_384, %add3A_385 : i32
        %add3A_387 = arith.constant 1 : i32
        %add3A_388 = arith.addi %add3A_386, %add3A_387 : i32
        %lt3A_389 = arith.constant 76 : i32
        %lt3A_390 = arith.cmpi slt, %add3A_388, %lt3A_389 : i32
        %convert_element_type3A_391 = arith.extui %lt3A_390 : i1 to i32
        %cond3A_392 = arith.constant 0 : i32
        %cond3A_393 = arith.cmpi ne, %convert_element_type3A_391, %cond3A_392 : i32
        scf.if %cond3A_393 {
          %dma_wait3A_418 = arith.constant 0 : i32
          %dma_wait3A_419 = arith.constant 0 : i32
          %dma_wait3A_420 = tpu.memref_slice %arg8[%dma_wait3A_418, %dma_wait3A_419] : memref<2x128xi32, #tpu.memory_space<vmem>> -> memref<1x128xi32, #tpu.memory_space<vmem>>
          %dma_wait3A_421 = tpu.memref_squeeze %dma_wait3A_420 : memref<1x128xi32, #tpu.memory_space<vmem>> -> memref<128xi32, #tpu.memory_space<vmem>>
          %dma_wait3A_422 = arith.constant 0 : i32
          %dma_wait3A_423 = tpu.memref_slice %arg3[%dma_wait3A_422] : memref<640000xi32, #tpu.memory_space<hbm>> -> memref<128xi32, #tpu.memory_space<hbm>>
          %dma_wait3A_424 = arith.constant 0 : i32
          %dma_wait3A_425 = tpu.memref_slice %arg8[%dma_wait3A_418, %dma_wait3A_424] : memref<2x128xi32, #tpu.memory_space<vmem>> -> memref<1x128xi32, #tpu.memory_space<vmem>>
          %dma_wait3A_426 = tpu.memref_squeeze %dma_wait3A_425 : memref<1x128xi32, #tpu.memory_space<vmem>> -> memref<128xi32, #tpu.memory_space<vmem>>
          %dma_wait3A_427 = arith.constant 0 : i32
          %dma_wait3A_428 = tpu.memref_slice %arg3[%dma_wait3A_427] : memref<640000xi32, #tpu.memory_space<hbm>> -> memref<128xi32, #tpu.memory_space<hbm>>
          tpu.wait_dma2 semaphore(%arg13 : memref<!tpu.dma_semaphore, #tpu.memory_space<semaphore_mem>>) src(%dma_wait3A_428 : memref<128xi32, #tpu.memory_space<hbm>>) dst(%dma_wait3A_426 : memref<128xi32, #tpu.memory_space<vmem>>)
          %dma_wait3A_429 = arith.constant 0 : i32
          %dma_wait3A_430 = arith.constant 0 : i32
          %dma_wait3A_431 = tpu.memref_slice %arg9[%dma_wait3A_429, %dma_wait3A_430] : memref<2x128xi32, #tpu.memory_space<vmem>> -> memref<1x128xi32, #tpu.memory_space<vmem>>
          %dma_wait3A_432 = tpu.memref_squeeze %dma_wait3A_431 : memref<1x128xi32, #tpu.memory_space<vmem>> -> memref<128xi32, #tpu.memory_space<vmem>>
          %dma_wait3A_433 = arith.constant 0 : i32
          %dma_wait3A_434 = tpu.memref_slice %arg3[%dma_wait3A_433] : memref<640000xi32, #tpu.memory_space<hbm>> -> memref<128xi32, #tpu.memory_space<hbm>>
          %dma_wait3A_435 = arith.constant 0 : i32
          %dma_wait3A_436 = tpu.memref_slice %arg9[%dma_wait3A_429, %dma_wait3A_435] : memref<2x128xi32, #tpu.memory_space<vmem>> -> memref<1x128xi32, #tpu.memory_space<vmem>>
          %dma_wait3A_437 = tpu.memref_squeeze %dma_wait3A_436 : memref<1x128xi32, #tpu.memory_space<vmem>> -> memref<128xi32, #tpu.memory_space<vmem>>
          %dma_wait3A_438 = arith.constant 0 : i32
          %dma_wait3A_439 = tpu.memref_slice %arg3[%dma_wait3A_438] : memref<640000xi32, #tpu.memory_space<hbm>> -> memref<128xi32, #tpu.memory_space<hbm>>
          tpu.wait_dma2 semaphore(%arg13 : memref<!tpu.dma_semaphore, #tpu.memory_space<semaphore_mem>>) src(%dma_wait3A_439 : memref<128xi32, #tpu.memory_space<hbm>>) dst(%dma_wait3A_437 : memref<128xi32, #tpu.memory_space<vmem>>)
          %dma_start3A_440 = arith.constant 0 : i32
          %dma_start3A_441 = arith.constant 0 : i32
          %dma_start3A_442 = arith.constant 0 : i32
          %dma_start3A_443 = arith.constant 0 : i32
          %dma_start3A_444 = tpu.memref_slice %arg10[%dma_start3A_441, %dma_start3A_442, %dma_start3A_443] : memref<2x128x128xf32, #tpu.memory_space<vmem>> -> memref<1x128x128xf32, #tpu.memory_space<vmem>>
          %dma_start3A_445 = tpu.memref_squeeze %dma_start3A_444 : memref<1x128x128xf32, #tpu.memory_space<vmem>> -> memref<128x128xf32, #tpu.memory_space<vmem>>
          %dma_start3A_446 = arith.constant 0 : i32
          %dma_start3A_447 = tpu.memref_slice %arg8[%dma_start3A_440, %dma_start3A_446] : memref<2x128xi32, #tpu.memory_space<vmem>> -> memref<1x128xi32, #tpu.memory_space<vmem>>
          %dma_start3A_448 = tpu.memref_squeeze %dma_start3A_447 : memref<1x128xi32, #tpu.memory_space<vmem>> -> memref<128xi32, #tpu.memory_space<vmem>>
          %dma_start3A_449 = arith.constant 0 : i32
          %dma_start3A_450 = arith.constant 0 : i32
          %dma_start3A_451 = tpu.memref_slice %arg2[%dma_start3A_449, %dma_start3A_450] : memref<10000x128xf32, #tpu.memory_space<hbm>> -> memref<10000x128xf32, #tpu.memory_space<hbm>>
          tpu.enqueue_indirect_dma source(%dma_start3A_451 : memref<10000x128xf32, #tpu.memory_space<hbm>>) target(%dma_start3A_445 : memref<128x128xf32, #tpu.memory_space<vmem>>) offsets(%dma_start3A_448 : memref<128xi32, #tpu.memory_space<vmem>>) semaphore(%arg15 : memref<!tpu.dma_semaphore, #tpu.memory_space<semaphore_mem>>)
        } else {
        }
        %dma_wait3A_394 = arith.constant 1 : i32
        %dma_wait3A_395 = arith.constant 0 : i32
        %dma_wait3A_396 = arith.constant 0 : i32
        %dma_wait3A_397 = tpu.memref_slice %arg10[%dma_wait3A_394, %dma_wait3A_395, %dma_wait3A_396] : memref<2x128x128xf32, #tpu.memory_space<vmem>> -> memref<1x128x128xf32, #tpu.memory_space<vmem>>
        %dma_wait3A_398 = tpu.memref_squeeze %dma_wait3A_397 : memref<1x128x128xf32, #tpu.memory_space<vmem>> -> memref<128x128xf32, #tpu.memory_space<vmem>>
        %dma_wait3A_399 = arith.constant 0 : i32
        %dma_wait3A_400 = arith.constant 0 : i32
        %dma_wait3A_401 = tpu.memref_slice %arg2[%dma_wait3A_399, %dma_wait3A_400] : memref<10000x128xf32, #tpu.memory_space<hbm>> -> memref<128x128xf32, #tpu.memory_space<hbm>>
        %dma_wait3A_402 = arith.constant 0 : i32
        %dma_wait3A_403 = arith.constant 0 : i32
        %dma_wait3A_404 = tpu.memref_slice %arg10[%dma_wait3A_394, %dma_wait3A_402, %dma_wait3A_403] : memref<2x128x128xf32, #tpu.memory_space<vmem>> -> memref<1x128x128xf32, #tpu.memory_space<vmem>>
        %dma_wait3A_405 = tpu.memref_squeeze %dma_wait3A_404 : memref<1x128x128xf32, #tpu.memory_space<vmem>> -> memref<128x128xf32, #tpu.memory_space<vmem>>
        %dma_wait3A_406 = arith.constant 0 : i32
        %dma_wait3A_407 = arith.constant 0 : i32
        %dma_wait3A_408 = tpu.memref_slice %arg2[%dma_wait3A_406, %dma_wait3A_407] : memref<10000x128xf32, #tpu.memory_space<hbm>> -> memref<128x128xf32, #tpu.memory_space<hbm>>
        tpu.wait_dma2 semaphore(%arg16 : memref<!tpu.dma_semaphore, #tpu.memory_space<semaphore_mem>>) src(%dma_wait3A_408 : memref<128x128xf32, #tpu.memory_space<hbm>>) dst(%dma_wait3A_405 : memref<128x128xf32, #tpu.memory_space<vmem>>)
        %run_scoped3A_409 = arith.constant 1 : i32
        %run_scoped3A_410 = arith.constant 1 : i32
        "tpu.region"() ({
          %run_scoped3A_418 = tpu.sem_alloc : memref<!tpu.dma_semaphore, #tpu.memory_space<semaphore_mem>>
          %dma_start3A_419 = arith.constant 0 : i32
          %dma_start3A_420 = arith.constant 0 : i32
          %dma_start3A_421 = tpu.memref_slice %arg10[%run_scoped3A_409, %dma_start3A_419, %dma_start3A_420] : memref<2x128x128xf32, #tpu.memory_space<vmem>> -> memref<1x128x128xf32, #tpu.memory_space<vmem>>
          %dma_start3A_422 = tpu.memref_squeeze %dma_start3A_421 : memref<1x128x128xf32, #tpu.memory_space<vmem>> -> memref<128x128xf32, #tpu.memory_space<vmem>>
          %dma_start3A_423 = arith.constant 0 : i32
          %dma_start3A_424 = tpu.memref_slice %arg9[%run_scoped3A_410, %dma_start3A_423] : memref<2x128xi32, #tpu.memory_space<vmem>> -> memref<1x128xi32, #tpu.memory_space<vmem>>
          %dma_start3A_425 = tpu.memref_squeeze %dma_start3A_424 : memref<1x128xi32, #tpu.memory_space<vmem>> -> memref<128xi32, #tpu.memory_space<vmem>>
          %dma_start3A_426 = arith.constant 0 : i32
          %dma_start3A_427 = arith.constant 0 : i32
          %dma_start3A_428 = tpu.memref_slice %arg12[%dma_start3A_426, %dma_start3A_427] : memref<10240x128xf32, #tpu.memory_space<vmem_shared>> -> memref<10240x128xf32, #tpu.memory_space<vmem_shared>>
          tpu.enqueue_indirect_dma source(%dma_start3A_422 : memref<128x128xf32, #tpu.memory_space<vmem>>) target(%dma_start3A_428 : memref<10240x128xf32, #tpu.memory_space<vmem_shared>>) offsets(%dma_start3A_425 : memref<128xi32, #tpu.memory_space<vmem>>) semaphore(%run_scoped3A_418 : memref<!tpu.dma_semaphore, #tpu.memory_space<semaphore_mem>>) {add = true}
          %dma_wait3A_429 = arith.constant 0 : i32
          %dma_wait3A_430 = arith.constant 0 : i32
          %dma_wait3A_431 = tpu.memref_slice %arg10[%run_scoped3A_409, %dma_wait3A_429, %dma_wait3A_430] : memref<2x128x128xf32, #tpu.memory_space<vmem>> -> memref<1x128x128xf32, #tpu.memory_space<vmem>>
          %dma_wait3A_432 = tpu.memref_squeeze %dma_wait3A_431 : memref<1x128x128xf32, #tpu.memory_space<vmem>> -> memref<128x128xf32, #tpu.memory_space<vmem>>
          %dma_wait3A_433 = arith.constant 0 : i32
          %dma_wait3A_434 = tpu.memref_slice %arg9[%run_scoped3A_410, %dma_wait3A_433] : memref<2x128xi32, #tpu.memory_space<vmem>> -> memref<1x128xi32, #tpu.memory_space<vmem>>
          %dma_wait3A_435 = tpu.memref_squeeze %dma_wait3A_434 : memref<1x128xi32, #tpu.memory_space<vmem>> -> memref<128xi32, #tpu.memory_space<vmem>>
          %dma_wait3A_436 = arith.constant 0 : i32
          %dma_wait3A_437 = arith.constant 0 : i32
          %dma_wait3A_438 = tpu.memref_slice %arg12[%dma_wait3A_436, %dma_wait3A_437] : memref<10240x128xf32, #tpu.memory_space<vmem_shared>> -> memref<10240x128xf32, #tpu.memory_space<vmem_shared>>
          tpu.wait_indirect_dma semaphore(%run_scoped3A_418 : memref<!tpu.dma_semaphore, #tpu.memory_space<semaphore_mem>>) src(%dma_wait3A_432 : memref<128x128xf32, #tpu.memory_space<vmem>>) dst(%dma_wait3A_438 : memref<10240x128xf32, #tpu.memory_space<vmem_shared>>)
          tpu.yield
        }) : () -> ()
        %add3A_411 = arith.constant 2 : i32
        %add3A_412 = arith.addi %add3A_386, %add3A_411 : i32
        %lt3A_413 = arith.constant 76 : i32
        %lt3A_414 = arith.cmpi slt, %add3A_412, %lt3A_413 : i32
        %convert_element_type3A_415 = arith.extui %lt3A_414 : i1 to i32
        %cond3A_416 = arith.constant 0 : i32
        %cond3A_417 = arith.cmpi ne, %convert_element_type3A_415, %cond3A_416 : i32
        scf.if %cond3A_417 {
          %add3A_418 = arith.constant 2 : i32
          %add3A_419 = arith.addi %add3A_386, %add3A_418 : i32
          %mul3A_420 = arith.constant 128 : i32
          %mul3A_421 = arith.muli %add3A_419, %mul3A_420 : i32
          %add3A_422 = arith.addi %multiple_of3A, %mul3A_421 : i32
          %dma_start3A_423 = arith.constant 1 : i32
          %dma_start3A_424 = arith.constant 0 : i32
          %dma_start3A_425 = tpu.memref_slice %arg8[%dma_start3A_423, %dma_start3A_424] : memref<2x128xi32, #tpu.memory_space<vmem>> -> memref<1x128xi32, #tpu.memory_space<vmem>>
          %dma_start3A_426 = tpu.memref_squeeze %dma_start3A_425 : memref<1x128xi32, #tpu.memory_space<vmem>> -> memref<128xi32, #tpu.memory_space<vmem>>
          %dma_start3A_427 = tpu.memref_slice %arg3[%add3A_422] : memref<640000xi32, #tpu.memory_space<hbm>> -> memref<128xi32, #tpu.memory_space<hbm>>
          %dma_start3A_428 = arith.constant 0 : i32
          %dma_start3A_429 = tpu.memref_slice %arg8[%dma_start3A_423, %dma_start3A_428] : memref<2x128xi32, #tpu.memory_space<vmem>> -> memref<1x128xi32, #tpu.memory_space<vmem>>
          %dma_start3A_430 = tpu.memref_squeeze %dma_start3A_429 : memref<1x128xi32, #tpu.memory_space<vmem>> -> memref<128xi32, #tpu.memory_space<vmem>>
          %dma_start3A_431 = tpu.memref_slice %arg3[%add3A_422] : memref<640000xi32, #tpu.memory_space<hbm>> -> memref<128xi32, #tpu.memory_space<hbm>>
          tpu.enqueue_dma source(%dma_start3A_431 : memref<128xi32, #tpu.memory_space<hbm>>) target(%dma_start3A_430 : memref<128xi32, #tpu.memory_space<vmem>>) target_semaphore(%arg14 : memref<!tpu.dma_semaphore, #tpu.memory_space<semaphore_mem>>)
          %add3A_432 = arith.constant 320000 : i32
          %add3A_433 = arith.addi %add3A_432, %multiple_of3A : i32
          %mul3A_434 = arith.constant 128 : i32
          %mul3A_435 = arith.muli %add3A_419, %mul3A_434 : i32
          %add3A_436 = arith.addi %add3A_433, %mul3A_435 : i32
          %dma_start3A_437 = arith.constant 1 : i32
          %dma_start3A_438 = arith.constant 0 : i32
          %dma_start3A_439 = tpu.memref_slice %arg9[%dma_start3A_437, %dma_start3A_438] : memref<2x128xi32, #tpu.memory_space<vmem>> -> memref<1x128xi32, #tpu.memory_space<vmem>>
          %dma_start3A_440 = tpu.memref_squeeze %dma_start3A_439 : memref<1x128xi32, #tpu.memory_space<vmem>> -> memref<128xi32, #tpu.memory_space<vmem>>
          %dma_start3A_441 = tpu.memref_slice %arg3[%add3A_436] : memref<640000xi32, #tpu.memory_space<hbm>> -> memref<128xi32, #tpu.memory_space<hbm>>
          %dma_start3A_442 = arith.constant 0 : i32
          %dma_start3A_443 = tpu.memref_slice %arg9[%dma_start3A_437, %dma_start3A_442] : memref<2x128xi32, #tpu.memory_space<vmem>> -> memref<1x128xi32, #tpu.memory_space<vmem>>
          %dma_start3A_444 = tpu.memref_squeeze %dma_start3A_443 : memref<1x128xi32, #tpu.memory_space<vmem>> -> memref<128xi32, #tpu.memory_space<vmem>>
          %dma_start3A_445 = tpu.memref_slice %arg3[%add3A_436] : memref<640000xi32, #tpu.memory_space<hbm>> -> memref<128xi32, #tpu.memory_space<hbm>>
          tpu.enqueue_dma source(%dma_start3A_445 : memref<128xi32, #tpu.memory_space<hbm>>) target(%dma_start3A_444 : memref<128xi32, #tpu.memory_space<vmem>>) target_semaphore(%arg14 : memref<!tpu.dma_semaphore, #tpu.memory_space<semaphore_mem>>)
        } else {
        }
      }
      %scan3A_348 = arith.constant 38 : i32
    } else {
    }
    %eq3A_133 = arith.constant 1 : i32
    %eq3A_134 = arith.cmpi eq, %arg0, %eq3A_133 : i32
    %lt3A = arith.constant 4 : i32
    %lt3A_135 = arith.cmpi slt, %arg1, %lt3A : i32
    %and3A = arith.andi %eq3A_134, %lt3A_135 : i1
    %convert_element_type3A_136 = arith.extui %and3A : i1 to i32
    %cond3A_137 = arith.constant 0 : i32
    %cond3A_138 = arith.cmpi ne, %convert_element_type3A_136, %cond3A_137 : i32
    scf.if %cond3A_138 {
      %run_scoped3A_344 = arith.constant 0 : i32
      "tpu.region"() ({
        %run_scoped3A_350 = tpu.sem_alloc : memref<!tpu.dma_semaphore, #tpu.memory_space<semaphore_mem>>
        %dma_start3A_351 = arith.constant 0 : i32
        %dma_start3A_352 = tpu.memref_slice %arg8[%run_scoped3A_344, %dma_start3A_351] : memref<2x128xi32, #tpu.memory_space<vmem>> -> memref<1x128xi32, #tpu.memory_space<vmem>>
        %dma_start3A_353 = tpu.memref_squeeze %dma_start3A_352 : memref<1x128xi32, #tpu.memory_space<vmem>> -> memref<128xi32, #tpu.memory_space<vmem>>
        %dma_start3A_354 = arith.constant 0 : i32
        %dma_start3A_355 = tpu.memref_slice %arg4[%arg1, %dma_start3A_354] : memref<4x128xi32, #tpu.memory_space<hbm>> -> memref<1x128xi32, #tpu.memory_space<hbm>>
        %dma_start3A_356 = tpu.memref_squeeze %dma_start3A_355 : memref<1x128xi32, #tpu.memory_space<hbm>> -> memref<128xi32, #tpu.memory_space<hbm>>
        %dma_start3A_357 = arith.constant 0 : i32
        %dma_start3A_358 = tpu.memref_slice %arg8[%run_scoped3A_344, %dma_start3A_357] : memref<2x128xi32, #tpu.memory_space<vmem>> -> memref<1x128xi32, #tpu.memory_space<vmem>>
        %dma_start3A_359 = tpu.memref_squeeze %dma_start3A_358 : memref<1x128xi32, #tpu.memory_space<vmem>> -> memref<128xi32, #tpu.memory_space<vmem>>
        %dma_start3A_360 = arith.constant 0 : i32
        %dma_start3A_361 = tpu.memref_slice %arg4[%arg1, %dma_start3A_360] : memref<4x128xi32, #tpu.memory_space<hbm>> -> memref<1x128xi32, #tpu.memory_space<hbm>>
        %dma_start3A_362 = tpu.memref_squeeze %dma_start3A_361 : memref<1x128xi32, #tpu.memory_space<hbm>> -> memref<128xi32, #tpu.memory_space<hbm>>
        tpu.enqueue_dma source(%dma_start3A_362 : memref<128xi32, #tpu.memory_space<hbm>>) target(%dma_start3A_359 : memref<128xi32, #tpu.memory_space<vmem>>) target_semaphore(%run_scoped3A_350 : memref<!tpu.dma_semaphore, #tpu.memory_space<semaphore_mem>>)
        %dma_wait3A_363 = arith.constant 0 : i32
        %dma_wait3A_364 = tpu.memref_slice %arg8[%run_scoped3A_344, %dma_wait3A_363] : memref<2x128xi32, #tpu.memory_space<vmem>> -> memref<1x128xi32, #tpu.memory_space<vmem>>
        %dma_wait3A_365 = tpu.memref_squeeze %dma_wait3A_364 : memref<1x128xi32, #tpu.memory_space<vmem>> -> memref<128xi32, #tpu.memory_space<vmem>>
        %dma_wait3A_366 = arith.constant 0 : i32
        %dma_wait3A_367 = tpu.memref_slice %arg4[%arg1, %dma_wait3A_366] : memref<4x128xi32, #tpu.memory_space<hbm>> -> memref<1x128xi32, #tpu.memory_space<hbm>>
        %dma_wait3A_368 = tpu.memref_squeeze %dma_wait3A_367 : memref<1x128xi32, #tpu.memory_space<hbm>> -> memref<128xi32, #tpu.memory_space<hbm>>
        %dma_wait3A_369 = arith.constant 0 : i32
        %dma_wait3A_370 = tpu.memref_slice %arg8[%run_scoped3A_344, %dma_wait3A_369] : memref<2x128xi32, #tpu.memory_space<vmem>> -> memref<1x128xi32, #tpu.memory_space<vmem>>
        %dma_wait3A_371 = tpu.memref_squeeze %dma_wait3A_370 : memref<1x128xi32, #tpu.memory_space<vmem>> -> memref<128xi32, #tpu.memory_space<vmem>>
        %dma_wait3A_372 = arith.constant 0 : i32
        %dma_wait3A_373 = tpu.memref_slice %arg4[%arg1, %dma_wait3A_372] : memref<4x128xi32, #tpu.memory_space<hbm>> -> memref<1x128xi32, #tpu.memory_space<hbm>>
        %dma_wait3A_374 = tpu.memref_squeeze %dma_wait3A_373 : memref<1x128xi32, #tpu.memory_space<hbm>> -> memref<128xi32, #tpu.memory_space<hbm>>
        tpu.wait_dma2 semaphore(%run_scoped3A_350 : memref<!tpu.dma_semaphore, #tpu.memory_space<semaphore_mem>>) src(%dma_wait3A_374 : memref<128xi32, #tpu.memory_space<hbm>>) dst(%dma_wait3A_371 : memref<128xi32, #tpu.memory_space<vmem>>)
        tpu.yield
      }) : () -> ()
      %run_scoped3A_345 = arith.constant 0 : i32
      "tpu.region"() ({
        %run_scoped3A_350 = tpu.sem_alloc : memref<!tpu.dma_semaphore, #tpu.memory_space<semaphore_mem>>
        %dma_start3A_351 = arith.constant 0 : i32
        %dma_start3A_352 = tpu.memref_slice %arg9[%run_scoped3A_345, %dma_start3A_351] : memref<2x128xi32, #tpu.memory_space<vmem>> -> memref<1x128xi32, #tpu.memory_space<vmem>>
        %dma_start3A_353 = tpu.memref_squeeze %dma_start3A_352 : memref<1x128xi32, #tpu.memory_space<vmem>> -> memref<128xi32, #tpu.memory_space<vmem>>
        %dma_start3A_354 = arith.constant 0 : i32
        %dma_start3A_355 = tpu.memref_slice %arg5[%arg1, %dma_start3A_354] : memref<4x128xi32, #tpu.memory_space<hbm>> -> memref<1x128xi32, #tpu.memory_space<hbm>>
        %dma_start3A_356 = tpu.memref_squeeze %dma_start3A_355 : memref<1x128xi32, #tpu.memory_space<hbm>> -> memref<128xi32, #tpu.memory_space<hbm>>
        %dma_start3A_357 = arith.constant 0 : i32
        %dma_start3A_358 = tpu.memref_slice %arg9[%run_scoped3A_345, %dma_start3A_357] : memref<2x128xi32, #tpu.memory_space<vmem>> -> memref<1x128xi32, #tpu.memory_space<vmem>>
        %dma_start3A_359 = tpu.memref_squeeze %dma_start3A_358 : memref<1x128xi32, #tpu.memory_space<vmem>> -> memref<128xi32, #tpu.memory_space<vmem>>
        %dma_start3A_360 = arith.constant 0 : i32
        %dma_start3A_361 = tpu.memref_slice %arg5[%arg1, %dma_start3A_360] : memref<4x128xi32, #tpu.memory_space<hbm>> -> memref<1x128xi32, #tpu.memory_space<hbm>>
        %dma_start3A_362 = tpu.memref_squeeze %dma_start3A_361 : memref<1x128xi32, #tpu.memory_space<hbm>> -> memref<128xi32, #tpu.memory_space<hbm>>
        tpu.enqueue_dma source(%dma_start3A_362 : memref<128xi32, #tpu.memory_space<hbm>>) target(%dma_start3A_359 : memref<128xi32, #tpu.memory_space<vmem>>) target_semaphore(%run_scoped3A_350 : memref<!tpu.dma_semaphore, #tpu.memory_space<semaphore_mem>>)
        %dma_wait3A_363 = arith.constant 0 : i32
        %dma_wait3A_364 = tpu.memref_slice %arg9[%run_scoped3A_345, %dma_wait3A_363] : memref<2x128xi32, #tpu.memory_space<vmem>> -> memref<1x128xi32, #tpu.memory_space<vmem>>
        %dma_wait3A_365 = tpu.memref_squeeze %dma_wait3A_364 : memref<1x128xi32, #tpu.memory_space<vmem>> -> memref<128xi32, #tpu.memory_space<vmem>>
        %dma_wait3A_366 = arith.constant 0 : i32
        %dma_wait3A_367 = tpu.memref_slice %arg5[%arg1, %dma_wait3A_366] : memref<4x128xi32, #tpu.memory_space<hbm>> -> memref<1x128xi32, #tpu.memory_space<hbm>>
        %dma_wait3A_368 = tpu.memref_squeeze %dma_wait3A_367 : memref<1x128xi32, #tpu.memory_space<hbm>> -> memref<128xi32, #tpu.memory_space<hbm>>
        %dma_wait3A_369 = arith.constant 0 : i32
        %dma_wait3A_370 = tpu.memref_slice %arg9[%run_scoped3A_345, %dma_wait3A_369] : memref<2x128xi32, #tpu.memory_space<vmem>> -> memref<1x128xi32, #tpu.memory_space<vmem>>
        %dma_wait3A_371 = tpu.memref_squeeze %dma_wait3A_370 : memref<1x128xi32, #tpu.memory_space<vmem>> -> memref<128xi32, #tpu.memory_space<vmem>>
        %dma_wait3A_372 = arith.constant 0 : i32
        %dma_wait3A_373 = tpu.memref_slice %arg5[%arg1, %dma_wait3A_372] : memref<4x128xi32, #tpu.memory_space<hbm>> -> memref<1x128xi32, #tpu.memory_space<hbm>>
        %dma_wait3A_374 = tpu.memref_squeeze %dma_wait3A_373 : memref<1x128xi32, #tpu.memory_space<hbm>> -> memref<128xi32, #tpu.memory_space<hbm>>
        tpu.wait_dma2 semaphore(%run_scoped3A_350 : memref<!tpu.dma_semaphore, #tpu.memory_space<semaphore_mem>>) src(%dma_wait3A_374 : memref<128xi32, #tpu.memory_space<hbm>>) dst(%dma_wait3A_371 : memref<128xi32, #tpu.memory_space<vmem>>)
        tpu.yield
      }) : () -> ()
      %run_scoped3A_346 = arith.constant 0 : i32
      %run_scoped3A_347 = arith.constant 0 : i32
      "tpu.region"() ({
        %run_scoped3A_350 = tpu.sem_alloc : memref<!tpu.dma_semaphore, #tpu.memory_space<semaphore_mem>>
        %dma_start3A_351 = arith.constant 0 : i32
        %dma_start3A_352 = arith.constant 0 : i32
        %dma_start3A_353 = tpu.memref_slice %arg10[%run_scoped3A_347, %dma_start3A_351, %dma_start3A_352] : memref<2x128x128xf32, #tpu.memory_space<vmem>> -> memref<1x128x128xf32, #tpu.memory_space<vmem>>
        %dma_start3A_354 = tpu.memref_squeeze %dma_start3A_353 : memref<1x128x128xf32, #tpu.memory_space<vmem>> -> memref<128x128xf32, #tpu.memory_space<vmem>>
        %dma_start3A_355 = arith.constant 0 : i32
        %dma_start3A_356 = tpu.memref_slice %arg8[%run_scoped3A_346, %dma_start3A_355] : memref<2x128xi32, #tpu.memory_space<vmem>> -> memref<1x128xi32, #tpu.memory_space<vmem>>
        %dma_start3A_357 = tpu.memref_squeeze %dma_start3A_356 : memref<1x128xi32, #tpu.memory_space<vmem>> -> memref<128xi32, #tpu.memory_space<vmem>>
        %dma_start3A_358 = arith.constant 0 : i32
        %dma_start3A_359 = arith.constant 0 : i32
        %dma_start3A_360 = tpu.memref_slice %arg2[%dma_start3A_358, %dma_start3A_359] : memref<10000x128xf32, #tpu.memory_space<hbm>> -> memref<10000x128xf32, #tpu.memory_space<hbm>>
        tpu.enqueue_indirect_dma source(%dma_start3A_360 : memref<10000x128xf32, #tpu.memory_space<hbm>>) target(%dma_start3A_354 : memref<128x128xf32, #tpu.memory_space<vmem>>) offsets(%dma_start3A_357 : memref<128xi32, #tpu.memory_space<vmem>>) semaphore(%run_scoped3A_350 : memref<!tpu.dma_semaphore, #tpu.memory_space<semaphore_mem>>)
        %dma_wait3A_361 = arith.constant 0 : i32
        %dma_wait3A_362 = arith.constant 0 : i32
        %dma_wait3A_363 = tpu.memref_slice %arg10[%run_scoped3A_347, %dma_wait3A_361, %dma_wait3A_362] : memref<2x128x128xf32, #tpu.memory_space<vmem>> -> memref<1x128x128xf32, #tpu.memory_space<vmem>>
        %dma_wait3A_364 = tpu.memref_squeeze %dma_wait3A_363 : memref<1x128x128xf32, #tpu.memory_space<vmem>> -> memref<128x128xf32, #tpu.memory_space<vmem>>
        %dma_wait3A_365 = arith.constant 0 : i32
        %dma_wait3A_366 = tpu.memref_slice %arg8[%run_scoped3A_346, %dma_wait3A_365] : memref<2x128xi32, #tpu.memory_space<vmem>> -> memref<1x128xi32, #tpu.memory_space<vmem>>
        %dma_wait3A_367 = tpu.memref_squeeze %dma_wait3A_366 : memref<1x128xi32, #tpu.memory_space<vmem>> -> memref<128xi32, #tpu.memory_space<vmem>>
        %dma_wait3A_368 = arith.constant 0 : i32
        %dma_wait3A_369 = arith.constant 0 : i32
        %dma_wait3A_370 = tpu.memref_slice %arg2[%dma_wait3A_368, %dma_wait3A_369] : memref<10000x128xf32, #tpu.memory_space<hbm>> -> memref<10000x128xf32, #tpu.memory_space<hbm>>
        tpu.wait_indirect_dma semaphore(%run_scoped3A_350 : memref<!tpu.dma_semaphore, #tpu.memory_space<semaphore_mem>>) src(%dma_wait3A_370 : memref<10000x128xf32, #tpu.memory_space<hbm>>) dst(%dma_wait3A_364 : memref<128x128xf32, #tpu.memory_space<vmem>>)
        tpu.yield
      }) : () -> ()
      %run_scoped3A_348 = arith.constant 0 : i32
      %run_scoped3A_349 = arith.constant 0 : i32
      "tpu.region"() ({
        %run_scoped3A_350 = tpu.sem_alloc : memref<!tpu.dma_semaphore, #tpu.memory_space<semaphore_mem>>
        %dma_start3A_351 = arith.constant 0 : i32
        %dma_start3A_352 = arith.constant 0 : i32
        %dma_start3A_353 = tpu.memref_slice %arg10[%run_scoped3A_348, %dma_start3A_351, %dma_start3A_352] : memref<2x128x128xf32, #tpu.memory_space<vmem>> -> memref<1x128x128xf32, #tpu.memory_space<vmem>>
        %dma_start3A_354 = tpu.memref_squeeze %dma_start3A_353 : memref<1x128x128xf32, #tpu.memory_space<vmem>> -> memref<128x128xf32, #tpu.memory_space<vmem>>
        %dma_start3A_355 = arith.constant 0 : i32
        %dma_start3A_356 = tpu.memref_slice %arg9[%run_scoped3A_349, %dma_start3A_355] : memref<2x128xi32, #tpu.memory_space<vmem>> -> memref<1x128xi32, #tpu.memory_space<vmem>>
        %dma_start3A_357 = tpu.memref_squeeze %dma_start3A_356 : memref<1x128xi32, #tpu.memory_space<vmem>> -> memref<128xi32, #tpu.memory_space<vmem>>
        %dma_start3A_358 = arith.constant 0 : i32
        %dma_start3A_359 = arith.constant 0 : i32
        %dma_start3A_360 = tpu.memref_slice %arg12[%dma_start3A_358, %dma_start3A_359] : memref<10240x128xf32, #tpu.memory_space<vmem_shared>> -> memref<10240x128xf32, #tpu.memory_space<vmem_shared>>
        tpu.enqueue_indirect_dma source(%dma_start3A_354 : memref<128x128xf32, #tpu.memory_space<vmem>>) target(%dma_start3A_360 : memref<10240x128xf32, #tpu.memory_space<vmem_shared>>) offsets(%dma_start3A_357 : memref<128xi32, #tpu.memory_space<vmem>>) semaphore(%run_scoped3A_350 : memref<!tpu.dma_semaphore, #tpu.memory_space<semaphore_mem>>) {add = true}
        %dma_wait3A_361 = arith.constant 0 : i32
        %dma_wait3A_362 = arith.constant 0 : i32
        %dma_wait3A_363 = tpu.memref_slice %arg10[%run_scoped3A_348, %dma_wait3A_361, %dma_wait3A_362] : memref<2x128x128xf32, #tpu.memory_space<vmem>> -> memref<1x128x128xf32, #tpu.memory_space<vmem>>
        %dma_wait3A_364 = tpu.memref_squeeze %dma_wait3A_363 : memref<1x128x128xf32, #tpu.memory_space<vmem>> -> memref<128x128xf32, #tpu.memory_space<vmem>>
        %dma_wait3A_365 = arith.constant 0 : i32
        %dma_wait3A_366 = tpu.memref_slice %arg9[%run_scoped3A_349, %dma_wait3A_365] : memref<2x128xi32, #tpu.memory_space<vmem>> -> memref<1x128xi32, #tpu.memory_space<vmem>>
        %dma_wait3A_367 = tpu.memref_squeeze %dma_wait3A_366 : memref<1x128xi32, #tpu.memory_space<vmem>> -> memref<128xi32, #tpu.memory_space<vmem>>
        %dma_wait3A_368 = arith.constant 0 : i32
        %dma_wait3A_369 = arith.constant 0 : i32
        %dma_wait3A_370 = tpu.memref_slice %arg12[%dma_wait3A_368, %dma_wait3A_369] : memref<10240x128xf32, #tpu.memory_space<vmem_shared>> -> memref<10240x128xf32, #tpu.memory_space<vmem_shared>>
        tpu.wait_indirect_dma semaphore(%run_scoped3A_350 : memref<!tpu.dma_semaphore, #tpu.memory_space<semaphore_mem>>) src(%dma_wait3A_364 : memref<128x128xf32, #tpu.memory_space<vmem>>) dst(%dma_wait3A_370 : memref<10240x128xf32, #tpu.memory_space<vmem_shared>>)
        tpu.yield
      }) : () -> ()
    } else {
    }
    %barrier3A_139 = arith.constant 0 : index
    tpu.barrier barrier_id(%barrier3A_139)
    %mul3A_140 = arith.constant 640 : i32
    %mul3A_141 = arith.muli %arg1, %mul3A_140 : i32
    %add3A_142 = arith.constant 0 : i32
    %add3A_143 = arith.addi %mul3A_141, %add3A_142 : i32
    %run_scoped3A = arith.constant 0 : i32
    "tpu.region"() ({
      %run_scoped3A_344 = tpu.sem_alloc : memref<!tpu.dma_semaphore, #tpu.memory_space<semaphore_mem>>
      %dma_start3A_345 = arith.constant 0 : i32
      %dma_start3A_346 = arith.constant 0 : i32
      %dma_start3A_347 = tpu.memref_slice %arg10[%run_scoped3A, %dma_start3A_345, %dma_start3A_346] : memref<2x128x128xf32, #tpu.memory_space<vmem>> -> memref<1x128x128xf32, #tpu.memory_space<vmem>>
      %dma_start3A_348 = tpu.memref_squeeze %dma_start3A_347 : memref<1x128x128xf32, #tpu.memory_space<vmem>> -> memref<128x128xf32, #tpu.memory_space<vmem>>
      %dma_start3A_349 = arith.constant 0 : i32
      %dma_start3A_350 = tpu.memref_slice %arg12[%add3A_143, %dma_start3A_349] : memref<10240x128xf32, #tpu.memory_space<vmem_shared>> -> memref<128x128xf32, #tpu.memory_space<vmem_shared>>
      %dma_start3A_351 = arith.constant 0 : i32
      %dma_start3A_352 = arith.constant 0 : i32
      %dma_start3A_353 = tpu.memref_slice %arg10[%run_scoped3A, %dma_start3A_351, %dma_start3A_352] : memref<2x128x128xf32, #tpu.memory_space<vmem>> -> memref<1x128x128xf32, #tpu.memory_space<vmem>>
      %dma_start3A_354 = tpu.memref_squeeze %dma_start3A_353 : memref<1x128x128xf32, #tpu.memory_space<vmem>> -> memref<128x128xf32, #tpu.memory_space<vmem>>
      %dma_start3A_355 = arith.constant 0 : i32
      %dma_start3A_356 = tpu.memref_slice %arg12[%add3A_143, %dma_start3A_355] : memref<10240x128xf32, #tpu.memory_space<vmem_shared>> -> memref<128x128xf32, #tpu.memory_space<vmem_shared>>
      tpu.enqueue_dma source(%dma_start3A_356 : memref<128x128xf32, #tpu.memory_space<vmem_shared>>) target(%dma_start3A_354 : memref<128x128xf32, #tpu.memory_space<vmem>>) target_semaphore(%run_scoped3A_344 : memref<!tpu.dma_semaphore, #tpu.memory_space<semaphore_mem>>)
      %dma_wait3A_357 = arith.constant 0 : i32
      %dma_wait3A_358 = arith.constant 0 : i32
      %dma_wait3A_359 = tpu.memref_slice %arg10[%run_scoped3A, %dma_wait3A_357, %dma_wait3A_358] : memref<2x128x128xf32, #tpu.memory_space<vmem>> -> memref<1x128x128xf32, #tpu.memory_space<vmem>>
      %dma_wait3A_360 = tpu.memref_squeeze %dma_wait3A_359 : memref<1x128x128xf32, #tpu.memory_space<vmem>> -> memref<128x128xf32, #tpu.memory_space<vmem>>
      %dma_wait3A_361 = arith.constant 0 : i32
      %dma_wait3A_362 = tpu.memref_slice %arg12[%add3A_143, %dma_wait3A_361] : memref<10240x128xf32, #tpu.memory_space<vmem_shared>> -> memref<128x128xf32, #tpu.memory_space<vmem_shared>>
      %dma_wait3A_363 = arith.constant 0 : i32
      %dma_wait3A_364 = arith.constant 0 : i32
      %dma_wait3A_365 = tpu.memref_slice %arg10[%run_scoped3A, %dma_wait3A_363, %dma_wait3A_364] : memref<2x128x128xf32, #tpu.memory_space<vmem>> -> memref<1x128x128xf32, #tpu.memory_space<vmem>>
      %dma_wait3A_366 = tpu.memref_squeeze %dma_wait3A_365 : memref<1x128x128xf32, #tpu.memory_space<vmem>> -> memref<128x128xf32, #tpu.memory_space<vmem>>
      %dma_wait3A_367 = arith.constant 0 : i32
      %dma_wait3A_368 = tpu.memref_slice %arg12[%add3A_143, %dma_wait3A_367] : memref<10240x128xf32, #tpu.memory_space<vmem_shared>> -> memref<128x128xf32, #tpu.memory_space<vmem_shared>>
      tpu.wait_dma2 semaphore(%run_scoped3A_344 : memref<!tpu.dma_semaphore, #tpu.memory_space<semaphore_mem>>) src(%dma_wait3A_368 : memref<128x128xf32, #tpu.memory_space<vmem_shared>>) dst(%dma_wait3A_366 : memref<128x128xf32, #tpu.memory_space<vmem>>)
      tpu.yield
    }) : () -> ()
    %mul3A_144 = arith.constant 640 : i32
    %mul3A_145 = arith.muli %arg1, %mul3A_144 : i32
    %add3A_146 = arith.constant 0 : i32
    %add3A_147 = arith.addi %mul3A_145, %add3A_146 : i32
    %dma_start3A_148 = arith.constant 0 : i32
    %dma_start3A_149 = arith.constant 0 : i32
    %dma_start3A_150 = arith.constant 0 : i32
    %dma_start3A_151 = tpu.memref_slice %arg10[%dma_start3A_148, %dma_start3A_149, %dma_start3A_150] : memref<2x128x128xf32, #tpu.memory_space<vmem>> -> memref<1x128x128xf32, #tpu.memory_space<vmem>>
    %dma_start3A_152 = tpu.memref_squeeze %dma_start3A_151 : memref<1x128x128xf32, #tpu.memory_space<vmem>> -> memref<128x128xf32, #tpu.memory_space<vmem>>
    %dma_start3A_153 = arith.constant 0 : i32
    %dma_start3A_154 = tpu.memref_slice %arg7[%arg0, %add3A_147, %dma_start3A_153] : memref<2x10240x128xf32, #tpu.memory_space<hbm>> -> memref<1x128x128xf32, #tpu.memory_space<hbm>>
    %dma_start3A_155 = tpu.memref_squeeze %dma_start3A_154 : memref<1x128x128xf32, #tpu.memory_space<hbm>> -> memref<128x128xf32, #tpu.memory_space<hbm>>
    %dma_start3A_156 = arith.constant 0 : i32
    %dma_start3A_157 = tpu.memref_slice %arg7[%arg0, %add3A_147, %dma_start3A_156] : memref<2x10240x128xf32, #tpu.memory_space<hbm>> -> memref<1x128x128xf32, #tpu.memory_space<hbm>>
    %dma_start3A_158 = tpu.memref_squeeze %dma_start3A_157 : memref<1x128x128xf32, #tpu.memory_space<hbm>> -> memref<128x128xf32, #tpu.memory_space<hbm>>
    %dma_start3A_159 = arith.constant 0 : i32
    %dma_start3A_160 = arith.constant 0 : i32
    %dma_start3A_161 = tpu.memref_slice %arg10[%dma_start3A_148, %dma_start3A_159, %dma_start3A_160] : memref<2x128x128xf32, #tpu.memory_space<vmem>> -> memref<1x128x128xf32, #tpu.memory_space<vmem>>
    %dma_start3A_162 = tpu.memref_squeeze %dma_start3A_161 : memref<1x128x128xf32, #tpu.memory_space<vmem>> -> memref<128x128xf32, #tpu.memory_space<vmem>>
    tpu.enqueue_dma source(%dma_start3A_162 : memref<128x128xf32, #tpu.memory_space<vmem>>) target(%dma_start3A_158 : memref<128x128xf32, #tpu.memory_space<hbm>>) target_semaphore(%arg13 : memref<!tpu.dma_semaphore, #tpu.memory_space<semaphore_mem>>)
    %mul3A_163 = arith.constant 640 : i32
    %mul3A_164 = arith.muli %arg1, %mul3A_163 : i32
    %add3A_165 = arith.constant 128 : i32
    %add3A_166 = arith.addi %mul3A_164, %add3A_165 : i32
    %run_scoped3A_167 = arith.constant 1 : i32
    "tpu.region"() ({
      %run_scoped3A_344 = tpu.sem_alloc : memref<!tpu.dma_semaphore, #tpu.memory_space<semaphore_mem>>
      %dma_start3A_345 = arith.constant 0 : i32
      %dma_start3A_346 = arith.constant 0 : i32
      %dma_start3A_347 = tpu.memref_slice %arg10[%run_scoped3A_167, %dma_start3A_345, %dma_start3A_346] : memref<2x128x128xf32, #tpu.memory_space<vmem>> -> memref<1x128x128xf32, #tpu.memory_space<vmem>>
      %dma_start3A_348 = tpu.memref_squeeze %dma_start3A_347 : memref<1x128x128xf32, #tpu.memory_space<vmem>> -> memref<128x128xf32, #tpu.memory_space<vmem>>
      %dma_start3A_349 = arith.constant 0 : i32
      %dma_start3A_350 = tpu.memref_slice %arg12[%add3A_166, %dma_start3A_349] : memref<10240x128xf32, #tpu.memory_space<vmem_shared>> -> memref<128x128xf32, #tpu.memory_space<vmem_shared>>
      %dma_start3A_351 = arith.constant 0 : i32
      %dma_start3A_352 = arith.constant 0 : i32
      %dma_start3A_353 = tpu.memref_slice %arg10[%run_scoped3A_167, %dma_start3A_351, %dma_start3A_352] : memref<2x128x128xf32, #tpu.memory_space<vmem>> -> memref<1x128x128xf32, #tpu.memory_space<vmem>>
      %dma_start3A_354 = tpu.memref_squeeze %dma_start3A_353 : memref<1x128x128xf32, #tpu.memory_space<vmem>> -> memref<128x128xf32, #tpu.memory_space<vmem>>
      %dma_start3A_355 = arith.constant 0 : i32
      %dma_start3A_356 = tpu.memref_slice %arg12[%add3A_166, %dma_start3A_355] : memref<10240x128xf32, #tpu.memory_space<vmem_shared>> -> memref<128x128xf32, #tpu.memory_space<vmem_shared>>
      tpu.enqueue_dma source(%dma_start3A_356 : memref<128x128xf32, #tpu.memory_space<vmem_shared>>) target(%dma_start3A_354 : memref<128x128xf32, #tpu.memory_space<vmem>>) target_semaphore(%run_scoped3A_344 : memref<!tpu.dma_semaphore, #tpu.memory_space<semaphore_mem>>)
      %dma_wait3A_357 = arith.constant 0 : i32
      %dma_wait3A_358 = arith.constant 0 : i32
      %dma_wait3A_359 = tpu.memref_slice %arg10[%run_scoped3A_167, %dma_wait3A_357, %dma_wait3A_358] : memref<2x128x128xf32, #tpu.memory_space<vmem>> -> memref<1x128x128xf32, #tpu.memory_space<vmem>>
      %dma_wait3A_360 = tpu.memref_squeeze %dma_wait3A_359 : memref<1x128x128xf32, #tpu.memory_space<vmem>> -> memref<128x128xf32, #tpu.memory_space<vmem>>
      %dma_wait3A_361 = arith.constant 0 : i32
      %dma_wait3A_362 = tpu.memref_slice %arg12[%add3A_166, %dma_wait3A_361] : memref<10240x128xf32, #tpu.memory_space<vmem_shared>> -> memref<128x128xf32, #tpu.memory_space<vmem_shared>>
      %dma_wait3A_363 = arith.constant 0 : i32
      %dma_wait3A_364 = arith.constant 0 : i32
      %dma_wait3A_365 = tpu.memref_slice %arg10[%run_scoped3A_167, %dma_wait3A_363, %dma_wait3A_364] : memref<2x128x128xf32, #tpu.memory_space<vmem>> -> memref<1x128x128xf32, #tpu.memory_space<vmem>>
      %dma_wait3A_366 = tpu.memref_squeeze %dma_wait3A_365 : memref<1x128x128xf32, #tpu.memory_space<vmem>> -> memref<128x128xf32, #tpu.memory_space<vmem>>
      %dma_wait3A_367 = arith.constant 0 : i32
      %dma_wait3A_368 = tpu.memref_slice %arg12[%add3A_166, %dma_wait3A_367] : memref<10240x128xf32, #tpu.memory_space<vmem_shared>> -> memref<128x128xf32, #tpu.memory_space<vmem_shared>>
      tpu.wait_dma2 semaphore(%run_scoped3A_344 : memref<!tpu.dma_semaphore, #tpu.memory_space<semaphore_mem>>) src(%dma_wait3A_368 : memref<128x128xf32, #tpu.memory_space<vmem_shared>>) dst(%dma_wait3A_366 : memref<128x128xf32, #tpu.memory_space<vmem>>)
      tpu.yield
    }) : () -> ()
    %mul3A_168 = arith.constant 640 : i32
    %mul3A_169 = arith.muli %arg1, %mul3A_168 : i32
    %add3A_170 = arith.constant 128 : i32
    %add3A_171 = arith.addi %mul3A_169, %add3A_170 : i32
    %dma_start3A_172 = arith.constant 1 : i32
    %dma_start3A_173 = arith.constant 0 : i32
    %dma_start3A_174 = arith.constant 0 : i32
    %dma_start3A_175 = tpu.memref_slice %arg10[%dma_start3A_172, %dma_start3A_173, %dma_start3A_174] : memref<2x128x128xf32, #tpu.memory_space<vmem>> -> memref<1x128x128xf32, #tpu.memory_space<vmem>>
    %dma_start3A_176 = tpu.memref_squeeze %dma_start3A_175 : memref<1x128x128xf32, #tpu.memory_space<vmem>> -> memref<128x128xf32, #tpu.memory_space<vmem>>
    %dma_start3A_177 = arith.constant 0 : i32
    %dma_start3A_178 = tpu.memref_slice %arg7[%arg0, %add3A_171, %dma_start3A_177] : memref<2x10240x128xf32, #tpu.memory_space<hbm>> -> memref<1x128x128xf32, #tpu.memory_space<hbm>>
    %dma_start3A_179 = tpu.memref_squeeze %dma_start3A_178 : memref<1x128x128xf32, #tpu.memory_space<hbm>> -> memref<128x128xf32, #tpu.memory_space<hbm>>
    %dma_start3A_180 = arith.constant 0 : i32
    %dma_start3A_181 = tpu.memref_slice %arg7[%arg0, %add3A_171, %dma_start3A_180] : memref<2x10240x128xf32, #tpu.memory_space<hbm>> -> memref<1x128x128xf32, #tpu.memory_space<hbm>>
    %dma_start3A_182 = tpu.memref_squeeze %dma_start3A_181 : memref<1x128x128xf32, #tpu.memory_space<hbm>> -> memref<128x128xf32, #tpu.memory_space<hbm>>
    %dma_start3A_183 = arith.constant 0 : i32
    %dma_start3A_184 = arith.constant 0 : i32
    %dma_start3A_185 = tpu.memref_slice %arg10[%dma_start3A_172, %dma_start3A_183, %dma_start3A_184] : memref<2x128x128xf32, #tpu.memory_space<vmem>> -> memref<1x128x128xf32, #tpu.memory_space<vmem>>
    %dma_start3A_186 = tpu.memref_squeeze %dma_start3A_185 : memref<1x128x128xf32, #tpu.memory_space<vmem>> -> memref<128x128xf32, #tpu.memory_space<vmem>>
    tpu.enqueue_dma source(%dma_start3A_186 : memref<128x128xf32, #tpu.memory_space<vmem>>) target(%dma_start3A_182 : memref<128x128xf32, #tpu.memory_space<hbm>>) target_semaphore(%arg14 : memref<!tpu.dma_semaphore, #tpu.memory_space<semaphore_mem>>)
    %dma_wait3A_187 = arith.constant 0 : i32
    %dma_wait3A_188 = arith.constant 0 : i32
    %dma_wait3A_189 = arith.constant 0 : i32
    %dma_wait3A_190 = tpu.memref_slice %arg10[%dma_wait3A_187, %dma_wait3A_188, %dma_wait3A_189] : memref<2x128x128xf32, #tpu.memory_space<vmem>> -> memref<1x128x128xf32, #tpu.memory_space<vmem>>
    %dma_wait3A_191 = tpu.memref_squeeze %dma_wait3A_190 : memref<1x128x128xf32, #tpu.memory_space<vmem>> -> memref<128x128xf32, #tpu.memory_space<vmem>>
    %dma_wait3A_192 = arith.constant 0 : i32
    %dma_wait3A_193 = arith.constant 0 : i32
    %dma_wait3A_194 = tpu.memref_slice %arg7[%arg0, %dma_wait3A_192, %dma_wait3A_193] : memref<2x10240x128xf32, #tpu.memory_space<hbm>> -> memref<1x128x128xf32, #tpu.memory_space<hbm>>
    %dma_wait3A_195 = tpu.memref_squeeze %dma_wait3A_194 : memref<1x128x128xf32, #tpu.memory_space<hbm>> -> memref<128x128xf32, #tpu.memory_space<hbm>>
    %dma_wait3A_196 = arith.constant 0 : i32
    %dma_wait3A_197 = arith.constant 0 : i32
    %dma_wait3A_198 = tpu.memref_slice %arg7[%arg0, %dma_wait3A_196, %dma_wait3A_197] : memref<2x10240x128xf32, #tpu.memory_space<hbm>> -> memref<1x128x128xf32, #tpu.memory_space<hbm>>
    %dma_wait3A_199 = tpu.memref_squeeze %dma_wait3A_198 : memref<1x128x128xf32, #tpu.memory_space<hbm>> -> memref<128x128xf32, #tpu.memory_space<hbm>>
    %dma_wait3A_200 = arith.constant 0 : i32
    %dma_wait3A_201 = arith.constant 0 : i32
    %dma_wait3A_202 = tpu.memref_slice %arg10[%dma_wait3A_187, %dma_wait3A_200, %dma_wait3A_201] : memref<2x128x128xf32, #tpu.memory_space<vmem>> -> memref<1x128x128xf32, #tpu.memory_space<vmem>>
    %dma_wait3A_203 = tpu.memref_squeeze %dma_wait3A_202 : memref<1x128x128xf32, #tpu.memory_space<vmem>> -> memref<128x128xf32, #tpu.memory_space<vmem>>
    tpu.wait_dma2 semaphore(%arg13 : memref<!tpu.dma_semaphore, #tpu.memory_space<semaphore_mem>>) src(%dma_wait3A_203 : memref<128x128xf32, #tpu.memory_space<vmem>>) dst(%dma_wait3A_199 : memref<128x128xf32, #tpu.memory_space<hbm>>)
    %mul3A_204 = arith.constant 640 : i32
    %mul3A_205 = arith.muli %arg1, %mul3A_204 : i32
    %add3A_206 = arith.constant 256 : i32
    %add3A_207 = arith.addi %mul3A_205, %add3A_206 : i32
    %run_scoped3A_208 = arith.constant 0 : i32
    "tpu.region"() ({
      %run_scoped3A_344 = tpu.sem_alloc : memref<!tpu.dma_semaphore, #tpu.memory_space<semaphore_mem>>
      %dma_start3A_345 = arith.constant 0 : i32
      %dma_start3A_346 = arith.constant 0 : i32
      %dma_start3A_347 = tpu.memref_slice %arg10[%run_scoped3A_208, %dma_start3A_345, %dma_start3A_346] : memref<2x128x128xf32, #tpu.memory_space<vmem>> -> memref<1x128x128xf32, #tpu.memory_space<vmem>>
      %dma_start3A_348 = tpu.memref_squeeze %dma_start3A_347 : memref<1x128x128xf32, #tpu.memory_space<vmem>> -> memref<128x128xf32, #tpu.memory_space<vmem>>
      %dma_start3A_349 = arith.constant 0 : i32
      %dma_start3A_350 = tpu.memref_slice %arg12[%add3A_207, %dma_start3A_349] : memref<10240x128xf32, #tpu.memory_space<vmem_shared>> -> memref<128x128xf32, #tpu.memory_space<vmem_shared>>
      %dma_start3A_351 = arith.constant 0 : i32
      %dma_start3A_352 = arith.constant 0 : i32
      %dma_start3A_353 = tpu.memref_slice %arg10[%run_scoped3A_208, %dma_start3A_351, %dma_start3A_352] : memref<2x128x128xf32, #tpu.memory_space<vmem>> -> memref<1x128x128xf32, #tpu.memory_space<vmem>>
      %dma_start3A_354 = tpu.memref_squeeze %dma_start3A_353 : memref<1x128x128xf32, #tpu.memory_space<vmem>> -> memref<128x128xf32, #tpu.memory_space<vmem>>
      %dma_start3A_355 = arith.constant 0 : i32
      %dma_start3A_356 = tpu.memref_slice %arg12[%add3A_207, %dma_start3A_355] : memref<10240x128xf32, #tpu.memory_space<vmem_shared>> -> memref<128x128xf32, #tpu.memory_space<vmem_shared>>
      tpu.enqueue_dma source(%dma_start3A_356 : memref<128x128xf32, #tpu.memory_space<vmem_shared>>) target(%dma_start3A_354 : memref<128x128xf32, #tpu.memory_space<vmem>>) target_semaphore(%run_scoped3A_344 : memref<!tpu.dma_semaphore, #tpu.memory_space<semaphore_mem>>)
      %dma_wait3A_357 = arith.constant 0 : i32
      %dma_wait3A_358 = arith.constant 0 : i32
      %dma_wait3A_359 = tpu.memref_slice %arg10[%run_scoped3A_208, %dma_wait3A_357, %dma_wait3A_358] : memref<2x128x128xf32, #tpu.memory_space<vmem>> -> memref<1x128x128xf32, #tpu.memory_space<vmem>>
      %dma_wait3A_360 = tpu.memref_squeeze %dma_wait3A_359 : memref<1x128x128xf32, #tpu.memory_space<vmem>> -> memref<128x128xf32, #tpu.memory_space<vmem>>
      %dma_wait3A_361 = arith.constant 0 : i32
      %dma_wait3A_362 = tpu.memref_slice %arg12[%add3A_207, %dma_wait3A_361] : memref<10240x128xf32, #tpu.memory_space<vmem_shared>> -> memref<128x128xf32, #tpu.memory_space<vmem_shared>>
      %dma_wait3A_363 = arith.constant 0 : i32
      %dma_wait3A_364 = arith.constant 0 : i32
      %dma_wait3A_365 = tpu.memref_slice %arg10[%run_scoped3A_208, %dma_wait3A_363, %dma_wait3A_364] : memref<2x128x128xf32, #tpu.memory_space<vmem>> -> memref<1x128x128xf32, #tpu.memory_space<vmem>>
      %dma_wait3A_366 = tpu.memref_squeeze %dma_wait3A_365 : memref<1x128x128xf32, #tpu.memory_space<vmem>> -> memref<128x128xf32, #tpu.memory_space<vmem>>
      %dma_wait3A_367 = arith.constant 0 : i32
      %dma_wait3A_368 = tpu.memref_slice %arg12[%add3A_207, %dma_wait3A_367] : memref<10240x128xf32, #tpu.memory_space<vmem_shared>> -> memref<128x128xf32, #tpu.memory_space<vmem_shared>>
      tpu.wait_dma2 semaphore(%run_scoped3A_344 : memref<!tpu.dma_semaphore, #tpu.memory_space<semaphore_mem>>) src(%dma_wait3A_368 : memref<128x128xf32, #tpu.memory_space<vmem_shared>>) dst(%dma_wait3A_366 : memref<128x128xf32, #tpu.memory_space<vmem>>)
      tpu.yield
    }) : () -> ()
    %mul3A_209 = arith.constant 640 : i32
    %mul3A_210 = arith.muli %arg1, %mul3A_209 : i32
    %add3A_211 = arith.constant 256 : i32
    %add3A_212 = arith.addi %mul3A_210, %add3A_211 : i32
    %dma_start3A_213 = arith.constant 0 : i32
    %dma_start3A_214 = arith.constant 0 : i32
    %dma_start3A_215 = arith.constant 0 : i32
    %dma_start3A_216 = tpu.memref_slice %arg10[%dma_start3A_213, %dma_start3A_214, %dma_start3A_215] : memref<2x128x128xf32, #tpu.memory_space<vmem>> -> memref<1x128x128xf32, #tpu.memory_space<vmem>>
    %dma_start3A_217 = tpu.memref_squeeze %dma_start3A_216 : memref<1x128x128xf32, #tpu.memory_space<vmem>> -> memref<128x128xf32, #tpu.memory_space<vmem>>
    %dma_start3A_218 = arith.constant 0 : i32
    %dma_start3A_219 = tpu.memref_slice %arg7[%arg0, %add3A_212, %dma_start3A_218] : memref<2x10240x128xf32, #tpu.memory_space<hbm>> -> memref<1x128x128xf32, #tpu.memory_space<hbm>>
    %dma_start3A_220 = tpu.memref_squeeze %dma_start3A_219 : memref<1x128x128xf32, #tpu.memory_space<hbm>> -> memref<128x128xf32, #tpu.memory_space<hbm>>
    %dma_start3A_221 = arith.constant 0 : i32
    %dma_start3A_222 = tpu.memref_slice %arg7[%arg0, %add3A_212, %dma_start3A_221] : memref<2x10240x128xf32, #tpu.memory_space<hbm>> -> memref<1x128x128xf32, #tpu.memory_space<hbm>>
    %dma_start3A_223 = tpu.memref_squeeze %dma_start3A_222 : memref<1x128x128xf32, #tpu.memory_space<hbm>> -> memref<128x128xf32, #tpu.memory_space<hbm>>
    %dma_start3A_224 = arith.constant 0 : i32
    %dma_start3A_225 = arith.constant 0 : i32
    %dma_start3A_226 = tpu.memref_slice %arg10[%dma_start3A_213, %dma_start3A_224, %dma_start3A_225] : memref<2x128x128xf32, #tpu.memory_space<vmem>> -> memref<1x128x128xf32, #tpu.memory_space<vmem>>
    %dma_start3A_227 = tpu.memref_squeeze %dma_start3A_226 : memref<1x128x128xf32, #tpu.memory_space<vmem>> -> memref<128x128xf32, #tpu.memory_space<vmem>>
    tpu.enqueue_dma source(%dma_start3A_227 : memref<128x128xf32, #tpu.memory_space<vmem>>) target(%dma_start3A_223 : memref<128x128xf32, #tpu.memory_space<hbm>>) target_semaphore(%arg13 : memref<!tpu.dma_semaphore, #tpu.memory_space<semaphore_mem>>)
    %dma_wait3A_228 = arith.constant 1 : i32
    %dma_wait3A_229 = arith.constant 0 : i32
    %dma_wait3A_230 = arith.constant 0 : i32
    %dma_wait3A_231 = tpu.memref_slice %arg10[%dma_wait3A_228, %dma_wait3A_229, %dma_wait3A_230] : memref<2x128x128xf32, #tpu.memory_space<vmem>> -> memref<1x128x128xf32, #tpu.memory_space<vmem>>
    %dma_wait3A_232 = tpu.memref_squeeze %dma_wait3A_231 : memref<1x128x128xf32, #tpu.memory_space<vmem>> -> memref<128x128xf32, #tpu.memory_space<vmem>>
    %dma_wait3A_233 = arith.constant 0 : i32
    %dma_wait3A_234 = arith.constant 0 : i32
    %dma_wait3A_235 = tpu.memref_slice %arg7[%arg0, %dma_wait3A_233, %dma_wait3A_234] : memref<2x10240x128xf32, #tpu.memory_space<hbm>> -> memref<1x128x128xf32, #tpu.memory_space<hbm>>
    %dma_wait3A_236 = tpu.memref_squeeze %dma_wait3A_235 : memref<1x128x128xf32, #tpu.memory_space<hbm>> -> memref<128x128xf32, #tpu.memory_space<hbm>>
    %dma_wait3A_237 = arith.constant 0 : i32
    %dma_wait3A_238 = arith.constant 0 : i32
    %dma_wait3A_239 = tpu.memref_slice %arg7[%arg0, %dma_wait3A_237, %dma_wait3A_238] : memref<2x10240x128xf32, #tpu.memory_space<hbm>> -> memref<1x128x128xf32, #tpu.memory_space<hbm>>
    %dma_wait3A_240 = tpu.memref_squeeze %dma_wait3A_239 : memref<1x128x128xf32, #tpu.memory_space<hbm>> -> memref<128x128xf32, #tpu.memory_space<hbm>>
    %dma_wait3A_241 = arith.constant 0 : i32
    %dma_wait3A_242 = arith.constant 0 : i32
    %dma_wait3A_243 = tpu.memref_slice %arg10[%dma_wait3A_228, %dma_wait3A_241, %dma_wait3A_242] : memref<2x128x128xf32, #tpu.memory_space<vmem>> -> memref<1x128x128xf32, #tpu.memory_space<vmem>>
    %dma_wait3A_244 = tpu.memref_squeeze %dma_wait3A_243 : memref<1x128x128xf32, #tpu.memory_space<vmem>> -> memref<128x128xf32, #tpu.memory_space<vmem>>
    tpu.wait_dma2 semaphore(%arg14 : memref<!tpu.dma_semaphore, #tpu.memory_space<semaphore_mem>>) src(%dma_wait3A_244 : memref<128x128xf32, #tpu.memory_space<vmem>>) dst(%dma_wait3A_240 : memref<128x128xf32, #tpu.memory_space<hbm>>)
    %mul3A_245 = arith.constant 640 : i32
    %mul3A_246 = arith.muli %arg1, %mul3A_245 : i32
    %add3A_247 = arith.constant 384 : i32
    %add3A_248 = arith.addi %mul3A_246, %add3A_247 : i32
    %run_scoped3A_249 = arith.constant 1 : i32
    "tpu.region"() ({
      %run_scoped3A_344 = tpu.sem_alloc : memref<!tpu.dma_semaphore, #tpu.memory_space<semaphore_mem>>
      %dma_start3A_345 = arith.constant 0 : i32
      %dma_start3A_346 = arith.constant 0 : i32
      %dma_start3A_347 = tpu.memref_slice %arg10[%run_scoped3A_249, %dma_start3A_345, %dma_start3A_346] : memref<2x128x128xf32, #tpu.memory_space<vmem>> -> memref<1x128x128xf32, #tpu.memory_space<vmem>>
      %dma_start3A_348 = tpu.memref_squeeze %dma_start3A_347 : memref<1x128x128xf32, #tpu.memory_space<vmem>> -> memref<128x128xf32, #tpu.memory_space<vmem>>
      %dma_start3A_349 = arith.constant 0 : i32
      %dma_start3A_350 = tpu.memref_slice %arg12[%add3A_248, %dma_start3A_349] : memref<10240x128xf32, #tpu.memory_space<vmem_shared>> -> memref<128x128xf32, #tpu.memory_space<vmem_shared>>
      %dma_start3A_351 = arith.constant 0 : i32
      %dma_start3A_352 = arith.constant 0 : i32
      %dma_start3A_353 = tpu.memref_slice %arg10[%run_scoped3A_249, %dma_start3A_351, %dma_start3A_352] : memref<2x128x128xf32, #tpu.memory_space<vmem>> -> memref<1x128x128xf32, #tpu.memory_space<vmem>>
      %dma_start3A_354 = tpu.memref_squeeze %dma_start3A_353 : memref<1x128x128xf32, #tpu.memory_space<vmem>> -> memref<128x128xf32, #tpu.memory_space<vmem>>
      %dma_start3A_355 = arith.constant 0 : i32
      %dma_start3A_356 = tpu.memref_slice %arg12[%add3A_248, %dma_start3A_355] : memref<10240x128xf32, #tpu.memory_space<vmem_shared>> -> memref<128x128xf32, #tpu.memory_space<vmem_shared>>
      tpu.enqueue_dma source(%dma_start3A_356 : memref<128x128xf32, #tpu.memory_space<vmem_shared>>) target(%dma_start3A_354 : memref<128x128xf32, #tpu.memory_space<vmem>>) target_semaphore(%run_scoped3A_344 : memref<!tpu.dma_semaphore, #tpu.memory_space<semaphore_mem>>)
      %dma_wait3A_357 = arith.constant 0 : i32
      %dma_wait3A_358 = arith.constant 0 : i32
      %dma_wait3A_359 = tpu.memref_slice %arg10[%run_scoped3A_249, %dma_wait3A_357, %dma_wait3A_358] : memref<2x128x128xf32, #tpu.memory_space<vmem>> -> memref<1x128x128xf32, #tpu.memory_space<vmem>>
      %dma_wait3A_360 = tpu.memref_squeeze %dma_wait3A_359 : memref<1x128x128xf32, #tpu.memory_space<vmem>> -> memref<128x128xf32, #tpu.memory_space<vmem>>
      %dma_wait3A_361 = arith.constant 0 : i32
      %dma_wait3A_362 = tpu.memref_slice %arg12[%add3A_248, %dma_wait3A_361] : memref<10240x128xf32, #tpu.memory_space<vmem_shared>> -> memref<128x128xf32, #tpu.memory_space<vmem_shared>>
      %dma_wait3A_363 = arith.constant 0 : i32
      %dma_wait3A_364 = arith.constant 0 : i32
      %dma_wait3A_365 = tpu.memref_slice %arg10[%run_scoped3A_249, %dma_wait3A_363, %dma_wait3A_364] : memref<2x128x128xf32, #tpu.memory_space<vmem>> -> memref<1x128x128xf32, #tpu.memory_space<vmem>>
      %dma_wait3A_366 = tpu.memref_squeeze %dma_wait3A_365 : memref<1x128x128xf32, #tpu.memory_space<vmem>> -> memref<128x128xf32, #tpu.memory_space<vmem>>
      %dma_wait3A_367 = arith.constant 0 : i32
      %dma_wait3A_368 = tpu.memref_slice %arg12[%add3A_248, %dma_wait3A_367] : memref<10240x128xf32, #tpu.memory_space<vmem_shared>> -> memref<128x128xf32, #tpu.memory_space<vmem_shared>>
      tpu.wait_dma2 semaphore(%run_scoped3A_344 : memref<!tpu.dma_semaphore, #tpu.memory_space<semaphore_mem>>) src(%dma_wait3A_368 : memref<128x128xf32, #tpu.memory_space<vmem_shared>>) dst(%dma_wait3A_366 : memref<128x128xf32, #tpu.memory_space<vmem>>)
      tpu.yield
    }) : () -> ()
    %mul3A_250 = arith.constant 640 : i32
    %mul3A_251 = arith.muli %arg1, %mul3A_250 : i32
    %add3A_252 = arith.constant 384 : i32
    %add3A_253 = arith.addi %mul3A_251, %add3A_252 : i32
    %dma_start3A_254 = arith.constant 1 : i32
    %dma_start3A_255 = arith.constant 0 : i32
    %dma_start3A_256 = arith.constant 0 : i32
    %dma_start3A_257 = tpu.memref_slice %arg10[%dma_start3A_254, %dma_start3A_255, %dma_start3A_256] : memref<2x128x128xf32, #tpu.memory_space<vmem>> -> memref<1x128x128xf32, #tpu.memory_space<vmem>>
    %dma_start3A_258 = tpu.memref_squeeze %dma_start3A_257 : memref<1x128x128xf32, #tpu.memory_space<vmem>> -> memref<128x128xf32, #tpu.memory_space<vmem>>
    %dma_start3A_259 = arith.constant 0 : i32
    %dma_start3A_260 = tpu.memref_slice %arg7[%arg0, %add3A_253, %dma_start3A_259] : memref<2x10240x128xf32, #tpu.memory_space<hbm>> -> memref<1x128x128xf32, #tpu.memory_space<hbm>>
    %dma_start3A_261 = tpu.memref_squeeze %dma_start3A_260 : memref<1x128x128xf32, #tpu.memory_space<hbm>> -> memref<128x128xf32, #tpu.memory_space<hbm>>
    %dma_start3A_262 = arith.constant 0 : i32
    %dma_start3A_263 = tpu.memref_slice %arg7[%arg0, %add3A_253, %dma_start3A_262] : memref<2x10240x128xf32, #tpu.memory_space<hbm>> -> memref<1x128x128xf32, #tpu.memory_space<hbm>>
    %dma_start3A_264 = tpu.memref_squeeze %dma_start3A_263 : memref<1x128x128xf32, #tpu.memory_space<hbm>> -> memref<128x128xf32, #tpu.memory_space<hbm>>
    %dma_start3A_265 = arith.constant 0 : i32
    %dma_start3A_266 = arith.constant 0 : i32
    %dma_start3A_267 = tpu.memref_slice %arg10[%dma_start3A_254, %dma_start3A_265, %dma_start3A_266] : memref<2x128x128xf32, #tpu.memory_space<vmem>> -> memref<1x128x128xf32, #tpu.memory_space<vmem>>
    %dma_start3A_268 = tpu.memref_squeeze %dma_start3A_267 : memref<1x128x128xf32, #tpu.memory_space<vmem>> -> memref<128x128xf32, #tpu.memory_space<vmem>>
    tpu.enqueue_dma source(%dma_start3A_268 : memref<128x128xf32, #tpu.memory_space<vmem>>) target(%dma_start3A_264 : memref<128x128xf32, #tpu.memory_space<hbm>>) target_semaphore(%arg14 : memref<!tpu.dma_semaphore, #tpu.memory_space<semaphore_mem>>)
    %dma_wait3A_269 = arith.constant 0 : i32
    %dma_wait3A_270 = arith.constant 0 : i32
    %dma_wait3A_271 = arith.constant 0 : i32
    %dma_wait3A_272 = tpu.memref_slice %arg10[%dma_wait3A_269, %dma_wait3A_270, %dma_wait3A_271] : memref<2x128x128xf32, #tpu.memory_space<vmem>> -> memref<1x128x128xf32, #tpu.memory_space<vmem>>
    %dma_wait3A_273 = tpu.memref_squeeze %dma_wait3A_272 : memref<1x128x128xf32, #tpu.memory_space<vmem>> -> memref<128x128xf32, #tpu.memory_space<vmem>>
    %dma_wait3A_274 = arith.constant 0 : i32
    %dma_wait3A_275 = arith.constant 0 : i32
    %dma_wait3A_276 = tpu.memref_slice %arg7[%arg0, %dma_wait3A_274, %dma_wait3A_275] : memref<2x10240x128xf32, #tpu.memory_space<hbm>> -> memref<1x128x128xf32, #tpu.memory_space<hbm>>
    %dma_wait3A_277 = tpu.memref_squeeze %dma_wait3A_276 : memref<1x128x128xf32, #tpu.memory_space<hbm>> -> memref<128x128xf32, #tpu.memory_space<hbm>>
    %dma_wait3A_278 = arith.constant 0 : i32
    %dma_wait3A_279 = arith.constant 0 : i32
    %dma_wait3A_280 = tpu.memref_slice %arg7[%arg0, %dma_wait3A_278, %dma_wait3A_279] : memref<2x10240x128xf32, #tpu.memory_space<hbm>> -> memref<1x128x128xf32, #tpu.memory_space<hbm>>
    %dma_wait3A_281 = tpu.memref_squeeze %dma_wait3A_280 : memref<1x128x128xf32, #tpu.memory_space<hbm>> -> memref<128x128xf32, #tpu.memory_space<hbm>>
    %dma_wait3A_282 = arith.constant 0 : i32
    %dma_wait3A_283 = arith.constant 0 : i32
    %dma_wait3A_284 = tpu.memref_slice %arg10[%dma_wait3A_269, %dma_wait3A_282, %dma_wait3A_283] : memref<2x128x128xf32, #tpu.memory_space<vmem>> -> memref<1x128x128xf32, #tpu.memory_space<vmem>>
    %dma_wait3A_285 = tpu.memref_squeeze %dma_wait3A_284 : memref<1x128x128xf32, #tpu.memory_space<vmem>> -> memref<128x128xf32, #tpu.memory_space<vmem>>
    tpu.wait_dma2 semaphore(%arg13 : memref<!tpu.dma_semaphore, #tpu.memory_space<semaphore_mem>>) src(%dma_wait3A_285 : memref<128x128xf32, #tpu.memory_space<vmem>>) dst(%dma_wait3A_281 : memref<128x128xf32, #tpu.memory_space<hbm>>)
    %mul3A_286 = arith.constant 640 : i32
    %mul3A_287 = arith.muli %arg1, %mul3A_286 : i32
    %add3A_288 = arith.constant 512 : i32
    %add3A_289 = arith.addi %mul3A_287, %add3A_288 : i32
    %run_scoped3A_290 = arith.constant 0 : i32
    "tpu.region"() ({
      %run_scoped3A_344 = tpu.sem_alloc : memref<!tpu.dma_semaphore, #tpu.memory_space<semaphore_mem>>
      %dma_start3A_345 = arith.constant 0 : i32
      %dma_start3A_346 = arith.constant 0 : i32
      %dma_start3A_347 = tpu.memref_slice %arg10[%run_scoped3A_290, %dma_start3A_345, %dma_start3A_346] : memref<2x128x128xf32, #tpu.memory_space<vmem>> -> memref<1x128x128xf32, #tpu.memory_space<vmem>>
      %dma_start3A_348 = tpu.memref_squeeze %dma_start3A_347 : memref<1x128x128xf32, #tpu.memory_space<vmem>> -> memref<128x128xf32, #tpu.memory_space<vmem>>
      %dma_start3A_349 = arith.constant 0 : i32
      %dma_start3A_350 = tpu.memref_slice %arg12[%add3A_289, %dma_start3A_349] : memref<10240x128xf32, #tpu.memory_space<vmem_shared>> -> memref<128x128xf32, #tpu.memory_space<vmem_shared>>
      %dma_start3A_351 = arith.constant 0 : i32
      %dma_start3A_352 = arith.constant 0 : i32
      %dma_start3A_353 = tpu.memref_slice %arg10[%run_scoped3A_290, %dma_start3A_351, %dma_start3A_352] : memref<2x128x128xf32, #tpu.memory_space<vmem>> -> memref<1x128x128xf32, #tpu.memory_space<vmem>>
      %dma_start3A_354 = tpu.memref_squeeze %dma_start3A_353 : memref<1x128x128xf32, #tpu.memory_space<vmem>> -> memref<128x128xf32, #tpu.memory_space<vmem>>
      %dma_start3A_355 = arith.constant 0 : i32
      %dma_start3A_356 = tpu.memref_slice %arg12[%add3A_289, %dma_start3A_355] : memref<10240x128xf32, #tpu.memory_space<vmem_shared>> -> memref<128x128xf32, #tpu.memory_space<vmem_shared>>
      tpu.enqueue_dma source(%dma_start3A_356 : memref<128x128xf32, #tpu.memory_space<vmem_shared>>) target(%dma_start3A_354 : memref<128x128xf32, #tpu.memory_space<vmem>>) target_semaphore(%run_scoped3A_344 : memref<!tpu.dma_semaphore, #tpu.memory_space<semaphore_mem>>)
      %dma_wait3A_357 = arith.constant 0 : i32
      %dma_wait3A_358 = arith.constant 0 : i32
      %dma_wait3A_359 = tpu.memref_slice %arg10[%run_scoped3A_290, %dma_wait3A_357, %dma_wait3A_358] : memref<2x128x128xf32, #tpu.memory_space<vmem>> -> memref<1x128x128xf32, #tpu.memory_space<vmem>>
      %dma_wait3A_360 = tpu.memref_squeeze %dma_wait3A_359 : memref<1x128x128xf32, #tpu.memory_space<vmem>> -> memref<128x128xf32, #tpu.memory_space<vmem>>
      %dma_wait3A_361 = arith.constant 0 : i32
      %dma_wait3A_362 = tpu.memref_slice %arg12[%add3A_289, %dma_wait3A_361] : memref<10240x128xf32, #tpu.memory_space<vmem_shared>> -> memref<128x128xf32, #tpu.memory_space<vmem_shared>>
      %dma_wait3A_363 = arith.constant 0 : i32
      %dma_wait3A_364 = arith.constant 0 : i32
      %dma_wait3A_365 = tpu.memref_slice %arg10[%run_scoped3A_290, %dma_wait3A_363, %dma_wait3A_364] : memref<2x128x128xf32, #tpu.memory_space<vmem>> -> memref<1x128x128xf32, #tpu.memory_space<vmem>>
      %dma_wait3A_366 = tpu.memref_squeeze %dma_wait3A_365 : memref<1x128x128xf32, #tpu.memory_space<vmem>> -> memref<128x128xf32, #tpu.memory_space<vmem>>
      %dma_wait3A_367 = arith.constant 0 : i32
      %dma_wait3A_368 = tpu.memref_slice %arg12[%add3A_289, %dma_wait3A_367] : memref<10240x128xf32, #tpu.memory_space<vmem_shared>> -> memref<128x128xf32, #tpu.memory_space<vmem_shared>>
      tpu.wait_dma2 semaphore(%run_scoped3A_344 : memref<!tpu.dma_semaphore, #tpu.memory_space<semaphore_mem>>) src(%dma_wait3A_368 : memref<128x128xf32, #tpu.memory_space<vmem_shared>>) dst(%dma_wait3A_366 : memref<128x128xf32, #tpu.memory_space<vmem>>)
      tpu.yield
    }) : () -> ()
    %mul3A_291 = arith.constant 640 : i32
    %mul3A_292 = arith.muli %arg1, %mul3A_291 : i32
    %add3A_293 = arith.constant 512 : i32
    %add3A_294 = arith.addi %mul3A_292, %add3A_293 : i32
    %dma_start3A_295 = arith.constant 0 : i32
    %dma_start3A_296 = arith.constant 0 : i32
    %dma_start3A_297 = arith.constant 0 : i32
    %dma_start3A_298 = tpu.memref_slice %arg10[%dma_start3A_295, %dma_start3A_296, %dma_start3A_297] : memref<2x128x128xf32, #tpu.memory_space<vmem>> -> memref<1x128x128xf32, #tpu.memory_space<vmem>>
    %dma_start3A_299 = tpu.memref_squeeze %dma_start3A_298 : memref<1x128x128xf32, #tpu.memory_space<vmem>> -> memref<128x128xf32, #tpu.memory_space<vmem>>
    %dma_start3A_300 = arith.constant 0 : i32
    %dma_start3A_301 = tpu.memref_slice %arg7[%arg0, %add3A_294, %dma_start3A_300] : memref<2x10240x128xf32, #tpu.memory_space<hbm>> -> memref<1x128x128xf32, #tpu.memory_space<hbm>>
    %dma_start3A_302 = tpu.memref_squeeze %dma_start3A_301 : memref<1x128x128xf32, #tpu.memory_space<hbm>> -> memref<128x128xf32, #tpu.memory_space<hbm>>
    %dma_start3A_303 = arith.constant 0 : i32
    %dma_start3A_304 = tpu.memref_slice %arg7[%arg0, %add3A_294, %dma_start3A_303] : memref<2x10240x128xf32, #tpu.memory_space<hbm>> -> memref<1x128x128xf32, #tpu.memory_space<hbm>>
    %dma_start3A_305 = tpu.memref_squeeze %dma_start3A_304 : memref<1x128x128xf32, #tpu.memory_space<hbm>> -> memref<128x128xf32, #tpu.memory_space<hbm>>
    %dma_start3A_306 = arith.constant 0 : i32
    %dma_start3A_307 = arith.constant 0 : i32
    %dma_start3A_308 = tpu.memref_slice %arg10[%dma_start3A_295, %dma_start3A_306, %dma_start3A_307] : memref<2x128x128xf32, #tpu.memory_space<vmem>> -> memref<1x128x128xf32, #tpu.memory_space<vmem>>
    %dma_start3A_309 = tpu.memref_squeeze %dma_start3A_308 : memref<1x128x128xf32, #tpu.memory_space<vmem>> -> memref<128x128xf32, #tpu.memory_space<vmem>>
    tpu.enqueue_dma source(%dma_start3A_309 : memref<128x128xf32, #tpu.memory_space<vmem>>) target(%dma_start3A_305 : memref<128x128xf32, #tpu.memory_space<hbm>>) target_semaphore(%arg13 : memref<!tpu.dma_semaphore, #tpu.memory_space<semaphore_mem>>)
    %dma_wait3A_310 = arith.constant 1 : i32
    %dma_wait3A_311 = arith.constant 0 : i32
    %dma_wait3A_312 = arith.constant 0 : i32
    %dma_wait3A_313 = tpu.memref_slice %arg10[%dma_wait3A_310, %dma_wait3A_311, %dma_wait3A_312] : memref<2x128x128xf32, #tpu.memory_space<vmem>> -> memref<1x128x128xf32, #tpu.memory_space<vmem>>
    %dma_wait3A_314 = tpu.memref_squeeze %dma_wait3A_313 : memref<1x128x128xf32, #tpu.memory_space<vmem>> -> memref<128x128xf32, #tpu.memory_space<vmem>>
    %dma_wait3A_315 = arith.constant 0 : i32
    %dma_wait3A_316 = arith.constant 0 : i32
    %dma_wait3A_317 = tpu.memref_slice %arg7[%arg0, %dma_wait3A_315, %dma_wait3A_316] : memref<2x10240x128xf32, #tpu.memory_space<hbm>> -> memref<1x128x128xf32, #tpu.memory_space<hbm>>
    %dma_wait3A_318 = tpu.memref_squeeze %dma_wait3A_317 : memref<1x128x128xf32, #tpu.memory_space<hbm>> -> memref<128x128xf32, #tpu.memory_space<hbm>>
    %dma_wait3A_319 = arith.constant 0 : i32
    %dma_wait3A_320 = arith.constant 0 : i32
    %dma_wait3A_321 = tpu.memref_slice %arg7[%arg0, %dma_wait3A_319, %dma_wait3A_320] : memref<2x10240x128xf32, #tpu.memory_space<hbm>> -> memref<1x128x128xf32, #tpu.memory_space<hbm>>
    %dma_wait3A_322 = tpu.memref_squeeze %dma_wait3A_321 : memref<1x128x128xf32, #tpu.memory_space<hbm>> -> memref<128x128xf32, #tpu.memory_space<hbm>>
    %dma_wait3A_323 = arith.constant 0 : i32
    %dma_wait3A_324 = arith.constant 0 : i32
    %dma_wait3A_325 = tpu.memref_slice %arg10[%dma_wait3A_310, %dma_wait3A_323, %dma_wait3A_324] : memref<2x128x128xf32, #tpu.memory_space<vmem>> -> memref<1x128x128xf32, #tpu.memory_space<vmem>>
    %dma_wait3A_326 = tpu.memref_squeeze %dma_wait3A_325 : memref<1x128x128xf32, #tpu.memory_space<vmem>> -> memref<128x128xf32, #tpu.memory_space<vmem>>
    tpu.wait_dma2 semaphore(%arg14 : memref<!tpu.dma_semaphore, #tpu.memory_space<semaphore_mem>>) src(%dma_wait3A_326 : memref<128x128xf32, #tpu.memory_space<vmem>>) dst(%dma_wait3A_322 : memref<128x128xf32, #tpu.memory_space<hbm>>)
    %dma_wait3A_327 = arith.constant 0 : i32
    %dma_wait3A_328 = arith.constant 0 : i32
    %dma_wait3A_329 = arith.constant 0 : i32
    %dma_wait3A_330 = tpu.memref_slice %arg10[%dma_wait3A_327, %dma_wait3A_328, %dma_wait3A_329] : memref<2x128x128xf32, #tpu.memory_space<vmem>> -> memref<1x128x128xf32, #tpu.memory_space<vmem>>
    %dma_wait3A_331 = tpu.memref_squeeze %dma_wait3A_330 : memref<1x128x128xf32, #tpu.memory_space<vmem>> -> memref<128x128xf32, #tpu.memory_space<vmem>>
    %dma_wait3A_332 = arith.constant 0 : i32
    %dma_wait3A_333 = arith.constant 0 : i32
    %dma_wait3A_334 = tpu.memref_slice %arg7[%arg0, %dma_wait3A_332, %dma_wait3A_333] : memref<2x10240x128xf32, #tpu.memory_space<hbm>> -> memref<1x128x128xf32, #tpu.memory_space<hbm>>
    %dma_wait3A_335 = tpu.memref_squeeze %dma_wait3A_334 : memref<1x128x128xf32, #tpu.memory_space<hbm>> -> memref<128x128xf32, #tpu.memory_space<hbm>>
    %dma_wait3A_336 = arith.constant 0 : i32
    %dma_wait3A_337 = arith.constant 0 : i32
    %dma_wait3A_338 = tpu.memref_slice %arg7[%arg0, %dma_wait3A_336, %dma_wait3A_337] : memref<2x10240x128xf32, #tpu.memory_space<hbm>> -> memref<1x128x128xf32, #tpu.memory_space<hbm>>
    %dma_wait3A_339 = tpu.memref_squeeze %dma_wait3A_338 : memref<1x128x128xf32, #tpu.memory_space<hbm>> -> memref<128x128xf32, #tpu.memory_space<hbm>>
    %dma_wait3A_340 = arith.constant 0 : i32
    %dma_wait3A_341 = arith.constant 0 : i32
    %dma_wait3A_342 = tpu.memref_slice %arg10[%dma_wait3A_327, %dma_wait3A_340, %dma_wait3A_341] : memref<2x128x128xf32, #tpu.memory_space<vmem>> -> memref<1x128x128xf32, #tpu.memory_space<vmem>>
    %dma_wait3A_343 = tpu.memref_squeeze %dma_wait3A_342 : memref<1x128x128xf32, #tpu.memory_space<vmem>> -> memref<128x128xf32, #tpu.memory_space<vmem>>
    tpu.wait_dma2 semaphore(%arg13 : memref<!tpu.dma_semaphore, #tpu.memory_space<semaphore_mem>>) src(%dma_wait3A_343 : memref<128x128xf32, #tpu.memory_space<vmem>>) dst(%dma_wait3A_339 : memref<128x128xf32, #tpu.memory_space<hbm>>)
    return
  }
}

module attributes {stable_mosaic.version = 14 : i64} {
  func.func @_mm_tc(%arg0: i32, %arg1: memref<1000x128xf32, #tpu.memory_space<vmem>>, %arg2: memref<128x128xf32, #tpu.memory_space<vmem>>, %arg3: memref<1000x128xf32, #tpu.memory_space<vmem>>) attributes {dimension_semantics = [#tpu.dimension_semantics<arbitrary>], iteration_bounds = array<i64: 10>, scalar_prefetch = 0 : i64, scratch_operands = 0 : i64, tpu.core_type = #tpu.core_type<tc>, window_params = [{transform_indices = @transform_0, window_bounds = array<i64: 1000, 128>}, {pipeline_mode = #tpu.pipeline_mode<synchronous>, transform_indices = @transform_1, window_bounds = array<i64: 128, 128>}, {transform_indices = @transform_2, window_bounds = array<i64: 1000, 128>}]} {
    %get3A = arith.constant 0 : index
    %get3A_0 = arith.constant 0 : index
    %get3A_1 = vector.load %arg1[%get3A, %get3A_0] : memref<1000x128xf32, #tpu.memory_space<vmem>>, vector<1000x128xf32>
    %get3A_2 = arith.constant 0 : index
    %get3A_3 = arith.constant 0 : index
    %get3A_4 = vector.load %arg2[%get3A_2, %get3A_3] : memref<128x128xf32, #tpu.memory_space<vmem>>, vector<128x128xf32>
    %dot_general3A = arith.constant dense<0.000000e+00> : vector<1000x128xf32>
    %dot_general3A_5 = tpu.matmul %get3A_1, %get3A_4, %dot_general3A {dimension_numbers = #tpu.dot_dimension_numbers<[1], [0], [0], [1], [0, 0, 1, 1], [], []>, transpose_lhs_hint = false} : vector<1000x128xf32>, vector<128x128xf32>, vector<1000x128xf32> -> vector<1000x128xf32>
    %swap3A = arith.constant 0 : index
    %swap3A_6 = arith.constant 0 : index
    %swap3A_7 = vector.load %arg3[%swap3A, %swap3A_6] : memref<1000x128xf32, #tpu.memory_space<vmem>>, vector<1000x128xf32>
    tpu.vector_store %arg3[%swap3A, %swap3A_6], %dot_general3A_5 {strides = array<i32>} : memref<1000x128xf32, #tpu.memory_space<vmem>>, vector<1000x128xf32>,
    return
  }
  func.func @transform_0(%arg0: i32) -> (i32, i32) {
    %c0_i32 = arith.constant 0 : i32
    %c0_i32_0 = arith.constant 0 : i32
    return %arg0, %c0_i32 : i32, i32
  }
  func.func @transform_1(%arg0: i32) -> (i32, i32) {
    %c0_i32 = arith.constant 0 : i32
    %c0_i32_0 = arith.constant 0 : i32
    %c0_i32_1 = arith.constant 0 : i32
    return %c0_i32, %c0_i32_0 : i32, i32
  }
  func.func @transform_2(%arg0: i32) -> (i32, i32) {
    %c0_i32 = arith.constant 0 : i32
    %c0_i32_0 = arith.constant 0 : i32
    return %arg0, %c0_i32 : i32, i32
  }
}

module attributes {stable_mosaic.version = 14 : i64} {
  func.func @_dis_scale_tc(%arg0: i32, %arg1: memref<1000x2xf32, #tpu.memory_space<vmem>>, %arg2: memref<1000x128xf32, #tpu.memory_space<vmem>>, %arg3: memref<1000x128xf32, #tpu.memory_space<vmem>>, %arg4: memref<1000x128xf32, #tpu.memory_space<vmem>>) attributes {dimension_semantics = [#tpu.dimension_semantics<arbitrary>], iteration_bounds = array<i64: 10>, scalar_prefetch = 0 : i64, scratch_operands = 0 : i64, tpu.core_type = #tpu.core_type<tc>, window_params = [{transform_indices = @transform_0, window_bounds = array<i64: 1000, 2>}, {transform_indices = @transform_1, window_bounds = array<i64: 1000, 128>}, {transform_indices = @transform_2, window_bounds = array<i64: 1000, 128>}, {transform_indices = @transform_3, window_bounds = array<i64: 1000, 128>}]} {
    %get3A = arith.constant 0 : index
    %get3A_0 = arith.constant 0 : index
    %get3A_1 = vector.load %arg1[%get3A, %get3A_0] : memref<1000x2xf32, #tpu.memory_space<vmem>>, vector<1000x2xf32>
    %reduce_sum3A = arith.constant dense<0.000000e+00> : vector<1000xf32>
    %reduce_sum3A_2 = vector.multi_reduction <add>, %get3A_1, %reduce_sum3A [1] : vector<1000x2xf32> to vector<1000xf32>
    %broadcast_in_dim3A = vector.shape_cast %reduce_sum3A_2 : vector<1000xf32> to vector<1000x1xf32>
    %add3A = arith.constant 1.000000e+00 : f32
    %add3A_3 = vector.broadcast %add3A : f32 to vector<1000x1xf32>
    %add3A_4 = arith.addf %broadcast_in_dim3A, %add3A_3 : vector<1000x1xf32>
    %rsqrt3A = math.rsqrt %add3A_4 : vector<1000x1xf32>
    %broadcast_in_dim3A_5 = vector.shape_cast %rsqrt3A : vector<1000x1xf32> to vector<1000x1xf32>
    %broadcast_in_dim3A_6 = vector.broadcast %broadcast_in_dim3A_5 : vector<1000x1xf32> to vector<1000x128xf32>
    %swap3A = arith.constant 0 : index
    %swap3A_7 = arith.constant 0 : index
    %swap3A_8 = vector.load %arg3[%swap3A, %swap3A_7] : memref<1000x128xf32, #tpu.memory_space<vmem>>, vector<1000x128xf32>
    tpu.vector_store %arg3[%swap3A, %swap3A_7], %broadcast_in_dim3A_6 {strides = array<i32>} : memref<1000x128xf32, #tpu.memory_space<vmem>>, vector<1000x128xf32>,
    %get3A_9 = arith.constant 0 : index
    %get3A_10 = arith.constant 0 : index
    %get3A_11 = vector.load %arg2[%get3A_9, %get3A_10] : memref<1000x128xf32, #tpu.memory_space<vmem>>, vector<1000x128xf32>
    %mul3A = arith.mulf %get3A_11, %broadcast_in_dim3A_6 : vector<1000x128xf32>
    %swap3A_12 = arith.constant 0 : index
    %swap3A_13 = arith.constant 0 : index
    %swap3A_14 = vector.load %arg4[%swap3A_12, %swap3A_13] : memref<1000x128xf32, #tpu.memory_space<vmem>>, vector<1000x128xf32>
    tpu.vector_store %arg4[%swap3A_12, %swap3A_13], %mul3A {strides = array<i32>} : memref<1000x128xf32, #tpu.memory_space<vmem>>, vector<1000x128xf32>,
    return
  }
  func.func @transform_0(%arg0: i32) -> (i32, i32) {
    %c0_i32 = arith.constant 0 : i32
    %c0_i32_0 = arith.constant 0 : i32
    return %arg0, %c0_i32 : i32, i32
  }
  func.func @transform_1(%arg0: i32) -> (i32, i32) {
    %c0_i32 = arith.constant 0 : i32
    %c0_i32_0 = arith.constant 0 : i32
    return %arg0, %c0_i32 : i32, i32
  }
  func.func @transform_2(%arg0: i32) -> (i32, i32) {
    %c0_i32 = arith.constant 0 : i32
    %c0_i32_0 = arith.constant 0 : i32
    return %arg0, %c0_i32 : i32, i32
  }
  func.func @transform_3(%arg0: i32) -> (i32, i32) {
    %c0_i32 = arith.constant 0 : i32
    %c0_i32_0 = arith.constant 0 : i32
    return %arg0, %c0_i32 : i32, i32
  }
}

module attributes {stable_mosaic.version = 14 : i64} {
  func.func @_mid_tc(%arg0: i32, %arg1: memref<1x1000x128xf32, #tpu.memory_space<vmem>>, %arg2: memref<1x1000x128xf32, #tpu.memory_space<vmem>>, %arg3: memref<1000x128xf32, #tpu.memory_space<vmem>>, %arg4: memref<1000x128xf32, #tpu.memory_space<vmem>>, %arg5: memref<1x128xf32, #tpu.memory_space<vmem>>, %arg6: memref<128x128xf32, #tpu.memory_space<vmem>>, %arg7: memref<1000x128xf32, #tpu.memory_space<vmem>>) attributes {dimension_semantics = [#tpu.dimension_semantics<arbitrary>], iteration_bounds = array<i64: 10>, scalar_prefetch = 0 : i64, scratch_operands = 0 : i64, tpu.core_type = #tpu.core_type<tc>, window_params = [{transform_indices = @transform_0, window_bounds = array<i64: 1, 1000, 128>}, {transform_indices = @transform_1, window_bounds = array<i64: 1, 1000, 128>}, {transform_indices = @transform_2, window_bounds = array<i64: 1000, 128>}, {transform_indices = @transform_3, window_bounds = array<i64: 1000, 128>}, {pipeline_mode = #tpu.pipeline_mode<synchronous>, transform_indices = @transform_4, window_bounds = array<i64: 1, 128>}, {pipeline_mode = #tpu.pipeline_mode<synchronous>, transform_indices = @transform_5, window_bounds = array<i64: 128, 128>}, {transform_indices = @transform_6, window_bounds = array<i64: 1000, 128>}]} {
    %get3A = arith.constant 0 : index
    %get3A_0 = arith.constant 0 : index
    %get3A_1 = vector.load %arg4[%get3A, %get3A_0] : memref<1000x128xf32, #tpu.memory_space<vmem>>, vector<1000x128xf32>
    %get3A_2 = arith.constant 0 : index
    %get3A_3 = arith.constant 0 : index
    %get3A_4 = arith.constant 0 : index
    %get3A_5 = vector.load %arg1[%get3A_2, %get3A_3, %get3A_4] : memref<1x1000x128xf32, #tpu.memory_space<vmem>>, vector<1x1000x128xf32>
    %get3A_6 = vector.shape_cast %get3A_5 : vector<1x1000x128xf32> to vector<1000x128xf32>
    %get3A_7 = arith.constant 0 : index
    %get3A_8 = arith.constant 0 : index
    %get3A_9 = arith.constant 0 : index
    %get3A_10 = vector.load %arg2[%get3A_7, %get3A_8, %get3A_9] : memref<1x1000x128xf32, #tpu.memory_space<vmem>>, vector<1x1000x128xf32>
    %get3A_11 = vector.shape_cast %get3A_10 : vector<1x1000x128xf32> to vector<1000x128xf32>
    %add3A = arith.addf %get3A_6, %get3A_11 : vector<1000x128xf32>
    %get3A_12 = arith.constant 0 : index
    %get3A_13 = arith.constant 0 : index
    %get3A_14 = vector.load %arg3[%get3A_12, %get3A_13] : memref<1000x128xf32, #tpu.memory_space<vmem>>, vector<1000x128xf32>
    %add3A_15 = arith.addf %add3A, %get3A_14 : vector<1000x128xf32>
    %mul3A = arith.mulf %add3A_15, %get3A_1 : vector<1000x128xf32>
    %get3A_16 = arith.constant 0 : index
    %get3A_17 = arith.constant 0 : index
    %get3A_18 = vector.load %arg5[%get3A_16, %get3A_17] : memref<1x128xf32, #tpu.memory_space<vmem>>, vector<1x128xf32>
    %add3A_19 = vector.broadcast %get3A_18 : vector<1x128xf32> to vector<1000x128xf32>
    %add3A_20 = arith.addf %mul3A, %add3A_19 : vector<1000x128xf32>
    %ge3A = arith.constant 0.000000e+00 : f32
    %ge3A_21 = vector.broadcast %ge3A : f32 to vector<1000x128xf32>
    %ge3A_22 = arith.cmpf oge, %add3A_20, %ge3A_21 : vector<1000x128xf32>
    %mul3A_23 = arith.constant 2.000000e-01 : f32
    %mul3A_24 = vector.broadcast %mul3A_23 : f32 to vector<1000x128xf32>
    %mul3A_25 = arith.mulf %mul3A_24, %add3A_20 : vector<1000x128xf32>
    %select_n3A = arith.select %ge3A_22, %add3A_20, %mul3A_25 : vector<1000x128xi1>, vector<1000x128xf32>
    %get3A_26 = arith.constant 0 : index
    %get3A_27 = arith.constant 0 : index
    %get3A_28 = vector.load %arg6[%get3A_26, %get3A_27] : memref<128x128xf32, #tpu.memory_space<vmem>>, vector<128x128xf32>
    %dot_general3A = arith.constant dense<0.000000e+00> : vector<1000x128xf32>
    %dot_general3A_29 = tpu.matmul %select_n3A, %get3A_28, %dot_general3A {dimension_numbers = #tpu.dot_dimension_numbers<[1], [0], [0], [1], [0, 0, 1, 1], [], []>, transpose_lhs_hint = false} : vector<1000x128xf32>, vector<128x128xf32>, vector<1000x128xf32> -> vector<1000x128xf32>
    %mul3A_30 = arith.mulf %dot_general3A_29, %get3A_1 : vector<1000x128xf32>
    %swap3A = arith.constant 0 : index
    %swap3A_31 = arith.constant 0 : index
    %swap3A_32 = vector.load %arg7[%swap3A, %swap3A_31] : memref<1000x128xf32, #tpu.memory_space<vmem>>, vector<1000x128xf32>
    tpu.vector_store %arg7[%swap3A, %swap3A_31], %mul3A_30 {strides = array<i32>} : memref<1000x128xf32, #tpu.memory_space<vmem>>, vector<1000x128xf32>,
    return
  }
  func.func @transform_0(%arg0: i32) -> (i32, i32, i32) {
    %c0_i32 = arith.constant 0 : i32
    %c0_i32_0 = arith.constant 0 : i32
    %c0_i32_1 = arith.constant 0 : i32
    return %c0_i32, %arg0, %c0_i32_0 : i32, i32, i32
  }
  func.func @transform_1(%arg0: i32) -> (i32, i32, i32) {
    %c1_i32 = arith.constant 1 : i32
    %c0_i32 = arith.constant 0 : i32
    %c0_i32_0 = arith.constant 0 : i32
    return %c1_i32, %arg0, %c0_i32 : i32, i32, i32
  }
  func.func @transform_2(%arg0: i32) -> (i32, i32) {
    %c0_i32 = arith.constant 0 : i32
    %c0_i32_0 = arith.constant 0 : i32
    return %arg0, %c0_i32 : i32, i32
  }
  func.func @transform_3(%arg0: i32) -> (i32, i32) {
    %c0_i32 = arith.constant 0 : i32
    %c0_i32_0 = arith.constant 0 : i32
    return %arg0, %c0_i32 : i32, i32
  }
  func.func @transform_4(%arg0: i32) -> (i32, i32) {
    %c0_i32 = arith.constant 0 : i32
    %c0_i32_0 = arith.constant 0 : i32
    %c0_i32_1 = arith.constant 0 : i32
    return %c0_i32, %c0_i32_0 : i32, i32
  }
  func.func @transform_5(%arg0: i32) -> (i32, i32) {
    %c0_i32 = arith.constant 0 : i32
    %c0_i32_0 = arith.constant 0 : i32
    %c0_i32_1 = arith.constant 0 : i32
    return %c0_i32, %c0_i32_0 : i32, i32
  }
  func.func @transform_6(%arg0: i32) -> (i32, i32) {
    %c0_i32 = arith.constant 0 : i32
    %c0_i32_0 = arith.constant 0 : i32
    return %arg0, %c0_i32 : i32, i32
  }
}

module attributes {stable_mosaic.version = 14 : i64} {
  func.func @_final_tc(%arg0: i32, %arg1: memref<1x1000x128xf32, #tpu.memory_space<vmem>>, %arg2: memref<1x1000x128xf32, #tpu.memory_space<vmem>>, %arg3: memref<1000x128xf32, #tpu.memory_space<vmem>>, %arg4: memref<1000x128xf32, #tpu.memory_space<vmem>>, %arg5: memref<1x128xf32, #tpu.memory_space<vmem>>, %arg6: memref<1x1x1000xi32, #tpu.memory_space<vmem>>, %arg7: memref<128x10xf32, #tpu.memory_space<vmem>>, %arg8: memref<1x10xf32, #tpu.memory_space<vmem>>, %arg9: memref<64x10xf32, #tpu.memory_space<vmem>>, %arg10: memref<64x128xf32, #tpu.memory_space<vmem>>, %arg11: memref<64x128xf32, #tpu.memory_space<vmem>>) attributes {dimension_semantics = [#tpu.dimension_semantics<arbitrary>], iteration_bounds = array<i64: 10>, scalar_prefetch = 0 : i64, scratch_operands = 2 : i64, tpu.core_type = #tpu.core_type<tc>, window_params = [{transform_indices = @transform_0, window_bounds = array<i64: 1, 1000, 128>}, {transform_indices = @transform_1, window_bounds = array<i64: 1, 1000, 128>}, {transform_indices = @transform_2, window_bounds = array<i64: 1000, 128>}, {transform_indices = @transform_3, window_bounds = array<i64: 1000, 128>}, {pipeline_mode = #tpu.pipeline_mode<synchronous>, transform_indices = @transform_4, window_bounds = array<i64: 1, 128>}, {transform_indices = @transform_5, window_bounds = array<i64: 1, 1, 1000>}, {pipeline_mode = #tpu.pipeline_mode<synchronous>, transform_indices = @transform_6, window_bounds = array<i64: 128, 10>}, {pipeline_mode = #tpu.pipeline_mode<synchronous>, transform_indices = @transform_7, window_bounds = array<i64: 1, 10>}, {pipeline_mode = #tpu.pipeline_mode<synchronous>, transform_indices = @transform_8, window_bounds = array<i64: 64, 10>}]} {
    %get3A = arith.constant 0 : index
    %get3A_0 = arith.constant 0 : index
    %get3A_1 = vector.load %arg4[%get3A, %get3A_0] : memref<1000x128xf32, #tpu.memory_space<vmem>>, vector<1000x128xf32>
    %get3A_2 = arith.constant 0 : index
    %get3A_3 = arith.constant 0 : index
    %get3A_4 = arith.constant 0 : index
    %get3A_5 = vector.load %arg1[%get3A_2, %get3A_3, %get3A_4] : memref<1x1000x128xf32, #tpu.memory_space<vmem>>, vector<1x1000x128xf32>
    %get3A_6 = vector.shape_cast %get3A_5 : vector<1x1000x128xf32> to vector<1000x128xf32>
    %get3A_7 = arith.constant 0 : index
    %get3A_8 = arith.constant 0 : index
    %get3A_9 = arith.constant 0 : index
    %get3A_10 = vector.load %arg2[%get3A_7, %get3A_8, %get3A_9] : memref<1x1000x128xf32, #tpu.memory_space<vmem>>, vector<1x1000x128xf32>
    %get3A_11 = vector.shape_cast %get3A_10 : vector<1x1000x128xf32> to vector<1000x128xf32>
    %add3A = arith.addf %get3A_6, %get3A_11 : vector<1000x128xf32>
    %get3A_12 = arith.constant 0 : index
    %get3A_13 = arith.constant 0 : index
    %get3A_14 = vector.load %arg3[%get3A_12, %get3A_13] : memref<1000x128xf32, #tpu.memory_space<vmem>>, vector<1000x128xf32>
    %add3A_15 = arith.addf %add3A, %get3A_14 : vector<1000x128xf32>
    %mul3A = arith.mulf %add3A_15, %get3A_1 : vector<1000x128xf32>
    %get3A_16 = arith.constant 0 : index
    %get3A_17 = arith.constant 0 : index
    %get3A_18 = vector.load %arg5[%get3A_16, %get3A_17] : memref<1x128xf32, #tpu.memory_space<vmem>>, vector<1x128xf32>
    %add3A_19 = vector.broadcast %get3A_18 : vector<1x128xf32> to vector<1000x128xf32>
    %add3A_20 = arith.addf %mul3A, %add3A_19 : vector<1000x128xf32>
    %ge3A = arith.constant 0.000000e+00 : f32
    %ge3A_21 = vector.broadcast %ge3A : f32 to vector<1000x128xf32>
    %ge3A_22 = arith.cmpf oge, %add3A_20, %ge3A_21 : vector<1000x128xf32>
    %mul3A_23 = arith.constant 2.000000e-01 : f32
    %mul3A_24 = vector.broadcast %mul3A_23 : f32 to vector<1000x128xf32>
    %mul3A_25 = arith.mulf %mul3A_24, %add3A_20 : vector<1000x128xf32>
    %select_n3A = arith.select %ge3A_22, %add3A_20, %mul3A_25 : vector<1000x128xi1>, vector<1000x128xf32>
    %iota3A = tpu.iota {dimensions = array<i32: 0>} : vector<64x1000xi32>
    %get3A_26 = arith.constant 0 : index
    %get3A_27 = arith.constant 0 : index
    %get3A_28 = arith.constant 0 : index
    %get3A_29 = vector.load %arg6[%get3A_26, %get3A_27, %get3A_28] : memref<1x1x1000xi32, #tpu.memory_space<vmem>>, vector<1x1x1000xi32>
    %get3A_30 = vector.shape_cast %get3A_29 : vector<1x1x1000xi32> to vector<1x1000xi32>
    %eq3A = vector.broadcast %get3A_30 : vector<1x1000xi32> to vector<64x1000xi32>
    %eq3A_31 = arith.cmpi eq, %iota3A, %eq3A : vector<64x1000xi32>
    %convert_element_type3A = arith.extui %eq3A_31 : vector<64x1000xi1> to vector<64x1000xi32>
    %convert_element_type3A_32 = arith.sitofp %convert_element_type3A : vector<64x1000xi32> to vector<64x1000xf32>
    %eq3A_33 = arith.constant 0 : i32
    %eq3A_34 = arith.cmpi eq, %arg0, %eq3A_33 : i32
    %convert_element_type3A_35 = arith.extui %eq3A_34 : i1 to i32
    %cond3A = arith.constant 0 : i32
    %cond3A_36 = arith.cmpi ne, %convert_element_type3A_35, %cond3A : i32
    scf.if %cond3A_36 {
      %broadcast_in_dim3A_59 = arith.constant 0.000000e+00 : f32
      %broadcast_in_dim3A_60 = vector.broadcast %broadcast_in_dim3A_59 : f32 to vector<64x128xf32>
      %swap3A_61 = arith.constant 0 : index
      %swap3A_62 = arith.constant 0 : index
      %swap3A_63 = vector.load %arg10[%swap3A_61, %swap3A_62] : memref<64x128xf32, #tpu.memory_space<vmem>>, vector<64x128xf32>
      tpu.vector_store %arg10[%swap3A_61, %swap3A_62], %broadcast_in_dim3A_60 {strides = array<i32>} : memref<64x128xf32, #tpu.memory_space<vmem>>, vector<64x128xf32>,
      %broadcast_in_dim3A_64 = arith.constant 0.000000e+00 : f32
      %broadcast_in_dim3A_65 = vector.broadcast %broadcast_in_dim3A_64 : f32 to vector<64x128xf32>
      %swap3A_66 = arith.constant 0 : index
      %swap3A_67 = arith.constant 0 : index
      %swap3A_68 = vector.load %arg11[%swap3A_66, %swap3A_67] : memref<64x128xf32, #tpu.memory_space<vmem>>, vector<64x128xf32>
      tpu.vector_store %arg11[%swap3A_66, %swap3A_67], %broadcast_in_dim3A_65 {strides = array<i32>} : memref<64x128xf32, #tpu.memory_space<vmem>>, vector<64x128xf32>,
    } else {
    }
    %get3A_37 = arith.constant 0 : index
    %get3A_38 = arith.constant 0 : index
    %get3A_39 = vector.load %arg10[%get3A_37, %get3A_38] : memref<64x128xf32, #tpu.memory_space<vmem>>, vector<64x128xf32>
    %dot_general3A = arith.constant dense<0.000000e+00> : vector<64x128xf32>
    %dot_general3A_40 = tpu.matmul %convert_element_type3A_32, %select_n3A, %dot_general3A {dimension_numbers = #tpu.dot_dimension_numbers<[1], [0], [0], [1], [0, 0, 1, 1], [], []>, transpose_lhs_hint = false} : vector<64x1000xf32>, vector<1000x128xf32>, vector<64x128xf32> -> vector<64x128xf32>
    %add3A_41 = arith.addf %get3A_39, %dot_general3A_40 : vector<64x128xf32>
    %swap3A = arith.constant 0 : index
    %swap3A_42 = arith.constant 0 : index
    %swap3A_43 = vector.load %arg10[%swap3A, %swap3A_42] : memref<64x128xf32, #tpu.memory_space<vmem>>, vector<64x128xf32>
    tpu.vector_store %arg10[%swap3A, %swap3A_42], %add3A_41 {strides = array<i32>} : memref<64x128xf32, #tpu.memory_space<vmem>>, vector<64x128xf32>,
    %get3A_44 = arith.constant 0 : index
    %get3A_45 = arith.constant 0 : index
    %get3A_46 = vector.load %arg11[%get3A_44, %get3A_45] : memref<64x128xf32, #tpu.memory_space<vmem>>, vector<64x128xf32>
    %reduce_sum3A = arith.constant dense<0.000000e+00> : vector<64xf32>
    %reduce_sum3A_47 = vector.multi_reduction <add>, %convert_element_type3A_32, %reduce_sum3A [1] : vector<64x1000xf32> to vector<64xf32>
    %broadcast_in_dim3A = vector.shape_cast %reduce_sum3A_47 : vector<64xf32> to vector<64x1xf32>
    %broadcast_in_dim3A_48 = vector.shape_cast %broadcast_in_dim3A : vector<64x1xf32> to vector<64x1xf32>
    %broadcast_in_dim3A_49 = vector.broadcast %broadcast_in_dim3A_48 : vector<64x1xf32> to vector<64x128xf32>
    %add3A_50 = arith.addf %get3A_46, %broadcast_in_dim3A_49 : vector<64x128xf32>
    %swap3A_51 = arith.constant 0 : index
    %swap3A_52 = arith.constant 0 : index
    %swap3A_53 = vector.load %arg11[%swap3A_51, %swap3A_52] : memref<64x128xf32, #tpu.memory_space<vmem>>, vector<64x128xf32>
    tpu.vector_store %arg11[%swap3A_51, %swap3A_52], %add3A_50 {strides = array<i32>} : memref<64x128xf32, #tpu.memory_space<vmem>>, vector<64x128xf32>,
    %eq3A_54 = arith.constant 9 : i32
    %eq3A_55 = arith.cmpi eq, %arg0, %eq3A_54 : i32
    %convert_element_type3A_56 = arith.extui %eq3A_55 : i1 to i32
    %cond3A_57 = arith.constant 0 : i32
    %cond3A_58 = arith.cmpi ne, %convert_element_type3A_56, %cond3A_57 : i32
    scf.if %cond3A_58 {
      %get3A_59 = arith.constant 0 : index
      %get3A_60 = arith.constant 0 : index
      %get3A_61 = vector.load %arg10[%get3A_59, %get3A_60] : memref<64x128xf32, #tpu.memory_space<vmem>>, vector<64x128xf32>
      %get3A_62 = arith.constant 0 : index
      %get3A_63 = arith.constant 0 : index
      %get3A_64 = vector.load %arg11[%get3A_62, %get3A_63] : memref<64x128xf32, #tpu.memory_space<vmem>>, vector<64x128xf32>
      %max3A = arith.constant 1.000000e+00 : f32
      %max3A_65 = vector.broadcast %max3A : f32 to vector<64x128xf32>
      %max3A_66 = arith.maximumf %get3A_64, %max3A_65 : vector<64x128xf32>
      %div3A = arith.divf %get3A_61, %max3A_66 : vector<64x128xf32>
      %get3A_67 = arith.constant 0 : index
      %get3A_68 = arith.constant 0 : index
      %get3A_69 = vector.load %arg7[%get3A_67, %get3A_68] : memref<128x10xf32, #tpu.memory_space<vmem>>, vector<128x10xf32>
      %dot_general3A_70 = arith.constant dense<0.000000e+00> : vector<64x10xf32>
      %dot_general3A_71 = tpu.matmul %div3A, %get3A_69, %dot_general3A_70 {dimension_numbers = #tpu.dot_dimension_numbers<[1], [0], [0], [1], [0, 0, 1, 1], [], []>, transpose_lhs_hint = false} : vector<64x128xf32>, vector<128x10xf32>, vector<64x10xf32> -> vector<64x10xf32>
      %get3A_72 = arith.constant 0 : index
      %get3A_73 = arith.constant 0 : index
      %get3A_74 = vector.load %arg8[%get3A_72, %get3A_73] : memref<1x10xf32, #tpu.memory_space<vmem>>, vector<1x10xf32>
      %add3A_75 = vector.broadcast %get3A_74 : vector<1x10xf32> to vector<64x10xf32>
      %add3A_76 = arith.addf %dot_general3A_71, %add3A_75 : vector<64x10xf32>
      %swap3A_77 = arith.constant 0 : index
      %swap3A_78 = arith.constant 0 : index
      %swap3A_79 = vector.load %arg9[%swap3A_77, %swap3A_78] : memref<64x10xf32, #tpu.memory_space<vmem>>, vector<64x10xf32>
      tpu.vector_store %arg9[%swap3A_77, %swap3A_78], %add3A_76 {strides = array<i32>} : memref<64x10xf32, #tpu.memory_space<vmem>>, vector<64x10xf32>,
    } else {
    }
    return
  }
  func.func @transform_0(%arg0: i32) -> (i32, i32, i32) {
    %c0_i32 = arith.constant 0 : i32
    %c0_i32_0 = arith.constant 0 : i32
    %c0_i32_1 = arith.constant 0 : i32
    return %c0_i32, %arg0, %c0_i32_0 : i32, i32, i32
  }
  func.func @transform_1(%arg0: i32) -> (i32, i32, i32) {
    %c1_i32 = arith.constant 1 : i32
    %c0_i32 = arith.constant 0 : i32
    %c0_i32_0 = arith.constant 0 : i32
    return %c1_i32, %arg0, %c0_i32 : i32, i32, i32
  }
  func.func @transform_2(%arg0: i32) -> (i32, i32) {
    %c0_i32 = arith.constant 0 : i32
    %c0_i32_0 = arith.constant 0 : i32
    return %arg0, %c0_i32 : i32, i32
  }
  func.func @transform_3(%arg0: i32) -> (i32, i32) {
    %c0_i32 = arith.constant 0 : i32
    %c0_i32_0 = arith.constant 0 : i32
    return %arg0, %c0_i32 : i32, i32
  }
  func.func @transform_4(%arg0: i32) -> (i32, i32) {
    %c0_i32 = arith.constant 0 : i32
    %c0_i32_0 = arith.constant 0 : i32
    %c0_i32_1 = arith.constant 0 : i32
    return %c0_i32, %c0_i32_0 : i32, i32
  }
  func.func @transform_5(%arg0: i32) -> (i32, i32, i32) {
    %c0_i32 = arith.constant 0 : i32
    %c0_i32_0 = arith.constant 0 : i32
    %c0_i32_1 = arith.constant 0 : i32
    return %arg0, %c0_i32, %c0_i32_0 : i32, i32, i32
  }
  func.func @transform_6(%arg0: i32) -> (i32, i32) {
    %c0_i32 = arith.constant 0 : i32
    %c0_i32_0 = arith.constant 0 : i32
    %c0_i32_1 = arith.constant 0 : i32
    return %c0_i32, %c0_i32_0 : i32, i32
  }
  func.func @transform_7(%arg0: i32) -> (i32, i32) {
    %c0_i32 = arith.constant 0 : i32
    %c0_i32_0 = arith.constant 0 : i32
    %c0_i32_1 = arith.constant 0 : i32
    return %c0_i32, %c0_i32_0 : i32, i32
  }
  func.func @transform_8(%arg0: i32) -> (i32, i32) {
    %c0_i32 = arith.constant 0 : i32
    %c0_i32_0 = arith.constant 0 : i32
    %c0_i32_1 = arith.constant 0 : i32
    return %c0_i32, %c0_i32_0 : i32, i32
  }
}

</mosaic_0001>

<sc_bundles>
// kernel: kernel.12.cloned.1.call-start
scs
__scs_entry_jumppad:
0x0: {  	(pc) =	sbr.rel $0x88, $3  }
0x1: {  	(tag) =	ssettag $0x0;
	lr =	simm.s32 $0x1  }
0x2: {  	[smem:$0x3F98] =	sst lr;
	_ =	strace $0xD0000000  }
0x3: {  	_ = 	snop  }
0x4: {  	_ = 	snop  }
0x5: {  	_ = 	snop  }
0x6: {  	_ = 	snop  }
0x7: {  	_ = 	snop  }
__scs_overlays_trampoline_lowered:
0x8: {  	[smem:$0x3FA7] =	sst s0  }
0x9: {  	[smem:$0x3FA8] =	sst s1  }
0xa: {  	[smem:$0x3FA9] =	sst s2  }
0xb: {  	[smem:$0x3FAA] =	sst s3  }
0xc: {  	[smem:$0x3FAB] =	sst s4  }
0xd: {  	[smem:$0x3FAC] =	sst s5  }
0xe: {  	[smem:$0x3FAD] =	sst s6  }
0xf: {  	[smem:$0x3FAE] =	sst s7  }
0x10: {  	[smem:$0x3FAF] =	sst s8  }
0x11: {  	[smem:$0x3FB0] =	sst s9;
	s0 =	simm.s32 @!p0 $0x0  }
0x12: {  	s1 =	sld [smem:$0x3F96];
	s0 =	simm.s32 @p0 $0x1  }
0x13: {  	[smem:$0x3FB1] =	sst s0;
	s0 =	simm.s32 @!p1 $0x0  }
0x14: {  	s2 =	sld [smem:$0x3F95];
	s0 =	simm.s32 @p1 $0x1  }
0x15: {  	[smem:$0x3FB2] =	sst s0;
	s0 =	simm.s32 @!p2 $0x0  }
0x16: {  	s3 =	sld [smem:$0x3FDB];
	s0 =	simm.s32 @p2 $0x1  }
0x17: {  	s4 =	simm.s32 $0x1BF5;
	[smem:$0x3FB4] =	sst s0  }
0x18: {  	s0 =	sld [smem:$0x3F97];
	_ =	swait.ge [sflag:s4], $0x0  }
0x19: {  	s7 =	sld [smem:$0x3F98]  }
0x1a: {  	s8 =	sadd.s32 $0xFFFFE003, lr  }
0x1b: {  	s9 =	sadd.s32 $0xFFFFFEF7, lr;
	s5 =	simm.s32 $0xFFFFFFFF;
	p2 =	slt.u32 s8, $0xFFFFF086  }
0x1c: {  	p1 =	slt.u32 s9, $0xF7A;
	s5 =	simm.s32 @!p2 $0x0  }
0x1d: {  	s5 =	simm.s32 @p1 $0x1;
	p0 =	seq.s32 s7, s2  }
0x1e: {  	s7 =	smul.u32 @!p0 $0xF7A, s2;
	p2 =	seq.s32 @!p0 s5, $0x0  }
0x1f: {  	s9 =	smul.u32 $0xF7A, s1;
	s8 =	simm.s32 @!p0 $0x1BF5;
	p2 =	por !p2, p0  }
0x20: {  	[sflag:s8] =	ssyncset.s32 @!p0 $0xFFFFF086;
	s6 =	sadd.s32 @!p0 s3, s7;
	s7 =	simm.s32 @!p0 $0x108  }
0x21: {  	s3 =	sadd.s32 s3, s9;
	s6 =	sadd.s32 @!p0 $0x88, s6;
	s7 =	simm.s32 @p2 $0x1082  }
0x22: {  	[simem:s7], [sflag:s8] =	dma.local @!p0 [hbm:s6], $0xF7A  }
0x23: {  	s9 =	sor.u32 $0xD0000000, s2;
	s6 =	simm.s32 $0x108;
	_ =	swait.ge @!p0 [sflag:s8], $0x0  }
0x24: {  	s3 =	sadd.s32 $0x88, s3;
	s6 =	simm.s32 @!p1 $0x1082;
	[sflag:s4] =	ssyncset.s32 $0xFFFFF086  }
0x25: {  	[simem:s6], [sflag:s4] =	dma.local [hbm:s3], $0xF7A  }
0x26: {  	[smem:$0x3F98] =	sst s1;
	(tag) =	ssettag s2;
	_ =	strace s9  }
0x27: {  	s1 =	sld [smem:$0x3FA8]  }
0x28: {  	s2 =	sld [smem:$0x3FA9]  }
0x29: {  	s4 =	sld [smem:$0x3FAB]  }
0x2a: {  	p0 =	seq.s32 s5, $0x0;
	s5 =	sld [smem:$0x3FAC]  }
0x2b: {  	s6 =	sld [smem:$0x3FAD]  }
0x2c: {  	s7 =	sld [smem:$0x3FAE]  }
0x2d: {  	s3 =	simm.s32 $0x108;
	s8 =	sld [smem:$0x3FAF]  }
0x2e: {  	s3 =	simm.s32 @!p0 $0x1082;
	s9 =	sld [smem:$0x3FB0]  }
0x2f: {  	lr =	sadd.s32 s0, s3;
	s0 =	sld [smem:$0x3FA7]  }
0x30: {  	s3 =	sld [smem:$0x3FAA]  }
0x31: {  	[smem:$0x3FB3] =	sst s10  }
0x32: {  	s10 =	sld [smem:$0x3FB1];
	_ =	sdelay $0x3  }
0x33: {  	p0 =	seq.s32 s10, $0x1;
	s10 =	sld [smem:$0x3FB3];
	_ =	sdelay $0x3  }
0x34: {  	[smem:$0x3FB3] =	sst s10  }
0x35: {  	s10 =	sld [smem:$0x3FB2];
	_ =	sdelay $0x3  }
0x36: {  	p1 =	seq.s32 s10, $0x1;
	s10 =	sld [smem:$0x3FB3];
	_ =	sdelay $0x3  }
0x37: {  	[smem:$0x3FB3] =	sst s10  }
0x38: {  	s10 =	sld [smem:$0x3FB4]  }
0x39: {  	_ = 	snop;
	(pc) =	sbr.ind lr, $3  }
0x3a: {  	_ = 	snop  }
0x3b: {  	_ = 	snop  }
0x3c: {  	p2 =	seq.s32 s10, $0x1;
	s10 =	sld [smem:$0x3FB3]  }
0x3d: {  	_ =	shalt  }
0x3e: {  	_ =	shalt  }
0x3f: {  	_ =	shalt  }
0x40: {  	_ =	shalt  }
0x41: {  	_ =	shalt  }
0x42: {  	_ =	shalt  }
0x43: {  	_ =	shalt  }
0x44: {  	_ =	shalt  }
0x45: {  	_ =	shalt  }
0x46: {  	_ =	shalt  }
0x47: {  	_ =	shalt  }
0x48: {  	_ =	shalt  }
0x49: {  	_ =	shalt  }
0x4a: {  	_ =	shalt  }
0x4b: {  	_ =	shalt  }
0x4c: {  	_ =	shalt  }
0x4d: {  	_ =	shalt  }
0x4e: {  	_ =	shalt  }
0x4f: {  	_ =	shalt  }
0x50: {  	_ =	shalt  }
0x51: {  	_ =	shalt  }
0x52: {  	_ =	shalt  }
0x53: {  	_ =	shalt  }
0x54: {  	_ =	shalt  }
0x55: {  	_ =	shalt  }
0x56: {  	_ =	shalt  }
0x57: {  	_ =	shalt  }
0x58: {  	_ =	shalt  }
0x59: {  	_ =	shalt  }
0x5a: {  	_ =	shalt  }
0x5b: {  	_ =	shalt  }
0x5c: {  	_ =	shalt  }
0x5d: {  	_ =	shalt  }
0x5e: {  	_ =	shalt  }
0x5f: {  	_ =	shalt  }
0x60: {  	_ =	shalt  }
0x61: {  	_ =	shalt  }
0x62: {  	_ =	shalt  }
0x63: {  	_ =	shalt  }
0x64: {  	_ =	shalt  }
0x65: {  	_ =	shalt  }
0x66: {  	_ =	shalt  }
0x67: {  	_ =	shalt  }
0x68: {  	_ =	shalt  }
0x69: {  	_ =	shalt  }
0x6a: {  	_ =	shalt  }
0x6b: {  	_ =	shalt  }
0x6c: {  	_ =	shalt  }
0x6d: {  	_ =	shalt  }
0x6e: {  	_ =	shalt  }
0x6f: {  	_ =	shalt  }
0x70: {  	_ =	shalt  }
0x71: {  	_ =	shalt  }
0x72: {  	_ =	shalt  }
0x73: {  	_ =	shalt  }
0x74: {  	_ =	shalt  }
0x75: {  	_ =	shalt  }
0x76: {  	_ =	shalt  }
0x77: {  	_ =	shalt  }
0x78: {  	_ =	shalt  }
0x79: {  	_ =	shalt  }
0x7a: {  	_ =	shalt  }
0x7b: {  	_ =	shalt  }
0x7c: {  	_ =	shalt  }
0x7d: {  	_ =	shalt  }
0x7e: {  	_ =	shalt  }
0x7f: {  	_ =	shalt  }
0x80: {  	_ =	shalt  }
0x81: {  	_ =	shalt  }
0x82: {  	_ =	shalt  }
0x83: {  	_ =	shalt  }
0x84: {  	_ =	shalt  }
0x85: {  	_ =	shalt  }
0x86: {  	_ =	shalt  }
0x87: {  	_ =	shalt  }
.Lfunc_end0:
.L_simem_size_0:
called_computation.1_lowered:
.L_overlay_start_0:
0x88: {  	s2 =	sld [smem:$0x3FD9]  }
0x89: {  	s3 =	sld [smem:$0x3FFE];
	_ =	sdelay $0x1  }
0x8a: {  	s1 =	srdreg.scid  }
0x8b: {  	s0 =	sand.u32 $0x1, s1  }
0x8c: {  	s16 =	sshll.u32 s0, $0xA;
	s2 =	sadd.s32 s3, s2  }
0x8d: {  	s2 =	sadd.s32 s2, s16  }
0x8e: {  	[smem:$0x3FBF] =	sst s2  }
0x8f: {  	_ = 	snop  }
0x90: {  	(tm) =	ssettm $0x1  }
0x91: {  	s17 =	sld [smem:$0x3FFB];
	_ =	sdelay $0x3  }
0x92: {  	_ =	strace s17  }
0x93: {  	s2 =	sld [smem:$0x3FFC];
	_ =	sdelay $0x3  }
0x94: {  	_ =	strace s2  }
0x95: {  	s2 =	sld [smem:$0x3FFD];
	_ =	sdelay $0x3  }
0x96: {  	_ =	strace s2  }
0x97: {  	_ =	strace $0x8FFFFFFF  }
0x98: {  	s18 =	sld [smem:$0x3FDB];
	_ =	sdelay $0x1  }
0x99: {  	s19 =	simm.s32 $_scs_section_size  }
0x9a: {  	s4 =	simm.s32 $_size__tile_overlayer_lowered;
	s5 =	simm.s32 $_tile_overlayer_lowered  }
0x9b: {  	s22 =	simm.s32 $0x1BFF;
	s21 =	sshll.u32 s5, $0x1;
	s2 =	sadd.s32 s19, s18  }
0x9c: {  	s6 =	simm.s32 $0x0;
	s20 =	sshll.u32 s4, $0x1;
	s4 =	sadd.s32 s21, s2  }
0x9d: {  	[timem:s6], [sflag:s22] =	dma.local [hbm:s4], s20  }
0x9e: {  	_ =	swait.ge [sflag:s22], s20  }
0x9f: {  	s3 =	ssub.s32 $0x0, s20;
	[sflag:s22] =	ssyncset.done $0x0  }
0xa0: {  	[sflag:s22] =	ssyncadd.s32 s3;
	_ =	sdelay $0x1  }
0xa1: {  	s23 =	simm.s32 $0x1B8B  }
0xa2: {  	_ =	swait.ge [sflag:s23], $0x1  }
0xa3: {  	[sflag:s23] =	ssyncset.done $0x0  }
0xa4: {  	s25 =	simm.s32 $0x1B8E;
	s24 =	sld [smem:$0x3FFE];
	[sflag:s23] =	ssyncadd.s32 $0xFFFFFFFF  }
0xa5: {  	s26 =	simm.s32 $execute0_lowered;
	[smem:$0x3FD2] =	sst s25  }
0xa6: {  	s4 =	sshll.u32 s26, $0x1;
	_ =	strace $0x80000049;
	[dreg:$0x1] =	wrdreg $0xFFFFFFFF  }
0xa7: {  	s28 =	simm.s32 $_size_execute0_lowered;
	s2 =	sadd.s32 s2, s4;
	[dreg:$0x0] =	wrdreg $0x0  }
0xa8: {  	s4 =	sshll.u32 s28, $0x1;
	[dreg:$0x2] =	wrdreg s2  }
0xa9: {  	[dreg:$0x3] =	wrdreg s4  }
0xaa: {  	[dreg:$0x4] =	wrdreg $0xC0  }
0xab: {  	_ =	task [dreg:s6], $0x5FFFF  }
0xac: {  	[dreg:$0x1] =	wrdreg $0xFFFFFFFF  }
0xad: {  	[dreg:$0x0] =	wrdreg $0x60  }
0xae: {  	[dreg:$0x2] =	wrdreg s24  }
0xaf: {  	[dreg:$0x3] =	wrdreg $0xA2000  }
0xb0: {  	[dreg:$0x4] =	wrdreg $0x9  }
0xb1: {  	_ =	task.clear_ibuf [dreg:s6], $0x5FFFF;
	_ =	strace $0x90000049  }
0xb2: {  	s29 =	simm.s32 $0x9;
	_ =	strace $0x8000004B  }
0xb3: {  	_ =	swait.ge [sflag:s29], $0x1  }
0xb4: {  	[sflag:s29] =	ssyncadd.s32 $0xFFFFFFFF  }
0xb5: {  	_ =	strace $0x9000004B  }
0xb6: {  	_ =	sfence  }
0xb7: {  	s30 =	sld [smem:$0x0];
	_ =	sdelay $0x2  }
0xb8: {  	s31 =	sshll.u32 s1, $0xD;
	s1 =	sshrl.u32 s1, $0x2  }
0xb9: {  	s3 =	sand.u32 $0x4000, s31;
	s1 =	sadd.s32 s1, s30  }
0xba: {  	s0 =	sor.u32 s3, s0;
	s1 =	sshll.u32 s1, $0x11  }
0xbb: {  	s0 =	sor.u32 s1, s0  }
0xbc: {  	s0 =	sadd.s32 $0x8F2B, s0  }
0xbd: {  	[sflag:s0] =	ssyncadd.remote.s32 $0x1  }
0xbe: {  	_ =	sfence.sel $0xFFFF  }
0xbf: {  	[dreg:$0x0] =	wrdreg $0xFFFFFFFF;
	(pc) =	sbr.abs _section_cstart, $3  }
0xc0: {  	[dreg:$0x1] =	wrdreg $0xFFFFFFFF  }
0xc1: {  	_ =	task.clear_ibuf [dreg:s6], $0x2FFFF;
	_ =	strace $0x9FFFFFFF  }
0xc2: {  	(tm) =	ssettm $0x7FFFFFFF  }
0xc3: {  	_ =	shalt  }
tec
execute0_lowered:
.L_overlay_start_1:
0x0: {  	(tag) =	ssettag $0x1  }
0x1: {  	s0 =	rddreg [dreg:$0x0]  }
0x2: {  	s1 =	rddreg [dreg:$0x1]  }
0x3: {  	s3 =	simm.s32 $0x0;
	s19 =	stileid.u32;
	s2 =	srdreg.scid  }
0x4: {  	[smem:$0x7FF] =	sst s3;
	s5 =	smul.u32 $0x2600, s19  }
0x5: {  	s4 =	sadd.s32 $0x17000, s0;
	s7 =	sadd.s32 $0x3200, s0;
	s6 =	smul.u32 $0x2800, s19  }
0x6: {  	s2 =	sand.u32 $0x1, s2;
	s8 =	sshll.u32 s19, $0x4;
	s24 =	smul.u32 $0x50000, s19  }
0x7: {  	s9 =	sadd.s32 $0x3E200, s0;
	s11 =	smul.u32 $0x14000, s19;
	p2 =	sgt.u32 s19, $0x3  }
0x8: {  	_ =	strace $0x8000004A;
	p0 =	seq.s32 s2, $0x0;
	s8 =	sadd.s32 s8, s0  }
0x9: {  	[dreg:$0x14] =	wrdreg s9;
	s0 =	sadd.s32 $0x3E600, s0;
	s23 =	ssub.s32 $0x2, s2  }
0xa: {  	s12 =	smul.u32 $0x140000, s2;
	p1 =	sne.s32 s2, $0x0;
	s5 =	sadd.s32 $0x28000, s5  }
0xb: {  	s10 =	sshrl.u32 s23, $0x1;
	s13 =	sadd.s32 $0x8000, s11;
	s14 =	sadd.s32 $0xC000, s11  }
0xc: {  	s5 =	smov.u32 @p0 s6;
	s9 =	ssub.s32 s23, s10;
	s15 =	sadd.s32 s11, s12  }
0xd: {  	s26 =	sadd.s32 s12, s13;
	s18 =	sadd.s32 s12, s14;
	s28 =	sadd.s32 s14, s1  }
0xe: {  	p0 =	seq.s32 s2, $0x1;
	s14 =	sadd.s32 $0x16C00, s8;
	s5 =	sshrl.u32 s5, $0x3  }
0xf: {  	s15 =	sshrl.u32 s15, $0x3;
	s23 =	sshrl.u32 s18, $0x3;
	[dreg:$0xe] =	wrdreg s14  }
0x10: {  	s14 =	simm.s32 $0x3;
	[dreg:$0xc] =	wrdreg s28;
	s6 =	sadd.s32 s7, s5  }
0x11: {  	s5 =	sshrl.u32 s24, $0x2;
	s22 =	sadd.s32 s0, s15;
	s24 =	smul.u32 $0x500, s19  }
0x12: {  	s17 =	sadd.s32 $0x9C40, s6;
	s20 =	sadd.s32 $0x10, s6;
	s21 =	sadd.s32 $0x9C50, s6  }
0x13: {  	s10 =	sadd.s32 s5, s1;
	s5 =	sadd.s32 $0x4000, s11;
	s11 =	sadd.s32 $0x10000, s11  }
0x14: {  	s30 =	sadd.s32 $0x9C60, s6;
	s31 =	sadd.s32 $0x9C70, s6;
	s2 =	sadd.s32 $0x30, s6  }
0x15: {  	s16 =	sadd.s32 s12, s5;
	s19 =	sadd.s32 $0xA000, s10;
	[dreg:$0x3] =	wrdreg s10  }
0x16: {  	s18 =	sadd.s32 s24, s7;
	s24 =	sadd.s32 $0x12000, s10;
	[dreg:$0x11] =	wrdreg s19  }
0x17: {  	s29 =	sadd.s32 s11, s1;
	s25 =	sshrl.u32 s16, $0x3;
	[dreg:$0x13] =	wrdreg s24  }
0x18: {  	s16 =	sshrl.u32 s26, $0x3;
	s26 =	sadd.s32 $0x2000, s10;
	[dreg:$0xd] =	wrdreg s29  }
0x19: {  	s12 =	sadd.s32 s12, s11;
	s15 =	sadd.s32 s0, s25;
	[dreg:$0x8] =	wrdreg s26  }
0x1a: {  	s7 =	simm.s32 $0x200;
	s25 =	sadd.s32 s5, s1;
	[dreg:$0x4] =	wrdreg s15  }
0x1b: {  	s11 =	simm.s32 $0x5;
	s26 =	sadd.s32 s13, s1;
	[dreg:$0x9] =	wrdreg s25  }
0x1c: {  	s12 =	sshrl.u32 s12, $0x3;
	s15 =	sadd.s32 s0, s16;
	[dreg:$0xb] =	wrdreg s26  }
0x1d: {  	s24 =	simm.s32 $0x1;
	s16 =	smax.u32 s9, $0x1;
	[dreg:$0x5] =	wrdreg s15  }
0x1e: {  	s5 =	simm.s32 $0x80;
	s15 =	sadd.s32 s0, s23;
	[dreg:$0x10] =	wrdreg s16  }
0x1f: {  	s13 =	simm.s32 $0x4200;
	s0 =	sadd.s32 s0, s12;
	[dreg:$0x6] =	wrdreg s15  }
.Ltmp0:
0x20: {  	s12 =	sadd.s32 $0x6000, s10;
	[dreg:$0x7] =	wrdreg s0;
	(pc) =	sbr.rel .LBB2_1-.Ltmp0, $4  }
0x21: {  	s9 =	simm.s32 $0x8200;
	s23 =	sadd.s32 $0xE000, s10;
	[dreg:$0xa] =	wrdreg s12  }
0x22: {  	s16 =	simm.s32 $0x0;
	s15 =	sadd.s32 $0x16E00, s8;
	[dreg:$0x12] =	wrdreg s23  }
0x23: {  	s0 =	sadd.s32 $0x20, s6;
	s23 =	simm.s32 $0x100;
	s8 =	simm.s32 $0x180  }
0x24: {  	s12 =	simm.s32 $0x2;
	[dreg:$0xf] =	wrdreg s15;
	s15 =	simm.s32 $0x4  }
.LBB2_8:
0x25: {  	[tilespmem:s8], [sflag:$0x2] =	stream.linear.gather [hbm4b:s25+s3], $0x80, $0x38;
	[tilespmem:$0x1E200] =	vst v63  }
0x26: {  	_ =	swait.ge [sflag:s12], $0x80  }
0x27: {  	[sflag:s12] =	ssyncset.done $0x0  }
0x28: {  	[sflag:s12] =	ssyncadd.s32 $0xFFFFFF80  }
0x29: {  	_ =	swait.ge [sflag:s12], $0x80  }
0x2a: {  	[sflag:s12] =	ssyncset.done $0x0  }
0x2b: {  	[sflag:s12] =	ssyncadd.s32 $0xFFFFFF80  }
0x2c: {  	[tilespmem:s13], [sflag:$0x4] =	stream.indirect.gather [hbm4b:s4+s5], $0x80, s5, s5, $0xb8;
	[tilespmem:$0x1E200] =	vst v63  }
0x2d: {  	_ =	swait.ge [sflag:s14], $0x4000  }
0x2e: {  	[sflag:s14] =	ssyncset.done $0x0  }
0x2f: {  	[sflag:s14] =	ssyncadd.s32 $0xFFFFC000  }
0x30: {  	[spmem:s1] =	stream.indirect.scatter.add.f32 [tilespmem:s7], [sflag:$0x5], $0x80, s23, s5, $0xb8;
	[tilespmem:$0x1E200] =	vst v63  }
0x31: {  	_ =	swait.ge [sflag:s11], $0x4000  }
0x32: {  	[sflag:s11] =	ssyncset.done $0x0  }
0x33: {  	[sflag:s11] =	ssyncadd.s32 $0xFFFFC000  }
0x34: {  	_ =	swait.ge [sflag:s15], $0x4000  }
0x35: {  	[sflag:s15] =	ssyncset.done $0x0  }
0x36: {  	[sflag:s15] =	ssyncadd.s32 $0xFFFFC000  }
0x37: {  	[spmem:s1] =	stream.indirect.scatter.add.f32 [tilespmem:s13], [sflag:$0x5], $0x80, s8, s5, $0xb8;
	[tilespmem:$0x1E200] =	vst v63  }
0x38: {  	_ =	swait.ge [sflag:s11], $0x4000  }
0x39: {  	[sflag:s11] =	ssyncset.done $0x0  }
0x3a: {  	s19 =	simm.s32 @!p2 $0x0;
	s25 =	rddreg [dreg:$0xe];
	[sflag:s11] =	ssyncadd.s32 $0xFFFFC000  }
0x3b: {  	[tilespmem:s19], [sflag:$0x5] =	stream.linear.gather @!p2 [hbm4b:s25+s19], $0x80, $0x38;
	[tilespmem:$0x1E200] =	vst v63  }
0x3c: {  	s25 =	simm.s32 @!p2 $0x5  }
0x3d: {  	_ =	swait.ge @!p2 [sflag:s25], $0x80  }
0x3e: {  	[sflag:s25] =	ssyncset.done @!p2 $0x0  }
0x3f: {  	s26 =	simm.s32 @!p2 $0x100;
	s28 =	rddreg [dreg:$0xf];
	[sflag:s25] =	ssyncadd.s32 @!p2 $0xFFFFFF80  }
0x40: {  	[tilespmem:s26], [sflag:$0x5] =	stream.linear.gather @!p2 [hbm4b:s28+s19], $0x80, $0x38;
	[tilespmem:$0x1E200] =	vst v63  }
0x41: {  	_ =	swait.ge @!p2 [sflag:s25], $0x80  }
0x42: {  	[sflag:s25] =	ssyncset.done @!p2 $0x0  }
0x43: {  	s29 =	simm.s32 @!p2 $0x200;
	s28 =	simm.s32 @!p2 $0x80;
	[sflag:s25] =	ssyncadd.s32 @!p2 $0xFFFFFF80  }
0x44: {  	[tilespmem:s29], [sflag:$0x5] =	stream.indirect.gather @!p2 [hbm4b:s4+s28], $0x80, s19, s28, $0xb8;
	[tilespmem:$0x1E200] =	vst v63  }
0x45: {  	_ =	swait.ge @!p2 [sflag:s25], $0x4000  }
0x46: {  	[sflag:s25] =	ssyncset.done @!p2 $0x0  }
0x47: {  	s6 =	smov.u32 s17;
	[sflag:s25] =	ssyncadd.s32 @!p2 $0xFFFFC000  }
0x48: {  	[spmem:s1] =	stream.indirect.scatter.add.f32 @!p2 [tilespmem:s29], [sflag:$0x5], $0x80, s26, s28, $0xb8;
	[tilespmem:$0x1E200] =	vst v63  }
0x49: {  	s17 =	smov.u32 s20;
	s20 =	smov.u32 s21;
	_ =	swait.ge @!p2 [sflag:s25], $0x4000  }
0x4a: {  	s21 =	smov.u32 s22;
	s22 =	smov.u32 s10;
	s10 =	rddreg [dreg:$0x3]  }
0x4b: {  	s26 =	rddreg [dreg:$0xb]  }
0x4c: {  	[sflag:s25] =	ssyncset.done @!p2 $0x0;
	s28 =	rddreg [dreg:$0xc]  }
0x4d: {  	[sflag:s25] =	ssyncadd.s32 @!p2 $0xFFFFC000;
	s25 =	rddreg [dreg:$0x9]  }
.LBB2_9:
0x4e: {  	[bflag:$0x0] =	sbarrier.arrive $0xFFFF  }
0x4f: {  	[tilespmem:s7], [sflag:$0x5] =	stream.linear.gather [spmem:s10], $0x4000, $0x38;
	[tilespmem:$0x1E200] =	vst v63  }
0x50: {  	_ =	swait.ge [sflag:s11], $0x4000  }
0x51: {  	[sflag:s11] =	ssyncset.done $0x0  }
0x52: {  	[sflag:s11] =	ssyncadd.s32 $0xFFFFC000  }
0x53: {  	[hbm4b:s22+s3] =	stream.linear.scatter [tilespmem:s7], [sflag:$0x1], $0x4000, $0x38;
	[tilespmem:$0x1E200] =	vst v63  }
0x54: {  	_ = 	snop  }
0x55: {  	[tilespmem:s13], [sflag:$0x5] =	stream.linear.gather [spmem:s25], $0x4000, $0x38;
	[tilespmem:$0x1E200] =	vst v63  }
0x56: {  	_ =	swait.ge [sflag:s11], $0x4000  }
0x57: {  	[sflag:s11] =	ssyncset.done $0x0  }
0x58: {  	s19 =	rddreg [dreg:$0x4];
	[sflag:s11] =	ssyncadd.s32 $0xFFFFC000  }
0x59: {  	[hbm4b:s19+s3] =	stream.linear.scatter [tilespmem:s13], [sflag:$0x2], $0x4000, $0x38;
	[tilespmem:$0x1E200] =	vst v63  }
0x5a: {  	_ =	swait.ge [sflag:s24], $0x4000  }
0x5b: {  	[sflag:s24] =	ssyncset.done $0x0  }
0x5c: {  	[sflag:s24] =	ssyncadd.s32 $0xFFFFC000  }
0x5d: {  	[tilespmem:s7], [sflag:$0x5] =	stream.linear.gather [spmem:s26], $0x4000, $0x38;
	[tilespmem:$0x1E200] =	vst v63  }
0x5e: {  	_ =	swait.ge [sflag:s11], $0x4000  }
0x5f: {  	[sflag:s11] =	ssyncset.done $0x0  }
0x60: {  	s19 =	rddreg [dreg:$0x5];
	[sflag:s11] =	ssyncadd.s32 $0xFFFFC000  }
0x61: {  	[hbm4b:s19+s3] =	stream.linear.scatter [tilespmem:s7], [sflag:$0x1], $0x4000, $0x38;
	[tilespmem:$0x1E200] =	vst v63  }
0x62: {  	_ =	swait.ge [sflag:s12], $0x4000  }
0x63: {  	[sflag:s12] =	ssyncset.done $0x0  }
0x64: {  	[sflag:s12] =	ssyncadd.s32 $0xFFFFC000  }
0x65: {  	[tilespmem:s13], [sflag:$0x5] =	stream.linear.gather [spmem:s28], $0x4000, $0x38;
	[tilespmem:$0x1E200] =	vst v63  }
0x66: {  	_ =	swait.ge [sflag:s11], $0x4000  }
0x67: {  	[sflag:s11] =	ssyncset.done $0x0  }
0x68: {  	s19 =	rddreg [dreg:$0x6];
	[sflag:s11] =	ssyncadd.s32 $0xFFFFC000  }
0x69: {  	[hbm4b:s19+s3] =	stream.linear.scatter [tilespmem:s13], [sflag:$0x2], $0x4000, $0x38;
	[tilespmem:$0x1E200] =	vst v63  }
0x6a: {  	_ =	swait.ge [sflag:s24], $0x4000  }
0x6b: {  	[sflag:s24] =	ssyncset.done $0x0  }
0x6c: {  	s29 =	rddreg [dreg:$0xd];
	[sflag:s24] =	ssyncadd.s32 $0xFFFFC000  }
0x6d: {  	[tilespmem:s7], [sflag:$0x5] =	stream.linear.gather [spmem:s29], $0x4000, $0x38;
	[tilespmem:$0x1E200] =	vst v63  }
0x6e: {  	_ =	swait.ge [sflag:s11], $0x4000  }
0x6f: {  	[sflag:s11] =	ssyncset.done $0x0  }
0x70: {  	s19 =	rddreg [dreg:$0x7];
	[sflag:s11] =	ssyncadd.s32 $0xFFFFC000  }
0x71: {  	[hbm4b:s19+s3] =	stream.linear.scatter [tilespmem:s7], [sflag:$0x1], $0x4000, $0x38;
	[tilespmem:$0x1E200] =	vst v63  }
0x72: {  	_ =	swait.ge [sflag:s12], $0x4000  }
0x73: {  	[sflag:s12] =	ssyncset.done $0x0  }
0x74: {  	[sflag:s12] =	ssyncadd.s32 $0xFFFFC000  }
0x75: {  	_ =	swait.ge [sflag:s24], $0x4000  }
0x76: {  	s16 =	sadd.s32 $0x1, s16;
	s19 =	rddreg [dreg:$0x10]  }
0x77: {  	p3 =	sne.s32 s16, s19  }
.Ltmp1:
0x78: {  	_ = 	snop;
	(pc) =	sbr.rel @!p3 .LBB2_10-.Ltmp1, $3  }
0x79: {  	_ =	sdelay $0x1  }
0x7a: {  	[sflag:s24] =	ssyncset.done $0x0  }
0x7b: {  	[sflag:s24] =	ssyncadd.s32 $0xFFFFC000  }
.LBB2_1:
0x7c: {  	[tilespmem:s3], [sflag:$0x1] =	stream.linear.gather [hbm4b:s6+s3], $0x80, $0x38;
	[tilespmem:$0x1E200] =	vst v63  }
0x7d: {  	_ = 	snop  }
0x7e: {  	[tilespmem:s23], [sflag:$0x1] =	stream.linear.gather [hbm4b:s17+s3], $0x80, $0x38;
	[tilespmem:$0x1E200] =	vst v63  }
0x7f: {  	_ =	swait.ge [sflag:s24], $0x80  }
0x80: {  	[sflag:s24] =	ssyncset.done $0x0  }
0x81: {  	[sflag:s24] =	ssyncadd.s32 $0xFFFFFF80  }
0x82: {  	_ =	swait.ge [sflag:s24], $0x80  }
0x83: {  	[sflag:s24] =	ssyncset.done $0x0  }
0x84: {  	[sflag:s24] =	ssyncadd.s32 $0xFFFFFF80  }
0x85: {  	[tilespmem:s7], [sflag:$0x3] =	stream.indirect.gather [hbm4b:s4+s5], $0x80, s3, s5, $0xb8;
	[tilespmem:$0x1E200] =	vst v63  }
0x86: {  	_ = 	snop  }
0x87: {  	[tilespmem:s5], [sflag:$0x2] =	stream.linear.gather [hbm4b:s20+s3], $0x80, $0x38;
	[tilespmem:$0x1E200] =	vst v63  }
0x88: {  	_ = 	snop  }
0x89: {  	[tilespmem:s8], [sflag:$0x2] =	stream.linear.gather [hbm4b:s21+s3], $0x80, $0x38;
	[tilespmem:$0x1E200] =	vst v63  }
0x8a: {  	s19 =	rddreg [dreg:$0x14]  }
0x8b: {  	[tilespmem:s9], [sflag:$0x5] =	stream.linear.gather [hbm4b:s19+s3], $0x2000, $0x38;
	[tilespmem:$0x1E200] =	vst v63  }
0x8c: {  	_ =	swait.ge [sflag:s11], $0x2000  }
0x8d: {  	[sflag:s11] =	ssyncset.done $0x0  }
0x8e: {  	[sflag:s11] =	ssyncadd.s32 $0xFFFFE000  }
0x8f: {  	[spmem:s10] =	stream.linear.scatter [tilespmem:s9], [sflag:$0x5], $0x2000, $0x38;
	[tilespmem:$0x1E200] =	vst v63  }
0x90: {  	_ =	swait.ge [sflag:s11], $0x2000  }
0x91: {  	[sflag:s11] =	ssyncset.done $0x0  }
0x92: {  	s19 =	rddreg [dreg:$0x8];
	[sflag:s11] =	ssyncadd.s32 $0xFFFFE000  }
0x93: {  	[spmem:s19] =	stream.linear.scatter [tilespmem:s9], [sflag:$0x5], $0x2000, $0x38;
	[tilespmem:$0x1E200] =	vst v63  }
0x94: {  	_ =	swait.ge [sflag:s11], $0x2000  }
0x95: {  	[sflag:s11] =	ssyncset.done $0x0  }
0x96: {  	[sflag:s11] =	ssyncadd.s32 $0xFFFFE000  }
0x97: {  	[spmem:s25] =	stream.linear.scatter [tilespmem:s9], [sflag:$0x5], $0x2000, $0x38;
	[tilespmem:$0x1E200] =	vst v63  }
0x98: {  	_ =	swait.ge [sflag:s11], $0x2000  }
0x99: {  	[sflag:s11] =	ssyncset.done $0x0  }
0x9a: {  	s19 =	rddreg [dreg:$0xa];
	[sflag:s11] =	ssyncadd.s32 $0xFFFFE000  }
0x9b: {  	[spmem:s19] =	stream.linear.scatter [tilespmem:s9], [sflag:$0x5], $0x2000, $0x38;
	[tilespmem:$0x1E200] =	vst v63  }
0x9c: {  	_ =	swait.ge [sflag:s11], $0x2000  }
0x9d: {  	[sflag:s11] =	ssyncset.done $0x0  }
0x9e: {  	[sflag:s11] =	ssyncadd.s32 $0xFFFFE000  }
0x9f: {  	[spmem:s26] =	stream.linear.scatter [tilespmem:s9], [sflag:$0x5], $0x2000, $0x38;
	[tilespmem:$0x1E200] =	vst v63  }
0xa0: {  	_ =	swait.ge [sflag:s11], $0x2000  }
0xa1: {  	[sflag:s11] =	ssyncset.done $0x0  }
0xa2: {  	s19 =	rddreg [dreg:$0x11];
	[sflag:s11] =	ssyncadd.s32 $0xFFFFE000  }
0xa3: {  	[spmem:s19] =	stream.linear.scatter [tilespmem:s9], [sflag:$0x5], $0x2000, $0x38;
	[tilespmem:$0x1E200] =	vst v63  }
0xa4: {  	_ =	swait.ge [sflag:s11], $0x2000  }
0xa5: {  	[sflag:s11] =	ssyncset.done $0x0  }
0xa6: {  	[sflag:s11] =	ssyncadd.s32 $0xFFFFE000  }
0xa7: {  	[spmem:s28] =	stream.linear.scatter [tilespmem:s9], [sflag:$0x5], $0x2000, $0x38;
	[tilespmem:$0x1E200] =	vst v63  }
0xa8: {  	_ =	swait.ge [sflag:s11], $0x2000  }
0xa9: {  	[sflag:s11] =	ssyncset.done $0x0  }
0xaa: {  	s19 =	rddreg [dreg:$0x12];
	[sflag:s11] =	ssyncadd.s32 $0xFFFFE000  }
0xab: {  	[spmem:s19] =	stream.linear.scatter [tilespmem:s9], [sflag:$0x5], $0x2000, $0x38;
	[tilespmem:$0x1E200] =	vst v63  }
0xac: {  	_ =	swait.ge [sflag:s11], $0x2000  }
0xad: {  	[sflag:s11] =	ssyncset.done $0x0  }
0xae: {  	[sflag:s11] =	ssyncadd.s32 $0xFFFFE000  }
0xaf: {  	[spmem:s29] =	stream.linear.scatter [tilespmem:s9], [sflag:$0x5], $0x2000, $0x38;
	[tilespmem:$0x1E200] =	vst v63  }
0xb0: {  	_ =	swait.ge [sflag:s11], $0x2000  }
0xb1: {  	[sflag:s11] =	ssyncset.done $0x0  }
0xb2: {  	s29 =	rddreg [dreg:$0x13];
	[sflag:s11] =	ssyncadd.s32 $0xFFFFE000  }
0xb3: {  	[spmem:s29] =	stream.linear.scatter [tilespmem:s9], [sflag:$0x5], $0x2000, $0x38;
	[tilespmem:$0x1E200] =	vst v63  }
.Ltmp2:
0xb4: {  	_ =	swait.ge [sflag:s11], $0x2000;
	(pc) =	sbr.rel @p1 .LBB2_5-.Ltmp2, $3  }
0xb5: {  	[sflag:s11] =	ssyncset.done $0x0  }
0xb6: {  	[sflag:s11] =	ssyncadd.s32 $0xFFFFE000  }
0xb7: {  	[bflag:$0x0] =	sbarrier.arrive $0xFFFF;
	_ =	sdelay $0x1  }
0xb8: {  	_ =	swait.ge [sflag:s12], $0x80  }
0xb9: {  	[sflag:s12] =	ssyncset.done $0x0  }
0xba: {  	[sflag:s12] =	ssyncadd.s32 $0xFFFFFF80  }
0xbb: {  	_ =	swait.ge [sflag:s12], $0x80  }
0xbc: {  	[sflag:s12] =	ssyncset.done $0x0  }
0xbd: {  	[sflag:s12] =	ssyncadd.s32 $0xFFFFFF80  }
0xbe: {  	[tilespmem:s13], [sflag:$0x4] =	stream.indirect.gather [hbm4b:s4+s5], $0x80, s5, s5, $0xb8;
	[tilespmem:$0x1E200] =	vst v63  }
0xbf: {  	_ =	swait.ge [sflag:s14], $0x4000  }
0xc0: {  	[sflag:s14] =	ssyncset.done $0x0  }
0xc1: {  	[sflag:s14] =	ssyncadd.s32 $0xFFFFC000  }
0xc2: {  	[spmem:s1] =	stream.indirect.scatter.add.f32 [tilespmem:s7], [sflag:$0x5], $0x80, s23, s5, $0xb8;
	[tilespmem:$0x1E200] =	vst v63  }
0xc3: {  	_ =	swait.ge [sflag:s11], $0x4000  }
0xc4: {  	s19 =	sadd.s32 $0x0, s18;
	[sflag:s11] =	ssyncset.done $0x0  }
0xc5: {  	s25 =	sadd.s32 $0x20, s19;
	[sflag:s11] =	ssyncadd.s32 $0xFFFFC000  }
0xc6: {  	[tilespmem:s3], [sflag:$0x1] =	stream.linear.gather [hbm4b:s25+s3], $0x80, $0x38;
	[tilespmem:$0x1E200] =	vst v63  }
0xc7: {  	s29 =	sadd.s32 $0x0, s30  }
0xc8: {  	[tilespmem:s23], [sflag:$0x1] =	stream.linear.gather [hbm4b:s29+s3], $0x80, $0x38;
	[tilespmem:$0x1E200] =	vst v63  }
0xc9: {  	_ =	swait.ge [sflag:s24], $0x80  }
0xca: {  	[sflag:s24] =	ssyncset.done $0x0  }
0xcb: {  	[sflag:s24] =	ssyncadd.s32 $0xFFFFFF80  }
0xcc: {  	_ =	swait.ge [sflag:s24], $0x80  }
0xcd: {  	[sflag:s24] =	ssyncset.done $0x0  }
0xce: {  	[sflag:s24] =	ssyncadd.s32 $0xFFFFFF80  }
0xcf: {  	[tilespmem:s7], [sflag:$0x3] =	stream.indirect.gather [hbm4b:s4+s5], $0x80, s3, s5, $0xb8;
	[tilespmem:$0x1E200] =	vst v63  }
0xd0: {  	_ =	swait.ge [sflag:s15], $0x4000  }
0xd1: {  	[sflag:s15] =	ssyncset.done $0x0  }
0xd2: {  	[sflag:s15] =	ssyncadd.s32 $0xFFFFC000  }
0xd3: {  	[spmem:s1] =	stream.indirect.scatter.add.f32 [tilespmem:s13], [sflag:$0x5], $0x80, s8, s5, $0xb8;
	[tilespmem:$0x1E200] =	vst v63  }
0xd4: {  	_ =	swait.ge [sflag:s11], $0x4000  }
0xd5: {  	[sflag:s11] =	ssyncset.done $0x0  }
0xd6: {  	s19 =	sadd.s32 $0x30, s19;
	[sflag:s11] =	ssyncadd.s32 $0xFFFFC000  }
0xd7: {  	[tilespmem:s5], [sflag:$0x2] =	stream.linear.gather [hbm4b:s19+s3], $0x80, $0x38;
	[tilespmem:$0x1E200] =	vst v63  }
0xd8: {  	s25 =	sadd.s32 $0x0, s31;
	s19 =	simm.s32 $0x20  }
.LBB2_3:
0xd9: {  	[tilespmem:s8], [sflag:$0x2] =	stream.linear.gather [hbm4b:s25+s3], $0x80, $0x38;
	[tilespmem:$0x1E200] =	vst v63  }
0xda: {  	s25 =	smov.u32 s19  }
0xdb: {  	p3 =	sne.s32 s19, $0x4C0;
	s19 =	sadd.s32 $0x20, s19;
	_ =	swait.ge [sflag:s12], $0x80  }
0xdc: {  	[sflag:s12] =	ssyncset.done $0x0  }
0xdd: {  	[sflag:s12] =	ssyncadd.s32 $0xFFFFFF80  }
0xde: {  	_ =	swait.ge [sflag:s12], $0x80  }
0xdf: {  	[sflag:s12] =	ssyncset.done $0x0  }
0xe0: {  	[sflag:s12] =	ssyncadd.s32 $0xFFFFFF80  }
0xe1: {  	[tilespmem:s13], [sflag:$0x4] =	stream.indirect.gather [hbm4b:s4+s5], $0x80, s5, s5, $0xb8;
	[tilespmem:$0x1E200] =	vst v63  }
0xe2: {  	_ =	swait.ge [sflag:s14], $0x4000  }
0xe3: {  	[sflag:s14] =	ssyncset.done $0x0  }
0xe4: {  	[sflag:s14] =	ssyncadd.s32 $0xFFFFC000  }
0xe5: {  	[spmem:s1] =	stream.indirect.scatter.add.f32 [tilespmem:s7], [sflag:$0x5], $0x80, s23, s5, $0xb8;
	[tilespmem:$0x1E200] =	vst v63  }
0xe6: {  	_ =	swait.ge [sflag:s11], $0x4000  }
0xe7: {  	s26 =	sadd.s32 s25, s18;
	[sflag:s11] =	ssyncset.done $0x0  }
0xe8: {  	s28 =	sadd.s32 $0x20, s26;
	[sflag:s11] =	ssyncadd.s32 $0xFFFFC000  }
0xe9: {  	[tilespmem:s3], [sflag:$0x1] =	stream.linear.gather [hbm4b:s28+s3], $0x80, $0x38;
	[tilespmem:$0x1E200] =	vst v63  }
0xea: {  	s28 =	sadd.s32 s25, s30  }
0xeb: {  	[tilespmem:s23], [sflag:$0x1] =	stream.linear.gather [hbm4b:s28+s3], $0x80, $0x38;
	[tilespmem:$0x1E200] =	vst v63  }
0xec: {  	_ =	swait.ge [sflag:s24], $0x80  }
0xed: {  	[sflag:s24] =	ssyncset.done $0x0  }
0xee: {  	[sflag:s24] =	ssyncadd.s32 $0xFFFFFF80  }
0xef: {  	_ =	swait.ge [sflag:s24], $0x80  }
0xf0: {  	[sflag:s24] =	ssyncset.done $0x0  }
0xf1: {  	[sflag:s24] =	ssyncadd.s32 $0xFFFFFF80  }
0xf2: {  	[tilespmem:s7], [sflag:$0x3] =	stream.indirect.gather [hbm4b:s4+s5], $0x80, s3, s5, $0xb8;
	[tilespmem:$0x1E200] =	vst v63  }
0xf3: {  	_ =	swait.ge [sflag:s15], $0x4000  }
0xf4: {  	[sflag:s15] =	ssyncset.done $0x0  }
0xf5: {  	[sflag:s15] =	ssyncadd.s32 $0xFFFFC000  }
0xf6: {  	[spmem:s1] =	stream.indirect.scatter.add.f32 [tilespmem:s13], [sflag:$0x5], $0x80, s8, s5, $0xb8;
	[tilespmem:$0x1E200] =	vst v63  }
.Ltmp3:
0xf7: {  	_ =	swait.ge [sflag:s11], $0x4000;
	(pc) =	sbr.rel @p3 .LBB2_3-.Ltmp3, $4  }
0xf8: {  	[sflag:s11] =	ssyncset.done $0x0  }
0xf9: {  	s26 =	sadd.s32 $0x30, s26;
	[sflag:s11] =	ssyncadd.s32 $0xFFFFC000  }
0xfa: {  	[tilespmem:s5], [sflag:$0x2] =	stream.linear.gather [hbm4b:s26+s3], $0x80, $0x38;
	[tilespmem:$0x1E200] =	vst v63  }
0xfb: {  	s25 =	sadd.s32 s25, s31  }
0xfc: {  	[tilespmem:s8], [sflag:$0x2] =	stream.linear.gather [hbm4b:s25+s3], $0x80, $0x38;
	[tilespmem:$0x1E200] =	vst v63  }
0xfd: {  	_ =	swait.ge [sflag:s12], $0x80  }
0xfe: {  	[sflag:s12] =	ssyncset.done $0x0  }
0xff: {  	[sflag:s12] =	ssyncadd.s32 $0xFFFFFF80  }
0x100: {  	_ =	swait.ge [sflag:s12], $0x80  }
0x101: {  	[sflag:s12] =	ssyncset.done $0x0  }
0x102: {  	[sflag:s12] =	ssyncadd.s32 $0xFFFFFF80  }
0x103: {  	[tilespmem:s13], [sflag:$0x4] =	stream.indirect.gather [hbm4b:s4+s5], $0x80, s5, s5, $0xb8;
	[tilespmem:$0x1E200] =	vst v63  }
0x104: {  	_ =	swait.ge [sflag:s14], $0x4000  }
0x105: {  	[sflag:s14] =	ssyncset.done $0x0  }
0x106: {  	[sflag:s14] =	ssyncadd.s32 $0xFFFFC000  }
0x107: {  	[spmem:s1] =	stream.indirect.scatter.add.f32 [tilespmem:s7], [sflag:$0x5], $0x80, s23, s5, $0xb8;
	[tilespmem:$0x1E200] =	vst v63  }
0x108: {  	_ =	swait.ge [sflag:s11], $0x4000  }
0x109: {  	[sflag:s11] =	ssyncset.done $0x0  }
0x10a: {  	[sflag:s11] =	ssyncadd.s32 $0xFFFFC000  }
0x10b: {  	_ =	swait.ge [sflag:s15], $0x4000  }
0x10c: {  	[sflag:s15] =	ssyncset.done $0x0  }
0x10d: {  	[sflag:s15] =	ssyncadd.s32 $0xFFFFC000  }
0x10e: {  	[spmem:s1] =	stream.indirect.scatter.add.f32 [tilespmem:s13], [sflag:$0x5], $0x80, s8, s5, $0xb8;
	[tilespmem:$0x1E200] =	vst v63  }
0x10f: {  	_ =	swait.ge [sflag:s11], $0x4000  }
0x110: {  	s25 =	rddreg [dreg:$0x9]  }
0x111: {  	[sflag:s11] =	ssyncset.done $0x0;
	s26 =	rddreg [dreg:$0xb]  }
0x112: {  	s28 =	rddreg [dreg:$0xc];
	[sflag:s11] =	ssyncadd.s32 $0xFFFFC000  }
.LBB2_5:
.Ltmp4:
0x113: {  	(pc) =	sbr.rel @!p0 .LBB2_9-.Ltmp4, $1  }
0x114: {  	_ =	sdelay $0x3  }
0x115: {  	_ =	swait.ge [sflag:s12], $0x80  }
0x116: {  	[sflag:s12] =	ssyncset.done $0x0  }
0x117: {  	[sflag:s12] =	ssyncadd.s32 $0xFFFFFF80  }
0x118: {  	_ =	swait.ge [sflag:s12], $0x80  }
0x119: {  	[sflag:s12] =	ssyncset.done $0x0  }
0x11a: {  	[sflag:s12] =	ssyncadd.s32 $0xFFFFFF80  }
0x11b: {  	[tilespmem:s13], [sflag:$0x4] =	stream.indirect.gather [hbm4b:s4+s5], $0x80, s5, s5, $0xb8;
	[tilespmem:$0x1E200] =	vst v63  }
0x11c: {  	_ =	swait.ge [sflag:s14], $0x4000  }
0x11d: {  	[sflag:s14] =	ssyncset.done $0x0  }
0x11e: {  	[sflag:s14] =	ssyncadd.s32 $0xFFFFC000  }
0x11f: {  	[spmem:s1] =	stream.indirect.scatter.add.f32 [tilespmem:s7], [sflag:$0x5], $0x80, s23, s5, $0xb8;
	[tilespmem:$0x1E200] =	vst v63  }
0x120: {  	_ =	swait.ge [sflag:s11], $0x4000  }
0x121: {  	[sflag:s11] =	ssyncset.done $0x0  }
0x122: {  	s19 =	sadd.s32 $0x0, s0;
	[sflag:s11] =	ssyncadd.s32 $0xFFFFC000  }
0x123: {  	[tilespmem:s3], [sflag:$0x1] =	stream.linear.gather [hbm4b:s19+s3], $0x80, $0x38;
	[tilespmem:$0x1E200] =	vst v63  }
0x124: {  	s28 =	sadd.s32 $0x0, s30  }
0x125: {  	[tilespmem:s23], [sflag:$0x1] =	stream.linear.gather [hbm4b:s28+s3], $0x80, $0x38;
	[tilespmem:$0x1E200] =	vst v63  }
0x126: {  	_ =	swait.ge [sflag:s24], $0x80  }
0x127: {  	[sflag:s24] =	ssyncset.done $0x0  }
0x128: {  	[sflag:s24] =	ssyncadd.s32 $0xFFFFFF80  }
0x129: {  	_ =	swait.ge [sflag:s24], $0x80  }
0x12a: {  	[sflag:s24] =	ssyncset.done $0x0  }
0x12b: {  	[sflag:s24] =	ssyncadd.s32 $0xFFFFFF80  }
0x12c: {  	[tilespmem:s7], [sflag:$0x3] =	stream.indirect.gather [hbm4b:s4+s5], $0x80, s3, s5, $0xb8;
	[tilespmem:$0x1E200] =	vst v63  }
0x12d: {  	_ =	swait.ge [sflag:s15], $0x4000  }
0x12e: {  	[sflag:s15] =	ssyncset.done $0x0  }
0x12f: {  	s10 =	smov.u32 s22;
	s22 =	smov.u32 s21;
	[sflag:s15] =	ssyncadd.s32 $0xFFFFC000  }
0x130: {  	[spmem:s1] =	stream.indirect.scatter.add.f32 [tilespmem:s13], [sflag:$0x5], $0x80, s8, s5, $0xb8;
	[tilespmem:$0x1E200] =	vst v63  }
0x131: {  	s21 =	smov.u32 s20;
	s20 =	smov.u32 s17;
	_ =	swait.ge [sflag:s11], $0x4000  }
0x132: {  	s17 =	smov.u32 s6;
	s29 =	sadd.s32 $0x0, s2;
	[sflag:s11] =	ssyncset.done $0x0  }
0x133: {  	s25 =	sadd.s32 $0x0, s31;
	s19 =	simm.s32 $0x20;
	[sflag:s11] =	ssyncadd.s32 $0xFFFFC000  }
0x134: {  	[tilespmem:s5], [sflag:$0x2] =	stream.linear.gather [hbm4b:s29+s3], $0x80, $0x38;
	[tilespmem:$0x1E200] =	vst v63  }
.LBB2_7:
0x135: {  	[tilespmem:s8], [sflag:$0x2] =	stream.linear.gather [hbm4b:s25+s3], $0x80, $0x38;
	[tilespmem:$0x1E200] =	vst v63  }
0x136: {  	s25 =	smov.u32 s19  }
0x137: {  	p3 =	sne.s32 s19, $0x480;
	s19 =	sadd.s32 $0x20, s19;
	_ =	swait.ge [sflag:s12], $0x80  }
0x138: {  	[sflag:s12] =	ssyncset.done $0x0  }
0x139: {  	[sflag:s12] =	ssyncadd.s32 $0xFFFFFF80  }
0x13a: {  	_ =	swait.ge [sflag:s12], $0x80  }
0x13b: {  	[sflag:s12] =	ssyncset.done $0x0  }
0x13c: {  	[sflag:s12] =	ssyncadd.s32 $0xFFFFFF80  }
0x13d: {  	[tilespmem:s13], [sflag:$0x4] =	stream.indirect.gather [hbm4b:s4+s5], $0x80, s5, s5, $0xb8;
	[tilespmem:$0x1E200] =	vst v63  }
0x13e: {  	_ =	swait.ge [sflag:s14], $0x4000  }
0x13f: {  	[sflag:s14] =	ssyncset.done $0x0  }
0x140: {  	[sflag:s14] =	ssyncadd.s32 $0xFFFFC000  }
0x141: {  	[spmem:s1] =	stream.indirect.scatter.add.f32 [tilespmem:s7], [sflag:$0x5], $0x80, s23, s5, $0xb8;
	[tilespmem:$0x1E200] =	vst v63  }
0x142: {  	_ =	swait.ge [sflag:s11], $0x4000  }
0x143: {  	[sflag:s11] =	ssyncset.done $0x0  }
0x144: {  	s26 =	sadd.s32 s25, s0;
	[sflag:s11] =	ssyncadd.s32 $0xFFFFC000  }
0x145: {  	[tilespmem:s3], [sflag:$0x1] =	stream.linear.gather [hbm4b:s26+s3], $0x80, $0x38;
	[tilespmem:$0x1E200] =	vst v63  }
0x146: {  	s26 =	sadd.s32 s25, s30  }
0x147: {  	[tilespmem:s23], [sflag:$0x1] =	stream.linear.gather [hbm4b:s26+s3], $0x80, $0x38;
	[tilespmem:$0x1E200] =	vst v63  }
0x148: {  	_ =	swait.ge [sflag:s24], $0x80  }
0x149: {  	[sflag:s24] =	ssyncset.done $0x0  }
0x14a: {  	[sflag:s24] =	ssyncadd.s32 $0xFFFFFF80  }
0x14b: {  	_ =	swait.ge [sflag:s24], $0x80  }
0x14c: {  	[sflag:s24] =	ssyncset.done $0x0  }
0x14d: {  	[sflag:s24] =	ssyncadd.s32 $0xFFFFFF80  }
0x14e: {  	[tilespmem:s7], [sflag:$0x3] =	stream.indirect.gather [hbm4b:s4+s5], $0x80, s3, s5, $0xb8;
	[tilespmem:$0x1E200] =	vst v63  }
0x14f: {  	_ =	swait.ge [sflag:s15], $0x4000  }
0x150: {  	[sflag:s15] =	ssyncset.done $0x0  }
0x151: {  	[sflag:s15] =	ssyncadd.s32 $0xFFFFC000  }
0x152: {  	[spmem:s1] =	stream.indirect.scatter.add.f32 [tilespmem:s13], [sflag:$0x5], $0x80, s8, s5, $0xb8;
	[tilespmem:$0x1E200] =	vst v63  }
.Ltmp5:
0x153: {  	_ =	swait.ge [sflag:s11], $0x4000;
	(pc) =	sbr.rel @p3 .LBB2_7-.Ltmp5, $4  }
0x154: {  	[sflag:s11] =	ssyncset.done $0x0  }
0x155: {  	s26 =	sadd.s32 s25, s2;
	[sflag:s11] =	ssyncadd.s32 $0xFFFFC000  }
0x156: {  	[tilespmem:s5], [sflag:$0x2] =	stream.linear.gather [hbm4b:s26+s3], $0x80, $0x38;
	[tilespmem:$0x1E200] =	vst v63  }
0x157: {  	s25 =	sadd.s32 s25, s31  }
.Ltmp6:
0x158: {  	_ = 	snop;
	(pc) =	sbr.rel .LBB2_8-.Ltmp6, $1  }
0x159: {  	_ =	sdelay $0x3  }
.LBB2_10:
0x15a: {  	_ =	sfence.sel $0x180000  }
0x15b: {  	[bflag:$0x0] =	sbarrier.arrive $0xFFFF  }
0x15c: {  	_ =	strace $0x9000004A  }
0x15d: {  	s0 =	stileid.u32;
	[bflag:$0x2] =	sbarrier.arrive $0xFFFF  }
0x15e: {  	p0 =	sne.s32 s0, $0x0;
	s0 =	rddreg [dreg:$0x2]  }
0x15f: {  	s0 =	sadd.s32 @!p0 $0x100000, s0  }
0x160: {  	[sflag:s0] =	ssyncadd.tile.s32 @!p0 $0x1;
	_ =	shalt  }
.Lfunc_end2:
_tile_overlayer_lowered:
.L_overlay_start_2:
0x161: {  	(tag) =	ssettag $0x2  }
0x162: {  	s0 =	rddreg [dreg:$0x0];
	s2 =	stileid.u32  }
0x163: {  	s1 =	rddreg [dreg:$0x1];
	p0 =	sne.s32 s2, $0x0  }
0x164: {  	s3 =	rddreg [dreg:$0x2];
	[bflag:$0x3] =	sbarrier.arrive $0xFFFF;
	s2 =	simm.s32 @!p0 $0x1C05  }
0x165: {  	[timem:s3], [sflag:s2] =	dma.local @!p0 [hbm:s0], s1  }
0x166: {  	s0 =	simm.s32 @!p0 $0x5  }
0x167: {  	_ =	swait.ge @!p0 [sflag:s0], s1  }
0x168: {  	s1 =	ssub.s32 @!p0 $0x0, s1;
	[sflag:s0] =	ssyncset.done @!p0 $0x0  }
0x169: {  	[sflag:s0] =	ssyncadd.s32 @!p0 s1  }
0x16a: {  	[bflag:$0x3] =	sbarrier.arrive $0xFFFF  }
0x16b: {  	_ =	shalt  }

// kernel: kernel.15.cloned.1.call-start
scs
__scs_entry_jumppad:
0x0: {  	(pc) =	sbr.rel $0x88, $3  }
0x1: {  	(tag) =	ssettag $0x0;
	lr =	simm.s32 $0x1  }
0x2: {  	[smem:$0x3F98] =	sst lr;
	_ =	strace $0xD0000000  }
0x3: {  	_ = 	snop  }
0x4: {  	_ = 	snop  }
0x5: {  	_ = 	snop  }
0x6: {  	_ = 	snop  }
0x7: {  	_ = 	snop  }
__scs_overlays_trampoline_lowered:
0x8: {  	[smem:$0x3FA7] =	sst s0  }
0x9: {  	[smem:$0x3FA8] =	sst s1  }
0xa: {  	[smem:$0x3FA9] =	sst s2  }
0xb: {  	[smem:$0x3FAA] =	sst s3  }
0xc: {  	[smem:$0x3FAB] =	sst s4  }
0xd: {  	[smem:$0x3FAC] =	sst s5  }
0xe: {  	[smem:$0x3FAD] =	sst s6  }
0xf: {  	[smem:$0x3FAE] =	sst s7  }
0x10: {  	[smem:$0x3FAF] =	sst s8  }
0x11: {  	[smem:$0x3FB0] =	sst s9;
	s0 =	simm.s32 @!p0 $0x0  }
0x12: {  	s1 =	sld [smem:$0x3F96];
	s0 =	simm.s32 @p0 $0x1  }
0x13: {  	[smem:$0x3FB1] =	sst s0;
	s0 =	simm.s32 @!p1 $0x0  }
0x14: {  	s2 =	sld [smem:$0x3F95];
	s0 =	simm.s32 @p1 $0x1  }
0x15: {  	[smem:$0x3FB2] =	sst s0;
	s0 =	simm.s32 @!p2 $0x0  }
0x16: {  	s3 =	sld [smem:$0x3FDB];
	s0 =	simm.s32 @p2 $0x1  }
0x17: {  	s4 =	simm.s32 $0x1BF5;
	[smem:$0x3FB4] =	sst s0  }
0x18: {  	s0 =	sld [smem:$0x3F97];
	_ =	swait.ge [sflag:s4], $0x0  }
0x19: {  	s7 =	sld [smem:$0x3F98]  }
0x1a: {  	s8 =	sadd.s32 $0xFFFFE003, lr  }
0x1b: {  	s9 =	sadd.s32 $0xFFFFFEF7, lr;
	s5 =	simm.s32 $0xFFFFFFFF;
	p2 =	slt.u32 s8, $0xFFFFF086  }
0x1c: {  	p1 =	slt.u32 s9, $0xF7A;
	s5 =	simm.s32 @!p2 $0x0  }
0x1d: {  	s5 =	simm.s32 @p1 $0x1;
	p0 =	seq.s32 s7, s2  }
0x1e: {  	s7 =	smul.u32 @!p0 $0xF7A, s2;
	p2 =	seq.s32 @!p0 s5, $0x0  }
0x1f: {  	s9 =	smul.u32 $0xF7A, s1;
	s8 =	simm.s32 @!p0 $0x1BF5;
	p2 =	por !p2, p0  }
0x20: {  	[sflag:s8] =	ssyncset.s32 @!p0 $0xFFFFF086;
	s6 =	sadd.s32 @!p0 s3, s7;
	s7 =	simm.s32 @!p0 $0x108  }
0x21: {  	s3 =	sadd.s32 s3, s9;
	s6 =	sadd.s32 @!p0 $0x88, s6;
	s7 =	simm.s32 @p2 $0x1082  }
0x22: {  	[simem:s7], [sflag:s8] =	dma.local @!p0 [hbm:s6], $0xF7A  }
0x23: {  	s9 =	sor.u32 $0xD0000000, s2;
	s6 =	simm.s32 $0x108;
	_ =	swait.ge @!p0 [sflag:s8], $0x0  }
0x24: {  	s3 =	sadd.s32 $0x88, s3;
	s6 =	simm.s32 @!p1 $0x1082;
	[sflag:s4] =	ssyncset.s32 $0xFFFFF086  }
0x25: {  	[simem:s6], [sflag:s4] =	dma.local [hbm:s3], $0xF7A  }
0x26: {  	[smem:$0x3F98] =	sst s1;
	(tag) =	ssettag s2;
	_ =	strace s9  }
0x27: {  	s1 =	sld [smem:$0x3FA8]  }
0x28: {  	s2 =	sld [smem:$0x3FA9]  }
0x29: {  	s4 =	sld [smem:$0x3FAB]  }
0x2a: {  	p0 =	seq.s32 s5, $0x0;
	s5 =	sld [smem:$0x3FAC]  }
0x2b: {  	s6 =	sld [smem:$0x3FAD]  }
0x2c: {  	s7 =	sld [smem:$0x3FAE]  }
0x2d: {  	s3 =	simm.s32 $0x108;
	s8 =	sld [smem:$0x3FAF]  }
0x2e: {  	s3 =	simm.s32 @!p0 $0x1082;
	s9 =	sld [smem:$0x3FB0]  }
0x2f: {  	lr =	sadd.s32 s0, s3;
	s0 =	sld [smem:$0x3FA7]  }
0x30: {  	s3 =	sld [smem:$0x3FAA]  }
0x31: {  	[smem:$0x3FB3] =	sst s10  }
0x32: {  	s10 =	sld [smem:$0x3FB1];
	_ =	sdelay $0x3  }
0x33: {  	p0 =	seq.s32 s10, $0x1;
	s10 =	sld [smem:$0x3FB3];
	_ =	sdelay $0x3  }
0x34: {  	[smem:$0x3FB3] =	sst s10  }
0x35: {  	s10 =	sld [smem:$0x3FB2];
	_ =	sdelay $0x3  }
0x36: {  	p1 =	seq.s32 s10, $0x1;
	s10 =	sld [smem:$0x3FB3];
	_ =	sdelay $0x3  }
0x37: {  	[smem:$0x3FB3] =	sst s10  }
0x38: {  	s10 =	sld [smem:$0x3FB4]  }
0x39: {  	_ = 	snop;
	(pc) =	sbr.ind lr, $3  }
0x3a: {  	_ = 	snop  }
0x3b: {  	_ = 	snop  }
0x3c: {  	p2 =	seq.s32 s10, $0x1;
	s10 =	sld [smem:$0x3FB3]  }
0x3d: {  	_ =	shalt  }
0x3e: {  	_ =	shalt  }
0x3f: {  	_ =	shalt  }
0x40: {  	_ =	shalt  }
0x41: {  	_ =	shalt  }
0x42: {  	_ =	shalt  }
0x43: {  	_ =	shalt  }
0x44: {  	_ =	shalt  }
0x45: {  	_ =	shalt  }
0x46: {  	_ =	shalt  }
0x47: {  	_ =	shalt  }
0x48: {  	_ =	shalt  }
0x49: {  	_ =	shalt  }
0x4a: {  	_ =	shalt  }
0x4b: {  	_ =	shalt  }
0x4c: {  	_ =	shalt  }
0x4d: {  	_ =	shalt  }
0x4e: {  	_ =	shalt  }
0x4f: {  	_ =	shalt  }
0x50: {  	_ =	shalt  }
0x51: {  	_ =	shalt  }
0x52: {  	_ =	shalt  }
0x53: {  	_ =	shalt  }
0x54: {  	_ =	shalt  }
0x55: {  	_ =	shalt  }
0x56: {  	_ =	shalt  }
0x57: {  	_ =	shalt  }
0x58: {  	_ =	shalt  }
0x59: {  	_ =	shalt  }
0x5a: {  	_ =	shalt  }
0x5b: {  	_ =	shalt  }
0x5c: {  	_ =	shalt  }
0x5d: {  	_ =	shalt  }
0x5e: {  	_ =	shalt  }
0x5f: {  	_ =	shalt  }
0x60: {  	_ =	shalt  }
0x61: {  	_ =	shalt  }
0x62: {  	_ =	shalt  }
0x63: {  	_ =	shalt  }
0x64: {  	_ =	shalt  }
0x65: {  	_ =	shalt  }
0x66: {  	_ =	shalt  }
0x67: {  	_ =	shalt  }
0x68: {  	_ =	shalt  }
0x69: {  	_ =	shalt  }
0x6a: {  	_ =	shalt  }
0x6b: {  	_ =	shalt  }
0x6c: {  	_ =	shalt  }
0x6d: {  	_ =	shalt  }
0x6e: {  	_ =	shalt  }
0x6f: {  	_ =	shalt  }
0x70: {  	_ =	shalt  }
0x71: {  	_ =	shalt  }
0x72: {  	_ =	shalt  }
0x73: {  	_ =	shalt  }
0x74: {  	_ =	shalt  }
0x75: {  	_ =	shalt  }
0x76: {  	_ =	shalt  }
0x77: {  	_ =	shalt  }
0x78: {  	_ =	shalt  }
0x79: {  	_ =	shalt  }
0x7a: {  	_ =	shalt  }
0x7b: {  	_ =	shalt  }
0x7c: {  	_ =	shalt  }
0x7d: {  	_ =	shalt  }
0x7e: {  	_ =	shalt  }
0x7f: {  	_ =	shalt  }
0x80: {  	_ =	shalt  }
0x81: {  	_ =	shalt  }
0x82: {  	_ =	shalt  }
0x83: {  	_ =	shalt  }
0x84: {  	_ =	shalt  }
0x85: {  	_ =	shalt  }
0x86: {  	_ =	shalt  }
0x87: {  	_ =	shalt  }
.Lfunc_end0:
.L_simem_size_0:
called_computation.2_lowered:
.L_overlay_start_0:
0x88: {  	s2 =	sld [smem:$0x3FD9]  }
0x89: {  	s3 =	sld [smem:$0x3FFE];
	_ =	sdelay $0x1  }
0x8a: {  	s1 =	srdreg.scid  }
0x8b: {  	s0 =	sand.u32 $0x1, s1  }
0x8c: {  	s16 =	sshll.u32 s0, $0xA;
	s2 =	sadd.s32 s3, s2  }
0x8d: {  	s2 =	sadd.s32 s2, s16  }
0x8e: {  	[smem:$0x3FBF] =	sst s2  }
0x8f: {  	_ = 	snop  }
0x90: {  	(tm) =	ssettm $0x1  }
0x91: {  	s17 =	sld [smem:$0x3FFB];
	_ =	sdelay $0x3  }
0x92: {  	_ =	strace s17  }
0x93: {  	s2 =	sld [smem:$0x3FFC];
	_ =	sdelay $0x3  }
0x94: {  	_ =	strace s2  }
0x95: {  	s2 =	sld [smem:$0x3FFD];
	_ =	sdelay $0x3  }
0x96: {  	_ =	strace s2  }
0x97: {  	_ =	strace $0x8FFFFFFF  }
0x98: {  	s18 =	sld [smem:$0x3FDB];
	_ =	sdelay $0x1  }
0x99: {  	s19 =	simm.s32 $_scs_section_size  }
0x9a: {  	s4 =	simm.s32 $_size__tile_overlayer_lowered;
	s5 =	simm.s32 $_tile_overlayer_lowered  }
0x9b: {  	s22 =	simm.s32 $0x1BFF;
	s21 =	sshll.u32 s5, $0x1;
	s2 =	sadd.s32 s19, s18  }
0x9c: {  	s6 =	simm.s32 $0x0;
	s20 =	sshll.u32 s4, $0x1;
	s4 =	sadd.s32 s21, s2  }
0x9d: {  	[timem:s6], [sflag:s22] =	dma.local [hbm:s4], s20  }
0x9e: {  	_ =	swait.ge [sflag:s22], s20  }
0x9f: {  	s3 =	ssub.s32 $0x0, s20;
	[sflag:s22] =	ssyncset.done $0x0  }
0xa0: {  	[sflag:s22] =	ssyncadd.s32 s3;
	_ =	sdelay $0x1  }
0xa1: {  	s23 =	simm.s32 $0x1B8B  }
0xa2: {  	_ =	swait.ge [sflag:s23], $0x1  }
0xa3: {  	[sflag:s23] =	ssyncset.done $0x0  }
0xa4: {  	s25 =	simm.s32 $0x1B8E;
	s24 =	sld [smem:$0x3FFE];
	[sflag:s23] =	ssyncadd.s32 $0xFFFFFFFF  }
0xa5: {  	s26 =	simm.s32 $execute0_lowered;
	[smem:$0x3FD2] =	sst s25  }
0xa6: {  	s4 =	sshll.u32 s26, $0x1;
	_ =	strace $0x8000004C;
	[dreg:$0x1] =	wrdreg $0xFFFFFFFF  }
0xa7: {  	s28 =	simm.s32 $_size_execute0_lowered;
	s2 =	sadd.s32 s2, s4;
	[dreg:$0x0] =	wrdreg $0x0  }
0xa8: {  	s4 =	sshll.u32 s28, $0x1;
	[dreg:$0x2] =	wrdreg s2  }
0xa9: {  	[dreg:$0x3] =	wrdreg s4  }
0xaa: {  	[dreg:$0x4] =	wrdreg $0xC0  }
0xab: {  	_ =	task [dreg:s6], $0x5FFFF  }
0xac: {  	[dreg:$0x1] =	wrdreg $0xFFFFFFFF  }
0xad: {  	[dreg:$0x0] =	wrdreg $0x60  }
0xae: {  	[dreg:$0x2] =	wrdreg s24  }
0xaf: {  	[dreg:$0x3] =	wrdreg $0xA2000  }
0xb0: {  	[dreg:$0x4] =	wrdreg $0x9  }
0xb1: {  	_ =	task.clear_ibuf [dreg:s6], $0x5FFFF;
	_ =	strace $0x9000004C  }
0xb2: {  	s29 =	simm.s32 $0x9;
	_ =	strace $0x8000004E  }
0xb3: {  	_ =	swait.ge [sflag:s29], $0x1  }
0xb4: {  	[sflag:s29] =	ssyncadd.s32 $0xFFFFFFFF  }
0xb5: {  	_ =	strace $0x9000004E  }
0xb6: {  	_ =	sfence  }
0xb7: {  	s30 =	sld [smem:$0x0];
	_ =	sdelay $0x2  }
0xb8: {  	s31 =	sshll.u32 s1, $0xD;
	s1 =	sshrl.u32 s1, $0x2  }
0xb9: {  	s3 =	sand.u32 $0x4000, s31;
	s1 =	sadd.s32 s1, s30  }
0xba: {  	s0 =	sor.u32 s3, s0;
	s1 =	sshll.u32 s1, $0x11  }
0xbb: {  	s0 =	sor.u32 s1, s0  }
0xbc: {  	s0 =	sadd.s32 $0x8F2B, s0  }
0xbd: {  	[sflag:s0] =	ssyncadd.remote.s32 $0x1  }
0xbe: {  	_ =	sfence.sel $0xFFFF  }
0xbf: {  	[dreg:$0x0] =	wrdreg $0xFFFFFFFF;
	(pc) =	sbr.abs _section_cstart, $3  }
0xc0: {  	[dreg:$0x1] =	wrdreg $0xFFFFFFFF  }
0xc1: {  	_ =	task.clear_ibuf [dreg:s6], $0x2FFFF;
	_ =	strace $0x9FFFFFFF  }
0xc2: {  	(tm) =	ssettm $0x7FFFFFFF  }
0xc3: {  	_ =	shalt  }
tec
execute0_lowered:
.L_overlay_start_1:
0x0: {  	(tag) =	ssettag $0x1  }
0x1: {  	s0 =	rddreg [dreg:$0x0]  }
0x2: {  	s1 =	rddreg [dreg:$0x1]  }
0x3: {  	s3 =	simm.s32 $0x0;
	s19 =	stileid.u32;
	s2 =	srdreg.scid  }
0x4: {  	[smem:$0x7FF] =	sst s3;
	s5 =	smul.u32 $0x2600, s19  }
0x5: {  	s4 =	sadd.s32 $0x17000, s0;
	s7 =	sadd.s32 $0x3200, s0;
	s6 =	smul.u32 $0x2800, s19  }
0x6: {  	s2 =	sand.u32 $0x1, s2;
	s8 =	sshll.u32 s19, $0x4;
	s24 =	smul.u32 $0x50000, s19  }
0x7: {  	s9 =	sadd.s32 $0x3E200, s0;
	s11 =	smul.u32 $0x14000, s19;
	p2 =	sgt.u32 s19, $0x3  }
0x8: {  	_ =	strace $0x8000004D;
	p0 =	seq.s32 s2, $0x0;
	s8 =	sadd.s32 s8, s0  }
0x9: {  	[dreg:$0x14] =	wrdreg s9;
	s0 =	sadd.s32 $0x3E600, s0;
	s23 =	ssub.s32 $0x2, s2  }
0xa: {  	s12 =	smul.u32 $0x140000, s2;
	p1 =	sne.s32 s2, $0x0;
	s5 =	sadd.s32 $0x28000, s5  }
0xb: {  	s10 =	sshrl.u32 s23, $0x1;
	s13 =	sadd.s32 $0x8000, s11;
	s14 =	sadd.s32 $0xC000, s11  }
0xc: {  	s5 =	smov.u32 @p0 s6;
	s9 =	ssub.s32 s23, s10;
	s15 =	sadd.s32 s11, s12  }
0xd: {  	s26 =	sadd.s32 s12, s13;
	s18 =	sadd.s32 s12, s14;
	s28 =	sadd.s32 s14, s1  }
0xe: {  	p0 =	seq.s32 s2, $0x1;
	s14 =	sadd.s32 $0x16C00, s8;
	s5 =	sshrl.u32 s5, $0x3  }
0xf: {  	s15 =	sshrl.u32 s15, $0x3;
	s23 =	sshrl.u32 s18, $0x3;
	[dreg:$0xe] =	wrdreg s14  }
0x10: {  	s14 =	simm.s32 $0x3;
	[dreg:$0xc] =	wrdreg s28;
	s6 =	sadd.s32 s7, s5  }
0x11: {  	s5 =	sshrl.u32 s24, $0x2;
	s22 =	sadd.s32 s0, s15;
	s24 =	smul.u32 $0x500, s19  }
0x12: {  	s17 =	sadd.s32 $0x9C40, s6;
	s20 =	sadd.s32 $0x10, s6;
	s21 =	sadd.s32 $0x9C50, s6  }
0x13: {  	s10 =	sadd.s32 s5, s1;
	s5 =	sadd.s32 $0x4000, s11;
	s11 =	sadd.s32 $0x10000, s11  }
0x14: {  	s30 =	sadd.s32 $0x9C60, s6;
	s31 =	sadd.s32 $0x9C70, s6;
	s2 =	sadd.s32 $0x30, s6  }
0x15: {  	s16 =	sadd.s32 s12, s5;
	s19 =	sadd.s32 $0xA000, s10;
	[dreg:$0x3] =	wrdreg s10  }
0x16: {  	s18 =	sadd.s32 s24, s7;
	s24 =	sadd.s32 $0x12000, s10;
	[dreg:$0x11] =	wrdreg s19  }
0x17: {  	s29 =	sadd.s32 s11, s1;
	s25 =	sshrl.u32 s16, $0x3;
	[dreg:$0x13] =	wrdreg s24  }
0x18: {  	s16 =	sshrl.u32 s26, $0x3;
	s26 =	sadd.s32 $0x2000, s10;
	[dreg:$0xd] =	wrdreg s29  }
0x19: {  	s12 =	sadd.s32 s12, s11;
	s15 =	sadd.s32 s0, s25;
	[dreg:$0x8] =	wrdreg s26  }
0x1a: {  	s7 =	simm.s32 $0x200;
	s25 =	sadd.s32 s5, s1;
	[dreg:$0x4] =	wrdreg s15  }
0x1b: {  	s11 =	simm.s32 $0x5;
	s26 =	sadd.s32 s13, s1;
	[dreg:$0x9] =	wrdreg s25  }
0x1c: {  	s12 =	sshrl.u32 s12, $0x3;
	s15 =	sadd.s32 s0, s16;
	[dreg:$0xb] =	wrdreg s26  }
0x1d: {  	s24 =	simm.s32 $0x1;
	s16 =	smax.u32 s9, $0x1;
	[dreg:$0x5] =	wrdreg s15  }
0x1e: {  	s5 =	simm.s32 $0x80;
	s15 =	sadd.s32 s0, s23;
	[dreg:$0x10] =	wrdreg s16  }
0x1f: {  	s13 =	simm.s32 $0x4200;
	s0 =	sadd.s32 s0, s12;
	[dreg:$0x6] =	wrdreg s15  }
.Ltmp0:
0x20: {  	s12 =	sadd.s32 $0x6000, s10;
	[dreg:$0x7] =	wrdreg s0;
	(pc) =	sbr.rel .LBB2_1-.Ltmp0, $4  }
0x21: {  	s9 =	simm.s32 $0x8200;
	s23 =	sadd.s32 $0xE000, s10;
	[dreg:$0xa] =	wrdreg s12  }
0x22: {  	s16 =	simm.s32 $0x0;
	s15 =	sadd.s32 $0x16E00, s8;
	[dreg:$0x12] =	wrdreg s23  }
0x23: {  	s0 =	sadd.s32 $0x20, s6;
	s23 =	simm.s32 $0x100;
	s8 =	simm.s32 $0x180  }
0x24: {  	s12 =	simm.s32 $0x2;
	[dreg:$0xf] =	wrdreg s15;
	s15 =	simm.s32 $0x4  }
.LBB2_8:
0x25: {  	[tilespmem:s8], [sflag:$0x2] =	stream.linear.gather [hbm4b:s25+s3], $0x80, $0x38;
	[tilespmem:$0x1E200] =	vst v63  }
0x26: {  	_ =	swait.ge [sflag:s12], $0x80  }
0x27: {  	[sflag:s12] =	ssyncset.done $0x0  }
0x28: {  	[sflag:s12] =	ssyncadd.s32 $0xFFFFFF80  }
0x29: {  	_ =	swait.ge [sflag:s12], $0x80  }
0x2a: {  	[sflag:s12] =	ssyncset.done $0x0  }
0x2b: {  	[sflag:s12] =	ssyncadd.s32 $0xFFFFFF80  }
0x2c: {  	[tilespmem:s13], [sflag:$0x4] =	stream.indirect.gather [hbm4b:s4+s5], $0x80, s5, s5, $0xb8;
	[tilespmem:$0x1E200] =	vst v63  }
0x2d: {  	_ =	swait.ge [sflag:s14], $0x4000  }
0x2e: {  	[sflag:s14] =	ssyncset.done $0x0  }
0x2f: {  	[sflag:s14] =	ssyncadd.s32 $0xFFFFC000  }
0x30: {  	[spmem:s1] =	stream.indirect.scatter.add.f32 [tilespmem:s7], [sflag:$0x5], $0x80, s23, s5, $0xb8;
	[tilespmem:$0x1E200] =	vst v63  }
0x31: {  	_ =	swait.ge [sflag:s11], $0x4000  }
0x32: {  	[sflag:s11] =	ssyncset.done $0x0  }
0x33: {  	[sflag:s11] =	ssyncadd.s32 $0xFFFFC000  }
0x34: {  	_ =	swait.ge [sflag:s15], $0x4000  }
0x35: {  	[sflag:s15] =	ssyncset.done $0x0  }
0x36: {  	[sflag:s15] =	ssyncadd.s32 $0xFFFFC000  }
0x37: {  	[spmem:s1] =	stream.indirect.scatter.add.f32 [tilespmem:s13], [sflag:$0x5], $0x80, s8, s5, $0xb8;
	[tilespmem:$0x1E200] =	vst v63  }
0x38: {  	_ =	swait.ge [sflag:s11], $0x4000  }
0x39: {  	[sflag:s11] =	ssyncset.done $0x0  }
0x3a: {  	s19 =	simm.s32 @!p2 $0x0;
	s25 =	rddreg [dreg:$0xe];
	[sflag:s11] =	ssyncadd.s32 $0xFFFFC000  }
0x3b: {  	[tilespmem:s19], [sflag:$0x5] =	stream.linear.gather @!p2 [hbm4b:s25+s19], $0x80, $0x38;
	[tilespmem:$0x1E200] =	vst v63  }
0x3c: {  	s25 =	simm.s32 @!p2 $0x5  }
0x3d: {  	_ =	swait.ge @!p2 [sflag:s25], $0x80  }
0x3e: {  	[sflag:s25] =	ssyncset.done @!p2 $0x0  }
0x3f: {  	s26 =	simm.s32 @!p2 $0x100;
	s28 =	rddreg [dreg:$0xf];
	[sflag:s25] =	ssyncadd.s32 @!p2 $0xFFFFFF80  }
0x40: {  	[tilespmem:s26], [sflag:$0x5] =	stream.linear.gather @!p2 [hbm4b:s28+s19], $0x80, $0x38;
	[tilespmem:$0x1E200] =	vst v63  }
0x41: {  	_ =	swait.ge @!p2 [sflag:s25], $0x80  }
0x42: {  	[sflag:s25] =	ssyncset.done @!p2 $0x0  }
0x43: {  	s29 =	simm.s32 @!p2 $0x200;
	s28 =	simm.s32 @!p2 $0x80;
	[sflag:s25] =	ssyncadd.s32 @!p2 $0xFFFFFF80  }
0x44: {  	[tilespmem:s29], [sflag:$0x5] =	stream.indirect.gather @!p2 [hbm4b:s4+s28], $0x80, s19, s28, $0xb8;
	[tilespmem:$0x1E200] =	vst v63  }
0x45: {  	_ =	swait.ge @!p2 [sflag:s25], $0x4000  }
0x46: {  	[sflag:s25] =	ssyncset.done @!p2 $0x0  }
0x47: {  	s6 =	smov.u32 s17;
	[sflag:s25] =	ssyncadd.s32 @!p2 $0xFFFFC000  }
0x48: {  	[spmem:s1] =	stream.indirect.scatter.add.f32 @!p2 [tilespmem:s29], [sflag:$0x5], $0x80, s26, s28, $0xb8;
	[tilespmem:$0x1E200] =	vst v63  }
0x49: {  	s17 =	smov.u32 s20;
	s20 =	smov.u32 s21;
	_ =	swait.ge @!p2 [sflag:s25], $0x4000  }
0x4a: {  	s21 =	smov.u32 s22;
	s22 =	smov.u32 s10;
	s10 =	rddreg [dreg:$0x3]  }
0x4b: {  	s26 =	rddreg [dreg:$0xb]  }
0x4c: {  	[sflag:s25] =	ssyncset.done @!p2 $0x0;
	s28 =	rddreg [dreg:$0xc]  }
0x4d: {  	[sflag:s25] =	ssyncadd.s32 @!p2 $0xFFFFC000;
	s25 =	rddreg [dreg:$0x9]  }
.LBB2_9:
0x4e: {  	[bflag:$0x0] =	sbarrier.arrive $0xFFFF  }
0x4f: {  	[tilespmem:s7], [sflag:$0x5] =	stream.linear.gather [spmem:s10], $0x4000, $0x38;
	[tilespmem:$0x1E200] =	vst v63  }
0x50: {  	_ =	swait.ge [sflag:s11], $0x4000  }
0x51: {  	[sflag:s11] =	ssyncset.done $0x0  }
0x52: {  	[sflag:s11] =	ssyncadd.s32 $0xFFFFC000  }
0x53: {  	[hbm4b:s22+s3] =	stream.linear.scatter [tilespmem:s7], [sflag:$0x1], $0x4000, $0x38;
	[tilespmem:$0x1E200] =	vst v63  }
0x54: {  	_ = 	snop  }
0x55: {  	[tilespmem:s13], [sflag:$0x5] =	stream.linear.gather [spmem:s25], $0x4000, $0x38;
	[tilespmem:$0x1E200] =	vst v63  }
0x56: {  	_ =	swait.ge [sflag:s11], $0x4000  }
0x57: {  	[sflag:s11] =	ssyncset.done $0x0  }
0x58: {  	s19 =	rddreg [dreg:$0x4];
	[sflag:s11] =	ssyncadd.s32 $0xFFFFC000  }
0x59: {  	[hbm4b:s19+s3] =	stream.linear.scatter [tilespmem:s13], [sflag:$0x2], $0x4000, $0x38;
	[tilespmem:$0x1E200] =	vst v63  }
0x5a: {  	_ =	swait.ge [sflag:s24], $0x4000  }
0x5b: {  	[sflag:s24] =	ssyncset.done $0x0  }
0x5c: {  	[sflag:s24] =	ssyncadd.s32 $0xFFFFC000  }
0x5d: {  	[tilespmem:s7], [sflag:$0x5] =	stream.linear.gather [spmem:s26], $0x4000, $0x38;
	[tilespmem:$0x1E200] =	vst v63  }
0x5e: {  	_ =	swait.ge [sflag:s11], $0x4000  }
0x5f: {  	[sflag:s11] =	ssyncset.done $0x0  }
0x60: {  	s19 =	rddreg [dreg:$0x5];
	[sflag:s11] =	ssyncadd.s32 $0xFFFFC000  }
0x61: {  	[hbm4b:s19+s3] =	stream.linear.scatter [tilespmem:s7], [sflag:$0x1], $0x4000, $0x38;
	[tilespmem:$0x1E200] =	vst v63  }
0x62: {  	_ =	swait.ge [sflag:s12], $0x4000  }
0x63: {  	[sflag:s12] =	ssyncset.done $0x0  }
0x64: {  	[sflag:s12] =	ssyncadd.s32 $0xFFFFC000  }
0x65: {  	[tilespmem:s13], [sflag:$0x5] =	stream.linear.gather [spmem:s28], $0x4000, $0x38;
	[tilespmem:$0x1E200] =	vst v63  }
0x66: {  	_ =	swait.ge [sflag:s11], $0x4000  }
0x67: {  	[sflag:s11] =	ssyncset.done $0x0  }
0x68: {  	s19 =	rddreg [dreg:$0x6];
	[sflag:s11] =	ssyncadd.s32 $0xFFFFC000  }
0x69: {  	[hbm4b:s19+s3] =	stream.linear.scatter [tilespmem:s13], [sflag:$0x2], $0x4000, $0x38;
	[tilespmem:$0x1E200] =	vst v63  }
0x6a: {  	_ =	swait.ge [sflag:s24], $0x4000  }
0x6b: {  	[sflag:s24] =	ssyncset.done $0x0  }
0x6c: {  	s29 =	rddreg [dreg:$0xd];
	[sflag:s24] =	ssyncadd.s32 $0xFFFFC000  }
0x6d: {  	[tilespmem:s7], [sflag:$0x5] =	stream.linear.gather [spmem:s29], $0x4000, $0x38;
	[tilespmem:$0x1E200] =	vst v63  }
0x6e: {  	_ =	swait.ge [sflag:s11], $0x4000  }
0x6f: {  	[sflag:s11] =	ssyncset.done $0x0  }
0x70: {  	s19 =	rddreg [dreg:$0x7];
	[sflag:s11] =	ssyncadd.s32 $0xFFFFC000  }
0x71: {  	[hbm4b:s19+s3] =	stream.linear.scatter [tilespmem:s7], [sflag:$0x1], $0x4000, $0x38;
	[tilespmem:$0x1E200] =	vst v63  }
0x72: {  	_ =	swait.ge [sflag:s12], $0x4000  }
0x73: {  	[sflag:s12] =	ssyncset.done $0x0  }
0x74: {  	[sflag:s12] =	ssyncadd.s32 $0xFFFFC000  }
0x75: {  	_ =	swait.ge [sflag:s24], $0x4000  }
0x76: {  	s16 =	sadd.s32 $0x1, s16;
	s19 =	rddreg [dreg:$0x10]  }
0x77: {  	p3 =	sne.s32 s16, s19  }
.Ltmp1:
0x78: {  	_ = 	snop;
	(pc) =	sbr.rel @!p3 .LBB2_10-.Ltmp1, $3  }
0x79: {  	_ =	sdelay $0x1  }
0x7a: {  	[sflag:s24] =	ssyncset.done $0x0  }
0x7b: {  	[sflag:s24] =	ssyncadd.s32 $0xFFFFC000  }
.LBB2_1:
0x7c: {  	[tilespmem:s3], [sflag:$0x1] =	stream.linear.gather [hbm4b:s6+s3], $0x80, $0x38;
	[tilespmem:$0x1E200] =	vst v63  }
0x7d: {  	_ = 	snop  }
0x7e: {  	[tilespmem:s23], [sflag:$0x1] =	stream.linear.gather [hbm4b:s17+s3], $0x80, $0x38;
	[tilespmem:$0x1E200] =	vst v63  }
0x7f: {  	_ =	swait.ge [sflag:s24], $0x80  }
0x80: {  	[sflag:s24] =	ssyncset.done $0x0  }
0x81: {  	[sflag:s24] =	ssyncadd.s32 $0xFFFFFF80  }
0x82: {  	_ =	swait.ge [sflag:s24], $0x80  }
0x83: {  	[sflag:s24] =	ssyncset.done $0x0  }
0x84: {  	[sflag:s24] =	ssyncadd.s32 $0xFFFFFF80  }
0x85: {  	[tilespmem:s7], [sflag:$0x3] =	stream.indirect.gather [hbm4b:s4+s5], $0x80, s3, s5, $0xb8;
	[tilespmem:$0x1E200] =	vst v63  }
0x86: {  	_ = 	snop  }
0x87: {  	[tilespmem:s5], [sflag:$0x2] =	stream.linear.gather [hbm4b:s20+s3], $0x80, $0x38;
	[tilespmem:$0x1E200] =	vst v63  }
0x88: {  	_ = 	snop  }
0x89: {  	[tilespmem:s8], [sflag:$0x2] =	stream.linear.gather [hbm4b:s21+s3], $0x80, $0x38;
	[tilespmem:$0x1E200] =	vst v63  }
0x8a: {  	s19 =	rddreg [dreg:$0x14]  }
0x8b: {  	[tilespmem:s9], [sflag:$0x5] =	stream.linear.gather [hbm4b:s19+s3], $0x2000, $0x38;
	[tilespmem:$0x1E200] =	vst v63  }
0x8c: {  	_ =	swait.ge [sflag:s11], $0x2000  }
0x8d: {  	[sflag:s11] =	ssyncset.done $0x0  }
0x8e: {  	[sflag:s11] =	ssyncadd.s32 $0xFFFFE000  }
0x8f: {  	[spmem:s10] =	stream.linear.scatter [tilespmem:s9], [sflag:$0x5], $0x2000, $0x38;
	[tilespmem:$0x1E200] =	vst v63  }
0x90: {  	_ =	swait.ge [sflag:s11], $0x2000  }
0x91: {  	[sflag:s11] =	ssyncset.done $0x0  }
0x92: {  	s19 =	rddreg [dreg:$0x8];
	[sflag:s11] =	ssyncadd.s32 $0xFFFFE000  }
0x93: {  	[spmem:s19] =	stream.linear.scatter [tilespmem:s9], [sflag:$0x5], $0x2000, $0x38;
	[tilespmem:$0x1E200] =	vst v63  }
0x94: {  	_ =	swait.ge [sflag:s11], $0x2000  }
0x95: {  	[sflag:s11] =	ssyncset.done $0x0  }
0x96: {  	[sflag:s11] =	ssyncadd.s32 $0xFFFFE000  }
0x97: {  	[spmem:s25] =	stream.linear.scatter [tilespmem:s9], [sflag:$0x5], $0x2000, $0x38;
	[tilespmem:$0x1E200] =	vst v63  }
0x98: {  	_ =	swait.ge [sflag:s11], $0x2000  }
0x99: {  	[sflag:s11] =	ssyncset.done $0x0  }
0x9a: {  	s19 =	rddreg [dreg:$0xa];
	[sflag:s11] =	ssyncadd.s32 $0xFFFFE000  }
0x9b: {  	[spmem:s19] =	stream.linear.scatter [tilespmem:s9], [sflag:$0x5], $0x2000, $0x38;
	[tilespmem:$0x1E200] =	vst v63  }
0x9c: {  	_ =	swait.ge [sflag:s11], $0x2000  }
0x9d: {  	[sflag:s11] =	ssyncset.done $0x0  }
0x9e: {  	[sflag:s11] =	ssyncadd.s32 $0xFFFFE000  }
0x9f: {  	[spmem:s26] =	stream.linear.scatter [tilespmem:s9], [sflag:$0x5], $0x2000, $0x38;
	[tilespmem:$0x1E200] =	vst v63  }
0xa0: {  	_ =	swait.ge [sflag:s11], $0x2000  }
0xa1: {  	[sflag:s11] =	ssyncset.done $0x0  }
0xa2: {  	s19 =	rddreg [dreg:$0x11];
	[sflag:s11] =	ssyncadd.s32 $0xFFFFE000  }
0xa3: {  	[spmem:s19] =	stream.linear.scatter [tilespmem:s9], [sflag:$0x5], $0x2000, $0x38;
	[tilespmem:$0x1E200] =	vst v63  }
0xa4: {  	_ =	swait.ge [sflag:s11], $0x2000  }
0xa5: {  	[sflag:s11] =	ssyncset.done $0x0  }
0xa6: {  	[sflag:s11] =	ssyncadd.s32 $0xFFFFE000  }
0xa7: {  	[spmem:s28] =	stream.linear.scatter [tilespmem:s9], [sflag:$0x5], $0x2000, $0x38;
	[tilespmem:$0x1E200] =	vst v63  }
0xa8: {  	_ =	swait.ge [sflag:s11], $0x2000  }
0xa9: {  	[sflag:s11] =	ssyncset.done $0x0  }
0xaa: {  	s19 =	rddreg [dreg:$0x12];
	[sflag:s11] =	ssyncadd.s32 $0xFFFFE000  }
0xab: {  	[spmem:s19] =	stream.linear.scatter [tilespmem:s9], [sflag:$0x5], $0x2000, $0x38;
	[tilespmem:$0x1E200] =	vst v63  }
0xac: {  	_ =	swait.ge [sflag:s11], $0x2000  }
0xad: {  	[sflag:s11] =	ssyncset.done $0x0  }
0xae: {  	[sflag:s11] =	ssyncadd.s32 $0xFFFFE000  }
0xaf: {  	[spmem:s29] =	stream.linear.scatter [tilespmem:s9], [sflag:$0x5], $0x2000, $0x38;
	[tilespmem:$0x1E200] =	vst v63  }
0xb0: {  	_ =	swait.ge [sflag:s11], $0x2000  }
0xb1: {  	[sflag:s11] =	ssyncset.done $0x0  }
0xb2: {  	s29 =	rddreg [dreg:$0x13];
	[sflag:s11] =	ssyncadd.s32 $0xFFFFE000  }
0xb3: {  	[spmem:s29] =	stream.linear.scatter [tilespmem:s9], [sflag:$0x5], $0x2000, $0x38;
	[tilespmem:$0x1E200] =	vst v63  }
.Ltmp2:
0xb4: {  	_ =	swait.ge [sflag:s11], $0x2000;
	(pc) =	sbr.rel @p1 .LBB2_5-.Ltmp2, $3  }
0xb5: {  	[sflag:s11] =	ssyncset.done $0x0  }
0xb6: {  	[sflag:s11] =	ssyncadd.s32 $0xFFFFE000  }
0xb7: {  	[bflag:$0x0] =	sbarrier.arrive $0xFFFF;
	_ =	sdelay $0x1  }
0xb8: {  	_ =	swait.ge [sflag:s12], $0x80  }
0xb9: {  	[sflag:s12] =	ssyncset.done $0x0  }
0xba: {  	[sflag:s12] =	ssyncadd.s32 $0xFFFFFF80  }
0xbb: {  	_ =	swait.ge [sflag:s12], $0x80  }
0xbc: {  	[sflag:s12] =	ssyncset.done $0x0  }
0xbd: {  	[sflag:s12] =	ssyncadd.s32 $0xFFFFFF80  }
0xbe: {  	[tilespmem:s13], [sflag:$0x4] =	stream.indirect.gather [hbm4b:s4+s5], $0x80, s5, s5, $0xb8;
	[tilespmem:$0x1E200] =	vst v63  }
0xbf: {  	_ =	swait.ge [sflag:s14], $0x4000  }
0xc0: {  	[sflag:s14] =	ssyncset.done $0x0  }
0xc1: {  	[sflag:s14] =	ssyncadd.s32 $0xFFFFC000  }
0xc2: {  	[spmem:s1] =	stream.indirect.scatter.add.f32 [tilespmem:s7], [sflag:$0x5], $0x80, s23, s5, $0xb8;
	[tilespmem:$0x1E200] =	vst v63  }
0xc3: {  	_ =	swait.ge [sflag:s11], $0x4000  }
0xc4: {  	s19 =	sadd.s32 $0x0, s18;
	[sflag:s11] =	ssyncset.done $0x0  }
0xc5: {  	s25 =	sadd.s32 $0x20, s19;
	[sflag:s11] =	ssyncadd.s32 $0xFFFFC000  }
0xc6: {  	[tilespmem:s3], [sflag:$0x1] =	stream.linear.gather [hbm4b:s25+s3], $0x80, $0x38;
	[tilespmem:$0x1E200] =	vst v63  }
0xc7: {  	s29 =	sadd.s32 $0x0, s30  }
0xc8: {  	[tilespmem:s23], [sflag:$0x1] =	stream.linear.gather [hbm4b:s29+s3], $0x80, $0x38;
	[tilespmem:$0x1E200] =	vst v63  }
0xc9: {  	_ =	swait.ge [sflag:s24], $0x80  }
0xca: {  	[sflag:s24] =	ssyncset.done $0x0  }
0xcb: {  	[sflag:s24] =	ssyncadd.s32 $0xFFFFFF80  }
0xcc: {  	_ =	swait.ge [sflag:s24], $0x80  }
0xcd: {  	[sflag:s24] =	ssyncset.done $0x0  }
0xce: {  	[sflag:s24] =	ssyncadd.s32 $0xFFFFFF80  }
0xcf: {  	[tilespmem:s7], [sflag:$0x3] =	stream.indirect.gather [hbm4b:s4+s5], $0x80, s3, s5, $0xb8;
	[tilespmem:$0x1E200] =	vst v63  }
0xd0: {  	_ =	swait.ge [sflag:s15], $0x4000  }
0xd1: {  	[sflag:s15] =	ssyncset.done $0x0  }
0xd2: {  	[sflag:s15] =	ssyncadd.s32 $0xFFFFC000  }
0xd3: {  	[spmem:s1] =	stream.indirect.scatter.add.f32 [tilespmem:s13], [sflag:$0x5], $0x80, s8, s5, $0xb8;
	[tilespmem:$0x1E200] =	vst v63  }
0xd4: {  	_ =	swait.ge [sflag:s11], $0x4000  }
0xd5: {  	[sflag:s11] =	ssyncset.done $0x0  }
0xd6: {  	s19 =	sadd.s32 $0x30, s19;
	[sflag:s11] =	ssyncadd.s32 $0xFFFFC000  }
0xd7: {  	[tilespmem:s5], [sflag:$0x2] =	stream.linear.gather [hbm4b:s19+s3], $0x80, $0x38;
	[tilespmem:$0x1E200] =	vst v63  }
0xd8: {  	s25 =	sadd.s32 $0x0, s31;
	s19 =	simm.s32 $0x20  }
.LBB2_3:
0xd9: {  	[tilespmem:s8], [sflag:$0x2] =	stream.linear.gather [hbm4b:s25+s3], $0x80, $0x38;
	[tilespmem:$0x1E200] =	vst v63  }
0xda: {  	s25 =	smov.u32 s19  }
0xdb: {  	p3 =	sne.s32 s19, $0x4C0;
	s19 =	sadd.s32 $0x20, s19;
	_ =	swait.ge [sflag:s12], $0x80  }
0xdc: {  	[sflag:s12] =	ssyncset.done $0x0  }
0xdd: {  	[sflag:s12] =	ssyncadd.s32 $0xFFFFFF80  }
0xde: {  	_ =	swait.ge [sflag:s12], $0x80  }
0xdf: {  	[sflag:s12] =	ssyncset.done $0x0  }
0xe0: {  	[sflag:s12] =	ssyncadd.s32 $0xFFFFFF80  }
0xe1: {  	[tilespmem:s13], [sflag:$0x4] =	stream.indirect.gather [hbm4b:s4+s5], $0x80, s5, s5, $0xb8;
	[tilespmem:$0x1E200] =	vst v63  }
0xe2: {  	_ =	swait.ge [sflag:s14], $0x4000  }
0xe3: {  	[sflag:s14] =	ssyncset.done $0x0  }
0xe4: {  	[sflag:s14] =	ssyncadd.s32 $0xFFFFC000  }
0xe5: {  	[spmem:s1] =	stream.indirect.scatter.add.f32 [tilespmem:s7], [sflag:$0x5], $0x80, s23, s5, $0xb8;
	[tilespmem:$0x1E200] =	vst v63  }
0xe6: {  	_ =	swait.ge [sflag:s11], $0x4000  }
0xe7: {  	s26 =	sadd.s32 s25, s18;
	[sflag:s11] =	ssyncset.done $0x0  }
0xe8: {  	s28 =	sadd.s32 $0x20, s26;
	[sflag:s11] =	ssyncadd.s32 $0xFFFFC000  }
0xe9: {  	[tilespmem:s3], [sflag:$0x1] =	stream.linear.gather [hbm4b:s28+s3], $0x80, $0x38;
	[tilespmem:$0x1E200] =	vst v63  }
0xea: {  	s28 =	sadd.s32 s25, s30  }
0xeb: {  	[tilespmem:s23], [sflag:$0x1] =	stream.linear.gather [hbm4b:s28+s3], $0x80, $0x38;
	[tilespmem:$0x1E200] =	vst v63  }
0xec: {  	_ =	swait.ge [sflag:s24], $0x80  }
0xed: {  	[sflag:s24] =	ssyncset.done $0x0  }
0xee: {  	[sflag:s24] =	ssyncadd.s32 $0xFFFFFF80  }
0xef: {  	_ =	swait.ge [sflag:s24], $0x80  }
0xf0: {  	[sflag:s24] =	ssyncset.done $0x0  }
0xf1: {  	[sflag:s24] =	ssyncadd.s32 $0xFFFFFF80  }
0xf2: {  	[tilespmem:s7], [sflag:$0x3] =	stream.indirect.gather [hbm4b:s4+s5], $0x80, s3, s5, $0xb8;
	[tilespmem:$0x1E200] =	vst v63  }
0xf3: {  	_ =	swait.ge [sflag:s15], $0x4000  }
0xf4: {  	[sflag:s15] =	ssyncset.done $0x0  }
0xf5: {  	[sflag:s15] =	ssyncadd.s32 $0xFFFFC000  }
0xf6: {  	[spmem:s1] =	stream.indirect.scatter.add.f32 [tilespmem:s13], [sflag:$0x5], $0x80, s8, s5, $0xb8;
	[tilespmem:$0x1E200] =	vst v63  }
.Ltmp3:
0xf7: {  	_ =	swait.ge [sflag:s11], $0x4000;
	(pc) =	sbr.rel @p3 .LBB2_3-.Ltmp3, $4  }
0xf8: {  	[sflag:s11] =	ssyncset.done $0x0  }
0xf9: {  	s26 =	sadd.s32 $0x30, s26;
	[sflag:s11] =	ssyncadd.s32 $0xFFFFC000  }
0xfa: {  	[tilespmem:s5], [sflag:$0x2] =	stream.linear.gather [hbm4b:s26+s3], $0x80, $0x38;
	[tilespmem:$0x1E200] =	vst v63  }
0xfb: {  	s25 =	sadd.s32 s25, s31  }
0xfc: {  	[tilespmem:s8], [sflag:$0x2] =	stream.linear.gather [hbm4b:s25+s3], $0x80, $0x38;
	[tilespmem:$0x1E200] =	vst v63  }
0xfd: {  	_ =	swait.ge [sflag:s12], $0x80  }
0xfe: {  	[sflag:s12] =	ssyncset.done $0x0  }
0xff: {  	[sflag:s12] =	ssyncadd.s32 $0xFFFFFF80  }
0x100: {  	_ =	swait.ge [sflag:s12], $0x80  }
0x101: {  	[sflag:s12] =	ssyncset.done $0x0  }
0x102: {  	[sflag:s12] =	ssyncadd.s32 $0xFFFFFF80  }
0x103: {  	[tilespmem:s13], [sflag:$0x4] =	stream.indirect.gather [hbm4b:s4+s5], $0x80, s5, s5, $0xb8;
	[tilespmem:$0x1E200] =	vst v63  }
0x104: {  	_ =	swait.ge [sflag:s14], $0x4000  }
0x105: {  	[sflag:s14] =	ssyncset.done $0x0  }
0x106: {  	[sflag:s14] =	ssyncadd.s32 $0xFFFFC000  }
0x107: {  	[spmem:s1] =	stream.indirect.scatter.add.f32 [tilespmem:s7], [sflag:$0x5], $0x80, s23, s5, $0xb8;
	[tilespmem:$0x1E200] =	vst v63  }
0x108: {  	_ =	swait.ge [sflag:s11], $0x4000  }
0x109: {  	[sflag:s11] =	ssyncset.done $0x0  }
0x10a: {  	[sflag:s11] =	ssyncadd.s32 $0xFFFFC000  }
0x10b: {  	_ =	swait.ge [sflag:s15], $0x4000  }
0x10c: {  	[sflag:s15] =	ssyncset.done $0x0  }
0x10d: {  	[sflag:s15] =	ssyncadd.s32 $0xFFFFC000  }
0x10e: {  	[spmem:s1] =	stream.indirect.scatter.add.f32 [tilespmem:s13], [sflag:$0x5], $0x80, s8, s5, $0xb8;
	[tilespmem:$0x1E200] =	vst v63  }
0x10f: {  	_ =	swait.ge [sflag:s11], $0x4000  }
0x110: {  	s25 =	rddreg [dreg:$0x9]  }
0x111: {  	[sflag:s11] =	ssyncset.done $0x0;
	s26 =	rddreg [dreg:$0xb]  }
0x112: {  	s28 =	rddreg [dreg:$0xc];
	[sflag:s11] =	ssyncadd.s32 $0xFFFFC000  }
.LBB2_5:
.Ltmp4:
0x113: {  	(pc) =	sbr.rel @!p0 .LBB2_9-.Ltmp4, $1  }
0x114: {  	_ =	sdelay $0x3  }
0x115: {  	_ =	swait.ge [sflag:s12], $0x80  }
0x116: {  	[sflag:s12] =	ssyncset.done $0x0  }
0x117: {  	[sflag:s12] =	ssyncadd.s32 $0xFFFFFF80  }
0x118: {  	_ =	swait.ge [sflag:s12], $0x80  }
0x119: {  	[sflag:s12] =	ssyncset.done $0x0  }
0x11a: {  	[sflag:s12] =	ssyncadd.s32 $0xFFFFFF80  }
0x11b: {  	[tilespmem:s13], [sflag:$0x4] =	stream.indirect.gather [hbm4b:s4+s5], $0x80, s5, s5, $0xb8;
	[tilespmem:$0x1E200] =	vst v63  }
0x11c: {  	_ =	swait.ge [sflag:s14], $0x4000  }
0x11d: {  	[sflag:s14] =	ssyncset.done $0x0  }
0x11e: {  	[sflag:s14] =	ssyncadd.s32 $0xFFFFC000  }
0x11f: {  	[spmem:s1] =	stream.indirect.scatter.add.f32 [tilespmem:s7], [sflag:$0x5], $0x80, s23, s5, $0xb8;
	[tilespmem:$0x1E200] =	vst v63  }
0x120: {  	_ =	swait.ge [sflag:s11], $0x4000  }
0x121: {  	[sflag:s11] =	ssyncset.done $0x0  }
0x122: {  	s19 =	sadd.s32 $0x0, s0;
	[sflag:s11] =	ssyncadd.s32 $0xFFFFC000  }
0x123: {  	[tilespmem:s3], [sflag:$0x1] =	stream.linear.gather [hbm4b:s19+s3], $0x80, $0x38;
	[tilespmem:$0x1E200] =	vst v63  }
0x124: {  	s28 =	sadd.s32 $0x0, s30  }
0x125: {  	[tilespmem:s23], [sflag:$0x1] =	stream.linear.gather [hbm4b:s28+s3], $0x80, $0x38;
	[tilespmem:$0x1E200] =	vst v63  }
0x126: {  	_ =	swait.ge [sflag:s24], $0x80  }
0x127: {  	[sflag:s24] =	ssyncset.done $0x0  }
0x128: {  	[sflag:s24] =	ssyncadd.s32 $0xFFFFFF80  }
0x129: {  	_ =	swait.ge [sflag:s24], $0x80  }
0x12a: {  	[sflag:s24] =	ssyncset.done $0x0  }
0x12b: {  	[sflag:s24] =	ssyncadd.s32 $0xFFFFFF80  }
0x12c: {  	[tilespmem:s7], [sflag:$0x3] =	stream.indirect.gather [hbm4b:s4+s5], $0x80, s3, s5, $0xb8;
	[tilespmem:$0x1E200] =	vst v63  }
0x12d: {  	_ =	swait.ge [sflag:s15], $0x4000  }
0x12e: {  	[sflag:s15] =	ssyncset.done $0x0  }
0x12f: {  	s10 =	smov.u32 s22;
	s22 =	smov.u32 s21;
	[sflag:s15] =	ssyncadd.s32 $0xFFFFC000  }
0x130: {  	[spmem:s1] =	stream.indirect.scatter.add.f32 [tilespmem:s13], [sflag:$0x5], $0x80, s8, s5, $0xb8;
	[tilespmem:$0x1E200] =	vst v63  }
0x131: {  	s21 =	smov.u32 s20;
	s20 =	smov.u32 s17;
	_ =	swait.ge [sflag:s11], $0x4000  }
0x132: {  	s17 =	smov.u32 s6;
	s29 =	sadd.s32 $0x0, s2;
	[sflag:s11] =	ssyncset.done $0x0  }
0x133: {  	s25 =	sadd.s32 $0x0, s31;
	s19 =	simm.s32 $0x20;
	[sflag:s11] =	ssyncadd.s32 $0xFFFFC000  }
0x134: {  	[tilespmem:s5], [sflag:$0x2] =	stream.linear.gather [hbm4b:s29+s3], $0x80, $0x38;
	[tilespmem:$0x1E200] =	vst v63  }
.LBB2_7:
0x135: {  	[tilespmem:s8], [sflag:$0x2] =	stream.linear.gather [hbm4b:s25+s3], $0x80, $0x38;
	[tilespmem:$0x1E200] =	vst v63  }
0x136: {  	s25 =	smov.u32 s19  }
0x137: {  	p3 =	sne.s32 s19, $0x480;
	s19 =	sadd.s32 $0x20, s19;
	_ =	swait.ge [sflag:s12], $0x80  }
0x138: {  	[sflag:s12] =	ssyncset.done $0x0  }
0x139: {  	[sflag:s12] =	ssyncadd.s32 $0xFFFFFF80  }
0x13a: {  	_ =	swait.ge [sflag:s12], $0x80  }
0x13b: {  	[sflag:s12] =	ssyncset.done $0x0  }
0x13c: {  	[sflag:s12] =	ssyncadd.s32 $0xFFFFFF80  }
0x13d: {  	[tilespmem:s13], [sflag:$0x4] =	stream.indirect.gather [hbm4b:s4+s5], $0x80, s5, s5, $0xb8;
	[tilespmem:$0x1E200] =	vst v63  }
0x13e: {  	_ =	swait.ge [sflag:s14], $0x4000  }
0x13f: {  	[sflag:s14] =	ssyncset.done $0x0  }
0x140: {  	[sflag:s14] =	ssyncadd.s32 $0xFFFFC000  }
0x141: {  	[spmem:s1] =	stream.indirect.scatter.add.f32 [tilespmem:s7], [sflag:$0x5], $0x80, s23, s5, $0xb8;
	[tilespmem:$0x1E200] =	vst v63  }
0x142: {  	_ =	swait.ge [sflag:s11], $0x4000  }
0x143: {  	[sflag:s11] =	ssyncset.done $0x0  }
0x144: {  	s26 =	sadd.s32 s25, s0;
	[sflag:s11] =	ssyncadd.s32 $0xFFFFC000  }
0x145: {  	[tilespmem:s3], [sflag:$0x1] =	stream.linear.gather [hbm4b:s26+s3], $0x80, $0x38;
	[tilespmem:$0x1E200] =	vst v63  }
0x146: {  	s26 =	sadd.s32 s25, s30  }
0x147: {  	[tilespmem:s23], [sflag:$0x1] =	stream.linear.gather [hbm4b:s26+s3], $0x80, $0x38;
	[tilespmem:$0x1E200] =	vst v63  }
0x148: {  	_ =	swait.ge [sflag:s24], $0x80  }
0x149: {  	[sflag:s24] =	ssyncset.done $0x0  }
0x14a: {  	[sflag:s24] =	ssyncadd.s32 $0xFFFFFF80  }
0x14b: {  	_ =	swait.ge [sflag:s24], $0x80  }
0x14c: {  	[sflag:s24] =	ssyncset.done $0x0  }
0x14d: {  	[sflag:s24] =	ssyncadd.s32 $0xFFFFFF80  }
0x14e: {  	[tilespmem:s7], [sflag:$0x3] =	stream.indirect.gather [hbm4b:s4+s5], $0x80, s3, s5, $0xb8;
	[tilespmem:$0x1E200] =	vst v63  }
0x14f: {  	_ =	swait.ge [sflag:s15], $0x4000  }
0x150: {  	[sflag:s15] =	ssyncset.done $0x0  }
0x151: {  	[sflag:s15] =	ssyncadd.s32 $0xFFFFC000  }
0x152: {  	[spmem:s1] =	stream.indirect.scatter.add.f32 [tilespmem:s13], [sflag:$0x5], $0x80, s8, s5, $0xb8;
	[tilespmem:$0x1E200] =	vst v63  }
.Ltmp5:
0x153: {  	_ =	swait.ge [sflag:s11], $0x4000;
	(pc) =	sbr.rel @p3 .LBB2_7-.Ltmp5, $4  }
0x154: {  	[sflag:s11] =	ssyncset.done $0x0  }
0x155: {  	s26 =	sadd.s32 s25, s2;
	[sflag:s11] =	ssyncadd.s32 $0xFFFFC000  }
0x156: {  	[tilespmem:s5], [sflag:$0x2] =	stream.linear.gather [hbm4b:s26+s3], $0x80, $0x38;
	[tilespmem:$0x1E200] =	vst v63  }
0x157: {  	s25 =	sadd.s32 s25, s31  }
.Ltmp6:
0x158: {  	_ = 	snop;
	(pc) =	sbr.rel .LBB2_8-.Ltmp6, $1  }
0x159: {  	_ =	sdelay $0x3  }
.LBB2_10:
0x15a: {  	_ =	sfence.sel $0x180000  }
0x15b: {  	[bflag:$0x0] =	sbarrier.arrive $0xFFFF  }
0x15c: {  	_ =	strace $0x9000004D  }
0x15d: {  	s0 =	stileid.u32;
	[bflag:$0x2] =	sbarrier.arrive $0xFFFF  }
0x15e: {  	p0 =	sne.s32 s0, $0x0;
	s0 =	rddreg [dreg:$0x2]  }
0x15f: {  	s0 =	sadd.s32 @!p0 $0x100000, s0  }
0x160: {  	[sflag:s0] =	ssyncadd.tile.s32 @!p0 $0x1;
	_ =	shalt  }
.Lfunc_end2:
_tile_overlayer_lowered:
.L_overlay_start_2:
0x161: {  	(tag) =	ssettag $0x2  }
0x162: {  	s0 =	rddreg [dreg:$0x0];
	s2 =	stileid.u32  }
0x163: {  	s1 =	rddreg [dreg:$0x1];
	p0 =	sne.s32 s2, $0x0  }
0x164: {  	s3 =	rddreg [dreg:$0x2];
	[bflag:$0x3] =	sbarrier.arrive $0xFFFF;
	s2 =	simm.s32 @!p0 $0x1C05  }
0x165: {  	[timem:s3], [sflag:s2] =	dma.local @!p0 [hbm:s0], s1  }
0x166: {  	s0 =	simm.s32 @!p0 $0x5  }
0x167: {  	_ =	swait.ge @!p0 [sflag:s0], s1  }
0x168: {  	s1 =	ssub.s32 @!p0 $0x0, s1;
	[sflag:s0] =	ssyncset.done @!p0 $0x0  }
0x169: {  	[sflag:s0] =	ssyncadd.s32 @!p0 s1  }
0x16a: {  	[bflag:$0x3] =	sbarrier.arrive $0xFFFF  }
0x16b: {  	_ =	shalt  }

// kernel: kernel.9.cloned.1.call-start
scs
__scs_entry_jumppad:
0x0: {  	(pc) =	sbr.rel $0x88, $3  }
0x1: {  	(tag) =	ssettag $0x0;
	lr =	simm.s32 $0x1  }
0x2: {  	[smem:$0x3F98] =	sst lr;
	_ =	strace $0xD0000000  }
0x3: {  	_ = 	snop  }
0x4: {  	_ = 	snop  }
0x5: {  	_ = 	snop  }
0x6: {  	_ = 	snop  }
0x7: {  	_ = 	snop  }
__scs_overlays_trampoline_lowered:
0x8: {  	[smem:$0x3FA7] =	sst s0  }
0x9: {  	[smem:$0x3FA8] =	sst s1  }
0xa: {  	[smem:$0x3FA9] =	sst s2  }
0xb: {  	[smem:$0x3FAA] =	sst s3  }
0xc: {  	[smem:$0x3FAB] =	sst s4  }
0xd: {  	[smem:$0x3FAC] =	sst s5  }
0xe: {  	[smem:$0x3FAD] =	sst s6  }
0xf: {  	[smem:$0x3FAE] =	sst s7  }
0x10: {  	[smem:$0x3FAF] =	sst s8  }
0x11: {  	[smem:$0x3FB0] =	sst s9;
	s0 =	simm.s32 @!p0 $0x0  }
0x12: {  	s1 =	sld [smem:$0x3F96];
	s0 =	simm.s32 @p0 $0x1  }
0x13: {  	[smem:$0x3FB1] =	sst s0;
	s0 =	simm.s32 @!p1 $0x0  }
0x14: {  	s2 =	sld [smem:$0x3F95];
	s0 =	simm.s32 @p1 $0x1  }
0x15: {  	[smem:$0x3FB2] =	sst s0;
	s0 =	simm.s32 @!p2 $0x0  }
0x16: {  	s3 =	sld [smem:$0x3FDB];
	s0 =	simm.s32 @p2 $0x1  }
0x17: {  	s4 =	simm.s32 $0x1BF5;
	[smem:$0x3FB4] =	sst s0  }
0x18: {  	s0 =	sld [smem:$0x3F97];
	_ =	swait.ge [sflag:s4], $0x0  }
0x19: {  	s7 =	sld [smem:$0x3F98]  }
0x1a: {  	s8 =	sadd.s32 $0xFFFFE003, lr  }
0x1b: {  	s9 =	sadd.s32 $0xFFFFFEF7, lr;
	s5 =	simm.s32 $0xFFFFFFFF;
	p2 =	slt.u32 s8, $0xFFFFF086  }
0x1c: {  	p1 =	slt.u32 s9, $0xF7A;
	s5 =	simm.s32 @!p2 $0x0  }
0x1d: {  	s5 =	simm.s32 @p1 $0x1;
	p0 =	seq.s32 s7, s2  }
0x1e: {  	s7 =	smul.u32 @!p0 $0xF7A, s2;
	p2 =	seq.s32 @!p0 s5, $0x0  }
0x1f: {  	s9 =	smul.u32 $0xF7A, s1;
	s8 =	simm.s32 @!p0 $0x1BF5;
	p2 =	por !p2, p0  }
0x20: {  	[sflag:s8] =	ssyncset.s32 @!p0 $0xFFFFF086;
	s6 =	sadd.s32 @!p0 s3, s7;
	s7 =	simm.s32 @!p0 $0x108  }
0x21: {  	s3 =	sadd.s32 s3, s9;
	s6 =	sadd.s32 @!p0 $0x88, s6;
	s7 =	simm.s32 @p2 $0x1082  }
0x22: {  	[simem:s7], [sflag:s8] =	dma.local @!p0 [hbm:s6], $0xF7A  }
0x23: {  	s9 =	sor.u32 $0xD0000000, s2;
	s6 =	simm.s32 $0x108;
	_ =	swait.ge @!p0 [sflag:s8], $0x0  }
0x24: {  	s3 =	sadd.s32 $0x88, s3;
	s6 =	simm.s32 @!p1 $0x1082;
	[sflag:s4] =	ssyncset.s32 $0xFFFFF086  }
0x25: {  	[simem:s6], [sflag:s4] =	dma.local [hbm:s3], $0xF7A  }
0x26: {  	[smem:$0x3F98] =	sst s1;
	(tag) =	ssettag s2;
	_ =	strace s9  }
0x27: {  	s1 =	sld [smem:$0x3FA8]  }
0x28: {  	s2 =	sld [smem:$0x3FA9]  }
0x29: {  	s4 =	sld [smem:$0x3FAB]  }
0x2a: {  	p0 =	seq.s32 s5, $0x0;
	s5 =	sld [smem:$0x3FAC]  }
0x2b: {  	s6 =	sld [smem:$0x3FAD]  }
0x2c: {  	s7 =	sld [smem:$0x3FAE]  }
0x2d: {  	s3 =	simm.s32 $0x108;
	s8 =	sld [smem:$0x3FAF]  }
0x2e: {  	s3 =	simm.s32 @!p0 $0x1082;
	s9 =	sld [smem:$0x3FB0]  }
0x2f: {  	lr =	sadd.s32 s0, s3;
	s0 =	sld [smem:$0x3FA7]  }
0x30: {  	s3 =	sld [smem:$0x3FAA]  }
0x31: {  	[smem:$0x3FB3] =	sst s10  }
0x32: {  	s10 =	sld [smem:$0x3FB1];
	_ =	sdelay $0x3  }
0x33: {  	p0 =	seq.s32 s10, $0x1;
	s10 =	sld [smem:$0x3FB3];
	_ =	sdelay $0x3  }
0x34: {  	[smem:$0x3FB3] =	sst s10  }
0x35: {  	s10 =	sld [smem:$0x3FB2];
	_ =	sdelay $0x3  }
0x36: {  	p1 =	seq.s32 s10, $0x1;
	s10 =	sld [smem:$0x3FB3];
	_ =	sdelay $0x3  }
0x37: {  	[smem:$0x3FB3] =	sst s10  }
0x38: {  	s10 =	sld [smem:$0x3FB4]  }
0x39: {  	_ = 	snop;
	(pc) =	sbr.ind lr, $3  }
0x3a: {  	_ = 	snop  }
0x3b: {  	_ = 	snop  }
0x3c: {  	p2 =	seq.s32 s10, $0x1;
	s10 =	sld [smem:$0x3FB3]  }
0x3d: {  	_ =	shalt  }
0x3e: {  	_ =	shalt  }
0x3f: {  	_ =	shalt  }
0x40: {  	_ =	shalt  }
0x41: {  	_ =	shalt  }
0x42: {  	_ =	shalt  }
0x43: {  	_ =	shalt  }
0x44: {  	_ =	shalt  }
0x45: {  	_ =	shalt  }
0x46: {  	_ =	shalt  }
0x47: {  	_ =	shalt  }
0x48: {  	_ =	shalt  }
0x49: {  	_ =	shalt  }
0x4a: {  	_ =	shalt  }
0x4b: {  	_ =	shalt  }
0x4c: {  	_ =	shalt  }
0x4d: {  	_ =	shalt  }
0x4e: {  	_ =	shalt  }
0x4f: {  	_ =	shalt  }
0x50: {  	_ =	shalt  }
0x51: {  	_ =	shalt  }
0x52: {  	_ =	shalt  }
0x53: {  	_ =	shalt  }
0x54: {  	_ =	shalt  }
0x55: {  	_ =	shalt  }
0x56: {  	_ =	shalt  }
0x57: {  	_ =	shalt  }
0x58: {  	_ =	shalt  }
0x59: {  	_ =	shalt  }
0x5a: {  	_ =	shalt  }
0x5b: {  	_ =	shalt  }
0x5c: {  	_ =	shalt  }
0x5d: {  	_ =	shalt  }
0x5e: {  	_ =	shalt  }
0x5f: {  	_ =	shalt  }
0x60: {  	_ =	shalt  }
0x61: {  	_ =	shalt  }
0x62: {  	_ =	shalt  }
0x63: {  	_ =	shalt  }
0x64: {  	_ =	shalt  }
0x65: {  	_ =	shalt  }
0x66: {  	_ =	shalt  }
0x67: {  	_ =	shalt  }
0x68: {  	_ =	shalt  }
0x69: {  	_ =	shalt  }
0x6a: {  	_ =	shalt  }
0x6b: {  	_ =	shalt  }
0x6c: {  	_ =	shalt  }
0x6d: {  	_ =	shalt  }
0x6e: {  	_ =	shalt  }
0x6f: {  	_ =	shalt  }
0x70: {  	_ =	shalt  }
0x71: {  	_ =	shalt  }
0x72: {  	_ =	shalt  }
0x73: {  	_ =	shalt  }
0x74: {  	_ =	shalt  }
0x75: {  	_ =	shalt  }
0x76: {  	_ =	shalt  }
0x77: {  	_ =	shalt  }
0x78: {  	_ =	shalt  }
0x79: {  	_ =	shalt  }
0x7a: {  	_ =	shalt  }
0x7b: {  	_ =	shalt  }
0x7c: {  	_ =	shalt  }
0x7d: {  	_ =	shalt  }
0x7e: {  	_ =	shalt  }
0x7f: {  	_ =	shalt  }
0x80: {  	_ =	shalt  }
0x81: {  	_ =	shalt  }
0x82: {  	_ =	shalt  }
0x83: {  	_ =	shalt  }
0x84: {  	_ =	shalt  }
0x85: {  	_ =	shalt  }
0x86: {  	_ =	shalt  }
0x87: {  	_ =	shalt  }
.Lfunc_end0:
.L_simem_size_0:
called_computation_lowered:
.L_overlay_start_0:
0x88: {  	s2 =	sld [smem:$0x3FD9]  }
0x89: {  	s3 =	sld [smem:$0x3FFE];
	_ =	sdelay $0x1  }
0x8a: {  	s1 =	srdreg.scid  }
0x8b: {  	s0 =	sand.u32 $0x1, s1  }
0x8c: {  	s17 =	sshll.u32 s0, $0xA;
	s2 =	sadd.s32 s3, s2  }
0x8d: {  	s2 =	sadd.s32 s2, s17  }
0x8e: {  	[smem:$0x3FBF] =	sst s2  }
0x8f: {  	_ = 	snop  }
0x90: {  	s2 =	sld [smem:$0x3FD0];
	(tm) =	ssettm $0x1  }
0x91: {  	s18 =	sld [smem:$0x3FFB];
	_ =	sdelay $0x3  }
0x92: {  	_ =	strace s18  }
0x93: {  	s3 =	sld [smem:$0x3FFC];
	_ =	sdelay $0x3  }
0x94: {  	_ =	strace s3  }
0x95: {  	s3 =	sld [smem:$0x3FFD];
	_ =	sdelay $0x3  }
0x96: {  	_ =	strace s3  }
0x97: {  	_ =	strace $0x8FFFFFFF  }
0x98: {  	s19 =	sld [smem:$0x3FDB];
	_ =	sdelay $0x1  }
0x99: {  	s4 =	simm.s32 $_scs_section_size  }
0x9a: {  	s5 =	simm.s32 $_size__tile_overlayer_lowered;
	s6 =	simm.s32 $_tile_overlayer_lowered  }
0x9b: {  	s22 =	simm.s32 $0x1BFF;
	s21 =	sshll.u32 s6, $0x1;
	s3 =	sadd.s32 s4, s19  }
0x9c: {  	s7 =	simm.s32 $0x0;
	s20 =	sshll.u32 s5, $0x1;
	s5 =	sadd.s32 s21, s3  }
0x9d: {  	[timem:s7], [sflag:s22] =	dma.local [hbm:s5], s20  }
0x9e: {  	_ =	swait.ge [sflag:s22], s20  }
0x9f: {  	s4 =	ssub.s32 $0x0, s20;
	[sflag:s22] =	ssyncset.done $0x0  }
0xa0: {  	[sflag:s22] =	ssyncadd.s32 s4;
	_ =	sdelay $0x1  }
0xa1: {  	s23 =	simm.s32 $0x1B8B  }
0xa2: {  	_ =	swait.ge [sflag:s23], $0x1  }
0xa3: {  	[sflag:s23] =	ssyncset.done $0x0  }
0xa4: {  	s25 =	simm.s32 $0x1B8E;
	s24 =	sld [smem:$0x3FFE];
	[sflag:s23] =	ssyncadd.s32 $0xFFFFFFFF  }
0xa5: {  	s26 =	simm.s32 $execute0_lowered;
	[smem:$0x3FD2] =	sst s25  }
0xa6: {  	s5 =	sshll.u32 s26, $0x1;
	_ =	strace $0x80000046;
	[dreg:$0x1] =	wrdreg $0xFFFFFFFF  }
0xa7: {  	s28 =	simm.s32 $_size_execute0_lowered;
	s3 =	sadd.s32 s3, s5;
	[dreg:$0x0] =	wrdreg $0x0  }
0xa8: {  	s5 =	sshll.u32 s28, $0x1;
	[dreg:$0x2] =	wrdreg s3  }
0xa9: {  	[dreg:$0x3] =	wrdreg s5  }
0xaa: {  	[dreg:$0x4] =	wrdreg $0xC0  }
0xab: {  	_ =	task [dreg:s7], $0x5FFFF  }
0xac: {  	[dreg:$0x1] =	wrdreg $0xFFFFFFFF  }
0xad: {  	[dreg:$0x0] =	wrdreg $0x60  }
0xae: {  	[dreg:$0x2] =	wrdreg s24  }
0xaf: {  	[dreg:$0x3] =	wrdreg s2  }
0xb0: {  	[dreg:$0x4] =	wrdreg $0x2B000  }
0xb1: {  	[dreg:$0x5] =	wrdreg $0x9  }
0xb2: {  	_ =	task.clear_ibuf [dreg:s7], $0x6FFFF;
	_ =	strace $0x90000046  }
0xb3: {  	s29 =	simm.s32 $0x9;
	_ =	strace $0x80000048  }
0xb4: {  	_ =	swait.ge [sflag:s29], $0x1  }
0xb5: {  	[sflag:s29] =	ssyncadd.s32 $0xFFFFFFFF  }
0xb6: {  	_ =	strace $0x90000048  }
0xb7: {  	_ =	sfence  }
0xb8: {  	s30 =	sld [smem:$0x0];
	_ =	sdelay $0x2  }
0xb9: {  	s31 =	sshll.u32 s1, $0xD;
	s1 =	sshrl.u32 s1, $0x2  }
0xba: {  	s3 =	sand.u32 $0x4000, s31;
	s1 =	sadd.s32 s1, s30  }
0xbb: {  	s0 =	sor.u32 s3, s0;
	s1 =	sshll.u32 s1, $0x11  }
0xbc: {  	s0 =	sor.u32 s1, s0  }
0xbd: {  	s0 =	sadd.s32 $0x8F2B, s0  }
0xbe: {  	[sflag:s0] =	ssyncadd.remote.s32 $0x1  }
0xbf: {  	_ =	sfence.sel $0xFFFF  }
0xc0: {  	[dreg:$0x0] =	wrdreg $0xFFFFFFFF;
	(pc) =	sbr.abs _section_cstart, $3  }
0xc1: {  	[dreg:$0x1] =	wrdreg $0xFFFFFFFF  }
0xc2: {  	_ =	task.clear_ibuf [dreg:s7], $0x2FFFF;
	_ =	strace $0x9FFFFFFF  }
0xc3: {  	(tm) =	ssettm $0x7FFFFFFF  }
tec
execute0_lowered:
.L_overlay_start_1:
0x0: {  	(tag) =	ssettag $0x1  }
0x1: {  	s9 =	rddreg [dreg:$0x0]  }
0x2: {  	s2 =	rddreg [dreg:$0x1];
	s0 =	stileid.u32  }
0x3: {  	s1 =	srdreg.scid;
	s3 =	rddreg [dreg:$0x2];
	s4 =	simm.s32 $0x0  }
0x4: {  	s15 =	simm.s32 $0x1;
	s16 =	simm.s32 $0x80;
	s8 =	smul.u32 $0x280, s0  }
0x5: {  	s7 =	sand.u32 $0x1, s1;
	s1 =	rddreg [dreg:$0x3];
	s11 =	smul.u32 $0x2600, s0  }
0x6: {  	s17 =	simm.s32 $0x0;
	[smem:$0x7FF] =	sst s4;
	s13 =	smul.u32 $0x2800, s0  }
0x7: {  	s6 =	sshll.u32 s0, $0x4;
	p1 =	slt.u32 s0, $0x4;
	s5 =	smul.u32 $0x2800, s7  }
0x8: {  	_ =	strace $0x80000047;
	s10 =	sadd.s32 s6, s9;
	s31 =	ssub.s32 $0x2, s7  }
0x9: {  	p0 =	seq.s32 s7, $0x0;
	p6 =	seq.s32 s7, $0x1;
	s14 =	sshrl.u32 s31, $0x1  }
0xa: {  	s11 =	sadd.s32 $0x28000, s11;
	s7 =	sadd.s32 s8, s3;
	s30 =	sadd.s32 s8, s5  }
0xb: {  	s5 =	sadd.s32 $0x17000, s9;
	s14 =	ssub.s32 s31, s14;
	s11 =	smov.u32 @p0 s13  }
0xc: {  	s8 =	sadd.s32 $0x16E00, s10;
	s13 =	simm.s32 $0x2;
	s6 =	sshrl.u32 s30, $0x3  }
0xd: {  	s11 =	sshrl.u32 s11, $0x3;
	s10 =	smax.u32 s14, $0x1;
	s14 =	simm.s32 $0x2880  }
0xe: {  	s12 =	sadd.s32 s6, s9;
	s6 =	simm.s32 $0x50;
	s11 =	sadd.s32 s9, s11  }
0xf: {  	s6 =	simm.s32 @!p0 $0x4C;
	p0 =	por !p1, !p6;
	s9 =	sadd.s32 $0x17200, s12  }
0x10: {  	s11 =	sadd.s32 $0xCE40, s11;
	s12 =	simm.s32 $0x2800;
	p0 =	por !p0, !p0  }
.LBB2_1:
0x11: {  	p1 =	sne.s32 s6, $0x1  }
.Ltmp0:
0x12: {  	_ = 	snop;
	(pc) =	sbr.rel @!p1 .LBB2_3-.Ltmp0, $3  }
0x13: {  	_ =	sdelay $0x1  }
0x14: {  	[tilespmem:s4], [sflag:$0x1] =	stream.linear.gather [hbm4b:s11+s4], $0x80, $0x38;
	[tilespmem:$0x2D80] =	vst v63  }
0x15: {  	s18 =	sadd.s32 $0xFFFFFFFF, s6;
	s19 =	smov.u32 s11;
	s20 =	simm.s32 $0x0  }
.LBB2_2:
0x16: {  	p2 =	sne.s32 s18, $0x1  }
.Ltmp1:
0x17: {  	_ = 	snop;
	(pc) =	sbr.rel @p2 .LBB2_2-.Ltmp1, $4  }
0x18: {  	_ = 	snop  }
0x19: {  	s19 =	sadd.s32 $0x10, s19;
	s20 =	sadd.s32 $0x80, s20  }
0x1a: {  	s18 =	sadd.s32 $0xFFFFFFFF, s18  }
0x1b: {  	[tilespmem:s20], [sflag:$0x1] =	stream.linear.gather [hbm4b:s19+s4], $0x80, $0x38;
	[tilespmem:$0x2D80] =	vst v63  }
.LBB2_3:
0x1c: {  	[tilespmem:s12], [sflag:$0x2] =	stream.linear.gather [hbm4b:s5+s4], $0x80, $0x38;
	[tilespmem:$0x2D80] =	vst v63  }
0x1d: {  	_ =	swait.ge [sflag:s13], $0x80  }
0x1e: {  	[sflag:s13] =	ssyncset.done $0x0  }
0x1f: {  	[sflag:s13] =	ssyncadd.s32 $0xFFFFFF80  }
0x20: {  	[tilespmem:s14], [sflag:$0x2] =	stream.linear.gather [hbm4b:s2+s4], $0x280, $0x38;
	[tilespmem:$0x2D80] =	vst v63  }
0x21: {  	_ =	swait.ge [sflag:s13], $0x280  }
0x22: {  	[sflag:s13] =	ssyncset.done $0x0  }
0x23: {  	[sflag:s13] =	ssyncadd.s32 $0xFFFFFD80  }
0x24: {  	[spmem:s7] =	stream.linear.scatter [tilespmem:s14], [sflag:$0x2], $0x280, $0x38;
	[tilespmem:$0x2D80] =	vst v63  }
0x25: {  	_ =	swait.ge [sflag:s13], $0x280  }
0x26: {  	[sflag:s13] =	ssyncset.done $0x0  }
0x27: {  	[sflag:s13] =	ssyncadd.s32 $0xFFFFFD80  }
0x28: {  	s18 =	smov.u32 s6;
	[bflag:$0x0] =	sbarrier.arrive $0xFFFF  }
.LBB2_4:
0x29: {  	p2 =	sne.s32 s18, $0x1  }
.Ltmp2:
0x2a: {  	_ = 	snop;
	(pc) =	sbr.rel @p2 .LBB2_4-.Ltmp2, $4  }
0x2b: {  	_ = 	snop  }
0x2c: {  	_ =	swait.ge [sflag:s15], $0x80  }
0x2d: {  	[sflag:s15] =	ssyncset.done $0x0  }
0x2e: {  	s18 =	sadd.s32 $0xFFFFFFFF, s18;
	[sflag:s15] =	ssyncadd.s32 $0xFFFFFF80  }
.Ltmp3:
0x2f: {  	(pc) =	sbr.rel @!p1 .LBB2_7-.Ltmp3, $4  }
0x30: {  	s18 =	simm.s32 $0x0  }
0x31: {  	[spmem:s3] =	stream.indirect.scatter.add.f32 [tilespmem:s12], [sflag:$0x2], $0x1, s18, s16, $0xb8;
	[tilespmem:$0x2D80] =	vst v63  }
0x32: {  	_ =	swait.ge [sflag:s13], $0x80  }
0x33: {  	s19 =	sadd.s32 $0xFFFFFFFF, s6;
	[sflag:s13] =	ssyncset.done $0x0  }
.LBB2_6:
0x34: {  	p1 =	sne.s32 s19, $0x1;
	[sflag:s13] =	ssyncadd.s32 $0xFFFFFF80;
	s18 =	sadd.s32 $0x80, s18  }
.Ltmp4:
0x35: {  	s19 =	sadd.s32 $0xFFFFFFFF, s19;
	(pc) =	sbr.rel @p1 .LBB2_6-.Ltmp4, $4  }
0x36: {  	_ = 	snop  }
0x37: {  	[spmem:s3] =	stream.indirect.scatter.add.f32 [tilespmem:s12], [sflag:$0x2], $0x1, s18, s16, $0xb8;
	[tilespmem:$0x2D80] =	vst v63  }
0x38: {  	_ =	swait.ge [sflag:s13], $0x80  }
0x39: {  	[sflag:s13] =	ssyncset.done $0x0  }
.LBB2_7:
0x3a: {  	[sflag:s13] =	ssyncadd.s32 $0xFFFFFF80;
	s18 =	simm.s32 @p0 $0x0;
	s19 =	simm.s32 @p0 $0x2  }
0x3b: {  	[tilespmem:s18], [sflag:$0x2] =	stream.linear.gather @p0 [hbm4b:s8+s18], $0x80, $0x38;
	[tilespmem:$0x2D80] =	vst v63  }
0x3c: {  	_ =	swait.ge @p0 [sflag:s19], $0x80  }
0x3d: {  	[sflag:s19] =	ssyncset.done @p0 $0x0  }
0x3e: {  	s20 =	simm.s32 @p0 $0x80;
	s21 =	simm.s32 @p0 $0x2800;
	[sflag:s19] =	ssyncadd.s32 @p0 $0xFFFFFF80  }
0x3f: {  	[spmem:s3] =	stream.indirect.scatter.add.f32 @p0 [tilespmem:s21], [sflag:$0x2], $0x1, s18, s20, $0xb8;
	[tilespmem:$0x2D80] =	vst v63  }
0x40: {  	_ =	swait.ge @p0 [sflag:s19], $0x80  }
0x41: {  	[sflag:s19] =	ssyncset.done @p0 $0x0  }
0x42: {  	[sflag:s19] =	ssyncadd.s32 @p0 $0xFFFFFF80  }
0x43: {  	[bflag:$0x0] =	sbarrier.arrive $0xFFFF  }
0x44: {  	[tilespmem:s14], [sflag:$0x2] =	stream.linear.gather [spmem:s7], $0x280, $0x38;
	[tilespmem:$0x2D80] =	vst v63  }
0x45: {  	s17 =	sadd.s32 $0x1, s17;
	_ =	swait.ge [sflag:s13], $0x280  }
0x46: {  	p1 =	sne.s32 s17, s10;
	[sflag:s13] =	ssyncset.done $0x0  }
.Ltmp5:
0x47: {  	[sflag:s13] =	ssyncadd.s32 $0xFFFFFD80;
	(pc) =	sbr.rel @p1 .LBB2_1-.Ltmp5, $4  }
0x48: {  	[hbm4b:s9+s4] =	stream.linear.scatter [tilespmem:s14], [sflag:$0x2], $0x280, $0x38;
	[tilespmem:$0x2D80] =	vst v63  }
0x49: {  	_ =	swait.ge [sflag:s13], $0x280  }
0x4a: {  	[sflag:s13] =	ssyncset.done $0x0  }
0x4b: {  	[sflag:s13] =	ssyncadd.s32 $0xFFFFFD80  }
0x4c: {  	_ =	sfence.sel $0x180000  }
0x4d: {  	[bflag:$0x0] =	sbarrier.arrive $0xFFFF  }
0x4e: {  	p0 =	sne.s32 s0, $0x0;
	_ =	strace $0x90000047  }
0x4f: {  	s0 =	sadd.s32 @!p0 $0x100000, s1;
	[bflag:$0x2] =	sbarrier.arrive $0xFFFF  }
0x50: {  	[sflag:s0] =	ssyncadd.tile.s32 @!p0 $0x1;
	_ =	shalt  }
.Lfunc_end2:
_tile_overlayer_lowered:
.L_overlay_start_2:
0x51: {  	(tag) =	ssettag $0x2  }
0x52: {  	s0 =	rddreg [dreg:$0x0];
	s2 =	stileid.u32  }
0x53: {  	s1 =	rddreg [dreg:$0x1];
	p0 =	sne.s32 s2, $0x0  }
0x54: {  	s3 =	rddreg [dreg:$0x2];
	[bflag:$0x3] =	sbarrier.arrive $0xFFFF;
	s2 =	simm.s32 @!p0 $0x1C02  }
0x55: {  	[timem:s3], [sflag:s2] =	dma.local @!p0 [hbm:s0], s1  }
0x56: {  	s0 =	simm.s32 @!p0 $0x2  }
0x57: {  	_ =	swait.ge @!p0 [sflag:s0], s1  }
0x58: {  	s1 =	ssub.s32 @!p0 $0x0, s1;
	[sflag:s0] =	ssyncset.done @!p0 $0x0  }
0x59: {  	[sflag:s0] =	ssyncadd.s32 @!p0 s1  }
0x5a: {  	[bflag:$0x3] =	sbarrier.arrive $0xFFFF  }
0x5b: {  	_ =	shalt  }

</sc_bundles>
